<compile_context>
chip_gen: v7x
topology: tpu7x:2x2x1
jax: 0.10.2.dev20260603
libtpu: 0.0.44.dev20260713+nightly
codegen_flags: <defaults>
</compile_context>

<pallas_src>
import jax
import jax.numpy as jnp
from jax.experimental import pallas as pl

N = 50000
B = 500
S = N // B
E = 1600000
H = 256
OUT = 10
K = 50


def _segsum(vals, ids, num):
    return jax.ops.segment_sum(vals, ids, num_segments=num)


def _gcn_conv(x, row, col, w, W, b, n):
    x = x @ W
    loop = jnp.arange(n, dtype=row.dtype)
    row2 = jnp.concatenate([row, loop])
    col2 = jnp.concatenate([col, loop])
    w2 = jnp.concatenate([w, jnp.ones((n,), x.dtype)])
    deg = _segsum(w2, col2, n)
    dsafe = jnp.where(deg > 0, deg, 1.0)
    dinv = jnp.where(deg > 0, jax.lax.rsqrt(dsafe), 0.0)
    norm = dinv[row2] * w2 * dinv[col2]
    out = _segsum(x[row2] * norm[:, None], col2, n)
    return out + b


def _logsoftmax_kernel(x_ref, o_ref):
    x = x_ref[...]
    m = jnp.max(x, axis=1, keepdims=True)
    e = jnp.exp(x - m)
    o_ref[...] = (x - m) - jnp.log(jnp.sum(e, axis=1, keepdims=True))


def kernel(x, edge_index, edge_weight, batch, W_score, b_score, W1, b1, W2, b2, W3, b3, Wout, bout):
    row, col = edge_index[0], edge_index[1]
    score = _gcn_conv(x, row, col, jnp.ones((E,), jnp.float32), W_score, b_score, N)[:, 0]
    score = jnp.tanh(score)
    vals, idx = jax.lax.top_k(score.reshape(B, S), K)
    perm = (idx + (jnp.arange(B) * S)[:, None]).reshape(-1)
    svals = vals.reshape(-1)
    xp = x[perm] * svals[:, None]
    batch_p = batch[perm]
    NP = B * K
    keep = jnp.zeros((N,), bool).at[perm].set(True)
    node_map = jnp.zeros((N,), jnp.int32).at[perm].set(jnp.arange(NP, dtype=jnp.int32))
    kept = keep[row] & keep[col]
    r2 = jnp.where(kept, node_map[row], 0)
    c2 = jnp.where(kept, node_map[col], 0)
    w2 = jnp.where(kept, edge_weight, 0.0)
    h = jax.nn.relu(xp)
    h = jax.nn.relu(_gcn_conv(h, r2, c2, w2, W1, b1, NP))
    h = jax.nn.relu(_gcn_conv(h, r2, c2, w2, W2, b2, NP))
    h = jax.nn.relu(_gcn_conv(h, r2, c2, w2, W3, b3, NP))
    sums = _segsum(h, batch_p, B)
    cnt = _segsum(jnp.ones((NP,), jnp.float32), batch_p, B)
    mean = sums / jnp.maximum(cnt, 1.0)[:, None]
    logits = mean @ Wout + bout
    return pl.pallas_call(
        _logsoftmax_kernel,
        out_shape=jax.ShapeDtypeStruct((B, OUT), jnp.float32),
    )(logits)

# --- scband reference (transcript-rebuilt; emitter-appended) ---
"""Pipeline reference for scband-model-sag-pool-gcn-54769422958883 (READ-ONLY COPY).

The authoritative reference and input builder live on the scoring server;
editing this copy changes nothing except your own understanding.
"""

import jax, jax.numpy as jnp
import numpy as np

N = 50000
B = 500
S = N // B  # 100 nodes per graph (equal-size graphs so ratio=0.5 top-k has static size)
E = 1600000
H = 256
OUT = 10
K = 50  # ceil(0.5 * S)


def _segsum(vals, ids, num):
    return jax.ops.segment_sum(vals, ids, num_segments=num)


def _gcn_conv(x, row, col, w, W, b, n):
    # PyG GCNConv: x @ W, add self-loops (weight 1), symmetric norm, scatter-add at col, + bias
    x = x @ W
    loop = jnp.arange(n, dtype=row.dtype)
    row2 = jnp.concatenate([row, loop])
    col2 = jnp.concatenate([col, loop])
    w2 = jnp.concatenate([w, jnp.ones((n,), x.dtype)])
    deg = _segsum(w2, col2, n)
    dsafe = jnp.where(deg > 0, deg, 1.0)
    dinv = jnp.where(deg > 0, jax.lax.rsqrt(dsafe), 0.0)
    norm = dinv[row2] * w2 * dinv[col2]
    out = _segsum(x[row2] * norm[:, None], col2, n)
    return out + b


def setup_inputs(seed: int = 0):
    key = jax.random.key(seed)
    ks = jax.random.split(key, 8)
    x = jax.random.normal(ks[0], (N, 1), dtype=jnp.float32)
    edge_index = jax.random.randint(ks[1], (2, E), 0, N, dtype=jnp.int32)
    edge_weight = jax.random.uniform(ks[2], (E,), dtype=jnp.float32)
    batch = jnp.repeat(jnp.arange(B, dtype=jnp.int32), S)  # sorted graph ids, equal sizes
    W_score = jax.random.normal(ks[3], (1, 1), jnp.float32)
    b_score = jnp.zeros((1,), jnp.float32)
    W1 = jax.random.normal(ks[4], (1, H), jnp.float32) * 0.1
    b1 = jnp.zeros((H,), jnp.float32)
    W2 = jax.random.normal(ks[5], (H, H), jnp.float32) * (1.0 / np.sqrt(H))
    b2 = jnp.zeros((H,), jnp.float32)
    W3 = jax.random.normal(ks[6], (H, H), jnp.float32) * (1.0 / np.sqrt(H))
    b3 = jnp.zeros((H,), jnp.float32)
    Wout = jax.random.normal(ks[7], (H, OUT), jnp.float32) * (1.0 / np.sqrt(H))
    bout = jnp.zeros((OUT,), jnp.float32)
    return {"x": x, "edge_index": edge_index, "edge_weight": edge_weight, "batch": batch,
            "W_score": W_score, "b_score": b_score, "W1": W1, "b1": b1,
            "W2": W2, "b2": b2, "W3": W3, "b3": b3, "Wout": Wout, "bout": bout}


def reference(x, edge_index, edge_weight, batch, W_score, b_score, W1, b1, W2, b2, W3, b3, Wout, bout):
    row, col = edge_index[0], edge_index[1]
    # SAGPooling: score GNN (GCNConv(in,1)) is called WITHOUT edge weights in PyG
    score = _gcn_conv(x, row, col, jnp.ones((E,), jnp.float32), W_score, b_score, N)[:, 0]
    score = jnp.tanh(score)
    # per-graph top-k (ratio=0.5); graphs are contiguous blocks of S nodes
    vals, idx = jax.lax.top_k(score.reshape(B, S), K)
    perm = (idx + (jnp.arange(B) * S)[:, None]).reshape(-1)
    svals = vals.reshape(-1)
    xp = x[perm] * svals[:, None]
    batch_p = batch[perm]
    NP = B * K
    # filter_adj: drop edges touching removed nodes. Equivalent static-shape form:
    # removed edges get weight 0 and are routed to node 0 (zero contribution to deg and aggregation).
    keep = jnp.zeros((N,), bool).at[perm].set(True)
    node_map = jnp.zeros((N,), jnp.int32).at[perm].set(jnp.arange(NP, dtype=jnp.int32))
    kept = keep[row] & keep[col]
    r2 = jnp.where(kept, node_map[row], 0)
    c2 = jnp.where(kept, node_map[col], 0)
    w2 = jnp.where(kept, edge_weight, 0.0)
    h = jax.nn.relu(xp)  # active = ReLU
    h = jax.nn.relu(_gcn_conv(h, r2, c2, w2, W1, b1, NP))
    h = jax.nn.relu(_gcn_conv(h, r2, c2, w2, W2, b2, NP))
    h = jax.nn.relu(_gcn_conv(h, r2, c2, w2, W3, b3, NP))
    sums = _segsum(h, batch_p, B)
    cnt = _segsum(jnp.ones((NP,), jnp.float32), batch_p, B)
    mean = sums / jnp.maximum(cnt, 1.0)[:, None]
    # dropout p=0.5 is identity in eval mode
    logits = mean @ Wout + bout
    return jax.nn.log_softmax(logits, axis=1)

if __name__ == "__main__":
    import jax
    _d = setup_inputs()
    print(jax.jit(kernel)(*tuple(_d.values())))

</pallas_src>

<mosaic_0001>
module attributes {stable_mosaic.version = 14 : i64} {
  func.func @_logsoftmax_kernel(%arg0: memref<500x10xf32, #tpu.memory_space<vmem>>, %arg1: memref<500x10xf32, #tpu.memory_space<vmem>>) attributes {dimension_semantics = [], scalar_prefetch = 0 : i64, scratch_operands = 0 : i64, tpu.core_type = #tpu.core_type<tc>} {
    %get3A = arith.constant 0 : index
    %get3A_0 = arith.constant 0 : index
    %get3A_1 = vector.load %arg0[%get3A, %get3A_0] : memref<500x10xf32, #tpu.memory_space<vmem>>, vector<500x10xf32>
    %reduce_max3A = arith.constant dense<0xFF800000> : vector<500xf32>
    %reduce_max3A_2 = vector.multi_reduction <maximumf>, %get3A_1, %reduce_max3A [1] : vector<500x10xf32> to vector<500xf32>
    %broadcast_in_dim3A = vector.shape_cast %reduce_max3A_2 : vector<500xf32> to vector<500x1xf32>
    %sub3A = vector.broadcast %broadcast_in_dim3A : vector<500x1xf32> to vector<500x10xf32>
    %sub3A_3 = arith.subf %get3A_1, %sub3A : vector<500x10xf32>
    %exp3A = math.exp %sub3A_3 : vector<500x10xf32>
    %sub3A_4 = vector.broadcast %broadcast_in_dim3A : vector<500x1xf32> to vector<500x10xf32>
    %sub3A_5 = arith.subf %get3A_1, %sub3A_4 : vector<500x10xf32>
    %reduce_sum3A = arith.constant dense<0.000000e+00> : vector<500xf32>
    %reduce_sum3A_6 = vector.multi_reduction <add>, %exp3A, %reduce_sum3A [1] : vector<500x10xf32> to vector<500xf32>
    %broadcast_in_dim3A_7 = vector.shape_cast %reduce_sum3A_6 : vector<500xf32> to vector<500x1xf32>
    %log3A = math.log %broadcast_in_dim3A_7 : vector<500x1xf32>
    %sub3A_8 = vector.broadcast %log3A : vector<500x1xf32> to vector<500x10xf32>
    %sub3A_9 = arith.subf %sub3A_5, %sub3A_8 : vector<500x10xf32>
    %swap3A = arith.constant 0 : index
    %swap3A_10 = arith.constant 0 : index
    %swap3A_11 = vector.load %arg1[%swap3A, %swap3A_10] : memref<500x10xf32, #tpu.memory_space<vmem>>, vector<500x10xf32>
    tpu.vector_store %arg1[%swap3A, %swap3A_10], %sub3A_9 {strides = array<i32>} : memref<500x10xf32, #tpu.memory_space<vmem>>, vector<500x10xf32>,
    return
  }
}

</mosaic_0001>

<sc_bundles>
// kernel: gather_offload_async_start.1
scs
__scs_entry_jumppad:
0x0: {  	(pc) =	sbr.rel $0x88, $3  }
0x1: {  	(tag) =	ssettag $0x0;
	lr =	simm.s32 $0x1  }
0x2: {  	[smem:$0x3F93] =	sst lr;
	_ =	strace $0xD0000000  }
0x3: {  	_ = 	snop  }
0x4: {  	_ = 	snop  }
0x5: {  	_ = 	snop  }
0x6: {  	_ = 	snop  }
0x7: {  	_ = 	snop  }
__scs_overlays_trampoline_lowered:
0x8: {  	[smem:$0x3FA2] =	sst s0  }
0x9: {  	[smem:$0x3FA3] =	sst s1  }
0xa: {  	[smem:$0x3FA4] =	sst s2  }
0xb: {  	[smem:$0x3FA5] =	sst s3  }
0xc: {  	[smem:$0x3FA6] =	sst s4  }
0xd: {  	[smem:$0x3FA7] =	sst s5  }
0xe: {  	[smem:$0x3FA8] =	sst s6  }
0xf: {  	[smem:$0x3FA9] =	sst s7  }
0x10: {  	[smem:$0x3FAA] =	sst s8  }
0x11: {  	[smem:$0x3FAB] =	sst s9;
	s0 =	simm.s32 @!p0 $0x0  }
0x12: {  	s1 =	sld [smem:$0x3F91];
	s0 =	simm.s32 @p0 $0x1  }
0x13: {  	[smem:$0x3FAC] =	sst s0;
	s0 =	simm.s32 @!p1 $0x0  }
0x14: {  	s2 =	sld [smem:$0x3F90];
	s0 =	simm.s32 @p1 $0x1  }
0x15: {  	[smem:$0x3FAD] =	sst s0;
	s0 =	simm.s32 @!p2 $0x0  }
0x16: {  	s3 =	sld [smem:$0x3FDB];
	s0 =	simm.s32 @p2 $0x1  }
0x17: {  	s4 =	simm.s32 $0x1BF5;
	[smem:$0x3FAF] =	sst s0  }
0x18: {  	s0 =	sld [smem:$0x3F92];
	_ =	swait.ge [sflag:s4], $0x0  }
0x19: {  	s7 =	sld [smem:$0x3F93]  }
0x1a: {  	s8 =	sadd.s32 $0xFFFFE003, lr  }
0x1b: {  	s9 =	sadd.s32 $0xFFFFFEF7, lr;
	s5 =	simm.s32 $0xFFFFFFFF;
	p2 =	slt.u32 s8, $0xFFFFF086  }
0x1c: {  	p1 =	slt.u32 s9, $0xF7A;
	s5 =	simm.s32 @!p2 $0x0  }
0x1d: {  	s5 =	simm.s32 @p1 $0x1;
	p0 =	seq.s32 s7, s2  }
0x1e: {  	s7 =	smul.u32 @!p0 $0xF7A, s2;
	p2 =	seq.s32 @!p0 s5, $0x0  }
0x1f: {  	s9 =	smul.u32 $0xF7A, s1;
	s8 =	simm.s32 @!p0 $0x1BF5;
	p2 =	por !p2, p0  }
0x20: {  	[sflag:s8] =	ssyncset.s32 @!p0 $0xFFFFF086;
	s6 =	sadd.s32 @!p0 s3, s7;
	s7 =	simm.s32 @!p0 $0x108  }
0x21: {  	s3 =	sadd.s32 s3, s9;
	s6 =	sadd.s32 @!p0 $0x88, s6;
	s7 =	simm.s32 @p2 $0x1082  }
0x22: {  	[simem:s7], [sflag:s8] =	dma.local @!p0 [hbm:s6], $0xF7A  }
0x23: {  	s9 =	sor.u32 $0xD0000000, s2;
	s6 =	simm.s32 $0x108;
	_ =	swait.ge @!p0 [sflag:s8], $0x0  }
0x24: {  	s3 =	sadd.s32 $0x88, s3;
	s6 =	simm.s32 @!p1 $0x1082;
	[sflag:s4] =	ssyncset.s32 $0xFFFFF086  }
0x25: {  	[simem:s6], [sflag:s4] =	dma.local [hbm:s3], $0xF7A  }
0x26: {  	[smem:$0x3F93] =	sst s1;
	(tag) =	ssettag s2;
	_ =	strace s9  }
0x27: {  	s1 =	sld [smem:$0x3FA3]  }
0x28: {  	s2 =	sld [smem:$0x3FA4]  }
0x29: {  	s4 =	sld [smem:$0x3FA6]  }
0x2a: {  	p0 =	seq.s32 s5, $0x0;
	s5 =	sld [smem:$0x3FA7]  }
0x2b: {  	s6 =	sld [smem:$0x3FA8]  }
0x2c: {  	s7 =	sld [smem:$0x3FA9]  }
0x2d: {  	s3 =	simm.s32 $0x108;
	s8 =	sld [smem:$0x3FAA]  }
0x2e: {  	s3 =	simm.s32 @!p0 $0x1082;
	s9 =	sld [smem:$0x3FAB]  }
0x2f: {  	lr =	sadd.s32 s0, s3;
	s0 =	sld [smem:$0x3FA2]  }
0x30: {  	s3 =	sld [smem:$0x3FA5]  }
0x31: {  	[smem:$0x3FAE] =	sst s10  }
0x32: {  	s10 =	sld [smem:$0x3FAC];
	_ =	sdelay $0x3  }
0x33: {  	p0 =	seq.s32 s10, $0x1;
	s10 =	sld [smem:$0x3FAE];
	_ =	sdelay $0x3  }
0x34: {  	[smem:$0x3FAE] =	sst s10  }
0x35: {  	s10 =	sld [smem:$0x3FAD];
	_ =	sdelay $0x3  }
0x36: {  	p1 =	seq.s32 s10, $0x1;
	s10 =	sld [smem:$0x3FAE];
	_ =	sdelay $0x3  }
0x37: {  	[smem:$0x3FAE] =	sst s10  }
0x38: {  	s10 =	sld [smem:$0x3FAF]  }
0x39: {  	_ = 	snop;
	(pc) =	sbr.ind lr, $3  }
0x3a: {  	_ = 	snop  }
0x3b: {  	_ = 	snop  }
0x3c: {  	p2 =	seq.s32 s10, $0x1;
	s10 =	sld [smem:$0x3FAE]  }
0x3d: {  	_ =	shalt  }
0x3e: {  	_ =	shalt  }
0x3f: {  	_ =	shalt  }
0x40: {  	_ =	shalt  }
0x41: {  	_ =	shalt  }
0x42: {  	_ =	shalt  }
0x43: {  	_ =	shalt  }
0x44: {  	_ =	shalt  }
0x45: {  	_ =	shalt  }
0x46: {  	_ =	shalt  }
0x47: {  	_ =	shalt  }
0x48: {  	_ =	shalt  }
0x49: {  	_ =	shalt  }
0x4a: {  	_ =	shalt  }
0x4b: {  	_ =	shalt  }
0x4c: {  	_ =	shalt  }
0x4d: {  	_ =	shalt  }
0x4e: {  	_ =	shalt  }
0x4f: {  	_ =	shalt  }
0x50: {  	_ =	shalt  }
0x51: {  	_ =	shalt  }
0x52: {  	_ =	shalt  }
0x53: {  	_ =	shalt  }
0x54: {  	_ =	shalt  }
0x55: {  	_ =	shalt  }
0x56: {  	_ =	shalt  }
0x57: {  	_ =	shalt  }
0x58: {  	_ =	shalt  }
0x59: {  	_ =	shalt  }
0x5a: {  	_ =	shalt  }
0x5b: {  	_ =	shalt  }
0x5c: {  	_ =	shalt  }
0x5d: {  	_ =	shalt  }
0x5e: {  	_ =	shalt  }
0x5f: {  	_ =	shalt  }
0x60: {  	_ =	shalt  }
0x61: {  	_ =	shalt  }
0x62: {  	_ =	shalt  }
0x63: {  	_ =	shalt  }
0x64: {  	_ =	shalt  }
0x65: {  	_ =	shalt  }
0x66: {  	_ =	shalt  }
0x67: {  	_ =	shalt  }
0x68: {  	_ =	shalt  }
0x69: {  	_ =	shalt  }
0x6a: {  	_ =	shalt  }
0x6b: {  	_ =	shalt  }
0x6c: {  	_ =	shalt  }
0x6d: {  	_ =	shalt  }
0x6e: {  	_ =	shalt  }
0x6f: {  	_ =	shalt  }
0x70: {  	_ =	shalt  }
0x71: {  	_ =	shalt  }
0x72: {  	_ =	shalt  }
0x73: {  	_ =	shalt  }
0x74: {  	_ =	shalt  }
0x75: {  	_ =	shalt  }
0x76: {  	_ =	shalt  }
0x77: {  	_ =	shalt  }
0x78: {  	_ =	shalt  }
0x79: {  	_ =	shalt  }
0x7a: {  	_ =	shalt  }
0x7b: {  	_ =	shalt  }
0x7c: {  	_ =	shalt  }
0x7d: {  	_ =	shalt  }
0x7e: {  	_ =	shalt  }
0x7f: {  	_ =	shalt  }
0x80: {  	_ =	shalt  }
0x81: {  	_ =	shalt  }
0x82: {  	_ =	shalt  }
0x83: {  	_ =	shalt  }
0x84: {  	_ =	shalt  }
0x85: {  	_ =	shalt  }
0x86: {  	_ =	shalt  }
0x87: {  	_ =	shalt  }
.Lfunc_end0:
.L_simem_size_0:
called_computation.7_lowered:
.L_overlay_start_0:
0x88: {  	s0 =	sld [smem:$0x3FD9]  }
0x89: {  	s1 =	sld [smem:$0x3FFE];
	_ =	sdelay $0x3  }
0x8a: {  	s0 =	sadd.s32 s1, s0  }
0x8b: {  	[smem:$0x3FBA] =	sst s0  }
0x8c: {  	_ = 	snop  }
0x8d: {  	s0 =	sld [smem:$0x3FC6];
	(tm) =	ssettm $0x1  }
0x8e: {  	s16 =	sld [smem:$0x3FFB];
	_ =	sdelay $0x3  }
0x8f: {  	_ =	strace s16  }
0x90: {  	s1 =	sld [smem:$0x3FFC];
	_ =	sdelay $0x3  }
0x91: {  	_ =	strace s1  }
0x92: {  	s1 =	sld [smem:$0x3FFD];
	_ =	sdelay $0x3  }
0x93: {  	_ =	strace s1  }
0x94: {  	_ =	strace $0x8FFFFFFF  }
0x95: {  	s17 =	sld [smem:$0x3FDB];
	_ =	sdelay $0x1  }
0x96: {  	s2 =	simm.s32 $_scs_section_size  }
0x97: {  	s3 =	simm.s32 $_size__tile_overlayer_lowered;
	s4 =	simm.s32 $_tile_overlayer_lowered  }
0x98: {  	s20 =	simm.s32 $0x1BFF;
	s19 =	sshll.u32 s4, $0x1;
	s1 =	sadd.s32 s2, s17  }
0x99: {  	s5 =	simm.s32 $0x0;
	s18 =	sshll.u32 s3, $0x1;
	s3 =	sadd.s32 s19, s1  }
0x9a: {  	[timem:s5], [sflag:s20] =	dma.local [hbm:s3], s18  }
0x9b: {  	_ =	swait.ge [sflag:s20], s18  }
0x9c: {  	s2 =	ssub.s32 $0x0, s18;
	[sflag:s20] =	ssyncset.done $0x0  }
0x9d: {  	[sflag:s20] =	ssyncadd.s32 s2;
	_ =	sdelay $0x1  }
0x9e: {  	s21 =	simm.s32 $0x1B8B  }
0x9f: {  	_ =	swait.ge [sflag:s21], $0x1  }
0xa0: {  	[sflag:s21] =	ssyncset.done $0x0  }
0xa1: {  	s23 =	simm.s32 $0x1B8E;
	s22 =	sld [smem:$0x3FFE];
	[sflag:s21] =	ssyncadd.s32 $0xFFFFFFFF  }
0xa2: {  	s24 =	simm.s32 $execute0_lowered;
	[smem:$0x3FD2] =	sst s23  }
0xa3: {  	s3 =	sshll.u32 s24, $0x1;
	_ =	strace $0x80000055;
	[dreg:$0x1] =	wrdreg $0xFFFFFFFF  }
0xa4: {  	s25 =	simm.s32 $_size_execute0_lowered;
	s1 =	sadd.s32 s1, s3;
	[dreg:$0x0] =	wrdreg $0x0  }
0xa5: {  	s3 =	sshll.u32 s25, $0x1;
	[dreg:$0x2] =	wrdreg s1  }
0xa6: {  	[dreg:$0x3] =	wrdreg s3  }
0xa7: {  	[dreg:$0x4] =	wrdreg $0xC0  }
0xa8: {  	_ =	task [dreg:s5], $0x5FFFF  }
0xa9: {  	[dreg:$0x1] =	wrdreg $0xFFFFFFFF  }
0xaa: {  	[dreg:$0x0] =	wrdreg $0x60  }
0xab: {  	[dreg:$0x2] =	wrdreg s0  }
0xac: {  	[dreg:$0x3] =	wrdreg s22  }
0xad: {  	[dreg:$0x4] =	wrdreg $0xA  }
0xae: {  	_ =	task.clear_ibuf [dreg:s5], $0x5FFFF;
	_ =	strace $0x90000055  }
0xaf: {  	s26 =	simm.s32 $0xA;
	_ =	strace $0x80000057  }
0xb0: {  	_ =	swait.ge [sflag:s26], $0x1  }
0xb1: {  	[sflag:s26] =	ssyncadd.s32 $0xFFFFFFFF  }
0xb2: {  	_ =	strace $0x90000057  }
0xb3: {  	_ =	sfence  }
0xb4: {  	s28 =	sld [smem:$0x0];
	_ =	sdelay $0x1  }
0xb5: {  	s29 =	srdreg.scid  }
0xb6: {  	s30 =	sshll.u32 s29, $0xD;
	s31 =	sshrl.u32 s29, $0x2  }
0xb7: {  	s2 =	sand.u32 $0x4000, s30;
	s1 =	sand.u32 $0x1, s29;
	s0 =	sadd.s32 s31, s28  }
0xb8: {  	s1 =	sor.u32 s2, s1;
	s0 =	sshll.u32 s0, $0x11  }
0xb9: {  	s0 =	sor.u32 s0, s1  }
0xba: {  	s0 =	sadd.s32 $0x8F2B, s0  }
0xbb: {  	[sflag:s0] =	ssyncadd.remote.s32 $0x1  }
0xbc: {  	_ =	sfence.sel $0xFFFF  }
0xbd: {  	[dreg:$0x0] =	wrdreg $0xFFFFFFFF;
	(pc) =	sbr.abs _section_cstart, $3  }
0xbe: {  	[dreg:$0x1] =	wrdreg $0xFFFFFFFF  }
0xbf: {  	_ =	task.clear_ibuf [dreg:s5], $0x2FFFF;
	_ =	strace $0x9FFFFFFF  }
0xc0: {  	(tm) =	ssettm $0x7FFFFFFF  }
0xc1: {  	_ =	shalt  }
tec
execute0_lowered:
.L_overlay_start_1:
0x0: {  	(tag) =	ssettag $0x1  }
0x1: {  	s2 =	rddreg [dreg:$0x0]  }
0x2: {  	s5 =	rddreg [dreg:$0x1]  }
0x3: {  	s0 =	rddreg [dreg:$0x2];
	s1 =	stileid.u32;
	_ =	strace $0x80000056  }
0x4: {  	s6 =	simm.s32 $0x1;
	s8 =	simm.s32 $0x2;
	s30 =	simm.s32 $0x3  }
0x5: {  	s12 =	simm.s32 $0x0;
	s9 =	simm.s32 $0x0;
	s4 =	sshll.u32 s1, $0x4  }
0x6: {  	s10 =	simm.s32 $0x0;
	s3 =	sadd.s32 $0x34000, s5;
	s7 =	ssub.s32 $0x61A0, s4  }
0x7: {  	s5 =	sadd.s32 $0x31A00, s5;
	[sflag:s6] =	ssyncpa.u1 $0x0;
	s6 =	sshrl.u32 s7, $0x8  }
0x8: {  	[sflag:s8] =	ssyncpa.u1 $0x0;
	s11 =	smov.u32 s4;
	s31 =	sshll.u32 s6, $0x4  }
0x9: {  	[sflag:s30] =	ssyncpa.u1 $0x0;
	s7 =	sor.u32 $0x2, s6;
	s8 =	sadd.s32 $0x30, s31  }
.LBB2_1:
0xa: {  	p0 =	sgt.u32 s10, s6  }
0xb: {  	s13 =	sxor.u32 @!p0 $0xFFFFFFFF, s9;
	s14 =	sshrl.u32 @!p0 s11, $0x3  }
0xc: {  	s15 =	sand.u32 @!p0 $0x7, s11;
	s13 =	sand.u32 @!p0 $0x10, s13;
	s14 =	sadd.s32 @!p0 s3, s14  }
0xd: {  	[tilespmem:s13], [sflag:$0x2] =	stream.linear.gather @!p0 [hbm4b:s14+s15], $0x10, $0x38;
	[tilespmem:$0x40] =	vst v63  }
0xe: {  	p0 =	seq.s32 s9, $0x0  }
0xf: {  	p1 =	sge.u32 @!p0 s10, s7  }
0x10: {  	p0 =	por p1, p0  }
0x11: {  	s13 =	simm.s32 @!p0 $0x2  }
0x12: {  	_ =	swait.ge @!p0 [sflag:s13], $0x10  }
0x13: {  	[sflag:s13] =	ssyncset.done @!p0 $0x0  }
0x14: {  	[sflag:s13] =	ssyncadd.s32 @!p0 $0xFFFFFFF0;
	s13 =	sand.u32 @!p0 $0x10, s9  }
0x15: {  	(ifvalue) =	ssetifvalue @!p0 $0x7FFFFFFF;
	v0 =	vld.msk @!p0 [tilespmem:s13+$0x0 ss:$0x1], $0xffff;
	_ =	sdelay $0x4  }
0x16: {  	vm0 =	vgt.s32 @!p0 v0, $0x0  }
0x17: {  	v0 =	vnsel @!p0 vm0, $0x0, v0  }
0x18: {  	v0 =	vmin.u32 @!p0 v0, $0xC34F;
	_ =	sdelay $0x3  }
0x19: {  	s14 =	simm.s32 @!p0 $0x0;
	s13 =	sor.u32 @!p0 $0x20, s13;
	(ifvalue) =	ssetifvalue @!p0 $0x7FFFFFFF;
	vm0 =	vmmov @!p0 $0xffff  }
0x1a: {  	[tilespmem:s13], [sflag:$0x1] =	stream.indirect_vreg.gather @!p0 [hbm4b:s2+s14], $0x1, v0, vm0, $0x4038;
	[tilespmem:$0x40] =	vst v63  }
0x1b: {  	s14 =	simm.s32 @!p0 $0x1  }
0x1c: {  	_ =	swait.ge @!p0 [sflag:s14], $0x10  }
0x1d: {  	s15 =	sshrl.u32 @!p0 s12, $0x3;
	[sflag:s14] =	ssyncset.done @!p0 $0x0  }
0x1e: {  	s12 =	sand.u32 @!p0 $0x7, s12;
	[sflag:s14] =	ssyncadd.s32 @!p0 $0xFFFFFFF0;
	s14 =	sadd.s32 @!p0 s5, s15  }
0x1f: {  	[hbm4b:s14+s12] =	stream.linear.scatter @!p0 [tilespmem:s13], [sflag:$0x3], $0x10, $0x38;
	[tilespmem:$0x40] =	vst v63  }
0x20: {  	s14 =	sadd.s32 $0x100, s11  }
0x21: {  	s9 =	sadd.s32 $0x10, s9;
	p1 =	sgt.s32 s14, $0x61A7  }
0x22: {  	s14 =	smov.u32 @p1 s4;
	p1 =	sne.s32 s8, s9  }
.Ltmp0:
0x23: {  	p0 =	slt.u32 s10, $0x2;
	(pc) =	sbr.rel @p1 .LBB2_1-.Ltmp0, $4  }
0x24: {  	s13 =	simm.s32 @!p0 $0x3  }
0x25: {  	_ =	swait.ge @!p0 [sflag:s13], $0x10  }
0x26: {  	s12 =	smov.u32 s11;
	[sflag:s13] =	ssyncset.done @!p0 $0x0  }
0x27: {  	s10 =	sadd.s32 $0x1, s10;
	s11 =	smov.u32 s14;
	[sflag:s13] =	ssyncadd.s32 @!p0 $0xFFFFFFF0  }
0x28: {  	_ =	sfence.sel $0x180000  }
0x29: {  	s2 =	simm.s32 $0x2;
	[bflag:$0x0] =	sbarrier.arrive $0xFFFF  }
0x2a: {  	s30 =	simm.s32 $0x3;
	[sflag:s2] =	ssyncpa.u1 $0x1  }
0x2b: {  	s31 =	simm.s32 $0x1;
	[sflag:s30] =	ssyncpa.u1 $0x1  }
0x2c: {  	[sflag:s31] =	ssyncpa.u1 $0x1  }
0x2d: {  	p0 =	sne.s32 s1, $0x0;
	_ =	strace $0x90000056  }
0x2e: {  	s0 =	sadd.s32 @!p0 $0x100000, s0;
	[bflag:$0x2] =	sbarrier.arrive $0xFFFF  }
0x2f: {  	[sflag:s0] =	ssyncadd.tile.s32 @!p0 $0x1;
	_ =	shalt  }
.Lfunc_end2:
_tile_overlayer_lowered:
.L_overlay_start_2:
0x30: {  	(tag) =	ssettag $0x2  }
0x31: {  	s0 =	rddreg [dreg:$0x0];
	s2 =	stileid.u32  }
0x32: {  	s1 =	rddreg [dreg:$0x1];
	p0 =	sne.s32 s2, $0x0  }
0x33: {  	s3 =	rddreg [dreg:$0x2];
	[bflag:$0x3] =	sbarrier.arrive $0xFFFF;
	s2 =	simm.s32 @!p0 $0x1C01  }
0x34: {  	[timem:s3], [sflag:s2] =	dma.local @!p0 [hbm:s0], s1  }
0x35: {  	s0 =	simm.s32 @!p0 $0x1  }
0x36: {  	_ =	swait.ge @!p0 [sflag:s0], s1  }
0x37: {  	s1 =	ssub.s32 @!p0 $0x0, s1;
	[sflag:s0] =	ssyncset.done @!p0 $0x0  }
0x38: {  	[sflag:s0] =	ssyncadd.s32 @!p0 s1  }
0x39: {  	[bflag:$0x3] =	sbarrier.arrive $0xFFFF  }
0x3a: {  	_ =	shalt  }

// kernel: gather_offload_async_start
scs
__scs_entry_jumppad:
0x0: {  	(pc) =	sbr.rel $0x88, $3  }
0x1: {  	(tag) =	ssettag $0x0;
	lr =	simm.s32 $0x1  }
0x2: {  	[smem:$0x3F93] =	sst lr;
	_ =	strace $0xD0000000  }
0x3: {  	_ = 	snop  }
0x4: {  	_ = 	snop  }
0x5: {  	_ = 	snop  }
0x6: {  	_ = 	snop  }
0x7: {  	_ = 	snop  }
__scs_overlays_trampoline_lowered:
0x8: {  	[smem:$0x3FA2] =	sst s0  }
0x9: {  	[smem:$0x3FA3] =	sst s1  }
0xa: {  	[smem:$0x3FA4] =	sst s2  }
0xb: {  	[smem:$0x3FA5] =	sst s3  }
0xc: {  	[smem:$0x3FA6] =	sst s4  }
0xd: {  	[smem:$0x3FA7] =	sst s5  }
0xe: {  	[smem:$0x3FA8] =	sst s6  }
0xf: {  	[smem:$0x3FA9] =	sst s7  }
0x10: {  	[smem:$0x3FAA] =	sst s8  }
0x11: {  	[smem:$0x3FAB] =	sst s9;
	s0 =	simm.s32 @!p0 $0x0  }
0x12: {  	s1 =	sld [smem:$0x3F91];
	s0 =	simm.s32 @p0 $0x1  }
0x13: {  	[smem:$0x3FAC] =	sst s0;
	s0 =	simm.s32 @!p1 $0x0  }
0x14: {  	s2 =	sld [smem:$0x3F90];
	s0 =	simm.s32 @p1 $0x1  }
0x15: {  	[smem:$0x3FAD] =	sst s0;
	s0 =	simm.s32 @!p2 $0x0  }
0x16: {  	s3 =	sld [smem:$0x3FDB];
	s0 =	simm.s32 @p2 $0x1  }
0x17: {  	s4 =	simm.s32 $0x1BF5;
	[smem:$0x3FAF] =	sst s0  }
0x18: {  	s0 =	sld [smem:$0x3F92];
	_ =	swait.ge [sflag:s4], $0x0  }
0x19: {  	s7 =	sld [smem:$0x3F93]  }
0x1a: {  	s8 =	sadd.s32 $0xFFFFE003, lr  }
0x1b: {  	s9 =	sadd.s32 $0xFFFFFEF7, lr;
	s5 =	simm.s32 $0xFFFFFFFF;
	p2 =	slt.u32 s8, $0xFFFFF086  }
0x1c: {  	p1 =	slt.u32 s9, $0xF7A;
	s5 =	simm.s32 @!p2 $0x0  }
0x1d: {  	s5 =	simm.s32 @p1 $0x1;
	p0 =	seq.s32 s7, s2  }
0x1e: {  	s7 =	smul.u32 @!p0 $0xF7A, s2;
	p2 =	seq.s32 @!p0 s5, $0x0  }
0x1f: {  	s9 =	smul.u32 $0xF7A, s1;
	s8 =	simm.s32 @!p0 $0x1BF5;
	p2 =	por !p2, p0  }
0x20: {  	[sflag:s8] =	ssyncset.s32 @!p0 $0xFFFFF086;
	s6 =	sadd.s32 @!p0 s3, s7;
	s7 =	simm.s32 @!p0 $0x108  }
0x21: {  	s3 =	sadd.s32 s3, s9;
	s6 =	sadd.s32 @!p0 $0x88, s6;
	s7 =	simm.s32 @p2 $0x1082  }
0x22: {  	[simem:s7], [sflag:s8] =	dma.local @!p0 [hbm:s6], $0xF7A  }
0x23: {  	s9 =	sor.u32 $0xD0000000, s2;
	s6 =	simm.s32 $0x108;
	_ =	swait.ge @!p0 [sflag:s8], $0x0  }
0x24: {  	s3 =	sadd.s32 $0x88, s3;
	s6 =	simm.s32 @!p1 $0x1082;
	[sflag:s4] =	ssyncset.s32 $0xFFFFF086  }
0x25: {  	[simem:s6], [sflag:s4] =	dma.local [hbm:s3], $0xF7A  }
0x26: {  	[smem:$0x3F93] =	sst s1;
	(tag) =	ssettag s2;
	_ =	strace s9  }
0x27: {  	s1 =	sld [smem:$0x3FA3]  }
0x28: {  	s2 =	sld [smem:$0x3FA4]  }
0x29: {  	s4 =	sld [smem:$0x3FA6]  }
0x2a: {  	p0 =	seq.s32 s5, $0x0;
	s5 =	sld [smem:$0x3FA7]  }
0x2b: {  	s6 =	sld [smem:$0x3FA8]  }
0x2c: {  	s7 =	sld [smem:$0x3FA9]  }
0x2d: {  	s3 =	simm.s32 $0x108;
	s8 =	sld [smem:$0x3FAA]  }
0x2e: {  	s3 =	simm.s32 @!p0 $0x1082;
	s9 =	sld [smem:$0x3FAB]  }
0x2f: {  	lr =	sadd.s32 s0, s3;
	s0 =	sld [smem:$0x3FA2]  }
0x30: {  	s3 =	sld [smem:$0x3FA5]  }
0x31: {  	[smem:$0x3FAE] =	sst s10  }
0x32: {  	s10 =	sld [smem:$0x3FAC];
	_ =	sdelay $0x3  }
0x33: {  	p0 =	seq.s32 s10, $0x1;
	s10 =	sld [smem:$0x3FAE];
	_ =	sdelay $0x3  }
0x34: {  	[smem:$0x3FAE] =	sst s10  }
0x35: {  	s10 =	sld [smem:$0x3FAD];
	_ =	sdelay $0x3  }
0x36: {  	p1 =	seq.s32 s10, $0x1;
	s10 =	sld [smem:$0x3FAE];
	_ =	sdelay $0x3  }
0x37: {  	[smem:$0x3FAE] =	sst s10  }
0x38: {  	s10 =	sld [smem:$0x3FAF]  }
0x39: {  	_ = 	snop;
	(pc) =	sbr.ind lr, $3  }
0x3a: {  	_ = 	snop  }
0x3b: {  	_ = 	snop  }
0x3c: {  	p2 =	seq.s32 s10, $0x1;
	s10 =	sld [smem:$0x3FAE]  }
0x3d: {  	_ =	shalt  }
0x3e: {  	_ =	shalt  }
0x3f: {  	_ =	shalt  }
0x40: {  	_ =	shalt  }
0x41: {  	_ =	shalt  }
0x42: {  	_ =	shalt  }
0x43: {  	_ =	shalt  }
0x44: {  	_ =	shalt  }
0x45: {  	_ =	shalt  }
0x46: {  	_ =	shalt  }
0x47: {  	_ =	shalt  }
0x48: {  	_ =	shalt  }
0x49: {  	_ =	shalt  }
0x4a: {  	_ =	shalt  }
0x4b: {  	_ =	shalt  }
0x4c: {  	_ =	shalt  }
0x4d: {  	_ =	shalt  }
0x4e: {  	_ =	shalt  }
0x4f: {  	_ =	shalt  }
0x50: {  	_ =	shalt  }
0x51: {  	_ =	shalt  }
0x52: {  	_ =	shalt  }
0x53: {  	_ =	shalt  }
0x54: {  	_ =	shalt  }
0x55: {  	_ =	shalt  }
0x56: {  	_ =	shalt  }
0x57: {  	_ =	shalt  }
0x58: {  	_ =	shalt  }
0x59: {  	_ =	shalt  }
0x5a: {  	_ =	shalt  }
0x5b: {  	_ =	shalt  }
0x5c: {  	_ =	shalt  }
0x5d: {  	_ =	shalt  }
0x5e: {  	_ =	shalt  }
0x5f: {  	_ =	shalt  }
0x60: {  	_ =	shalt  }
0x61: {  	_ =	shalt  }
0x62: {  	_ =	shalt  }
0x63: {  	_ =	shalt  }
0x64: {  	_ =	shalt  }
0x65: {  	_ =	shalt  }
0x66: {  	_ =	shalt  }
0x67: {  	_ =	shalt  }
0x68: {  	_ =	shalt  }
0x69: {  	_ =	shalt  }
0x6a: {  	_ =	shalt  }
0x6b: {  	_ =	shalt  }
0x6c: {  	_ =	shalt  }
0x6d: {  	_ =	shalt  }
0x6e: {  	_ =	shalt  }
0x6f: {  	_ =	shalt  }
0x70: {  	_ =	shalt  }
0x71: {  	_ =	shalt  }
0x72: {  	_ =	shalt  }
0x73: {  	_ =	shalt  }
0x74: {  	_ =	shalt  }
0x75: {  	_ =	shalt  }
0x76: {  	_ =	shalt  }
0x77: {  	_ =	shalt  }
0x78: {  	_ =	shalt  }
0x79: {  	_ =	shalt  }
0x7a: {  	_ =	shalt  }
0x7b: {  	_ =	shalt  }
0x7c: {  	_ =	shalt  }
0x7d: {  	_ =	shalt  }
0x7e: {  	_ =	shalt  }
0x7f: {  	_ =	shalt  }
0x80: {  	_ =	shalt  }
0x81: {  	_ =	shalt  }
0x82: {  	_ =	shalt  }
0x83: {  	_ =	shalt  }
0x84: {  	_ =	shalt  }
0x85: {  	_ =	shalt  }
0x86: {  	_ =	shalt  }
0x87: {  	_ =	shalt  }
.Lfunc_end0:
.L_simem_size_0:
called_computation.6_lowered:
.L_overlay_start_0:
0x88: {  	s0 =	sld [smem:$0x3FD9]  }
0x89: {  	s1 =	sld [smem:$0x3FFE];
	_ =	sdelay $0x3  }
0x8a: {  	s0 =	sadd.s32 s1, s0  }
0x8b: {  	[smem:$0x3FBA] =	sst s0  }
0x8c: {  	_ = 	snop  }
0x8d: {  	(tm) =	ssettm $0x1  }
0x8e: {  	s15 =	sld [smem:$0x3FFB];
	_ =	sdelay $0x3  }
0x8f: {  	_ =	strace s15  }
0x90: {  	s0 =	sld [smem:$0x3FFC];
	_ =	sdelay $0x3  }
0x91: {  	_ =	strace s0  }
0x92: {  	s0 =	sld [smem:$0x3FFD];
	_ =	sdelay $0x3  }
0x93: {  	_ =	strace s0  }
0x94: {  	_ =	strace $0x8FFFFFFF  }
0x95: {  	s16 =	sld [smem:$0x3FDB];
	_ =	sdelay $0x1  }
0x96: {  	s17 =	simm.s32 $_scs_section_size  }
0x97: {  	s2 =	simm.s32 $_size__tile_overlayer_lowered;
	s3 =	simm.s32 $_tile_overlayer_lowered  }
0x98: {  	s20 =	simm.s32 $0x1BFF;
	s19 =	sshll.u32 s3, $0x1;
	s0 =	sadd.s32 s17, s16  }
0x99: {  	s4 =	simm.s32 $0x0;
	s18 =	sshll.u32 s2, $0x1;
	s2 =	sadd.s32 s19, s0  }
0x9a: {  	[timem:s4], [sflag:s20] =	dma.local [hbm:s2], s18  }
0x9b: {  	_ =	swait.ge [sflag:s20], s18  }
0x9c: {  	s1 =	ssub.s32 $0x0, s18;
	[sflag:s20] =	ssyncset.done $0x0  }
0x9d: {  	[sflag:s20] =	ssyncadd.s32 s1;
	_ =	sdelay $0x1  }
0x9e: {  	s21 =	simm.s32 $0x1B8B  }
0x9f: {  	_ =	swait.ge [sflag:s21], $0x1  }
0xa0: {  	[sflag:s21] =	ssyncset.done $0x0  }
0xa1: {  	s23 =	simm.s32 $0x1B8E;
	s22 =	sld [smem:$0x3FFE];
	[sflag:s21] =	ssyncadd.s32 $0xFFFFFFFF  }
0xa2: {  	s24 =	simm.s32 $execute0_lowered;
	[smem:$0x3FD2] =	sst s23  }
0xa3: {  	s2 =	sshll.u32 s24, $0x1;
	_ =	strace $0x8000004C;
	[dreg:$0x1] =	wrdreg $0xFFFFFFFF  }
0xa4: {  	s25 =	simm.s32 $_size_execute0_lowered;
	s0 =	sadd.s32 s0, s2;
	[dreg:$0x0] =	wrdreg $0x0  }
0xa5: {  	s2 =	sshll.u32 s25, $0x1;
	[dreg:$0x2] =	wrdreg s0  }
0xa6: {  	[dreg:$0x3] =	wrdreg s2  }
0xa7: {  	[dreg:$0x4] =	wrdreg $0xC0  }
0xa8: {  	_ =	task [dreg:s4], $0x5FFFF  }
0xa9: {  	[dreg:$0x1] =	wrdreg $0xFFFFFFFF  }
0xaa: {  	[dreg:$0x0] =	wrdreg $0x60  }
0xab: {  	[dreg:$0x2] =	wrdreg s22  }
0xac: {  	[dreg:$0x3] =	wrdreg $0x9  }
0xad: {  	_ =	task.clear_ibuf [dreg:s4], $0x4FFFF;
	_ =	strace $0x9000004C  }
0xae: {  	s26 =	simm.s32 $0x9;
	_ =	strace $0x8000004E  }
0xaf: {  	_ =	swait.ge [sflag:s26], $0x1  }
0xb0: {  	[sflag:s26] =	ssyncadd.s32 $0xFFFFFFFF  }
0xb1: {  	_ =	strace $0x9000004E  }
0xb2: {  	_ =	sfence  }
0xb3: {  	s28 =	sld [smem:$0x0];
	_ =	sdelay $0x1  }
0xb4: {  	s29 =	srdreg.scid  }
0xb5: {  	s30 =	sshll.u32 s29, $0xD;
	s31 =	sshrl.u32 s29, $0x2  }
0xb6: {  	s1 =	sand.u32 $0x1, s29;
	s2 =	sand.u32 $0x4000, s30;
	s0 =	sadd.s32 s31, s28  }
0xb7: {  	s1 =	sor.u32 s2, s1;
	s0 =	sshll.u32 s0, $0x11  }
0xb8: {  	s0 =	sor.u32 s0, s1  }
0xb9: {  	s0 =	sadd.s32 $0x8F2B, s0  }
0xba: {  	[sflag:s0] =	ssyncadd.remote.s32 $0x1  }
0xbb: {  	_ =	sfence.sel $0xFFFF  }
0xbc: {  	[dreg:$0x0] =	wrdreg $0xFFFFFFFF;
	(pc) =	sbr.abs _section_cstart, $3  }
0xbd: {  	[dreg:$0x1] =	wrdreg $0xFFFFFFFF  }
0xbe: {  	_ =	task.clear_ibuf [dreg:s4], $0x2FFFF;
	_ =	strace $0x9FFFFFFF  }
0xbf: {  	(tm) =	ssettm $0x7FFFFFFF  }
tec
execute0_lowered:
.L_overlay_start_1:
0x0: {  	(tag) =	ssettag $0x1  }
0x1: {  	s5 =	rddreg [dreg:$0x0]  }
0x2: {  	s0 =	rddreg [dreg:$0x1]  }
0x3: {  	_ =	strace $0x8000004D;
	s1 =	stileid.u32;
	s6 =	simm.s32 $0x1  }
0x4: {  	s8 =	simm.s32 $0x2;
	s30 =	simm.s32 $0x3;
	s12 =	simm.s32 $0x0  }
0x5: {  	s9 =	simm.s32 $0x0;
	s10 =	simm.s32 $0x0;
	s4 =	sshll.u32 s1, $0x4  }
0x6: {  	s2 =	sadd.s32 $0x32600, s5;
	s3 =	sadd.s32 $0x34000, s5;
	s7 =	ssub.s32 $0x61A0, s4  }
0x7: {  	s5 =	sadd.s32 $0x34E00, s5;
	[sflag:s6] =	ssyncpa.u1 $0x0;
	s6 =	sshrl.u32 s7, $0x8  }
0x8: {  	[sflag:s8] =	ssyncpa.u1 $0x0;
	s11 =	smov.u32 s4;
	s31 =	sshll.u32 s6, $0x4  }
0x9: {  	[sflag:s30] =	ssyncpa.u1 $0x0;
	s7 =	sor.u32 $0x2, s6;
	s8 =	sadd.s32 $0x30, s31  }
.LBB2_1:
0xa: {  	p0 =	sgt.u32 s10, s6  }
0xb: {  	s13 =	sxor.u32 @!p0 $0xFFFFFFFF, s9;
	s14 =	sshrl.u32 @!p0 s11, $0x3  }
0xc: {  	s15 =	sand.u32 @!p0 $0x7, s11;
	s13 =	sand.u32 @!p0 $0x10, s13;
	s14 =	sadd.s32 @!p0 s3, s14  }
0xd: {  	[tilespmem:s13], [sflag:$0x2] =	stream.linear.gather @!p0 [hbm4b:s14+s15], $0x10, $0x38;
	[tilespmem:$0x40] =	vst v63  }
0xe: {  	p0 =	seq.s32 s9, $0x0  }
0xf: {  	p1 =	sge.u32 @!p0 s10, s7  }
0x10: {  	p0 =	por p1, p0  }
0x11: {  	s13 =	simm.s32 @!p0 $0x2  }
0x12: {  	_ =	swait.ge @!p0 [sflag:s13], $0x10  }
0x13: {  	[sflag:s13] =	ssyncset.done @!p0 $0x0  }
0x14: {  	[sflag:s13] =	ssyncadd.s32 @!p0 $0xFFFFFFF0;
	s13 =	sand.u32 @!p0 $0x10, s9  }
0x15: {  	(ifvalue) =	ssetifvalue @!p0 $0x7FFFFFFF;
	v0 =	vld.msk @!p0 [tilespmem:s13+$0x0 ss:$0x1], $0xffff;
	_ =	sdelay $0x4  }
0x16: {  	vm0 =	vgt.s32 @!p0 v0, $0x0  }
0x17: {  	v0 =	vnsel @!p0 vm0, $0x0, v0  }
0x18: {  	v0 =	vmin.u32 @!p0 v0, $0xC34F;
	_ =	sdelay $0x3  }
0x19: {  	s14 =	simm.s32 @!p0 $0x0;
	s13 =	sor.u32 @!p0 $0x20, s13;
	(ifvalue) =	ssetifvalue @!p0 $0x7FFFFFFF;
	vm0 =	vmmov @!p0 $0xffff  }
0x1a: {  	[tilespmem:s13], [sflag:$0x1] =	stream.indirect_vreg.gather @!p0 [hbm4b:s2+s14], $0x1, v0, vm0, $0x4038;
	[tilespmem:$0x40] =	vst v63  }
0x1b: {  	s14 =	simm.s32 @!p0 $0x1  }
0x1c: {  	_ =	swait.ge @!p0 [sflag:s14], $0x10  }
0x1d: {  	s15 =	sshrl.u32 @!p0 s12, $0x3;
	[sflag:s14] =	ssyncset.done @!p0 $0x0  }
0x1e: {  	s12 =	sand.u32 @!p0 $0x7, s12;
	[sflag:s14] =	ssyncadd.s32 @!p0 $0xFFFFFFF0;
	s14 =	sadd.s32 @!p0 s5, s15  }
0x1f: {  	[hbm4b:s14+s12] =	stream.linear.scatter @!p0 [tilespmem:s13], [sflag:$0x3], $0x10, $0x38;
	[tilespmem:$0x40] =	vst v63  }
0x20: {  	s14 =	sadd.s32 $0x100, s11  }
0x21: {  	s9 =	sadd.s32 $0x10, s9;
	p1 =	sgt.s32 s14, $0x61A7  }
0x22: {  	s14 =	smov.u32 @p1 s4;
	p1 =	sne.s32 s8, s9  }
.Ltmp0:
0x23: {  	p0 =	slt.u32 s10, $0x2;
	(pc) =	sbr.rel @p1 .LBB2_1-.Ltmp0, $4  }
0x24: {  	s13 =	simm.s32 @!p0 $0x3  }
0x25: {  	_ =	swait.ge @!p0 [sflag:s13], $0x10  }
0x26: {  	s12 =	smov.u32 s11;
	[sflag:s13] =	ssyncset.done @!p0 $0x0  }
0x27: {  	s10 =	sadd.s32 $0x1, s10;
	s11 =	smov.u32 s14;
	[sflag:s13] =	ssyncadd.s32 @!p0 $0xFFFFFFF0  }
0x28: {  	_ =	sfence.sel $0x180000  }
0x29: {  	s2 =	simm.s32 $0x2;
	[bflag:$0x0] =	sbarrier.arrive $0xFFFF  }
0x2a: {  	s30 =	simm.s32 $0x3;
	[sflag:s2] =	ssyncpa.u1 $0x1  }
0x2b: {  	s31 =	simm.s32 $0x1;
	[sflag:s30] =	ssyncpa.u1 $0x1  }
0x2c: {  	[sflag:s31] =	ssyncpa.u1 $0x1  }
0x2d: {  	p0 =	sne.s32 s1, $0x0;
	_ =	strace $0x9000004D  }
0x2e: {  	s0 =	sadd.s32 @!p0 $0x100000, s0;
	[bflag:$0x2] =	sbarrier.arrive $0xFFFF  }
0x2f: {  	[sflag:s0] =	ssyncadd.tile.s32 @!p0 $0x1;
	_ =	shalt  }
.Lfunc_end2:
_tile_overlayer_lowered:
.L_overlay_start_2:
0x30: {  	(tag) =	ssettag $0x2  }
0x31: {  	s0 =	rddreg [dreg:$0x0];
	s2 =	stileid.u32  }
0x32: {  	s1 =	rddreg [dreg:$0x1];
	p0 =	sne.s32 s2, $0x0  }
0x33: {  	s3 =	rddreg [dreg:$0x2];
	[bflag:$0x3] =	sbarrier.arrive $0xFFFF;
	s2 =	simm.s32 @!p0 $0x1C01  }
0x34: {  	[timem:s3], [sflag:s2] =	dma.local @!p0 [hbm:s0], s1  }
0x35: {  	s0 =	simm.s32 @!p0 $0x1  }
0x36: {  	_ =	swait.ge @!p0 [sflag:s0], s1  }
0x37: {  	s1 =	ssub.s32 @!p0 $0x0, s1;
	[sflag:s0] =	ssyncset.done @!p0 $0x0  }
0x38: {  	[sflag:s0] =	ssyncadd.s32 @!p0 s1  }
0x39: {  	[bflag:$0x3] =	sbarrier.arrive $0xFFFF  }
0x3a: {  	_ =	shalt  }

// kernel: scatter_offload_async_start.1
scs
__scs_entry_jumppad:
0x0: {  	(pc) =	sbr.rel $0x88, $3  }
0x1: {  	(tag) =	ssettag $0x0;
	lr =	simm.s32 $0x1  }
0x2: {  	[smem:$0x3F93] =	sst lr;
	_ =	strace $0xD0000000  }
0x3: {  	_ = 	snop  }
0x4: {  	_ = 	snop  }
0x5: {  	_ = 	snop  }
0x6: {  	_ = 	snop  }
0x7: {  	_ = 	snop  }
__scs_overlays_trampoline_lowered:
0x8: {  	[smem:$0x3FA2] =	sst s0  }
0x9: {  	[smem:$0x3FA3] =	sst s1  }
0xa: {  	[smem:$0x3FA4] =	sst s2  }
0xb: {  	[smem:$0x3FA5] =	sst s3  }
0xc: {  	[smem:$0x3FA6] =	sst s4  }
0xd: {  	[smem:$0x3FA7] =	sst s5  }
0xe: {  	[smem:$0x3FA8] =	sst s6  }
0xf: {  	[smem:$0x3FA9] =	sst s7  }
0x10: {  	[smem:$0x3FAA] =	sst s8  }
0x11: {  	[smem:$0x3FAB] =	sst s9;
	s0 =	simm.s32 @!p0 $0x0  }
0x12: {  	s1 =	sld [smem:$0x3F91];
	s0 =	simm.s32 @p0 $0x1  }
0x13: {  	[smem:$0x3FAC] =	sst s0;
	s0 =	simm.s32 @!p1 $0x0  }
0x14: {  	s2 =	sld [smem:$0x3F90];
	s0 =	simm.s32 @p1 $0x1  }
0x15: {  	[smem:$0x3FAD] =	sst s0;
	s0 =	simm.s32 @!p2 $0x0  }
0x16: {  	s3 =	sld [smem:$0x3FDB];
	s0 =	simm.s32 @p2 $0x1  }
0x17: {  	s4 =	simm.s32 $0x1BF5;
	[smem:$0x3FAF] =	sst s0  }
0x18: {  	s0 =	sld [smem:$0x3F92];
	_ =	swait.ge [sflag:s4], $0x0  }
0x19: {  	s7 =	sld [smem:$0x3F93]  }
0x1a: {  	s8 =	sadd.s32 $0xFFFFE003, lr  }
0x1b: {  	s9 =	sadd.s32 $0xFFFFFEF7, lr;
	s5 =	simm.s32 $0xFFFFFFFF;
	p2 =	slt.u32 s8, $0xFFFFF086  }
0x1c: {  	p1 =	slt.u32 s9, $0xF7A;
	s5 =	simm.s32 @!p2 $0x0  }
0x1d: {  	s5 =	simm.s32 @p1 $0x1;
	p0 =	seq.s32 s7, s2  }
0x1e: {  	s7 =	smul.u32 @!p0 $0xF7A, s2;
	p2 =	seq.s32 @!p0 s5, $0x0  }
0x1f: {  	s9 =	smul.u32 $0xF7A, s1;
	s8 =	simm.s32 @!p0 $0x1BF5;
	p2 =	por !p2, p0  }
0x20: {  	[sflag:s8] =	ssyncset.s32 @!p0 $0xFFFFF086;
	s6 =	sadd.s32 @!p0 s3, s7;
	s7 =	simm.s32 @!p0 $0x108  }
0x21: {  	s3 =	sadd.s32 s3, s9;
	s6 =	sadd.s32 @!p0 $0x88, s6;
	s7 =	simm.s32 @p2 $0x1082  }
0x22: {  	[simem:s7], [sflag:s8] =	dma.local @!p0 [hbm:s6], $0xF7A  }
0x23: {  	s9 =	sor.u32 $0xD0000000, s2;
	s6 =	simm.s32 $0x108;
	_ =	swait.ge @!p0 [sflag:s8], $0x0  }
0x24: {  	s3 =	sadd.s32 $0x88, s3;
	s6 =	simm.s32 @!p1 $0x1082;
	[sflag:s4] =	ssyncset.s32 $0xFFFFF086  }
0x25: {  	[simem:s6], [sflag:s4] =	dma.local [hbm:s3], $0xF7A  }
0x26: {  	[smem:$0x3F93] =	sst s1;
	(tag) =	ssettag s2;
	_ =	strace s9  }
0x27: {  	s1 =	sld [smem:$0x3FA3]  }
0x28: {  	s2 =	sld [smem:$0x3FA4]  }
0x29: {  	s4 =	sld [smem:$0x3FA6]  }
0x2a: {  	p0 =	seq.s32 s5, $0x0;
	s5 =	sld [smem:$0x3FA7]  }
0x2b: {  	s6 =	sld [smem:$0x3FA8]  }
0x2c: {  	s7 =	sld [smem:$0x3FA9]  }
0x2d: {  	s3 =	simm.s32 $0x108;
	s8 =	sld [smem:$0x3FAA]  }
0x2e: {  	s3 =	simm.s32 @!p0 $0x1082;
	s9 =	sld [smem:$0x3FAB]  }
0x2f: {  	lr =	sadd.s32 s0, s3;
	s0 =	sld [smem:$0x3FA2]  }
0x30: {  	s3 =	sld [smem:$0x3FA5]  }
0x31: {  	[smem:$0x3FAE] =	sst s10  }
0x32: {  	s10 =	sld [smem:$0x3FAC];
	_ =	sdelay $0x3  }
0x33: {  	p0 =	seq.s32 s10, $0x1;
	s10 =	sld [smem:$0x3FAE];
	_ =	sdelay $0x3  }
0x34: {  	[smem:$0x3FAE] =	sst s10  }
0x35: {  	s10 =	sld [smem:$0x3FAD];
	_ =	sdelay $0x3  }
0x36: {  	p1 =	seq.s32 s10, $0x1;
	s10 =	sld [smem:$0x3FAE];
	_ =	sdelay $0x3  }
0x37: {  	[smem:$0x3FAE] =	sst s10  }
0x38: {  	s10 =	sld [smem:$0x3FAF]  }
0x39: {  	_ = 	snop;
	(pc) =	sbr.ind lr, $3  }
0x3a: {  	_ = 	snop  }
0x3b: {  	_ = 	snop  }
0x3c: {  	p2 =	seq.s32 s10, $0x1;
	s10 =	sld [smem:$0x3FAE]  }
0x3d: {  	_ =	shalt  }
0x3e: {  	_ =	shalt  }
0x3f: {  	_ =	shalt  }
0x40: {  	_ =	shalt  }
0x41: {  	_ =	shalt  }
0x42: {  	_ =	shalt  }
0x43: {  	_ =	shalt  }
0x44: {  	_ =	shalt  }
0x45: {  	_ =	shalt  }
0x46: {  	_ =	shalt  }
0x47: {  	_ =	shalt  }
0x48: {  	_ =	shalt  }
0x49: {  	_ =	shalt  }
0x4a: {  	_ =	shalt  }
0x4b: {  	_ =	shalt  }
0x4c: {  	_ =	shalt  }
0x4d: {  	_ =	shalt  }
0x4e: {  	_ =	shalt  }
0x4f: {  	_ =	shalt  }
0x50: {  	_ =	shalt  }
0x51: {  	_ =	shalt  }
0x52: {  	_ =	shalt  }
0x53: {  	_ =	shalt  }
0x54: {  	_ =	shalt  }
0x55: {  	_ =	shalt  }
0x56: {  	_ =	shalt  }
0x57: {  	_ =	shalt  }
0x58: {  	_ =	shalt  }
0x59: {  	_ =	shalt  }
0x5a: {  	_ =	shalt  }
0x5b: {  	_ =	shalt  }
0x5c: {  	_ =	shalt  }
0x5d: {  	_ =	shalt  }
0x5e: {  	_ =	shalt  }
0x5f: {  	_ =	shalt  }
0x60: {  	_ =	shalt  }
0x61: {  	_ =	shalt  }
0x62: {  	_ =	shalt  }
0x63: {  	_ =	shalt  }
0x64: {  	_ =	shalt  }
0x65: {  	_ =	shalt  }
0x66: {  	_ =	shalt  }
0x67: {  	_ =	shalt  }
0x68: {  	_ =	shalt  }
0x69: {  	_ =	shalt  }
0x6a: {  	_ =	shalt  }
0x6b: {  	_ =	shalt  }
0x6c: {  	_ =	shalt  }
0x6d: {  	_ =	shalt  }
0x6e: {  	_ =	shalt  }
0x6f: {  	_ =	shalt  }
0x70: {  	_ =	shalt  }
0x71: {  	_ =	shalt  }
0x72: {  	_ =	shalt  }
0x73: {  	_ =	shalt  }
0x74: {  	_ =	shalt  }
0x75: {  	_ =	shalt  }
0x76: {  	_ =	shalt  }
0x77: {  	_ =	shalt  }
0x78: {  	_ =	shalt  }
0x79: {  	_ =	shalt  }
0x7a: {  	_ =	shalt  }
0x7b: {  	_ =	shalt  }
0x7c: {  	_ =	shalt  }
0x7d: {  	_ =	shalt  }
0x7e: {  	_ =	shalt  }
0x7f: {  	_ =	shalt  }
0x80: {  	_ =	shalt  }
0x81: {  	_ =	shalt  }
0x82: {  	_ =	shalt  }
0x83: {  	_ =	shalt  }
0x84: {  	_ =	shalt  }
0x85: {  	_ =	shalt  }
0x86: {  	_ =	shalt  }
0x87: {  	_ =	shalt  }
.Lfunc_end0:
.L_simem_size_0:
called_computation.1_lowered:
.L_overlay_start_0:
0x88: {  	s0 =	sld [smem:$0x3FD9]  }
0x89: {  	s1 =	sld [smem:$0x3FFE];
	_ =	sdelay $0x3  }
0x8a: {  	s0 =	sadd.s32 s1, s0  }
0x8b: {  	[smem:$0x3FBA] =	sst s0  }
0x8c: {  	_ = 	snop  }
0x8d: {  	(tm) =	ssettm $0x1  }
0x8e: {  	s15 =	sld [smem:$0x3FFB];
	_ =	sdelay $0x3  }
0x8f: {  	_ =	strace s15  }
0x90: {  	s0 =	sld [smem:$0x3FFC];
	_ =	sdelay $0x3  }
0x91: {  	_ =	strace s0  }
0x92: {  	s0 =	sld [smem:$0x3FFD];
	_ =	sdelay $0x3  }
0x93: {  	_ =	strace s0  }
0x94: {  	_ =	strace $0x8FFFFFFF  }
0x95: {  	s16 =	sld [smem:$0x3FDB];
	_ =	sdelay $0x1  }
0x96: {  	s17 =	simm.s32 $_scs_section_size  }
0x97: {  	s2 =	simm.s32 $_size__tile_overlayer_lowered;
	s3 =	simm.s32 $_tile_overlayer_lowered  }
0x98: {  	s20 =	simm.s32 $0x1BFF;
	s19 =	sshll.u32 s3, $0x1;
	s0 =	sadd.s32 s17, s16  }
0x99: {  	s4 =	simm.s32 $0x0;
	s18 =	sshll.u32 s2, $0x1;
	s2 =	sadd.s32 s19, s0  }
0x9a: {  	[timem:s4], [sflag:s20] =	dma.local [hbm:s2], s18  }
0x9b: {  	_ =	swait.ge [sflag:s20], s18  }
0x9c: {  	s1 =	ssub.s32 $0x0, s18;
	[sflag:s20] =	ssyncset.done $0x0  }
0x9d: {  	[sflag:s20] =	ssyncadd.s32 s1;
	_ =	sdelay $0x1  }
0x9e: {  	s21 =	simm.s32 $0x1B8B  }
0x9f: {  	_ =	swait.ge [sflag:s21], $0x1  }
0xa0: {  	[sflag:s21] =	ssyncset.done $0x0  }
0xa1: {  	s23 =	simm.s32 $0x1B8E;
	s22 =	sld [smem:$0x3FFE];
	[sflag:s21] =	ssyncadd.s32 $0xFFFFFFFF  }
0xa2: {  	s24 =	simm.s32 $execute0_lowered;
	[smem:$0x3FD2] =	sst s23  }
0xa3: {  	s2 =	sshll.u32 s24, $0x1;
	_ =	strace $0x80000049;
	[dreg:$0x1] =	wrdreg $0xFFFFFFFF  }
0xa4: {  	s25 =	simm.s32 $_size_execute0_lowered;
	s0 =	sadd.s32 s0, s2;
	[dreg:$0x0] =	wrdreg $0x0  }
0xa5: {  	s2 =	sshll.u32 s25, $0x1;
	[dreg:$0x2] =	wrdreg s0  }
0xa6: {  	[dreg:$0x3] =	wrdreg s2  }
0xa7: {  	[dreg:$0x4] =	wrdreg $0xC0  }
0xa8: {  	_ =	task [dreg:s4], $0x5FFFF  }
0xa9: {  	[dreg:$0x1] =	wrdreg $0xFFFFFFFF  }
0xaa: {  	[dreg:$0x0] =	wrdreg $0x60  }
0xab: {  	[dreg:$0x2] =	wrdreg s22  }
0xac: {  	[dreg:$0x3] =	wrdreg $0x9  }
0xad: {  	_ =	task.clear_ibuf [dreg:s4], $0x4FFFF;
	_ =	strace $0x90000049  }
0xae: {  	s26 =	simm.s32 $0x9;
	_ =	strace $0x8000004B  }
0xaf: {  	_ =	swait.ge [sflag:s26], $0x1  }
0xb0: {  	[sflag:s26] =	ssyncadd.s32 $0xFFFFFFFF  }
0xb1: {  	_ =	strace $0x9000004B  }
0xb2: {  	_ =	sfence  }
0xb3: {  	s28 =	sld [smem:$0x0];
	_ =	sdelay $0x1  }
0xb4: {  	s29 =	srdreg.scid  }
0xb5: {  	s30 =	sshll.u32 s29, $0xD;
	s31 =	sshrl.u32 s29, $0x2  }
0xb6: {  	s1 =	sand.u32 $0x1, s29;
	s2 =	sand.u32 $0x4000, s30;
	s0 =	sadd.s32 s31, s28  }
0xb7: {  	s1 =	sor.u32 s2, s1;
	s0 =	sshll.u32 s0, $0x11  }
0xb8: {  	s0 =	sor.u32 s0, s1  }
0xb9: {  	s0 =	sadd.s32 $0x8F2B, s0  }
0xba: {  	[sflag:s0] =	ssyncadd.remote.s32 $0x1  }
0xbb: {  	_ =	sfence.sel $0xFFFF  }
0xbc: {  	[dreg:$0x0] =	wrdreg $0xFFFFFFFF;
	(pc) =	sbr.abs _section_cstart, $3  }
0xbd: {  	[dreg:$0x1] =	wrdreg $0xFFFFFFFF  }
0xbe: {  	_ =	task.clear_ibuf [dreg:s4], $0x2FFFF;
	_ =	strace $0x9FFFFFFF  }
0xbf: {  	(tm) =	ssettm $0x7FFFFFFF  }
tec
execute0_lowered:
.L_overlay_start_1:
0x0: {  	(tag) =	ssettag $0x1  }
0x1: {  	s6 =	rddreg [dreg:$0x0];
	s3 =	stileid.u32  }
0x2: {  	_ =	strace $0x8000004A;
	s2 =	simm.s32 $0x1;
	s0 =	smul.u32 $0x11, s3  }
0x3: {  	v1 =	vimm.s32 $0xFFFFFFFF;
	s1 =	smin.u32 s3, $0x3;
	[sflag:s2] =	ssyncpa.u1 $0x0  }
0x4: {  	[tilespmem:$0x10] =	vst v1;
	s0 =	sadd.s32 s1, s0  }
0x5: {  	v0 =	vimm.f32 $0.0e+00;
	p0 =	slt.u32 s3, $0x3;
	[tilespmem:$0x20] =	vst v1;
	s4 =	smul.u32 $0x1770, s0;
	s0 =	simm.s32 $0x1A5E0  }
0x6: {  	[tilespmem:$0x30] =	vst v0;
	s0 =	simm.s32 @!p0 $0x18E70  }
0x7: {  	[tilespmem:$0x40] =	vst v0;
	s0 =	sadd.s32 s0, s4  }
0x8: {  	[tilespmem:$0x50] =	vst v0;
	s5 =	smin.u32 s0, $0x192D50  }
0x9: {  	s7 =	simm.s32 $0x2;
	s8 =	simm.s32 $0x8;
	[tilespmem:$0x60] =	vst v1;
	s0 =	ssub.s32 s5, s4  }
0xa: {  	s31 =	simm.s32 $0x9;
	s16 =	simm.s32 $0x0;
	[tilespmem:$0x70] =	vst v1;
	p0 =	sgt.s32 s0, $0x0  }
0xb: {  	s17 =	simm.s32 $0xF0;
	s18 =	simm.s32 $0xFFFFFFFF;
	[tilespmem:$0x80] =	vst v1;
	s0 =	simm.s32 @!p0 $0x0  }
0xc: {  	s19 =	simm.s32 $0xFFFFD220;
	s20 =	simm.s32 $0xFFFFFFFE;
	v1 =	vimm.s32 $0x0;
	[tilespmem:$0xB0] =	vst v0;
	s30 =	smulhi.u32 $0x57619F1, s0  }
0xd: {  	s21 =	simm.s32 $0xF;
	s25 =	simm.s32 $0x0;
	s24 =	simm.s32 $0x0;
	[tilespmem:$0x90] =	vst v1  }
0xe: {  	[tilespmem:$0xA0] =	vst v1;
	[sflag:s7] =	ssyncpa.u1 $0x0;
	s7 =	simm.s32 $0x7;
	s9 =	sshrl.u32 s30, $0x7  }
0xf: {  	s14 =	sshllo.u32 s3, $0x1;
	[sflag:s7] =	ssyncpa.u1 $0x0;
	s10 =	smul.u32 $0x1770, s9  }
.Ltmp0:
0x10: {  	s1 =	sadd.s32 $0x34000, s6;
	[sflag:s8] =	ssyncpa.u1 $0x0;
	(pc) =	sbr.rel .LBB2_1-.Ltmp0, $4  }
0x11: {  	s6 =	sadd.s32 $0x97600, s6;
	[sflag:s31] =	ssyncpa.u1 $0x0;
	p0 =	sne.s32 s0, s10  }
0x12: {  	s23 =	smov.u32 s4;
	s10 =	sshll.u32 s3, $0x1;
	s2 =	simm.s32 @!p0 $0x0  }
0x13: {  	vm0 =	vmmov $0xffff;
	v2 =	vlaneseq.u32;
	s13 =	sor.u32 $0x81, s10;
	s15 =	sor.u32 $0x80, s10;
	s9 =	sadd.s32 s2, s9  }
0x14: {  	vm1 =	vmxor vm1, vm1;
	vm2 =	vmmov $0x1;
	vm3 =	vcmask $0x3F3C;
	p0 =	por $0x0, $0x0;
	s11 =	sadd.s32 $0x1, s9;
	s12 =	sadd.s32 $0x2, s9  }
.LBB2_9:
0x15: {  	p1 =	slt.u32 s24, $0x3  }
0x16: {  	s0 =	simm.s32 @!p1 $0x2  }
0x17: {  	_ =	swait.ge @!p1 [sflag:s0], $0x1770  }
0x18: {  	[sflag:s0] =	ssyncset.done @!p1 $0x0  }
0x19: {  	[sflag:s0] =	ssyncadd.s32 @!p1 $0xFFFFE890;
	s0 =	simm.s32 @!p1 $0x9  }
0x1a: {  	_ =	swait.ge @!p1 [sflag:s0], $0x10  }
0x1b: {  	[sflag:s0] =	ssyncset.done @!p1 $0x0  }
0x1c: {  	[sflag:s0] =	ssyncadd.s32 @!p1 $0xFFFFFFF0;
	p1 =	sne.s32 s24, s12  }
.Ltmp1:
0x1d: {  	s2 =	sadd.s32 $0x1770, s23;
	(pc) =	sbr.rel @!p1 .LBB2_10-.Ltmp1, $4  }
0x1e: {  	s3 =	smov.u32 s4;
	s31 =	sadd.s32 $0x1, s24;
	s17 =	sadd.s32 $0x1770, s17  }
0x1f: {  	s18 =	sadd.s32 $0x1, s18;
	s25 =	smov.u32 s23;
	p2 =	slt.s32 s2, s5  }
0x20: {  	p0 =	por !p0, !p0;
	s19 =	sadd.s32 $0x1770, s19;
	s3 =	smov.u32 @p2 s2  }
0x21: {  	s20 =	sadd.s32 $0x1, s20;
	s23 =	smov.u32 s3;
	s24 =	smov.u32 s31  }
.LBB2_1:
0x22: {  	p1 =	sge.u32 s24, s9  }
0x23: {  	s0 =	smulhi.u32 @!p1 $0xAAAAAAAB, s24;
	_ =	sdelay $0x1  }
0x24: {  	s0 =	sshrl.u32 @!p1 s0, $0x1  }
0x25: {  	s0 =	smul.u32 @!p1 $0x3, s0;
	_ =	sdelay $0x1  }
0x26: {  	s0 =	ssub.s32 @!p1 s24, s0  }
0x27: {  	s0 =	smul.u32 @!p1 $0x5DC0, s0;
	_ =	sdelay $0x1  }
0x28: {  	s3 =	rddreg [dreg:$0x0];
	s2 =	sshrl.u32 @!p1 s23, $0x3;
	s0 =	sshrl.u32 @!p1 s0, $0x2  }
0x29: {  	s22 =	sand.u32 @!p1 $0x7, s23;
	s2 =	sadd.s32 @!p1 s3, s2;
	s0 =	sadd.s32 @!p1 $0x100, s0  }
0x2a: {  	[tilespmem:s0], [sflag:$0x7] =	stream.linear.gather @!p1 [hbm4b:s2+s22], $0x1770, $0x38;
	[tilespmem:$0xD410] =	vst v63  }
0x2b: {  	s0 =	sadd.s32 $0xFFFFFFFF, s24  }
0x2c: {  	p1 =	sge.u32 s0, s9  }
.Ltmp2:
0x2d: {  	_ = 	snop;
	(pc) =	sbr.rel @p1 .LBB2_5-.Ltmp2, $1  }
0x2e: {  	_ =	sdelay $0x3  }
0x2f: {  	s2 =	smulhi.u32 $0xAAAAAAAB, s0;
	_ =	sdelay $0x1  }
0x30: {  	s2 =	sshrl.u32 s2, $0x1  }
0x31: {  	s2 =	smul.u32 $0x3, s2;
	_ =	sdelay $0x1  }
0x32: {  	s2 =	ssub.s32 s0, s2  }
0x33: {  	s2 =	smul.u32 $0x5DC0, s2  }
0x34: {  	_ =	swait.ge [sflag:s7], $0x1770  }
0x35: {  	[sflag:s7] =	ssyncset.done $0x0;
	s2 =	sshrl.u32 s2, $0x2  }
0x36: {  	[sflag:s7] =	ssyncadd.s32 $0xFFFFE890;
	(ifvalue) =	ssetifvalue $0xFFFFFFFF;
	v3 =	vld.msk [tilespmem:s2+$0x100 ss:$0x1], $0xffff;
	_ =	sdelay $0x2  }
0x37: {  	s30 =	smulhi.u32 $0xAAAAAAAB, s18;
	p1 =	sne.s32 s24, $0x1  }
0x38: {  	v4 =	vimm.s32 @!p1 $0x0  }
0x39: {  	s2 =	sshrl.u32 s30, $0x1;
	v4 =	vperm.xlane @!p1 v3, v4  }
0x3a: {  	s22 =	sshll.u32 s24, $0x4;
	s2 =	smul.u32 $0xFFFEE6C0, s2;
	vm4 =	vlt.u32 v3, $0xC400  }
0x3b: {  	s22 =	sand.u32 $0x10, s22;
	v3 =	vnsel vm4, $0xFFFFFFFE, v3;
	vm4 =	vlt.u32 @!p1 v4, $0xC400  }
0x3c: {  	s2 =	sshra.s32 s2, $0x2;
	[tilespmem:s22+$0x60] =	vst v3;
	v3 =	vnsel @!p1 vm4, $0xFFFFFFFE, v4  }
0x3d: {  	s28 =	sadd.s32 s2, s17;
	[tilespmem:$0x80] =	vst @!p1 v3  }
0x3e: {  	v3 =	vld.msk [tilespmem:s28+$0x0 ss:$0x1], $0xffff;
	_ =	sdelay $0x4  }
0x3f: {  	(xrf1) =	vunique.msk.u32 $0xffff, v3;
	_ =	sdelay $0xd  }
0x40: {  	v4 =	vimm.s32 $0xFFFFFFFF;
	v5, _, _ =	vpop (xrf1)  }
0x41: {  	vm5 =	vne.s32 v3, v4;
	vm4 =	veq.s32 v5, v2  }
0x42: {  	vm6 =	vlt.u32 v3, $0xC400;
	vm4 =	vmand vm5, vm4  }
0x43: {  	vm4 =	vmand vm6, vm4  }
0x44: {  	v4 =	vnsel vm4, $0xFFFFFFFF, v3  }
0x45: {  	s31 =	sand.u32 $0x1, s0  }
0x46: {  	s0 =	simm.s32 $0x1770;
	p1 =	seq.s32 s31, $0x1  }
0x47: {  	s0 =	simm.s32 @!p1 $0x0  }
0x48: {  	s26 =	sadd.s32 $0x5EB0, s0;
	(ifvalue) =	ssetifvalue $0xFFFFFFFF  }
0x49: {  	v3 =	vperm.xlane v3, v1;
	[tilespmem:s26], [sflag:$0x8] =	stream.indirect_vreg.gather [hbm4b:s1+s16], $0x1, v4, vm0, $0x4038;
	v4 =	vnsel vm6, $0xFFFFFFFE, v4;
	[tilespmem:$0xD410] =	vst v63  }
0x4a: {  	s2 =	simm.s32 $0x0;
	s22 =	sadd.s32 $0xFFFFFFF0, s28;
	[tilespmem:s28+$0x0] =	vst v4  }
.LBB2_3:
0x4b: {  	v4 =	vld.msk [tilespmem:s22+$0x0 ss:$0x1], $0xffff;
	s2 =	sadd.s32 $0x10, s2;
	v5 =	vmov v3;
	s28 =	smov.u32 s22  }
0x4c: {  	p1 =	slt.u32 s2, $0x1760;
	_ =	sdelay $0x4  }
0x4d: {  	v3 =	vperm.xlane v4, v1;
	(xrf1) =	vunique.msk.u32 $0xffff, v4;
	_ =	sdelay $0xd  }
0x4e: {  	v6, _, _ =	vpop (xrf1)  }
0x4f: {  	vm5 =	vne.s32 v4, v5;
	vm4 =	veq.s32 v6, v2  }
0x50: {  	vm6 =	vlt.u32 v4, $0xC400;
	vm4 =	vmand vm5, vm4  }
0x51: {  	vm4 =	vmand vm6, vm4  }
0x52: {  	v4 =	vnsel vm4, $0xFFFFFFFF, v4  }
.Ltmp3:
0x53: {  	v5 =	vnsel vm6, $0xFFFFFFFE, v4;
	(pc) =	sbr.rel @p1 .LBB2_3-.Ltmp3, $3  }
0x54: {  	_ =	sdelay $0x1  }
0x55: {  	s22 =	sadd.s32 $0xFFFFFFF0, s22;
	s26 =	sadd.s32 $0xFFFFFFF0, s26;
	(ifvalue) =	ssetifvalue $0xFFFFFFFF  }
0x56: {  	[tilespmem:s26], [sflag:$0x8] =	stream.indirect_vreg.gather [hbm4b:s1+s16], $0x1, v4, vm0, $0x4038;
	[tilespmem:s28+$0x0] =	vst v5  }
0x57: {  	s2 =	sshrl.u32 s25, $0x3  }
0x58: {  	s0 =	sadd.s32 $0x7630, s0;
	s2 =	sadd.s32 s6, s2  }
0x59: {  	[tilespmem:s0], [sflag:$0x8] =	stream.linear.gather [hbm:s2], $0x1770, $0x38;
	[tilespmem:$0xD410] =	vst v63  }
.LBB2_5:
0x5a: {  	p1 =	slt.u32 s24, $0x2  }
0x5b: {  	p2 =	sge.u32 @!p1 s24, s12  }
0x5c: {  	p1 =	por p1, p2  }
.Ltmp4:
0x5d: {  	_ = 	snop;
	(pc) =	sbr.rel @p1 .LBB2_9-.Ltmp4, $1  }
0x5e: {  	_ =	sdelay $0x3  }
0x5f: {  	s0 =	sadd.s32 $0xFFFFFFFE, s24  }
0x60: {  	s2 =	smulhi.u32 $0xAAAAAAAB, s0;
	_ =	sdelay $0x1  }
0x61: {  	s2 =	sshrl.u32 s2, $0x1  }
0x62: {  	s2 =	smul.u32 $0x3, s2;
	_ =	sdelay $0x1  }
0x63: {  	s0 =	ssub.s32 s0, s2  }
0x64: {  	_ =	swait.ge [sflag:s8], $0x2EE0;
	s0 =	smul.u32 $0x1770, s0  }
0x65: {  	p1 =	sne.s32 s24, s11;
	[sflag:s8] =	ssyncset.done $0x0  }
0x66: {  	[sflag:s8] =	ssyncadd.s32 $0xFFFFD120;
	s2 =	sadd.s32 @!p1 $0x186F, s0  }
0x67: {  	[spmem:s13] =	stream.linear.scatter @!p1 [tilespmem:s2], [sflag:$0x1], $0x1, $0x38;
	[tilespmem:$0xD410] =	vst v63  }
0x68: {  	s2 =	simm.s32 @!p1 $0x1  }
0x69: {  	_ =	swait.ge @!p1 [sflag:s2], $0x1  }
0x6a: {  	s22 =	sshll.u32 s24, $0x4;
	[sflag:s2] =	ssyncset.done @!p1 $0x0  }
0x6b: {  	s25 =	sand.u32 $0x10, s22;
	[sflag:s2] =	ssyncadd.s32 @!p1 $0xFFFFFFFF  }
0x6c: {  	s2 =	sxor.u32 $0x10, s25;
	v4 =	vld [tilespmem:s25+$0x10]  }
0x6d: {  	v5 =	vld [tilespmem:s2+$0x60]  }
0x6e: {  	v3 =	vld [tilespmem:$0x80];
	_ =	sdelay $0x2  }
0x6f: {  	(v2sf) =	vpush v4, $0x0  }
0x70: {  	(v2sf) =	vpush v5, $0x0  }
0x71: {  	(v2sf) =	vpush v3, $0x0;
	_ =	sdelay $0xc  }
0x72: {  	s3 =	spop (v2sf)  }
0x73: {  	s28 =	spop (v2sf)  }
0x74: {  	s26 =	spop (v2sf)  }
0x75: {  	p2 =	seq.s32 s3, s28;
	p3 =	seq.s32 s26, s3  }
0x76: {  	p3 =	por p2, p3  }
0x77: {  	s3 =	sand.u32 $0x1, s24;
	v4 =	vpsel p3, $0xFFFFFFFF, v4  }
0x78: {  	s28 =	smul.u32 $0x1770, s3;
	[tilespmem:s25+$0x10] =	vst.msk $0x1, v4  }
0x79: {  	v4 =	vld [tilespmem:$0x30]  }
0x7a: {  	v5 =	vld [tilespmem:s28+$0x7630]  }
0x7b: {  	v6 =	vld [tilespmem:s25+$0x40];
	_ =	sdelay $0x3  }
0x7c: {  	vm4 =	vmmov vm1;
	v5 =	vadd.f32 v5, v4  }
0x7d: {  	vm5 =	vmmov vm2;
	vm4 =	vmmov @p2 vm2;
	v4 =	vadd.f32 v6, v4  }
0x7e: {  	s22 =	sshll.u32 s3, $0x4;
	vm5 =	vmmov @p3 vm1;
	[tilespmem:s28+$0x7630] =	vst.msk vm4, v5  }
0x7f: {  	[tilespmem:s22+$0xD3F0] =	vst.msk vm5, v4  }
0x80: {  	v4 =	vld [tilespmem:s28+$0x5EB0];
	_ =	sdelay $0x3  }
0x81: {  	v5 =	vimm.f32 $0.0e+00  }
0x82: {  	v4 =	vshift.insert v4, v5, s21  }
0x83: {  	s29 =	sor.u32 $0x40, s2  }
0x84: {  	[tilespmem:s29+$0x0] =	vst.msk $0x1, v4  }
0x85: {  	[tilespmem:s28+$0x5EBF] =	vst.msk $0x1, v5  }
0x86: {  	v4 =	vld [tilespmem:s0+$0x1860];
	_ =	sdelay $0x1  }
0x87: {  	s29 =	smulhi.u32 $0xAAAAAAAB, s20;
	s0 =	simm.s32 $0x1  }
0x88: {  	s0 =	simm.s32 @!p0 $0x0  }
0x89: {  	s29 =	sshrl.u32 s29, $0x1;
	s0 =	smul.u32 $0x5DC0, s0  }
0x8a: {  	s29 =	smul.u32 $0xFFFEE6C0, s29;
	v4 =	vshift.insert v4, v1, s21  }
0x8b: {  	s0 =	sshrl.u32 s0, $0x2  }
0x8c: {  	s29 =	sshra.s32 s29, $0x2;
	s30 =	sadd.s32 $0x7630, s0;
	[tilespmem:s2+$0x10] =	vst.msk $0x1, v4  }
0x8d: {  	s3 =	sadd.s32 s29, s19;
	v6 =	vld [tilespmem:s30+$0x0]  }
0x8e: {  	v7 =	vld [tilespmem:s3+$0x0];
	_ =	sdelay $0x3  }
0x8f: {  	v5 =	vadd.f32 v6, v5  }
0x90: {  	vm4 =	vne.s32 v7, $0xFFFFFFFF  }
0x91: {  	(xrf2) =	vadd.seg.scan.f32 vm4, v5;
	_ =	sdelay $0x3  }
0x92: {  	s31 =	sadd.s32 $0x4750, s0;
	v5 =	vperm.xlane v4, v1  }
0x93: {  	v6 =	vld [tilespmem:s31+$0x0]  }
0x94: {  	vm5 =	veq.s32 v7, v3;
	vm6 =	veq.s32 v7, v5  }
0x95: {  	vm7 =	vgt.u32 v7, $0xFFFFFFFD;
	vm6 =	vmor vm6, vm5  }
0x96: {  	vm6 =	vmor vm6, vm7  }
0x97: {  	v9 =	vld [tilespmem:$0xA0];
	v7 =	vsel vm6, $0xFFFFFFFF, v7  }
0x98: {  	v10 =	vld [tilespmem:$0x90];
	v6 =	vsel vm5, $0x0, v6;
	v8, _, _ =	vpop (xrf2)  }
0x99: {  	v6 =	vadd.f32 v8, v6  }
0x9a: {  	s0 =	sadd.s32 $0xA510, s0  }
0x9b: {  	vm4 =	vmand vm4, vm3;
	[tilespmem:s0+$0x0] =	vst v6;
	(ifvalue) =	ssetifvalue $0xFFFFFFFF  }
0x9c: {  	vm6 =	veq.s32 v9, $0x1;
	[hbm4b:s1+s16] =	stream.indirect_vreg.scatter [tilespmem:s0], [sflag:$0x2], $0x1, v7, vm0, $0x4038;
	v7 =	vsel vm4, $0x0, v8;
	[tilespmem:$0xD410] =	vst v63  }
0x9d: {  	s29 =	sadd.s32 $0xD3F0, s22;
	s22 =	sadd.s32 $0x10, s3;
	s2 =	simm.s32 $0x0;
	vm4 =	vmor vm6, vm5;
	v6 =	vsel vm5, v8, v10;
	v7 =	vshift.insert v7, v0, s21  }
.LBB2_7:
0x9e: {  	v8 =	vld [tilespmem:s22+$0x0];
	s30 =	sadd.s32 $0x10, s30  }
0x9f: {  	s31 =	sadd.s32 $0x10, s31;
	v9 =	vld [tilespmem:s30+$0x0]  }
0xa0: {  	s2 =	sadd.s32 $0x10, s2;
	v10 =	vld [tilespmem:s31+$0x0]  }
0xa1: {  	p2 =	slt.u32 s2, $0x1760;
	_ =	sdelay $0x2  }
0xa2: {  	v7 =	vadd.f32 v9, v7  }
0xa3: {  	vm5 =	vne.s32 v8, $0xFFFFFFFF  }
0xa4: {  	vm6 =	vmand vm5, vm3;
	(xrf2) =	vadd.seg.scan.f32 vm5, v7;
	_ =	sdelay $0x5  }
0xa5: {  	vm7 =	veq.s32 v8, v5;
	vm5 =	veq.s32 v8, v3  }
0xa6: {  	vm8 =	vgt.u32 v8, $0xFFFFFFFD;
	vm4 =	vmor vm4, vm5;
	vm7 =	vmor vm7, vm5  }
0xa7: {  	vm7 =	vmor vm7, vm8  }
0xa8: {  	v8 =	vsel vm7, $0xFFFFFFFF, v8  }
.Ltmp5:
0xa9: {  	v7 =	vsel vm5, $0x0, v10;
	v9, _, _ =	vpop (xrf2);
	(pc) =	sbr.rel @p2 .LBB2_7-.Ltmp5, $4  }
0xaa: {  	v6 =	vsel vm5, v9, v6;
	v10 =	vadd.f32 v9, v7;
	v7 =	vsel vm6, $0x0, v9  }
0xab: {  	s0 =	sadd.s32 $0x10, s0;
	v7 =	vshift.insert v7, v0, s21  }
0xac: {  	s22 =	sadd.s32 $0x10, s22;
	[tilespmem:s0+$0x0] =	vst v10;
	(ifvalue) =	ssetifvalue $0xFFFFFFFF  }
0xad: {  	[hbm4b:s1+s16] =	stream.indirect_vreg.scatter [tilespmem:s0], [sflag:$0x2], $0x1, v8, vm0, $0x4038;
	[tilespmem:$0xD410] =	vst v63  }
0xae: {  	v3 =	vld [tilespmem:s28+$0xBC70];
	_ =	sdelay $0x4  }
0xaf: {  	v3 =	vshift.insert v3, v0, s21  }
0xb0: {  	s0 =	simm.s32 $0x30  }
0xb1: {  	[tilespmem:s0+$0x0] =	vst.msk $0x1, v3  }
0xb2: {  	v3 =	vsel vm4, $0x1, v1;
	[tilespmem:$0x90] =	vst v6  }
0xb3: {  	s0 =	sadd.s32 @!p1 $0xBC7F, s28;
	[tilespmem:$0xA0] =	vst v3  }
0xb4: {  	[spmem:s14] =	stream.linear.scatter @!p1 [tilespmem:s0], [sflag:$0x1], $0x1, $0x38;
	[tilespmem:$0xD410] =	vst v63  }
0xb5: {  	s0 =	simm.s32 @!p1 $0x1  }
0xb6: {  	v3 =	vmctz.xlane @!p1 vm4;
	_ =	swait.ge @!p1 [sflag:s0], $0x1  }
0xb7: {  	(v2sf) =	vpush @!p1 v4, $0x0  }
0xb8: {  	(v2sf) =	vpush @!p1 v3, $0x0;
	_ =	sdelay $0xd  }
0xb9: {  	s2 =	spop @!p1 (v2sf)  }
0xba: {  	s3 =	spop @!p1 (v2sf)  }
0xbb: {  	p2 =	sne.s32 @!p1 s26, s2;
	p3 =	slt.s32 @!p1 s3, $0xF  }
0xbc: {  	[sflag:s0] =	ssyncset.done @!p1 $0x0;
	p2 =	por p2, p1;
	p3 =	por !p3, p1  }
0xbd: {  	[sflag:s0] =	ssyncadd.s32 @!p1 $0xFFFFFFFF;
	v3 =	vimm.s32 @!p2 $0xFFFFFFFF;
	s3 =	simm.s32 @p3 $0xF  }
0xbe: {  	[tilespmem:$0x80] =	vst @!p2 v3;
	s2 =	sadd.s32 @!p1 $0x90, s3  }
0xbf: {  	[spmem:s10] =	stream.linear.scatter @!p1 [tilespmem:s2], [sflag:$0x1], $0x1, $0x38;
	[tilespmem:$0xD410] =	vst v63  }
0xc0: {  	_ =	swait.ge @!p1 [sflag:s0], $0x1  }
0xc1: {  	[sflag:s0] =	ssyncset.done @!p1 $0x0  }
0xc2: {  	s2 =	simm.s32 @!p1 $0x80;
	[sflag:s0] =	ssyncadd.s32 @!p1 $0xFFFFFFFF  }
0xc3: {  	[spmem:s15] =	stream.linear.scatter @!p1 [tilespmem:s2], [sflag:$0x1], $0x1, $0x38;
	[tilespmem:$0xD410] =	vst v63  }
0xc4: {  	_ =	swait.ge @!p1 [sflag:s0], $0x1  }
0xc5: {  	[sflag:s0] =	ssyncset.done @!p1 $0x0  }
0xc6: {  	[sflag:s0] =	ssyncadd.s32 @!p1 $0xFFFFFFFF;
	(ifvalue) =	ssetifvalue $0xFFFFFFFF;
	v3 =	vld [tilespmem:s25+$0x10];
	_ =	sdelay $0x3  }
.Ltmp6:
0xc7: {  	_ = 	snop;
	(pc) =	sbr.rel .LBB2_9-.Ltmp6, $3  }
0xc8: {  	_ =	sdelay $0x1  }
0xc9: {  	(ifvalue) =	ssetifvalue $0xFFFFFFFF  }
0xca: {  	[hbm4b:s1+s16] =	stream.indirect_vreg.scatter [tilespmem:s29], [sflag:$0x9], $0x1, v3, vm0, $0x4038;
	[tilespmem:$0xD410] =	vst v63  }
.LBB2_10:
0xcb: {  	_ =	sfence.sel $0x180000  }
0xcc: {  	s0 =	simm.s32 $0x7;
	[bflag:$0x0] =	sbarrier.arrive $0xFFFF  }
0xcd: {  	s26 =	simm.s32 $0x8;
	[sflag:s0] =	ssyncpa.u1 $0x1  }
0xce: {  	s28 =	simm.s32 $0x9;
	[sflag:s26] =	ssyncpa.u1 $0x1  }
0xcf: {  	[sflag:s28] =	ssyncpa.u1 $0x1  }
0xd0: {  	_ =	sfence.stream.spmem  }
0xd1: {  	s29 =	simm.s32 $0x3;
	[bflag:$0x0] =	sbarrier.arrive $0xFFFF  }
0xd2: {  	s30 =	simm.s32 $0x4;
	[sflag:s29] =	ssyncpa.u1 $0x1  }
0xd3: {  	s31 =	simm.s32 $0x3C;
	s2 =	stileid.u32;
	[sflag:s30] =	ssyncpa.u1 $0x1  }
0xd4: {  	p0 =	sne.s32 s2, $0x0;
	[sflag:s31] =	ssyncpa.u1 $0x1  }
0xd5: {  	s0 =	simm.s32 @p0 $0x1;
	_ =	sfence @p0  }
0xd6: {  	[sflag:s0] =	ssyncpa.u1 @p0 $0x1;
	s0 =	simm.s32 @p0 $0x2  }
0xd7: {  	[sflag:s0] =	ssyncpa.u1 @p0 $0x1  }
0xd8: {  	_ =	strace @p0 $0x9000004A  }
0xd9: {  	[bflag:$0x2] =	sbarrier.arrive @p0 $0xFFFF  }
0xda: {  	_ =	shalt @p0  }
.LBB2_11:
0xdb: {  	_ =	sfence.stream.spmem;
	s0 =	simm.s32 $0x5  }
0xdc: {  	s2 =	simm.s32 $0x80;
	s3 =	simm.s32 $0xC0;
	[sflag:s0] =	ssyncpa.u1 $0x0  }
0xdd: {  	[tilespmem:s3], [sflag:$0x5] =	stream.linear.gather [spmem:s2], $0x20, $0x38;
	[tilespmem:$0xD410] =	vst v63  }
0xde: {  	s2 =	simm.s32 $0x0;
	s3 =	simm.s32 $0xE0  }
0xdf: {  	[tilespmem:s3], [sflag:$0x5] =	stream.linear.gather [spmem:s2], $0x20, $0x38;
	[tilespmem:$0xD410] =	vst v63  }
.Ltmp7:
0xe0: {  	_ = 	snop;
	(pc) =	sbr.rel .LBB2_12-.Ltmp7, $4  }
0xe1: {  	_ =	swait.ge [sflag:s0], $0x40  }
0xe2: {  	[sflag:s0] =	ssyncset.done $0x0  }
0xe3: {  	s31 =	simm.s32 $0x6;
	[sflag:s0] =	ssyncadd.s32 $0xFFFFFFC0  }
0xe4: {  	s4 =	simm.s32 $0x0;
	[sflag:s31] =	ssyncpa.u1 $0x0  }
.LBB2_17:
0xe5: {  	p0 =	sgt.u32 s5, $0xC3FF  }
0xe6: {  	s0 =	sshrl.u32 @!p0 s5, $0x3  }
0xe7: {  	s5 =	sand.u32 @!p0 $0x7, s5;
	s6 =	simm.s32 @!p0 $0xB0;
	s0 =	sadd.s32 @!p0 s1, s0  }
0xe8: {  	[tilespmem:s6], [sflag:$0x6] =	stream.linear.gather @!p0 [hbm4b:s0+s5], $0x1, $0x38;
	[tilespmem:$0xD410] =	vst v63  }
0xe9: {  	s0 =	simm.s32 @!p0 $0x6  }
0xea: {  	_ =	swait.ge @!p0 [sflag:s0], $0x1  }
0xeb: {  	[sflag:s0] =	ssyncset.done @!p0 $0x0  }
0xec: {  	[sflag:s0] =	ssyncadd.s32 @!p0 $0xFFFFFFFF  }
0xed: {  	v2 =	vmov @!p0 s4;
	v1 =	vld.msk @!p0 [tilespmem:$0xB0], $0x1;
	_ =	sdelay $0x3  }
0xee: {  	s0 =	simm.s32 @!p0 $0xE0  }
0xef: {  	[tilespmem:v2+s0+$0x0], v1 =	vst.idx.ret.add.f32.msk @!p0 $0x1, v1  }
0xf0: {  	[tilespmem:s2+$0xC0] =	vst.msk $0x1, v0  }
0xf1: {  	v0 =	vld.msk [tilespmem:s4+$0xE0], $0x1;
	_ =	sdelay $0x4  }
0xf2: {  	[tilespmem:s2+$0xE0] =	vst.msk $0x1, v0;
	s2 =	sadd.s32 $0x1, s2  }
.LBB2_19:
0xf3: {  	s4 =	sadd.s32 $0x1, s4  }
0xf4: {  	p0 =	sne.s32 s4, $0x20  }
.Ltmp8:
0xf5: {  	_ = 	snop;
	(pc) =	sbr.rel @!p0 .LBB2_20-.Ltmp8, $1  }
0xf6: {  	_ =	sdelay $0x3  }
.LBB2_12:
0xf7: {  	v0 =	vld.msk [tilespmem:s4+$0xC0], $0x1;
	_ =	sdelay $0x4  }
0xf8: {  	(v2sf) =	vpush v0, $0x0;
	_ =	sdelay $0xe  }
0xf9: {  	s5 =	spop (v2sf)  }
0xfa: {  	p0 =	seq.s32 s5, $0xFFFFFFFF  }
.Ltmp9:
0xfb: {  	_ = 	snop;
	(pc) =	sbr.rel @p0 .LBB2_19-.Ltmp9, $1  }
0xfc: {  	_ =	sdelay $0x3  }
0xfd: {  	p0 =	slt.s32 s2, $0x1  }
.Ltmp10:
0xfe: {  	_ = 	snop;
	(pc) =	sbr.rel @p0 .LBB2_17-.Ltmp10, $1  }
0xff: {  	_ =	sdelay $0x3  }
0x100: {  	s0 =	simm.s32 $0xC0;
	p0 =	por $0x0, $0x0  }
0x101: {  	v1 =	vld.msk @!p0 [tilespmem:s0+$0x0], $0x1;
	_ =	sdelay $0x4  }
0x102: {  	(v2sf) =	vpush @!p0 v1, $0x0;
	_ =	sdelay $0xd  }
0x103: {  	p2 =	sne.s32 s2, $0x1  }
.Ltmp11:
0x104: {  	s6 =	spop @!p0 (v2sf);
	(pc) =	sbr.rel @!p2 .LBB2_16-.Ltmp11, $4  }
0x105: {  	p1 =	seq.s32 @!p0 s5, s6  }
0x106: {  	s6 =	simm.s32 $0x0;
	p1 =	por !p1, p0  }
0x107: {  	s8 =	simm.s32 $0xFFFFFFFF;
	s6 =	simm.s32 @p1 $0xFFFFFFFF  }
0x108: {  	s7 =	simm.s32 $0x1;
	s6 =	smov.u32 @p0 s8  }
.LBB2_15:
0x109: {  	s8 =	smov.u32 s6;
	p0 =	sne.s32 s6, $0xFFFFFFFF  }
0x10a: {  	s0 =	sadd.s32 $0x1, s0;
	s6 =	smov.u32 s7;
	s7 =	sadd.s32 $0x1, s7  }
0x10b: {  	p1 =	sne.s32 s2, s7;
	v1 =	vld.msk @!p0 [tilespmem:s0+$0x0], $0x1;
	_ =	sdelay $0x4  }
0x10c: {  	(v2sf) =	vpush @!p0 v1, $0x0;
	_ =	sdelay $0xe  }
.Ltmp12:
0x10d: {  	s9 =	spop @!p0 (v2sf);
	(pc) =	sbr.rel @p1 .LBB2_15-.Ltmp12, $4  }
0x10e: {  	p2 =	seq.s32 @!p0 s5, s9  }
0x10f: {  	p2 =	por !p2, p0  }
0x110: {  	s6 =	simm.s32 @p2 $0xFFFFFFFF  }
0x111: {  	s6 =	smov.u32 @p0 s8  }
.LBB2_16:
0x112: {  	p0 =	sne.s32 s6, $0xFFFFFFFF  }
.Ltmp13:
0x113: {  	_ = 	snop;
	(pc) =	sbr.rel @!p0 .LBB2_17-.Ltmp13, $1  }
0x114: {  	_ =	sdelay $0x3  }
0x115: {  	v0 =	vld.msk [tilespmem:s4+$0xE0], $0x1;
	v1 =	vmov s6  }
.Ltmp14:
0x116: {  	_ = 	snop;
	(pc) =	sbr.rel .LBB2_19-.Ltmp14, $2  }
0x117: {  	_ =	sdelay $0x2  }
0x118: {  	[tilespmem:v1+s3+$0x0], v0 =	vst.idx.ret.add.f32.msk $0x1, v0  }
.LBB2_20:
0x119: {  	p0 =	slt.s32 s2, $0x1  }
.Ltmp15:
0x11a: {  	_ = 	snop;
	(pc) =	sbr.rel @p0 .LBB2_24-.Ltmp15, $3  }
0x11b: {  	_ =	sdelay $0x1  }
0x11c: {  	s0 =	simm.s32 $0x6  }
0x11d: {  	s3 =	simm.s32 $0x0;
	[sflag:s0] =	ssyncpa.u1 $0x1  }
0x11e: {  	s0 =	simm.s32 $0xC0  }
0x11f: {  	v0 =	vld.msk [tilespmem:s0+$0x0], $0x1;
	_ =	sdelay $0x4  }
0x120: {  	(v2sf) =	vpush v0, $0x0;
	_ =	sdelay $0xe  }
0x121: {  	s2 =	sadd.s32 $0xFFFFFFFF, s2;
	s4 =	spop (v2sf)  }
0x122: {  	p1 =	sne.s32 s2, $0x0;
	p0 =	sgt.u32 s4, $0xC3FF  }
.Ltmp16:
0x123: {  	s5 =	sshrl.u32 @!p0 s4, $0x3;
	(pc) =	sbr.rel @!p1 .LBB2_23-.Ltmp16, $4  }
0x124: {  	s0 =	simm.s32 $0xE0;
	s4 =	sand.u32 @!p0 $0x7, s4;
	s5 =	sadd.s32 @!p0 s1, s5  }
0x125: {  	[hbm4b:s5+s4] =	stream.linear.scatter @!p0 [tilespmem:s0], [sflag:$0x5], $0x1, $0x38;
	[tilespmem:$0xD410] =	vst v63  }
0x126: {  	s5 =	simm.s32 $0x0  }
0x127: {  	s4 =	simm.s32 $0xC1;
	s5 =	simm.s32 @!p0 $0x4  }
.LBB2_22:
0x128: {  	v0 =	vld.msk [tilespmem:s4+$0x0], $0x1;
	s2 =	sadd.s32 $0xFFFFFFFF, s2;
	s3 =	sadd.s32 s3, s5  }
0x129: {  	p0 =	sne.s32 s2, $0x0;
	_ =	sdelay $0x3  }
0x12a: {  	(v2sf) =	vpush v0, $0x0;
	_ =	sdelay $0xe  }
.Ltmp17:
0x12b: {  	s6 =	spop (v2sf);
	(pc) =	sbr.rel @p0 .LBB2_22-.Ltmp17, $4  }
0x12c: {  	s5 =	simm.s32 $0x0;
	p1 =	sgt.u32 s6, $0xC3FF  }
0x12d: {  	s0 =	sadd.s32 $0x1, s0;
	s5 =	simm.s32 @!p1 $0x4;
	s7 =	sshrl.u32 @!p1 s6, $0x3  }
0x12e: {  	s4 =	sadd.s32 $0x1, s4;
	s6 =	sand.u32 @!p1 $0x7, s6;
	s7 =	sadd.s32 @!p1 s1, s7  }
0x12f: {  	[hbm4b:s7+s6] =	stream.linear.scatter @!p1 [tilespmem:s0], [sflag:$0x5], $0x1, $0x38;
	[tilespmem:$0xD410] =	vst v63  }
.LBB2_23:
0x130: {  	s0 =	sadd.s32 s3, s5  }
0x131: {  	s3 =	sshrl.u32 s0, $0x2  }
.LBB2_24:
0x132: {  	s0 =	simm.s32 $0x5  }
0x133: {  	_ =	swait.ge [sflag:s0], s3  }
0x134: {  	s1 =	ssub.s32 $0x0, s3;
	[sflag:s0] =	ssyncset.done $0x0  }
0x135: {  	[sflag:s0] =	ssyncadd.s32 s1  }
0x136: {  	[sflag:s0] =	ssyncpa.u1 $0x1  }
0x137: {  	s29 =	simm.s32 $0x1;
	_ =	sfence  }
0x138: {  	s30 =	simm.s32 $0x2;
	[sflag:s29] =	ssyncpa.u1 $0x1  }
0x139: {  	[sflag:s30] =	ssyncpa.u1 $0x1  }
0x13a: {  	_ =	strace $0x9000004A  }
0x13b: {  	[bflag:$0x2] =	sbarrier.arrive $0xFFFF  }
0x13c: {  	s31 =	rddreg [dreg:$0x1]  }
0x13d: {  	s0 =	sadd.s32 $0x100000, s31  }
0x13e: {  	[sflag:s0] =	ssyncadd.tile.s32 $0x1;
	_ =	shalt  }
.Lfunc_end2:
_tile_overlayer_lowered:
.L_overlay_start_2:
0x13f: {  	(tag) =	ssettag $0x2  }
0x140: {  	s0 =	rddreg [dreg:$0x0];
	s2 =	stileid.u32  }
0x141: {  	s1 =	rddreg [dreg:$0x1];
	p0 =	sne.s32 s2, $0x0  }
0x142: {  	s3 =	rddreg [dreg:$0x2];
	[bflag:$0x3] =	sbarrier.arrive $0xFFFF;
	s2 =	simm.s32 @!p0 $0x1C01  }
0x143: {  	[timem:s3], [sflag:s2] =	dma.local @!p0 [hbm:s0], s1  }
0x144: {  	s0 =	simm.s32 @!p0 $0x1  }
0x145: {  	_ =	swait.ge @!p0 [sflag:s0], s1  }
0x146: {  	s1 =	ssub.s32 @!p0 $0x0, s1;
	[sflag:s0] =	ssyncset.done @!p0 $0x0  }
0x147: {  	[sflag:s0] =	ssyncadd.s32 @!p0 s1  }
0x148: {  	[bflag:$0x3] =	sbarrier.arrive $0xFFFF  }
0x149: {  	_ =	shalt  }

// kernel: scatter_offload_async_start.2
scs
__scs_entry_jumppad:
0x0: {  	(pc) =	sbr.rel $0x88, $3  }
0x1: {  	(tag) =	ssettag $0x0;
	lr =	simm.s32 $0x1  }
0x2: {  	[smem:$0x3F93] =	sst lr;
	_ =	strace $0xD0000000  }
0x3: {  	_ = 	snop  }
0x4: {  	_ = 	snop  }
0x5: {  	_ = 	snop  }
0x6: {  	_ = 	snop  }
0x7: {  	_ = 	snop  }
__scs_overlays_trampoline_lowered:
0x8: {  	[smem:$0x3FA2] =	sst s0  }
0x9: {  	[smem:$0x3FA3] =	sst s1  }
0xa: {  	[smem:$0x3FA4] =	sst s2  }
0xb: {  	[smem:$0x3FA5] =	sst s3  }
0xc: {  	[smem:$0x3FA6] =	sst s4  }
0xd: {  	[smem:$0x3FA7] =	sst s5  }
0xe: {  	[smem:$0x3FA8] =	sst s6  }
0xf: {  	[smem:$0x3FA9] =	sst s7  }
0x10: {  	[smem:$0x3FAA] =	sst s8  }
0x11: {  	[smem:$0x3FAB] =	sst s9;
	s0 =	simm.s32 @!p0 $0x0  }
0x12: {  	s1 =	sld [smem:$0x3F91];
	s0 =	simm.s32 @p0 $0x1  }
0x13: {  	[smem:$0x3FAC] =	sst s0;
	s0 =	simm.s32 @!p1 $0x0  }
0x14: {  	s2 =	sld [smem:$0x3F90];
	s0 =	simm.s32 @p1 $0x1  }
0x15: {  	[smem:$0x3FAD] =	sst s0;
	s0 =	simm.s32 @!p2 $0x0  }
0x16: {  	s3 =	sld [smem:$0x3FDB];
	s0 =	simm.s32 @p2 $0x1  }
0x17: {  	s4 =	simm.s32 $0x1BF5;
	[smem:$0x3FAF] =	sst s0  }
0x18: {  	s0 =	sld [smem:$0x3F92];
	_ =	swait.ge [sflag:s4], $0x0  }
0x19: {  	s7 =	sld [smem:$0x3F93]  }
0x1a: {  	s8 =	sadd.s32 $0xFFFFE003, lr  }
0x1b: {  	s9 =	sadd.s32 $0xFFFFFEF7, lr;
	s5 =	simm.s32 $0xFFFFFFFF;
	p2 =	slt.u32 s8, $0xFFFFF086  }
0x1c: {  	p1 =	slt.u32 s9, $0xF7A;
	s5 =	simm.s32 @!p2 $0x0  }
0x1d: {  	s5 =	simm.s32 @p1 $0x1;
	p0 =	seq.s32 s7, s2  }
0x1e: {  	s7 =	smul.u32 @!p0 $0xF7A, s2;
	p2 =	seq.s32 @!p0 s5, $0x0  }
0x1f: {  	s9 =	smul.u32 $0xF7A, s1;
	s8 =	simm.s32 @!p0 $0x1BF5;
	p2 =	por !p2, p0  }
0x20: {  	[sflag:s8] =	ssyncset.s32 @!p0 $0xFFFFF086;
	s6 =	sadd.s32 @!p0 s3, s7;
	s7 =	simm.s32 @!p0 $0x108  }
0x21: {  	s3 =	sadd.s32 s3, s9;
	s6 =	sadd.s32 @!p0 $0x88, s6;
	s7 =	simm.s32 @p2 $0x1082  }
0x22: {  	[simem:s7], [sflag:s8] =	dma.local @!p0 [hbm:s6], $0xF7A  }
0x23: {  	s9 =	sor.u32 $0xD0000000, s2;
	s6 =	simm.s32 $0x108;
	_ =	swait.ge @!p0 [sflag:s8], $0x0  }
0x24: {  	s3 =	sadd.s32 $0x88, s3;
	s6 =	simm.s32 @!p1 $0x1082;
	[sflag:s4] =	ssyncset.s32 $0xFFFFF086  }
0x25: {  	[simem:s6], [sflag:s4] =	dma.local [hbm:s3], $0xF7A  }
0x26: {  	[smem:$0x3F93] =	sst s1;
	(tag) =	ssettag s2;
	_ =	strace s9  }
0x27: {  	s1 =	sld [smem:$0x3FA3]  }
0x28: {  	s2 =	sld [smem:$0x3FA4]  }
0x29: {  	s4 =	sld [smem:$0x3FA6]  }
0x2a: {  	p0 =	seq.s32 s5, $0x0;
	s5 =	sld [smem:$0x3FA7]  }
0x2b: {  	s6 =	sld [smem:$0x3FA8]  }
0x2c: {  	s7 =	sld [smem:$0x3FA9]  }
0x2d: {  	s3 =	simm.s32 $0x108;
	s8 =	sld [smem:$0x3FAA]  }
0x2e: {  	s3 =	simm.s32 @!p0 $0x1082;
	s9 =	sld [smem:$0x3FAB]  }
0x2f: {  	lr =	sadd.s32 s0, s3;
	s0 =	sld [smem:$0x3FA2]  }
0x30: {  	s3 =	sld [smem:$0x3FA5]  }
0x31: {  	[smem:$0x3FAE] =	sst s10  }
0x32: {  	s10 =	sld [smem:$0x3FAC];
	_ =	sdelay $0x3  }
0x33: {  	p0 =	seq.s32 s10, $0x1;
	s10 =	sld [smem:$0x3FAE];
	_ =	sdelay $0x3  }
0x34: {  	[smem:$0x3FAE] =	sst s10  }
0x35: {  	s10 =	sld [smem:$0x3FAD];
	_ =	sdelay $0x3  }
0x36: {  	p1 =	seq.s32 s10, $0x1;
	s10 =	sld [smem:$0x3FAE];
	_ =	sdelay $0x3  }
0x37: {  	[smem:$0x3FAE] =	sst s10  }
0x38: {  	s10 =	sld [smem:$0x3FAF]  }
0x39: {  	_ = 	snop;
	(pc) =	sbr.ind lr, $3  }
0x3a: {  	_ = 	snop  }
0x3b: {  	_ = 	snop  }
0x3c: {  	p2 =	seq.s32 s10, $0x1;
	s10 =	sld [smem:$0x3FAE]  }
0x3d: {  	_ =	shalt  }
0x3e: {  	_ =	shalt  }
0x3f: {  	_ =	shalt  }
0x40: {  	_ =	shalt  }
0x41: {  	_ =	shalt  }
0x42: {  	_ =	shalt  }
0x43: {  	_ =	shalt  }
0x44: {  	_ =	shalt  }
0x45: {  	_ =	shalt  }
0x46: {  	_ =	shalt  }
0x47: {  	_ =	shalt  }
0x48: {  	_ =	shalt  }
0x49: {  	_ =	shalt  }
0x4a: {  	_ =	shalt  }
0x4b: {  	_ =	shalt  }
0x4c: {  	_ =	shalt  }
0x4d: {  	_ =	shalt  }
0x4e: {  	_ =	shalt  }
0x4f: {  	_ =	shalt  }
0x50: {  	_ =	shalt  }
0x51: {  	_ =	shalt  }
0x52: {  	_ =	shalt  }
0x53: {  	_ =	shalt  }
0x54: {  	_ =	shalt  }
0x55: {  	_ =	shalt  }
0x56: {  	_ =	shalt  }
0x57: {  	_ =	shalt  }
0x58: {  	_ =	shalt  }
0x59: {  	_ =	shalt  }
0x5a: {  	_ =	shalt  }
0x5b: {  	_ =	shalt  }
0x5c: {  	_ =	shalt  }
0x5d: {  	_ =	shalt  }
0x5e: {  	_ =	shalt  }
0x5f: {  	_ =	shalt  }
0x60: {  	_ =	shalt  }
0x61: {  	_ =	shalt  }
0x62: {  	_ =	shalt  }
0x63: {  	_ =	shalt  }
0x64: {  	_ =	shalt  }
0x65: {  	_ =	shalt  }
0x66: {  	_ =	shalt  }
0x67: {  	_ =	shalt  }
0x68: {  	_ =	shalt  }
0x69: {  	_ =	shalt  }
0x6a: {  	_ =	shalt  }
0x6b: {  	_ =	shalt  }
0x6c: {  	_ =	shalt  }
0x6d: {  	_ =	shalt  }
0x6e: {  	_ =	shalt  }
0x6f: {  	_ =	shalt  }
0x70: {  	_ =	shalt  }
0x71: {  	_ =	shalt  }
0x72: {  	_ =	shalt  }
0x73: {  	_ =	shalt  }
0x74: {  	_ =	shalt  }
0x75: {  	_ =	shalt  }
0x76: {  	_ =	shalt  }
0x77: {  	_ =	shalt  }
0x78: {  	_ =	shalt  }
0x79: {  	_ =	shalt  }
0x7a: {  	_ =	shalt  }
0x7b: {  	_ =	shalt  }
0x7c: {  	_ =	shalt  }
0x7d: {  	_ =	shalt  }
0x7e: {  	_ =	shalt  }
0x7f: {  	_ =	shalt  }
0x80: {  	_ =	shalt  }
0x81: {  	_ =	shalt  }
0x82: {  	_ =	shalt  }
0x83: {  	_ =	shalt  }
0x84: {  	_ =	shalt  }
0x85: {  	_ =	shalt  }
0x86: {  	_ =	shalt  }
0x87: {  	_ =	shalt  }
.Lfunc_end0:
.L_simem_size_0:
called_computation.2_lowered:
.L_overlay_start_0:
0x88: {  	s0 =	sld [smem:$0x3FD9]  }
0x89: {  	s1 =	sld [smem:$0x3FFE];
	_ =	sdelay $0x3  }
0x8a: {  	s0 =	sadd.s32 s1, s0  }
0x8b: {  	[smem:$0x3FBA] =	sst s0  }
0x8c: {  	_ = 	snop  }
0x8d: {  	(tm) =	ssettm $0x1  }
0x8e: {  	s15 =	sld [smem:$0x3FFB];
	_ =	sdelay $0x3  }
0x8f: {  	_ =	strace s15  }
0x90: {  	s0 =	sld [smem:$0x3FFC];
	_ =	sdelay $0x3  }
0x91: {  	_ =	strace s0  }
0x92: {  	s0 =	sld [smem:$0x3FFD];
	_ =	sdelay $0x3  }
0x93: {  	_ =	strace s0  }
0x94: {  	_ =	strace $0x8FFFFFFF  }
0x95: {  	s16 =	sld [smem:$0x3FDB];
	_ =	sdelay $0x1  }
0x96: {  	s17 =	simm.s32 $_scs_section_size  }
0x97: {  	s2 =	simm.s32 $_size__tile_overlayer_lowered;
	s3 =	simm.s32 $_tile_overlayer_lowered  }
0x98: {  	s20 =	simm.s32 $0x1BFF;
	s19 =	sshll.u32 s3, $0x1;
	s0 =	sadd.s32 s17, s16  }
0x99: {  	s4 =	simm.s32 $0x0;
	s18 =	sshll.u32 s2, $0x1;
	s2 =	sadd.s32 s19, s0  }
0x9a: {  	[timem:s4], [sflag:s20] =	dma.local [hbm:s2], s18  }
0x9b: {  	_ =	swait.ge [sflag:s20], s18  }
0x9c: {  	s1 =	ssub.s32 $0x0, s18;
	[sflag:s20] =	ssyncset.done $0x0  }
0x9d: {  	[sflag:s20] =	ssyncadd.s32 s1;
	_ =	sdelay $0x1  }
0x9e: {  	s21 =	simm.s32 $0x1B8B  }
0x9f: {  	_ =	swait.ge [sflag:s21], $0x1  }
0xa0: {  	[sflag:s21] =	ssyncset.done $0x0  }
0xa1: {  	s23 =	simm.s32 $0x1B8E;
	s22 =	sld [smem:$0x3FFE];
	[sflag:s21] =	ssyncadd.s32 $0xFFFFFFFF  }
0xa2: {  	s24 =	simm.s32 $execute0_lowered;
	[smem:$0x3FD2] =	sst s23  }
0xa3: {  	s2 =	sshll.u32 s24, $0x1;
	_ =	strace $0x8000004F;
	[dreg:$0x1] =	wrdreg $0xFFFFFFFF  }
0xa4: {  	s25 =	simm.s32 $_size_execute0_lowered;
	s0 =	sadd.s32 s0, s2;
	[dreg:$0x0] =	wrdreg $0x0  }
0xa5: {  	s2 =	sshll.u32 s25, $0x1;
	[dreg:$0x2] =	wrdreg s0  }
0xa6: {  	[dreg:$0x3] =	wrdreg s2  }
0xa7: {  	[dreg:$0x4] =	wrdreg $0xC0  }
0xa8: {  	_ =	task [dreg:s4], $0x5FFFF  }
0xa9: {  	[dreg:$0x1] =	wrdreg $0xFFFFFFFF  }
0xaa: {  	[dreg:$0x0] =	wrdreg $0x60  }
0xab: {  	[dreg:$0x2] =	wrdreg s22  }
0xac: {  	[dreg:$0x3] =	wrdreg $0x9  }
0xad: {  	_ =	task.clear_ibuf [dreg:s4], $0x4FFFF;
	_ =	strace $0x9000004F  }
0xae: {  	s26 =	simm.s32 $0x9;
	_ =	strace $0x80000051  }
0xaf: {  	_ =	swait.ge [sflag:s26], $0x1  }
0xb0: {  	[sflag:s26] =	ssyncadd.s32 $0xFFFFFFFF  }
0xb1: {  	_ =	strace $0x90000051  }
0xb2: {  	_ =	sfence  }
0xb3: {  	s28 =	sld [smem:$0x0];
	_ =	sdelay $0x1  }
0xb4: {  	s29 =	srdreg.scid  }
0xb5: {  	s30 =	sshll.u32 s29, $0xD;
	s31 =	sshrl.u32 s29, $0x2  }
0xb6: {  	s1 =	sand.u32 $0x1, s29;
	s2 =	sand.u32 $0x4000, s30;
	s0 =	sadd.s32 s31, s28  }
0xb7: {  	s1 =	sor.u32 s2, s1;
	s0 =	sshll.u32 s0, $0x11  }
0xb8: {  	s0 =	sor.u32 s0, s1  }
0xb9: {  	s0 =	sadd.s32 $0x8F2B, s0  }
0xba: {  	[sflag:s0] =	ssyncadd.remote.s32 $0x1  }
0xbb: {  	_ =	sfence.sel $0xFFFF  }
0xbc: {  	[dreg:$0x0] =	wrdreg $0xFFFFFFFF;
	(pc) =	sbr.abs _section_cstart, $3  }
0xbd: {  	[dreg:$0x1] =	wrdreg $0xFFFFFFFF  }
0xbe: {  	_ =	task.clear_ibuf [dreg:s4], $0x2FFFF;
	_ =	strace $0x9FFFFFFF  }
0xbf: {  	(tm) =	ssettm $0x7FFFFFFF  }
tec
execute0_lowered:
.L_overlay_start_1:
0x0: {  	(tag) =	ssettag $0x1  }
0x1: {  	s10 =	rddreg [dreg:$0x0];
	_ =	strace $0x80000050;
	s0 =	simm.s32 $0x1  }
0x2: {  	s8 =	simm.s32 $0x208;
	v0 =	vimm.s32 $0x0;
	[sflag:s0] =	ssyncpa.u1 $0x0  }
0x3: {  	[tilespmem:s8+$0x70] =	vst v0  }
0x4: {  	[tilespmem:s8+$0x60] =	vst v0  }
0x5: {  	[tilespmem:s8+$0x50] =	vst v0  }
0x6: {  	[tilespmem:s8+$0x40] =	vst v0  }
0x7: {  	[tilespmem:s8+$0x30] =	vst v0  }
0x8: {  	s1 =	sadd.s32 $0x32C2E00, s10;
	[tilespmem:s8+$0x20] =	vst v0  }
0x9: {  	s4 =	sadd.s32 $0xC8400, s10;
	s5 =	sadd.s32 $0x12B800, s10;
	s0 =	simm.s32 $0x40;
	[tilespmem:s8+$0x10] =	vst v0  }
.LBB2_1:
0xa: {  	s0 =	sadd.s32 $0x40, s0;
	[tilespmem:s8+$0x0] =	vst v0;
	s8 =	sadd.s32 $0x80, s8  }
0xb: {  	p0 =	slt.u32 s0, $0x3880;
	[tilespmem:s8+$0x70] =	vst v0  }
0xc: {  	[tilespmem:s8+$0x60] =	vst v0  }
.Ltmp0:
0xd: {  	[tilespmem:s8+$0x50] =	vst v0;
	(pc) =	sbr.rel @p0 .LBB2_1-.Ltmp0, $4  }
0xe: {  	[tilespmem:s8+$0x40] =	vst v0  }
0xf: {  	[tilespmem:s8+$0x30] =	vst v0  }
0x10: {  	[tilespmem:s8+$0x20] =	vst v0  }
0x11: {  	[tilespmem:s8+$0x10] =	vst v0  }
0x12: {  	s9 =	stileid.u32  }
0x13: {  	s0 =	smul.u32 $0x38A, s9  }
0x14: {  	s2 =	smin.u32 s9, $0xD  }
0x15: {  	s0 =	sadd.s32 s2, s0  }
0x16: {  	p0 =	slt.u32 s9, $0xD;
	s17 =	smul.u32 $0x70, s0;
	s0 =	simm.s32 $0x18CD0  }
0x17: {  	s0 =	simm.s32 @!p0 $0x18C60  }
0x18: {  	s0 =	sadd.s32 s0, s17  }
0x19: {  	s7 =	smin.u32 s0, $0x18CBA8  }
0x1a: {  	s0 =	ssub.s32 s7, s17  }
0x1b: {  	p0 =	sgt.s32 s0, $0x0  }
0x1c: {  	s3 =	simm.s32 $0x2;
	s0 =	simm.s32 @!p0 $0x0  }
0x1d: {  	s28 =	simm.s32 $0x7;
	s29 =	simm.s32 $0x8;
	s26 =	smulhi.u32 $0x92492493, s0  }
0x1e: {  	s31 =	simm.s32 $0x9;
	s11 =	simm.s32 $0x1;
	s21 =	simm.s32 $0x0  }
0x1f: {  	p1 =	por $0x0, $0x0;
	s15 =	simm.s32 $0x80;
	s2 =	sshrl.u32 s26, $0x6  }
0x20: {  	s16 =	simm.s32 $0x400;
	s14 =	simm.s32 $0xA;
	s30 =	smul.u32 $0x70, s2  }
.Ltmp1:
0x21: {  	[tilespmem:s8+$0x0] =	vst v0;
	v0 =	vimm.s32 $0xFFFFFFFF;
	s18 =	simm.s32 $0x0;
	[sflag:s3] =	ssyncpa.u1 $0x0;
	(pc) =	sbr.rel .LBB2_3-.Ltmp1, $4  }
0x22: {  	[tilespmem:$0xE408] =	vst v0;
	[sflag:s28] =	ssyncpa.u1 $0x0;
	p0 =	sne.s32 s0, s30;
	s0 =	simm.s32 $0x1  }
0x23: {  	s20 =	simm.s32 $0x0;
	[sflag:s29] =	ssyncpa.u1 $0x0;
	s0 =	simm.s32 @!p0 $0x0  }
0x24: {  	s13 =	sshll.u32 s9, $0x9;
	[sflag:s31] =	ssyncpa.u1 $0x0;
	s12 =	sadd.s32 s0, s2  }
0x25: {  	v0 =	vlaneseq.u32;
	s19 =	smov.u32 s17;
	p0 =	por $0x1, $0x1;
	s9 =	sadd.s32 $0x1, s12  }
.LBB2_24:
0x26: {  	s0 =	sshrl.u32 s30, $0x2  }
.LBB2_26:
0x27: {  	_ =	swait.ge [sflag:s14], s0  }
0x28: {  	s31 =	ssub.s32 $0x0, s0;
	v1 =	vmov s23;
	vm0 =	veq.s32 v0, $0x0;
	[sflag:s14] =	ssyncset.done $0x0  }
0x29: {  	vm15 =	veq.s32 v0, $0x2;
	v1 =	vsel vm0, s29, v1;
	[sflag:s14] =	ssyncadd.s32 s31  }
0x2a: {  	v1 =	vsel vm15, s21, v1;
	[sflag:s14] =	ssyncpa.u1 $0x1  }
0x2b: {  	[tilespmem:$0xE408] =	vst v1  }
.LBB2_27:
0x2c: {  	s0 =	sadd.s32 $0x70, s19  }
0x2d: {  	s2 =	smov.u32 s17;
	p2 =	slt.s32 s0, s7  }
0x2e: {  	s2 =	smov.u32 @p2 s0;
	p2 =	sne.s32 s20, s9  }
.Ltmp2:
0x2f: {  	_ = 	snop;
	(pc) =	sbr.rel @!p2 .LBB2_28-.Ltmp2, $4  }
0x30: {  	_ = 	snop  }
0x31: {  	s21 =	smov.u32 s18  }
0x32: {  	s31 =	sadd.s32 $0x1, s20;
	s18 =	smov.u32 s19;
	p0 =	por !p0, !p0  }
0x33: {  	p1 =	por !p1, !p1;
	s20 =	smov.u32 s31;
	s19 =	smov.u32 s2  }
.LBB2_3:
0x34: {  	p2 =	sge.u32 s20, s12  }
0x35: {  	s0 =	smulhi.u32 @!p2 $0xAAAAAAAB, s20  }
0x36: {  	s2 =	smov.u32 s19;
	p3 =	sgt.s32 @!p2 s19, $0x18CB38  }
0x37: {  	s3 =	sshra.s32 @!p2 s19, $0x1F;
	p3 =	por !p3, p2;
	s0 =	sshrl.u32 @!p2 s0, $0x1  }
0x38: {  	s3 =	sand.u32 @!p2 s3, s19;
	s2 =	simm.s32 @p3 $0x18CB38;
	s0 =	smul.u32 @!p2 $0x3, s0  }
0x39: {  	s2 =	ssub.s32 @!p2 s2, s3  }
0x3a: {  	s2 =	sadd.s32 @!p2 $0xFFE734C8, s2;
	s0 =	ssub.s32 @!p2 s20, s0  }
0x3b: {  	s3 =	sshll.u32 @!p2 s2, $0x2;
	p3 =	sgt.s32 @!p2 s2, $0x6F;
	s0 =	smul.u32 @!p2 $0x1C0, s0  }
0x3c: {  	s8 =	sand.u32 @!p2 $0x7, s19;
	s2 =	ssub.s32 @!p2 $0x1C0, s3;
	p3 =	por !p3, p2  }
0x3d: {  	s3 =	sshrl.u32 @!p2 s19, $0x3;
	s2 =	sshrl.u32 @!p2 s2, $0x2;
	s0 =	sshrl.u32 @!p2 s0, $0x2  }
0x3e: {  	s3 =	sadd.s32 @!p2 s10, s3;
	s2 =	simm.s32 @!p3 $0x0;
	s0 =	sadd.s32 @!p2 $0x10438, s0  }
0x3f: {  	[tilespmem:s0], [sflag:$0x8] =	stream.linear.gather @!p2 [hbm4b:s3+s8], s2, $0x38;
	[tilespmem:$0x1E668] =	vst v63  }
0x40: {  	s0 =	sadd.s32 $0xFFFFFFFF, s20  }
0x41: {  	p2 =	sge.u32 s0, s12  }
0x42: {  	p3 =	sgt.s32 @!p2 s18, $0x18CB38  }
0x43: {  	s2 =	smov.u32 s18;
	s3 =	sshra.s32 @!p2 s18, $0x1F;
	p3 =	por !p3, p2  }
0x44: {  	s3 =	sand.u32 @!p2 s3, s18;
	s2 =	simm.s32 @p3 $0x18CB38  }
0x45: {  	s2 =	ssub.s32 @!p2 s2, s3  }
0x46: {  	s2 =	sadd.s32 @!p2 $0xFFE734C8, s2  }
0x47: {  	s3 =	sshll.u32 @!p2 s2, $0x2  }
0x48: {  	p3 =	sgt.s32 @!p2 s2, $0x6F;
	s2 =	ssub.s32 @!p2 $0x1C0, s3  }
0x49: {  	p3 =	por !p3, p2;
	s2 =	sshrl.u32 @!p2 s2, $0x2  }
0x4a: {  	s8 =	simm.s32 @!p2 $0x8;
	s3 =	sand.u32 @!p2 $0x1, s0;
	s2 =	simm.s32 @!p3 $0x0  }
0x4b: {  	s3 =	smul.u32 @!p2 $0x1C0, s3;
	_ =	swait.ge @!p2 [sflag:s8], s2  }
0x4c: {  	s22 =	ssub.s32 @!p2 $0x0, s2;
	[sflag:s8] =	ssyncset.done @!p2 $0x0  }
0x4d: {  	s3 =	sshrl.u32 @!p2 s3, $0x2;
	[sflag:s8] =	ssyncadd.s32 @!p2 s22;
	s8 =	sshrl.u32 @!p2 s18, $0x3  }
0x4e: {  	s3 =	sor.u32 @!p2 $0x10588, s3;
	s22 =	sand.u32 @!p2 $0x7, s18;
	s8 =	sadd.s32 @!p2 s4, s8  }
0x4f: {  	[tilespmem:s3], [sflag:$0x9] =	stream.linear.gather @!p2 [hbm4b:s8+s22], s2, $0x38;
	[tilespmem:$0x1E668] =	vst v63  }
0x50: {  	s22 =	ssub.s32 @!p2 $0x18CBA8, s18  }
0x51: {  	p3 =	slt.s32 @!p2 s22, $0x1  }
0x52: {  	p3 =	por p2, p3  }
.Ltmp3:
0x53: {  	_ = 	snop;
	(pc) =	sbr.rel @p3 .LBB2_9-.Ltmp3, $1  }
0x54: {  	_ =	sdelay $0x3  }
0x55: {  	s2 =	smulhi.u32 $0xAAAAAAAB, s0;
	_ =	sdelay $0x1  }
0x56: {  	s2 =	sshrl.u32 s2, $0x1  }
0x57: {  	s2 =	smul.u32 $0x3, s2;
	_ =	sdelay $0x1  }
0x58: {  	s29 =	ssub.s32 s0, s2  }
0x59: {  	s3 =	simm.s32 $0x1;
	s0 =	smul.u32 $0x1C0, s29  }
.Ltmp4:
0x5a: {  	s3 =	simm.s32 @!p0 $0x0;
	(pc) =	sbr.rel .LBB2_6-.Ltmp4, $4  }
0x5b: {  	s30 =	smul.u32 $0x1C000, s3  }
0x5c: {  	p3 =	slt.s32 @!p2 s22, $0x70;
	s0 =	sshrl.u32 s0, $0x2  }
0x5d: {  	p2 =	por !p3, p2;
	s2 =	sshrl.u32 s30, $0x2;
	s31 =	sadd.s32 $0x10438, s0  }
0x5e: {  	s22 =	simm.s32 @p2 $0x70;
	s23 =	sor.u32 $0x10668, s2;
	s0 =	simm.s32 $0x0;
	v1 =	vmov s31  }
.LBB2_5:
0x5f: {  	p2 =	sge.s32 s0, s22  }
.Ltmp5:
0x60: {  	_ = 	snop;
	(pc) =	sbr.rel @p2 .LBB2_9-.Ltmp5, $2  }
0x61: {  	_ =	sdelay $0x2  }
0x62: {  	s23 =	sadd.s32 $0x1000, s23  }
.LBB2_6:
0x63: {  	p2 =	sle.s32 s22, s0  }
.Ltmp6:
0x64: {  	_ = 	snop;
	(pc) =	sbr.rel @p2 .LBB2_5-.Ltmp6, $2  }
0x65: {  	_ =	sdelay $0x2  }
0x66: {  	s24 =	smov.u32 s0;
	s0 =	sadd.s32 $0x10, s0  }
0x67: {  	s2 =	ssub.s32 s22, s24  }
0x68: {  	p2 =	slt.s32 s2, $0x10  }
0x69: {  	s2 =	simm.s32 @!p2 $0x10  }
0x6a: {  	v2 =	vmov s2  }
0x6b: {  	vm0 =	vgt.s32 v2, v0;
	_ =	sdelay $0x5  }
0x6c: {  	v2 =	vld.idx.msk [tilespmem:v1+s24+$0x0 ss:$0x1], vm0;
	_ =	sdelay $0x2  }
0x6d: {  	p2 =	slt.s32 s0, s22;
	s2 =	smov.u32 s22  }
0x6e: {  	s3 =	smov.u32 s23;
	s25 =	simm.s32 $0x0;
	s2 =	smov.u32 @p2 s0  }
.LBB2_8:
0x6f: {  	(v2sf) =	vpush v2, s25;
	_ =	sdelay $0xe  }
0x70: {  	s25 =	sadd.s32 $0x1, s25;
	s8 =	spop (v2sf)  }
0x71: {  	s31 =	sadd.s32 s25, s24;
	s26 =	sshll.u32 s8, $0x8;
	s8 =	sshll.u32 s8, $0x7  }
0x72: {  	p2 =	slt.s32 s31, s2;
	s26 =	sand.u32 $0xFFFFF800, s26;
	s8 =	sand.u32 $0x380, s8  }
.Ltmp7:
0x73: {  	s8 =	sor.u32 s8, s26;
	(pc) =	sbr.rel @p2 .LBB2_8-.Ltmp7, $4  }
0x74: {  	s8 =	sshrl.u32 s8, $0x3  }
0x75: {  	s8 =	sadd.s32 s5, s8  }
0x76: {  	[tilespmem:s3], [sflag:$0x7] =	stream.strided.gather [hbm4b:s8+s15], $0x100, s16, s15, $0x38;
	[tilespmem:$0x1E668] =	vst v63  }
0x77: {  	s3 =	sadd.s32 $0x100, s3  }
.Ltmp8:
0x78: {  	_ = 	snop;
	(pc) =	sbr.rel .LBB2_5-.Ltmp8, $1  }
0x79: {  	_ =	sdelay $0x3  }
.LBB2_9:
0x7a: {  	p2 =	slt.u32 s20, $0x2  }
.Ltmp9:
0x7b: {  	_ = 	snop;
	(pc) =	sbr.rel @p2 .LBB2_27-.Ltmp9, $1  }
0x7c: {  	_ =	sdelay $0x3  }
0x7d: {  	p2 =	sgt.s32 s21, $0x18CB38;
	s0 =	smov.u32 s21;
	s2 =	sshra.s32 s21, $0x1F  }
0x7e: {  	s3 =	ssub.s32 $0x18CBA8, s21;
	s0 =	simm.s32 @!p2 $0x18CB38  }
0x7f: {  	s2 =	sand.u32 s2, s21;
	p2 =	slt.s32 s3, $0x70;
	s8 =	smov.u32 s3  }
0x80: {  	s0 =	ssub.s32 s0, s2;
	s8 =	simm.s32 @!p2 $0x70  }
0x81: {  	s0 =	sadd.s32 $0xFFE734C8, s0;
	s24 =	sshll.u32 s8, $0x8  }
0x82: {  	s28 =	simm.s32 $0x7;
	s25 =	sshll.u32 s0, $0x2;
	s2 =	sand.u32 $0x3FFFFF00, s24  }
0x83: {  	p2 =	sgt.s32 s0, $0x6F;
	s26 =	ssub.s32 $0x1C0, s25;
	_ =	swait.ge [sflag:s28], s2  }
0x84: {  	s2 =	ssub.s32 $0x0, s2;
	[sflag:s28] =	ssyncset.done $0x0;
	s0 =	sshrl.u32 s26, $0x2  }
0x85: {  	s30 =	simm.s32 $0x9;
	[sflag:s28] =	ssyncadd.s32 s2;
	s0 =	simm.s32 @p2 $0x0  }
0x86: {  	_ =	swait.ge [sflag:s30], s0  }
0x87: {  	s0 =	ssub.s32 $0x0, s0;
	[sflag:s30] =	ssyncset.done $0x0  }
0x88: {  	[sflag:s30] =	ssyncadd.s32 s0  }
0x89: {  	v1 =	vld [tilespmem:$0xE408];
	_ =	sdelay $0x4  }
0x8a: {  	(v2sf) =	vpush v1, $0x0  }
0x8b: {  	(v2sf) =	vpush v1, $0x1  }
0x8c: {  	(v2sf) =	vpush v1, $0x2;
	_ =	sdelay $0x3  }
0x8d: {  	s0 =	sadd.s32 $0x70, s21  }
0x8e: {  	p2 =	slt.s32 s7, s0  }
0x8f: {  	s0 =	smov.u32 @p2 s7;
	p2 =	sgt.s32 s3, $0x0  }
0x90: {  	s25 =	ssub.s32 s0, s21;
	s3 =	simm.s32 @!p2 $0x0  }
0x91: {  	p2 =	slt.s32 s3, s25  }
0x92: {  	s25 =	smov.u32 @p2 s3  }
0x93: {  	s24 =	simm.s32 $0x1;
	p2 =	slt.s32 s25, $0x1  }
.Ltmp10:
0x94: {  	s24 =	simm.s32 @!p1 $0x0;
	(pc) =	sbr.rel @p2 .LBB2_14-.Ltmp10, $4  }
0x95: {  	s31 =	smul.u32 $0x1C0, s24  }
0x96: {  	s26 =	spop (v2sf)  }
0x97: {  	s0 =	sshrl.u32 s31, $0x2;
	s29 =	spop (v2sf)  }
0x98: {  	s22 =	sor.u32 $0x10588, s0;
	s21 =	spop (v2sf)  }
0x99: {  	s0 =	smin.u32 s25, $0x10  }
0x9a: {  	v1 =	vmov s0  }
0x9b: {  	vm1 =	vgt.u32 v1, v0  }
0x9c: {  	p3 =	sgt.s32 s25, $0x10  }
.Ltmp11:
0x9d: {  	_ = 	snop;
	(pc) =	sbr.rel @!p3 .LBB2_13-.Ltmp11, $2  }
0x9e: {  	_ =	sdelay $0x2  }
0x9f: {  	s23 =	simm.s32 $0x10;
	s28 =	sadd.s32 $0xFFFFFFF0, s25;
	s0 =	smov.u32 s22;
	vm0 =	vmmov vm1;
	v1 =	vld.msk [tilespmem:s22+$0x0 ss:$0x1], vm1  }
.LBB2_12:
0xa0: {  	s2 =	smin.u32 s28, $0x10;
	s23 =	sadd.s32 $0x10, s23  }
0xa1: {  	v2 =	vmov s2;
	p3 =	slt.s32 s23, s25  }
0xa2: {  	vm1 =	vgt.u32 v2, v0;
	_ =	sdelay $0x1  }
0xa3: {  	v2 =	vshll.u32 v1, $0x5;
	v1 =	vshll.u32 v1, $0x4  }
.Ltmp12:
0xa4: {  	v2 =	vand.u32 $0xFFFFFF00, v2;
	v1 =	vand.u32 $0x70, v1;
	(pc) =	sbr.rel @p3 .LBB2_12-.Ltmp12, $4  }
0xa5: {  	v1 =	vor.u32 v1, v2  }
0xa6: {  	[tilespmem:s0+$0x0] =	vst.msk vm0, v1;
	s0 =	sadd.s32 $0x10, s0;
	vm0 =	vmmov vm1  }
0xa7: {  	v1 =	vld.msk [tilespmem:s0+$0x0 ss:$0x1], vm1  }
0xa8: {  	s28 =	sadd.s32 $0xFFFFFFF0, s28  }
.LBB2_13:
0xa9: {  	_ =	sdelay $0x3  }
0xaa: {  	v2 =	vshll.u32 v1, $0x5;
	v1 =	vshll.u32 v1, $0x4  }
0xab: {  	v2 =	vand.u32 $0xFFFFFF00, v2;
	v1 =	vand.u32 $0x70, v1  }
0xac: {  	v1 =	vor.u32 v1, v2  }
0xad: {  	[tilespmem:s0+$0x0] =	vst.msk vm0, v1  }
.LBB2_14:
0xae: {  	s0 =	sand.u32 $0x1, s20  }
0xaf: {  	s0 =	smul.u32 $0x70, s0  }
0xb0: {  	p3 =	sne.s32 s29, $0xFFFFFFFF  }
0xb1: {  	v1 =	vld.msk @!p3 [tilespmem:s0+$0x10588], $0x1;
	_ =	sdelay $0x4  }
0xb2: {  	(v2sf) =	vpush @!p3 v1, $0x0;
	_ =	sdelay $0xc  }
.Ltmp13:
0xb3: {  	_ = 	snop;
	(pc) =	sbr.rel @p2 .LBB2_25-.Ltmp13, $4  }
0xb4: {  	_ = 	snop  }
0xb5: {  	s28 =	spop @!p3 (v2sf)  }
0xb6: {  	s21 =	simm.s32 @!p3 $0x0;
	s23 =	smov.u32 s28  }
0xb7: {  	[sflag:s14] =	ssyncpa.u1 $0x0;
	s28 =	smov.u32 @p3 s26;
	s23 =	smov.u32 @p3 s29  }
0xb8: {  	v1 =	vld.msk [tilespmem:s22+$0x0], $0x1;
	_ =	sdelay $0x4  }
0xb9: {  	(v2sf) =	vpush v1, $0x0;
	_ =	sdelay $0xe  }
0xba: {  	s6 =	smov.u32 s9;
	s30 =	spop (v2sf)  }
0xbb: {  	s14 =	smov.u32 s4;
	s0 =	smul.u32 $0x1C000, s24;
	p2 =	seq.s32 s28, s30  }
0xbc: {  	s2 =	smov.u32 s28;
	s25 =	ssub.s32 $0x0, s25;
	p3 =	sgt.s32 @!p2 s28, $0x0  }
0xbd: {  	s26 =	simm.s32 $0x0;
	s0 =	sshrl.u32 s0, $0x2;
	p3 =	por !p3, p2  }
0xbe: {  	s29 =	sadd.s32 $0x1, s25;
	s24 =	sor.u32 $0x106E8, s0;
	s2 =	simm.s32 @p3 $0x0  }
0xbf: {  	s0 =	simm.s32 @!p2 $0x1;
	p3 =	seq.s32 s29, $0x0;
	s2 =	smin.u32 @!p2 s2, $0xC3470  }
.Ltmp14:
0xc0: {  	s8 =	simm.s32 @!p2 $0x7308;
	s3 =	sand.u32 @!p2 $0xFFFF8, s2;
	(pc) =	sbr.rel @p3 .LBB2_17-.Ltmp14, $4  }
0xc1: {  	s31 =	sadd.s32 @!p2 $0x80, s2;
	s9 =	sadd.s32 @!p2 s1, s3;
	s3 =	sand.u32 @!p2 $0x7, s2  }
0xc2: {  	[tilespmem:s8], [sflag:$0x2] =	stream.linear.gather @!p2 [hbm4b:s9+s3], $0x80, $0x38;
	[tilespmem:$0x1E668] =	vst v63  }
0xc3: {  	s4 =	smov.u32 s10;
	s0 =	smov.u32 @p2 s26;
	s8 =	sand.u32 @!p2 $0x1FFFF8, s31  }
0xc4: {  	s2 =	simm.s32 @!p2 $0x7388;
	s31 =	sadd.s32 $0x1, s22;
	s8 =	sadd.s32 @!p2 s1, s8  }
.LBB2_16:
0xc5: {  	s9 =	smov.u32 s0  }
0xc6: {  	[tilespmem:s2], [sflag:$0x2] =	stream.linear.gather @!p2 [hbm4b:s8+s3], $0x80, $0x38;
	[tilespmem:$0x1E668] =	vst v63  }
0xc7: {  	s29 =	sadd.s32 $0x1, s29;
	s3 =	smov.u32 s30;
	v1 =	vld.msk [tilespmem:s31+$0x0], $0x1  }
0xc8: {  	p3 =	seq.s32 s29, $0x0;
	_ =	sdelay $0x3  }
0xc9: {  	(v2sf) =	vpush v1, $0x0;
	_ =	sdelay $0xe  }
0xca: {  	s30 =	spop (v2sf)  }
0xcb: {  	p2 =	seq.s32 s3, s30  }
0xcc: {  	p4 =	sgt.s32 @!p2 s3, $0x0;
	s2 =	sshll.u32 @!p2 s0, $0xA;
	s0 =	sadd.s32 @!p2 $0x1, s0  }
0xcd: {  	p4 =	por !p4, p2;
	s2 =	sshra.s32 @!p2 s2, $0x2;
	s0 =	smov.u32 @p2 s9  }
0xce: {  	s3 =	simm.s32 @p4 $0x0;
	s8 =	sadd.s32 @!p2 $0x7308, s2;
	s2 =	sadd.s32 @!p2 $0x7388, s2  }
.Ltmp15:
0xcf: {  	s3 =	smin.u32 @!p2 s3, $0xC3470;
	(pc) =	sbr.rel @!p3 .LBB2_16-.Ltmp15, $4  }
0xd0: {  	s9 =	sand.u32 @!p2 $0xFFFF8, s3;
	s10 =	sadd.s32 @!p2 $0x80, s3  }
0xd1: {  	s3 =	sand.u32 @!p2 $0x7, s3;
	s9 =	sadd.s32 @!p2 s1, s9;
	s10 =	sand.u32 @!p2 $0x1FFFF8, s10  }
0xd2: {  	[tilespmem:s8], [sflag:$0x2] =	stream.linear.gather @!p2 [hbm4b:s9+s3], $0x80, $0x38;
	[tilespmem:$0x1E668] =	vst v63  }
0xd3: {  	s31 =	sadd.s32 $0x1, s31;
	s8 =	sadd.s32 @!p2 s1, s10  }
.LBB2_17:
0xd4: {  	[tilespmem:s2], [sflag:$0x2] =	stream.linear.gather @!p2 [hbm4b:s8+s3], $0x80, $0x38;
	[tilespmem:$0x1E668] =	vst v63  }
.Ltmp16:
0xd5: {  	s0 =	sshll.u32 s0, $0x8;
	(pc) =	sbr.rel .LBB2_18-.Ltmp16, $4  }
0xd6: {  	s31 =	simm.s32 $0x2;
	s0 =	sand.u32 $0x3FFFFF00, s0  }
0xd7: {  	s30 =	simm.s32 $0x0;
	s10 =	smov.u32 s4;
	_ =	swait.ge [sflag:s31], s0  }
0xd8: {  	s4 =	smov.u32 s14;
	s0 =	ssub.s32 $0x0, s0;
	[sflag:s31] =	ssyncset.done $0x0  }
0xd9: {  	s9 =	smov.u32 s6;
	s14 =	simm.s32 $0xA;
	[sflag:s31] =	ssyncadd.s32 s0  }
.LBB2_19:
0xda: {  	v1 =	vld [tilespmem:s24+$0xFFFFFF80];
	_ =	sdelay $0x4  }
0xdb: {  	[tilespmem:s31+$0x208] =	vst.add.f32.msk $0xffff, v1  }
0xdc: {  	v1 =	vld [tilespmem:s24+$0xFFFFFF90];
	_ =	sdelay $0x4  }
0xdd: {  	[tilespmem:s31+$0x218] =	vst.add.f32.msk $0xffff, v1  }
0xde: {  	v1 =	vld [tilespmem:s24+$0xFFFFFFA0];
	_ =	sdelay $0x4  }
0xdf: {  	[tilespmem:s31+$0x228] =	vst.add.f32.msk $0xffff, v1  }
0xe0: {  	v1 =	vld [tilespmem:s24+$0xFFFFFFB0];
	_ =	sdelay $0x4  }
0xe1: {  	[tilespmem:s31+$0x238] =	vst.add.f32.msk $0xffff, v1  }
0xe2: {  	v1 =	vld [tilespmem:s24+$0xFFFFFFC0];
	_ =	sdelay $0x4  }
0xe3: {  	[tilespmem:s31+$0x248] =	vst.add.f32.msk $0xffff, v1  }
0xe4: {  	v1 =	vld [tilespmem:s24+$0xFFFFFFD0];
	_ =	sdelay $0x4  }
0xe5: {  	[tilespmem:s31+$0x258] =	vst.add.f32.msk $0xffff, v1  }
0xe6: {  	v1 =	vld [tilespmem:s24+$0xFFFFFFE0];
	_ =	sdelay $0x4  }
0xe7: {  	[tilespmem:s31+$0x268] =	vst.add.f32.msk $0xffff, v1  }
0xe8: {  	v1 =	vld [tilespmem:s24+$0xFFFFFFF0];
	_ =	sdelay $0x4  }
0xe9: {  	[tilespmem:s31+$0x278] =	vst.add.f32.msk $0xffff, v1  }
0xea: {  	v1 =	vld [tilespmem:s24+$0x0];
	_ =	sdelay $0x4  }
0xeb: {  	[tilespmem:s31+$0x288] =	vst.add.f32.msk $0xffff, v1  }
0xec: {  	v1 =	vld [tilespmem:s24+$0x10];
	_ =	sdelay $0x4  }
0xed: {  	[tilespmem:s31+$0x298] =	vst.add.f32.msk $0xffff, v1  }
0xee: {  	v1 =	vld [tilespmem:s24+$0x20];
	_ =	sdelay $0x4  }
0xef: {  	[tilespmem:s31+$0x2A8] =	vst.add.f32.msk $0xffff, v1  }
0xf0: {  	v1 =	vld [tilespmem:s24+$0x30];
	_ =	sdelay $0x4  }
0xf1: {  	[tilespmem:s31+$0x2B8] =	vst.add.f32.msk $0xffff, v1  }
0xf2: {  	v1 =	vld [tilespmem:s24+$0x40];
	_ =	sdelay $0x4  }
0xf3: {  	[tilespmem:s31+$0x2C8] =	vst.add.f32.msk $0xffff, v1  }
0xf4: {  	v1 =	vld [tilespmem:s24+$0x50];
	_ =	sdelay $0x4  }
0xf5: {  	[tilespmem:s31+$0x2D8] =	vst.add.f32.msk $0xffff, v1  }
0xf6: {  	v1 =	vld [tilespmem:s24+$0x60];
	_ =	sdelay $0x4  }
0xf7: {  	[tilespmem:s31+$0x2E8] =	vst.add.f32.msk $0xffff, v1  }
0xf8: {  	v1 =	vld [tilespmem:s24+$0x70];
	_ =	sdelay $0x4  }
0xf9: {  	[tilespmem:s31+$0x2F8] =	vst.add.f32.msk $0xffff, v1  }
.LBB2_23:
0xfa: {  	s25 =	sadd.s32 $0x1, s25  }
0xfb: {  	p2 =	seq.s32 s25, $0x0  }
.Ltmp17:
0xfc: {  	_ = 	snop;
	(pc) =	sbr.rel @p2 .LBB2_24-.Ltmp17, $2  }
0xfd: {  	_ =	sdelay $0x2  }
0xfe: {  	s22 =	sadd.s32 $0x1, s22;
	s24 =	sadd.s32 $0x100, s24;
	s28 =	smov.u32 s29  }
.LBB2_18:
0xff: {  	v1 =	vld.msk [tilespmem:s22+$0x0], $0x1;
	_ =	sdelay $0x4  }
0x100: {  	(v2sf) =	vpush v1, $0x0;
	_ =	sdelay $0xe  }
0x101: {  	s29 =	spop (v2sf)  }
0x102: {  	p2 =	sne.s32 s28, s29  }
.Ltmp18:
0x103: {  	_ = 	snop;
	(pc) =	sbr.rel @!p2 .LBB2_19-.Ltmp18, $3  }
0x104: {  	_ =	sdelay $0x1  }
0x105: {  	s0 =	sshll.u32 s21, $0xA  }
0x106: {  	s31 =	sshra.s32 s0, $0x2  }
0x107: {  	p2 =	seq.s32 s28, s23  }
.Ltmp19:
0x108: {  	_ = 	snop;
	(pc) =	sbr.rel @!p2 .LBB2_21-.Ltmp19, $1  }
0x109: {  	_ =	sdelay $0x3  }
.Ltmp20:
0x10a: {  	s0 =	sadd.s32 $0x208, s31;
	(pc) =	sbr.rel .LBB2_22-.Ltmp20, $4  }
0x10b: {  	[spmem:s13] =	stream.linear.scatter [tilespmem:s0], [sflag:$0x1], $0x100, $0x38;
	[tilespmem:$0x1E668] =	vst v63  }
0x10c: {  	_ =	swait.ge [sflag:s11], $0x100  }
0x10d: {  	[sflag:s11] =	ssyncset.done $0x0  }
0x10e: {  	[sflag:s11] =	ssyncadd.s32 $0xFFFFFF00  }
.LBB2_21:
0x10f: {  	s0 =	sshll.u32 s26, $0xA  }
0x110: {  	s0 =	sshra.s32 s0, $0x2  }
0x111: {  	v1 =	vld [tilespmem:s0+$0x7308];
	_ =	sdelay $0x4  }
0x112: {  	[tilespmem:s31+$0x208] =	vst.add.f32.msk $0xffff, v1  }
0x113: {  	v1 =	vld [tilespmem:s0+$0x7318];
	_ =	sdelay $0x4  }
0x114: {  	[tilespmem:s31+$0x218] =	vst.add.f32.msk $0xffff, v1  }
0x115: {  	v1 =	vld [tilespmem:s0+$0x7328];
	_ =	sdelay $0x4  }
0x116: {  	[tilespmem:s31+$0x228] =	vst.add.f32.msk $0xffff, v1  }
0x117: {  	v1 =	vld [tilespmem:s0+$0x7338];
	_ =	sdelay $0x4  }
0x118: {  	[tilespmem:s31+$0x238] =	vst.add.f32.msk $0xffff, v1  }
0x119: {  	v1 =	vld [tilespmem:s0+$0x7348];
	_ =	sdelay $0x4  }
0x11a: {  	[tilespmem:s31+$0x248] =	vst.add.f32.msk $0xffff, v1  }
0x11b: {  	v1 =	vld [tilespmem:s0+$0x7358];
	_ =	sdelay $0x4  }
0x11c: {  	[tilespmem:s31+$0x258] =	vst.add.f32.msk $0xffff, v1  }
0x11d: {  	v1 =	vld [tilespmem:s0+$0x7368];
	_ =	sdelay $0x4  }
0x11e: {  	[tilespmem:s31+$0x268] =	vst.add.f32.msk $0xffff, v1  }
0x11f: {  	v1 =	vld [tilespmem:s0+$0x7378];
	_ =	sdelay $0x4  }
0x120: {  	[tilespmem:s31+$0x278] =	vst.add.f32.msk $0xffff, v1  }
0x121: {  	v1 =	vld [tilespmem:s0+$0x7388];
	_ =	sdelay $0x4  }
0x122: {  	[tilespmem:s31+$0x288] =	vst.add.f32.msk $0xffff, v1  }
0x123: {  	v1 =	vld [tilespmem:s0+$0x7398];
	_ =	sdelay $0x4  }
0x124: {  	[tilespmem:s31+$0x298] =	vst.add.f32.msk $0xffff, v1  }
0x125: {  	v1 =	vld [tilespmem:s0+$0x73A8];
	_ =	sdelay $0x4  }
0x126: {  	[tilespmem:s31+$0x2A8] =	vst.add.f32.msk $0xffff, v1  }
0x127: {  	v1 =	vld [tilespmem:s0+$0x73B8];
	_ =	sdelay $0x4  }
0x128: {  	[tilespmem:s31+$0x2B8] =	vst.add.f32.msk $0xffff, v1  }
0x129: {  	v1 =	vld [tilespmem:s0+$0x73C8];
	_ =	sdelay $0x4  }
0x12a: {  	[tilespmem:s31+$0x2C8] =	vst.add.f32.msk $0xffff, v1  }
0x12b: {  	v1 =	vld [tilespmem:s0+$0x73D8];
	_ =	sdelay $0x4  }
0x12c: {  	[tilespmem:s31+$0x2D8] =	vst.add.f32.msk $0xffff, v1  }
0x12d: {  	v1 =	vld [tilespmem:s0+$0x73E8];
	_ =	sdelay $0x4  }
0x12e: {  	[tilespmem:s31+$0x2E8] =	vst.add.f32.msk $0xffff, v1  }
0x12f: {  	v1 =	vld [tilespmem:s0+$0x73F8];
	_ =	sdelay $0x2  }
0x130: {  	p2 =	sgt.u32 s28, $0xC3470  }
0x131: {  	s0 =	sand.u32 @!p2 $0xFFFF8, s28  }
0x132: {  	s2 =	sadd.s32 $0x208, s31;
	s3 =	sand.u32 @!p2 $0x7, s28;
	s0 =	sadd.s32 @!p2 s1, s0;
	[tilespmem:s31+$0x2F8] =	vst.add.f32.msk $0xffff, v1  }
0x133: {  	[hbm4b:s0+s3] =	stream.linear.scatter @!p2 [tilespmem:s2], [sflag:$0xA], $0x80, $0x38;
	[tilespmem:$0x1E668] =	vst v63  }
0x134: {  	s0 =	sadd.s32 @!p2 $0x80, s28  }
0x135: {  	s0 =	sand.u32 @!p2 $0x1FFFF8, s0  }
0x136: {  	s2 =	sadd.s32 $0x288, s31;
	s0 =	sadd.s32 @!p2 s1, s0  }
0x137: {  	[hbm4b:s0+s3] =	stream.linear.scatter @!p2 [tilespmem:s2], [sflag:$0xA], $0x80, $0x38;
	[tilespmem:$0x1E668] =	vst v63  }
0x138: {  	s0 =	simm.s32 $0x0  }
0x139: {  	s0 =	simm.s32 @!p2 $0x400  }
0x13a: {  	s30 =	sadd.s32 s0, s30  }
.LBB2_22:
0x13b: {  	s0 =	sadd.s32 $0x1, s21  }
0x13c: {  	s2 =	sshrl.u32 s0, $0x4  }
0x13d: {  	s2 =	smulhi.u32 $0x24924925, s2  }
0x13e: {  	v1 =	vld [tilespmem:s24+$0xFFFFFF80]  }
0x13f: {  	s2 =	smul.u32 $0x70, s2;
	_ =	sdelay $0x1  }
0x140: {  	s21 =	ssub.s32 s0, s2  }
0x141: {  	s0 =	sshll.u32 s21, $0x8  }
0x142: {  	[tilespmem:s0+$0x208] =	vst v1  }
0x143: {  	v1 =	vld [tilespmem:s24+$0xFFFFFF90];
	_ =	sdelay $0x4  }
0x144: {  	[tilespmem:s0+$0x218] =	vst v1  }
0x145: {  	v1 =	vld [tilespmem:s24+$0xFFFFFFA0];
	_ =	sdelay $0x4  }
0x146: {  	[tilespmem:s0+$0x228] =	vst v1  }
0x147: {  	v1 =	vld [tilespmem:s24+$0xFFFFFFB0];
	_ =	sdelay $0x4  }
0x148: {  	[tilespmem:s0+$0x238] =	vst v1  }
0x149: {  	v1 =	vld [tilespmem:s24+$0xFFFFFFC0];
	_ =	sdelay $0x4  }
0x14a: {  	[tilespmem:s0+$0x248] =	vst v1  }
0x14b: {  	v1 =	vld [tilespmem:s24+$0xFFFFFFD0];
	_ =	sdelay $0x4  }
0x14c: {  	[tilespmem:s0+$0x258] =	vst v1  }
0x14d: {  	v1 =	vld [tilespmem:s24+$0xFFFFFFE0];
	_ =	sdelay $0x4  }
0x14e: {  	[tilespmem:s0+$0x268] =	vst v1  }
0x14f: {  	v1 =	vld [tilespmem:s24+$0xFFFFFFF0];
	_ =	sdelay $0x4  }
0x150: {  	[tilespmem:s0+$0x278] =	vst v1  }
0x151: {  	v1 =	vld [tilespmem:s24+$0x0];
	_ =	sdelay $0x4  }
0x152: {  	[tilespmem:s0+$0x288] =	vst v1  }
0x153: {  	v1 =	vld [tilespmem:s24+$0x10];
	_ =	sdelay $0x4  }
0x154: {  	[tilespmem:s0+$0x298] =	vst v1  }
0x155: {  	v1 =	vld [tilespmem:s24+$0x20];
	_ =	sdelay $0x4  }
0x156: {  	[tilespmem:s0+$0x2A8] =	vst v1  }
0x157: {  	v1 =	vld [tilespmem:s24+$0x30];
	_ =	sdelay $0x4  }
0x158: {  	[tilespmem:s0+$0x2B8] =	vst v1  }
0x159: {  	v1 =	vld [tilespmem:s24+$0x40];
	_ =	sdelay $0x4  }
0x15a: {  	[tilespmem:s0+$0x2C8] =	vst v1  }
0x15b: {  	v1 =	vld [tilespmem:s24+$0x50];
	_ =	sdelay $0x4  }
0x15c: {  	[tilespmem:s0+$0x2D8] =	vst v1  }
0x15d: {  	v1 =	vld [tilespmem:s24+$0x60];
	_ =	sdelay $0x4  }
0x15e: {  	[tilespmem:s0+$0x2E8] =	vst v1  }
0x15f: {  	v1 =	vld [tilespmem:s24+$0x70]  }
.Ltmp21:
0x160: {  	_ = 	snop;
	(pc) =	sbr.rel .LBB2_23-.Ltmp21, $2  }
0x161: {  	_ =	sdelay $0x2  }
0x162: {  	s26 =	sadd.s32 $0x1, s26;
	[tilespmem:s0+$0x2F8] =	vst v1  }
.LBB2_25:
.Ltmp22:
0x163: {  	(pc) =	sbr.rel .LBB2_26-.Ltmp22, $4  }
0x164: {  	_ = 	snop  }
0x165: {  	s0 =	simm.s32 $0x2  }
0x166: {  	_ =	swait.ge [sflag:s0], $0x0  }
0x167: {  	s29 =	smov.u32 s28;
	[sflag:s0] =	ssyncset.done $0x0;
	s0 =	simm.s32 $0x0  }
.LBB2_28:
0x168: {  	_ =	sfence.sel $0x180000  }
0x169: {  	s0 =	simm.s32 $0x7;
	[bflag:$0x0] =	sbarrier.arrive $0xFFFF  }
0x16a: {  	s25 =	simm.s32 $0x8;
	[sflag:s0] =	ssyncpa.u1 $0x1  }
0x16b: {  	s26 =	simm.s32 $0x9;
	[sflag:s25] =	ssyncpa.u1 $0x1  }
0x16c: {  	s28 =	simm.s32 $0x2;
	[sflag:s26] =	ssyncpa.u1 $0x1  }
0x16d: {  	[sflag:s28] =	ssyncpa.u1 $0x1  }
0x16e: {  	v0 =	vld [tilespmem:$0xE408];
	_ =	sdelay $0x4  }
0x16f: {  	(v2sf) =	vpush v0, $0x0  }
0x170: {  	(v2sf) =	vpush v0, $0x1;
	_ =	sdelay $0x1  }
0x171: {  	(v2sf) =	vpush v0, $0x2;
	_ =	sdelay $0xb  }
0x172: {  	s0 =	spop (v2sf)  }
0x173: {  	s2 =	spop (v2sf)  }
0x174: {  	s3 =	smov.u32 s0;
	p0 =	sne.s32 s0, s2  }
0x175: {  	s4 =	spop (v2sf);
	s3 =	simm.s32 @!p0 $0xFFFFFFFF  }
0x176: {  	v2 =	vimm.s32 $0x1;
	v3 =	vlaneseq.u32;
	p0 =	seq.s32 s4, $0xFFFFFFFF;
	v1 =	vmov s3  }
0x177: {  	s7 =	stileid.u32;
	v0 =	vperm.xlane v0, v2;
	p1 =	sne.s32 @!p0 s0, s2;
	v1 =	vperm.xlane v1, v3  }
0x178: {  	vm0 =	vcmask $0x3F04;
	s6 =	simm.s32 $0xE408;
	s0 =	simm.s32 @!p0 $0x1;
	p1 =	por !p1, p0  }
0x179: {  	s3 =	sshll.u32 s7, $0x1;
	s2 =	sshll.u32 @!p0 s4, $0xA;
	s0 =	simm.s32 @p1 $0x0;
	v0 =	vsel vm0, v1, v0  }
0x17a: {  	s5 =	sor.u32 $0x2000, s3;
	s2 =	sshra.s32 @!p0 s2, $0x2;
	s0 =	sor.u32 @!p0 s0, s3;
	[tilespmem:$0xE408] =	vst v0  }
0x17b: {  	[spmem:s5] =	stream.linear.scatter [tilespmem:s6], [sflag:$0x1], $0x2, $0x38;
	[tilespmem:$0x1E668] =	vst v63  }
0x17c: {  	s2 =	sadd.s32 @!p0 $0x208, s2;
	s0 =	sshll.u32 @!p0 s0, $0x8  }
0x17d: {  	[spmem:s0] =	stream.linear.scatter @!p0 [tilespmem:s2], [sflag:$0x1], $0x100, $0x38;
	[tilespmem:$0x1E668] =	vst v63  }
0x17e: {  	s2 =	simm.s32 @!p0 $0x102  }
0x17f: {  	s0 =	simm.s32 $0x1;
	s2 =	simm.s32 @p0 $0x2  }
0x180: {  	_ =	swait.ge [sflag:s0], s2  }
0x181: {  	s2 =	ssub.s32 $0x0, s2;
	[sflag:s0] =	ssyncset.done $0x0  }
0x182: {  	[sflag:s0] =	ssyncadd.s32 s2  }
0x183: {  	_ =	sfence.stream.spmem  }
0x184: {  	s29 =	simm.s32 $0x3;
	[bflag:$0x0] =	sbarrier.arrive $0xFFFF  }
0x185: {  	s30 =	simm.s32 $0x4;
	[sflag:s29] =	ssyncpa.u1 $0x1  }
0x186: {  	s31 =	simm.s32 $0x3C;
	[sflag:s30] =	ssyncpa.u1 $0x1  }
0x187: {  	p0 =	sne.s32 s7, $0x0;
	[sflag:s31] =	ssyncpa.u1 $0x1  }
0x188: {  	_ =	sfence @p0  }
0x189: {  	[sflag:s0] =	ssyncpa.u1 @p0 $0x1  }
0x18a: {  	_ =	strace @p0 $0x90000050  }
0x18b: {  	[bflag:$0x2] =	sbarrier.arrive @p0 $0xFFFF  }
0x18c: {  	_ =	shalt @p0  }
.LBB2_29:
0x18d: {  	_ =	sfence.stream.spmem;
	s0 =	simm.s32 $0x5  }
0x18e: {  	s2 =	simm.s32 $0x2000;
	s3 =	simm.s32 $0xE418;
	[sflag:s0] =	ssyncpa.u1 $0x0  }
0x18f: {  	[tilespmem:s3], [sflag:$0x5] =	stream.linear.gather [spmem:s2], $0x20, $0x38;
	[tilespmem:$0x1E668] =	vst v63  }
0x190: {  	s30 =	simm.s32 $0xE438;
	s2 =	simm.s32 $0x0  }
0x191: {  	[tilespmem:s30], [sflag:$0x5] =	stream.linear.gather [spmem:s2], $0x2000, $0x38;
	[tilespmem:$0x1E668] =	vst v63  }
.Ltmp23:
0x192: {  	_ = 	snop;
	(pc) =	sbr.rel .LBB2_30-.Ltmp23, $4  }
0x193: {  	_ =	swait.ge [sflag:s0], $0x2020  }
0x194: {  	[sflag:s0] =	ssyncset.done $0x0  }
0x195: {  	s31 =	simm.s32 $0x6;
	[sflag:s0] =	ssyncadd.s32 $0xFFFFDFE0  }
0x196: {  	s3 =	simm.s32 $0x0;
	[sflag:s31] =	ssyncpa.u1 $0x0  }
.LBB2_36:
0x197: {  	p0 =	slt.u32 s4, $0xC3471  }
0x198: {  	s0 =	sand.u32 @p0 $0xFFFF8, s4  }
0x199: {  	s5 =	sand.u32 @p0 $0x7, s4;
	s6 =	simm.s32 @p0 $0xE308;
	s0 =	sadd.s32 @p0 s1, s0  }
0x19a: {  	[tilespmem:s6], [sflag:$0x6] =	stream.linear.gather @p0 [hbm4b:s0+s5], $0x80, $0x38;
	[tilespmem:$0x1E668] =	vst v63  }
0x19b: {  	s0 =	sadd.s32 @p0 $0x80, s4  }
0x19c: {  	s0 =	sand.u32 @p0 $0x1FFFF8, s0  }
0x19d: {  	s4 =	simm.s32 @p0 $0xE388;
	s0 =	sadd.s32 @p0 s1, s0  }
0x19e: {  	[tilespmem:s4], [sflag:$0x6] =	stream.linear.gather @p0 [hbm4b:s0+s5], $0x80, $0x38;
	[tilespmem:$0x1E668] =	vst v63  }
0x19f: {  	s0 =	simm.s32 @p0 $0x6  }
0x1a0: {  	_ =	swait.ge @p0 [sflag:s0], $0x100  }
0x1a1: {  	[sflag:s0] =	ssyncset.done @p0 $0x0  }
0x1a2: {  	[sflag:s0] =	ssyncadd.s32 @p0 $0xFFFFFF00  }
0x1a3: {  	v1 =	vld @p0 [tilespmem:$0xE308];
	_ =	sdelay $0x2  }
0x1a4: {  	s0 =	sshll.u32 @p0 s3, $0xA  }
0x1a5: {  	s4 =	sshrl.u32 @p0 s0, $0x2  }
0x1a6: {  	[tilespmem:s4+$0xE438] =	vst.add.f32.msk @p0 $0xffff, v1  }
0x1a7: {  	v1 =	vld @p0 [tilespmem:$0xE318];
	_ =	sdelay $0x4  }
0x1a8: {  	[tilespmem:s4+$0xE448] =	vst.add.f32.msk @p0 $0xffff, v1  }
0x1a9: {  	v1 =	vld @p0 [tilespmem:$0xE328];
	_ =	sdelay $0x4  }
0x1aa: {  	[tilespmem:s4+$0xE458] =	vst.add.f32.msk @p0 $0xffff, v1  }
0x1ab: {  	v1 =	vld @p0 [tilespmem:$0xE338];
	_ =	sdelay $0x4  }
0x1ac: {  	[tilespmem:s4+$0xE468] =	vst.add.f32.msk @p0 $0xffff, v1  }
0x1ad: {  	v1 =	vld @p0 [tilespmem:$0xE348];
	_ =	sdelay $0x4  }
0x1ae: {  	[tilespmem:s4+$0xE478] =	vst.add.f32.msk @p0 $0xffff, v1  }
0x1af: {  	v1 =	vld @p0 [tilespmem:$0xE358];
	_ =	sdelay $0x4  }
0x1b0: {  	[tilespmem:s4+$0xE488] =	vst.add.f32.msk @p0 $0xffff, v1  }
0x1b1: {  	v1 =	vld @p0 [tilespmem:$0xE368];
	_ =	sdelay $0x4  }
0x1b2: {  	[tilespmem:s4+$0xE498] =	vst.add.f32.msk @p0 $0xffff, v1  }
0x1b3: {  	v1 =	vld @p0 [tilespmem:$0xE378];
	_ =	sdelay $0x4  }
0x1b4: {  	[tilespmem:s4+$0xE4A8] =	vst.add.f32.msk @p0 $0xffff, v1  }
0x1b5: {  	v1 =	vld @p0 [tilespmem:$0xE388];
	_ =	sdelay $0x4  }
0x1b6: {  	[tilespmem:s4+$0xE4B8] =	vst.add.f32.msk @p0 $0xffff, v1  }
0x1b7: {  	v1 =	vld @p0 [tilespmem:$0xE398];
	_ =	sdelay $0x4  }
0x1b8: {  	[tilespmem:s4+$0xE4C8] =	vst.add.f32.msk @p0 $0xffff, v1  }
0x1b9: {  	v1 =	vld @p0 [tilespmem:$0xE3A8];
	_ =	sdelay $0x4  }
0x1ba: {  	[tilespmem:s4+$0xE4D8] =	vst.add.f32.msk @p0 $0xffff, v1  }
0x1bb: {  	v1 =	vld @p0 [tilespmem:$0xE3B8];
	_ =	sdelay $0x4  }
0x1bc: {  	[tilespmem:s4+$0xE4E8] =	vst.add.f32.msk @p0 $0xffff, v1  }
0x1bd: {  	v1 =	vld @p0 [tilespmem:$0xE3C8];
	_ =	sdelay $0x4  }
0x1be: {  	[tilespmem:s4+$0xE4F8] =	vst.add.f32.msk @p0 $0xffff, v1  }
0x1bf: {  	v1 =	vld @p0 [tilespmem:$0xE3D8];
	_ =	sdelay $0x4  }
0x1c0: {  	[tilespmem:s4+$0xE508] =	vst.add.f32.msk @p0 $0xffff, v1  }
0x1c1: {  	v1 =	vld @p0 [tilespmem:$0xE3E8];
	_ =	sdelay $0x4  }
0x1c2: {  	[tilespmem:s4+$0xE518] =	vst.add.f32.msk @p0 $0xffff, v1  }
0x1c3: {  	v1 =	vld @p0 [tilespmem:$0xE3F8];
	_ =	sdelay $0x3  }
0x1c4: {  	s5 =	sshll.u32 @!p0 s3, $0xA  }
0x1c5: {  	s5 =	smov.u32 @p0 s0;
	[tilespmem:s4+$0xE528] =	vst.add.f32.msk @p0 $0xffff, v1  }
0x1c6: {  	s0 =	sshrl.u32 s5, $0x2;
	[tilespmem:s2+$0xE418] =	vst.msk $0x1, v0  }
0x1c7: {  	v0 =	vld [tilespmem:s0+$0xE438];
	_ =	sdelay $0x2  }
0x1c8: {  	s31 =	sshll.u32 s2, $0xA  }
0x1c9: {  	s4 =	sshra.s32 s31, $0x2  }
0x1ca: {  	[tilespmem:s4+$0xE438] =	vst v0  }
0x1cb: {  	v0 =	vld [tilespmem:s0+$0xE448];
	_ =	sdelay $0x4  }
0x1cc: {  	[tilespmem:s4+$0xE448] =	vst v0  }
0x1cd: {  	v0 =	vld [tilespmem:s0+$0xE458];
	_ =	sdelay $0x4  }
0x1ce: {  	[tilespmem:s4+$0xE458] =	vst v0  }
0x1cf: {  	v0 =	vld [tilespmem:s0+$0xE468];
	_ =	sdelay $0x4  }
0x1d0: {  	[tilespmem:s4+$0xE468] =	vst v0  }
0x1d1: {  	v0 =	vld [tilespmem:s0+$0xE478];
	_ =	sdelay $0x4  }
0x1d2: {  	[tilespmem:s4+$0xE478] =	vst v0  }
0x1d3: {  	v0 =	vld [tilespmem:s0+$0xE488];
	_ =	sdelay $0x4  }
0x1d4: {  	[tilespmem:s4+$0xE488] =	vst v0  }
0x1d5: {  	v0 =	vld [tilespmem:s0+$0xE498];
	_ =	sdelay $0x4  }
0x1d6: {  	[tilespmem:s4+$0xE498] =	vst v0  }
0x1d7: {  	v0 =	vld [tilespmem:s0+$0xE4A8];
	_ =	sdelay $0x4  }
0x1d8: {  	[tilespmem:s4+$0xE4A8] =	vst v0  }
0x1d9: {  	v0 =	vld [tilespmem:s0+$0xE4B8];
	_ =	sdelay $0x4  }
0x1da: {  	[tilespmem:s4+$0xE4B8] =	vst v0  }
0x1db: {  	v0 =	vld [tilespmem:s0+$0xE4C8];
	_ =	sdelay $0x4  }
0x1dc: {  	[tilespmem:s4+$0xE4C8] =	vst v0  }
0x1dd: {  	v0 =	vld [tilespmem:s0+$0xE4D8];
	_ =	sdelay $0x4  }
0x1de: {  	[tilespmem:s4+$0xE4D8] =	vst v0  }
0x1df: {  	v0 =	vld [tilespmem:s0+$0xE4E8];
	_ =	sdelay $0x4  }
0x1e0: {  	[tilespmem:s4+$0xE4E8] =	vst v0  }
0x1e1: {  	v0 =	vld [tilespmem:s0+$0xE4F8];
	_ =	sdelay $0x4  }
0x1e2: {  	[tilespmem:s4+$0xE4F8] =	vst v0  }
0x1e3: {  	v0 =	vld [tilespmem:s0+$0xE508];
	_ =	sdelay $0x4  }
0x1e4: {  	[tilespmem:s4+$0xE508] =	vst v0  }
0x1e5: {  	v0 =	vld [tilespmem:s0+$0xE518];
	_ =	sdelay $0x4  }
0x1e6: {  	[tilespmem:s4+$0xE518] =	vst v0  }
0x1e7: {  	v0 =	vld [tilespmem:s0+$0xE528];
	_ =	sdelay $0x4  }
0x1e8: {  	s2 =	sadd.s32 $0x1, s2;
	[tilespmem:s4+$0xE528] =	vst v0  }
.LBB2_37:
0x1e9: {  	s3 =	sadd.s32 $0x1, s3  }
0x1ea: {  	p0 =	sne.s32 s3, $0x20  }
.Ltmp24:
0x1eb: {  	_ = 	snop;
	(pc) =	sbr.rel @!p0 .LBB2_38-.Ltmp24, $1  }
0x1ec: {  	_ =	sdelay $0x3  }
.LBB2_30:
0x1ed: {  	v0 =	vld.msk [tilespmem:s3+$0xE418], $0x1;
	_ =	sdelay $0x4  }
0x1ee: {  	(v2sf) =	vpush v0, $0x0;
	_ =	sdelay $0xe  }
0x1ef: {  	s4 =	spop (v2sf)  }
0x1f0: {  	p0 =	seq.s32 s4, $0xFFFFFFFF  }
.Ltmp25:
0x1f1: {  	_ = 	snop;
	(pc) =	sbr.rel @p0 .LBB2_37-.Ltmp25, $1  }
0x1f2: {  	_ =	sdelay $0x3  }
0x1f3: {  	p0 =	slt.s32 s2, $0x1  }
.Ltmp26:
0x1f4: {  	_ = 	snop;
	(pc) =	sbr.rel @p0 .LBB2_36-.Ltmp26, $1  }
0x1f5: {  	_ =	sdelay $0x3  }
0x1f6: {  	s5 =	simm.s32 $0xE418;
	p0 =	por $0x0, $0x0  }
0x1f7: {  	v1 =	vld.msk @!p0 [tilespmem:s5+$0x0], $0x1;
	_ =	sdelay $0x4  }
0x1f8: {  	(v2sf) =	vpush @!p0 v1, $0x0;
	_ =	sdelay $0xd  }
0x1f9: {  	p2 =	sne.s32 s2, $0x1  }
.Ltmp27:
0x1fa: {  	s0 =	spop @!p0 (v2sf);
	(pc) =	sbr.rel @!p2 .LBB2_34-.Ltmp27, $4  }
0x1fb: {  	p1 =	seq.s32 @!p0 s4, s0  }
0x1fc: {  	s6 =	simm.s32 $0x0;
	p1 =	por !p1, p0  }
0x1fd: {  	s0 =	simm.s32 $0xFFFFFFFF;
	s6 =	simm.s32 @p1 $0xFFFFFFFF  }
0x1fe: {  	s7 =	simm.s32 $0x1;
	s6 =	smov.u32 @p0 s0  }
.LBB2_33:
0x1ff: {  	s0 =	smov.u32 s6;
	p0 =	sne.s32 s6, $0xFFFFFFFF  }
0x200: {  	s5 =	sadd.s32 $0x1, s5;
	s6 =	smov.u32 s7;
	s7 =	sadd.s32 $0x1, s7  }
0x201: {  	p1 =	sne.s32 s2, s7;
	v1 =	vld.msk @!p0 [tilespmem:s5+$0x0], $0x1;
	_ =	sdelay $0x4  }
0x202: {  	(v2sf) =	vpush @!p0 v1, $0x0;
	_ =	sdelay $0xe  }
.Ltmp28:
0x203: {  	s8 =	spop @!p0 (v2sf);
	(pc) =	sbr.rel @p1 .LBB2_33-.Ltmp28, $4  }
0x204: {  	p2 =	seq.s32 @!p0 s4, s8  }
0x205: {  	p2 =	por !p2, p0  }
0x206: {  	s6 =	simm.s32 @p2 $0xFFFFFFFF  }
0x207: {  	s6 =	smov.u32 @p0 s0  }
.LBB2_34:
0x208: {  	p0 =	seq.s32 s6, $0xFFFFFFFF  }
.Ltmp29:
0x209: {  	_ = 	snop;
	(pc) =	sbr.rel @p0 .LBB2_36-.Ltmp29, $1  }
0x20a: {  	_ =	sdelay $0x3  }
0x20b: {  	s0 =	sshll.u32 s3, $0x8  }
0x20c: {  	s0 =	sand.u32 $0x3FFFFF00, s0  }
0x20d: {  	v0 =	vld [tilespmem:s0+$0xE438];
	_ =	sdelay $0x2  }
0x20e: {  	s4 =	sshll.u32 s6, $0xA  }
0x20f: {  	s4 =	sshra.s32 s4, $0x2  }
0x210: {  	[tilespmem:s4+$0xE438] =	vst.add.f32.msk $0xffff, v0  }
0x211: {  	v0 =	vld [tilespmem:s0+$0xE448];
	_ =	sdelay $0x4  }
0x212: {  	[tilespmem:s4+$0xE448] =	vst.add.f32.msk $0xffff, v0  }
0x213: {  	v0 =	vld [tilespmem:s0+$0xE458];
	_ =	sdelay $0x4  }
0x214: {  	[tilespmem:s4+$0xE458] =	vst.add.f32.msk $0xffff, v0  }
0x215: {  	v0 =	vld [tilespmem:s0+$0xE468];
	_ =	sdelay $0x4  }
0x216: {  	[tilespmem:s4+$0xE468] =	vst.add.f32.msk $0xffff, v0  }
0x217: {  	v0 =	vld [tilespmem:s0+$0xE478];
	_ =	sdelay $0x4  }
0x218: {  	[tilespmem:s4+$0xE478] =	vst.add.f32.msk $0xffff, v0  }
0x219: {  	v0 =	vld [tilespmem:s0+$0xE488];
	_ =	sdelay $0x4  }
0x21a: {  	[tilespmem:s4+$0xE488] =	vst.add.f32.msk $0xffff, v0  }
0x21b: {  	v0 =	vld [tilespmem:s0+$0xE498];
	_ =	sdelay $0x4  }
0x21c: {  	[tilespmem:s4+$0xE498] =	vst.add.f32.msk $0xffff, v0  }
0x21d: {  	v0 =	vld [tilespmem:s0+$0xE4A8];
	_ =	sdelay $0x4  }
0x21e: {  	[tilespmem:s4+$0xE4A8] =	vst.add.f32.msk $0xffff, v0  }
0x21f: {  	v0 =	vld [tilespmem:s0+$0xE4B8];
	_ =	sdelay $0x4  }
0x220: {  	[tilespmem:s4+$0xE4B8] =	vst.add.f32.msk $0xffff, v0  }
0x221: {  	v0 =	vld [tilespmem:s0+$0xE4C8];
	_ =	sdelay $0x4  }
0x222: {  	[tilespmem:s4+$0xE4C8] =	vst.add.f32.msk $0xffff, v0  }
0x223: {  	v0 =	vld [tilespmem:s0+$0xE4D8];
	_ =	sdelay $0x4  }
0x224: {  	[tilespmem:s4+$0xE4D8] =	vst.add.f32.msk $0xffff, v0  }
0x225: {  	v0 =	vld [tilespmem:s0+$0xE4E8];
	_ =	sdelay $0x4  }
0x226: {  	[tilespmem:s4+$0xE4E8] =	vst.add.f32.msk $0xffff, v0  }
0x227: {  	v0 =	vld [tilespmem:s0+$0xE4F8];
	_ =	sdelay $0x4  }
0x228: {  	[tilespmem:s4+$0xE4F8] =	vst.add.f32.msk $0xffff, v0  }
0x229: {  	v0 =	vld [tilespmem:s0+$0xE508];
	_ =	sdelay $0x4  }
0x22a: {  	[tilespmem:s4+$0xE508] =	vst.add.f32.msk $0xffff, v0  }
0x22b: {  	v0 =	vld [tilespmem:s0+$0xE518];
	_ =	sdelay $0x4  }
0x22c: {  	[tilespmem:s4+$0xE518] =	vst.add.f32.msk $0xffff, v0  }
0x22d: {  	v0 =	vld [tilespmem:s0+$0xE528]  }
.Ltmp30:
0x22e: {  	_ = 	snop;
	(pc) =	sbr.rel .LBB2_37-.Ltmp30, $2  }
0x22f: {  	_ =	sdelay $0x2  }
0x230: {  	[tilespmem:s4+$0xE528] =	vst.add.f32.msk $0xffff, v0  }
.LBB2_38:
0x231: {  	p0 =	slt.s32 s2, $0x1  }
.Ltmp31:
0x232: {  	_ = 	snop;
	(pc) =	sbr.rel @p0 .LBB2_42-.Ltmp31, $3  }
0x233: {  	_ =	sdelay $0x1  }
0x234: {  	s0 =	simm.s32 $0x6  }
0x235: {  	[sflag:s0] =	ssyncpa.u1 $0x1;
	s0 =	simm.s32 $0x0  }
0x236: {  	s3 =	simm.s32 $0xE418  }
0x237: {  	v0 =	vld.msk [tilespmem:s3+$0x0], $0x1;
	_ =	sdelay $0x4  }
0x238: {  	(v2sf) =	vpush v0, $0x0;
	_ =	sdelay $0xe  }
0x239: {  	s2 =	sadd.s32 $0xFFFFFFFF, s2;
	s4 =	spop (v2sf)  }
0x23a: {  	s5 =	simm.s32 $0xE438;
	p0 =	sne.s32 s2, $0x0;
	p1 =	sgt.u32 s4, $0xC3470  }
.Ltmp32:
0x23b: {  	s3 =	simm.s32 $0xE538;
	s6 =	sand.u32 @!p1 $0xFFFF8, s4;
	(pc) =	sbr.rel @!p0 .LBB2_41-.Ltmp32, $4  }
0x23c: {  	s7 =	sadd.s32 @!p1 $0x80, s4;
	s8 =	sadd.s32 @!p1 s1, s6;
	s6 =	sand.u32 @!p1 $0x7, s4  }
0x23d: {  	[hbm4b:s8+s6] =	stream.linear.scatter @!p1 [tilespmem:s5], [sflag:$0x5], $0x80, $0x38;
	[tilespmem:$0x1E668] =	vst v63  }
0x23e: {  	s0 =	simm.s32 @!p1 $0x400;
	s4 =	simm.s32 $0xE419;
	s5 =	sand.u32 @!p1 $0x1FFFF8, s7  }
0x23f: {  	s7 =	simm.s32 @!p1 $0xE4B8;
	s8 =	sadd.s32 @!p1 s1, s5;
	s5 =	sadd.s32 $0x0, s0  }
.LBB2_40:
0x240: {  	[hbm4b:s8+s6] =	stream.linear.scatter @!p1 [tilespmem:s7], [sflag:$0x5], $0x80, $0x38;
	[tilespmem:$0x1E668] =	vst v63  }
0x241: {  	s2 =	sadd.s32 $0xFFFFFFFF, s2;
	s0 =	smov.u32 s3;
	v0 =	vld.msk [tilespmem:s4+$0x0], $0x1  }
0x242: {  	p0 =	sne.s32 s2, $0x0;
	_ =	sdelay $0x3  }
0x243: {  	(v2sf) =	vpush v0, $0x0;
	_ =	sdelay $0xe  }
0x244: {  	s3 =	sadd.s32 $0x100, s3;
	s9 =	simm.s32 $0x0;
	s6 =	spop (v2sf)  }
.Ltmp33:
0x245: {  	s4 =	sadd.s32 $0x1, s4;
	p1 =	sgt.u32 s6, $0xC3470;
	(pc) =	sbr.rel @p0 .LBB2_40-.Ltmp33, $4  }
0x246: {  	s9 =	simm.s32 @!p1 $0x400;
	s7 =	sand.u32 @!p1 $0xFFFF8, s6;
	s8 =	sadd.s32 @!p1 $0x80, s6  }
0x247: {  	s6 =	sand.u32 @!p1 $0x7, s6;
	s7 =	sadd.s32 @!p1 s1, s7;
	s8 =	sand.u32 @!p1 $0x1FFFF8, s8  }
0x248: {  	[hbm4b:s7+s6] =	stream.linear.scatter @!p1 [tilespmem:s0], [sflag:$0x5], $0x80, $0x38;
	[tilespmem:$0x1E668] =	vst v63  }
0x249: {  	s5 =	sadd.s32 s5, s9;
	s7 =	sadd.s32 @!p1 $0x80, s0;
	s8 =	sadd.s32 @!p1 s1, s8  }
.LBB2_41:
0x24a: {  	[hbm4b:s8+s6] =	stream.linear.scatter @!p1 [tilespmem:s7], [sflag:$0x5], $0x80, $0x38;
	[tilespmem:$0x1E668] =	vst v63  }
0x24b: {  	s0 =	sshrl.u32 s5, $0x2  }
.LBB2_42:
0x24c: {  	s1 =	simm.s32 $0x5  }
0x24d: {  	_ =	swait.ge [sflag:s1], s0  }
0x24e: {  	s29 =	ssub.s32 $0x0, s0;
	[sflag:s1] =	ssyncset.done $0x0  }
0x24f: {  	[sflag:s1] =	ssyncadd.s32 s29  }
0x250: {  	[sflag:s1] =	ssyncpa.u1 $0x1  }
0x251: {  	s30 =	simm.s32 $0x1;
	_ =	sfence  }
0x252: {  	[sflag:s30] =	ssyncpa.u1 $0x1  }
0x253: {  	_ =	strace $0x90000050  }
0x254: {  	[bflag:$0x2] =	sbarrier.arrive $0xFFFF  }
0x255: {  	s31 =	rddreg [dreg:$0x1]  }
0x256: {  	s0 =	sadd.s32 $0x100000, s31  }
0x257: {  	[sflag:s0] =	ssyncadd.tile.s32 $0x1;
	_ =	shalt  }
.Lfunc_end2:
_tile_overlayer_lowered:
.L_overlay_start_2:
0x258: {  	(tag) =	ssettag $0x2  }
0x259: {  	s0 =	rddreg [dreg:$0x0];
	s2 =	stileid.u32  }
0x25a: {  	s1 =	rddreg [dreg:$0x1];
	p0 =	sne.s32 s2, $0x0  }
0x25b: {  	s3 =	rddreg [dreg:$0x2];
	[bflag:$0x3] =	sbarrier.arrive $0xFFFF;
	s2 =	simm.s32 @!p0 $0x1C01  }
0x25c: {  	[timem:s3], [sflag:s2] =	dma.local @!p0 [hbm:s0], s1  }
0x25d: {  	s0 =	simm.s32 @!p0 $0x1  }
0x25e: {  	_ =	swait.ge @!p0 [sflag:s0], s1  }
0x25f: {  	s1 =	ssub.s32 @!p0 $0x0, s1;
	[sflag:s0] =	ssyncset.done @!p0 $0x0  }
0x260: {  	[sflag:s0] =	ssyncadd.s32 @!p0 s1  }
0x261: {  	[bflag:$0x3] =	sbarrier.arrive $0xFFFF  }
0x262: {  	_ =	shalt  }

// kernel: scatter_offload_async_start.3
scs
__scs_entry_jumppad:
0x0: {  	(pc) =	sbr.rel $0x88, $3  }
0x1: {  	(tag) =	ssettag $0x0;
	lr =	simm.s32 $0x1  }
0x2: {  	[smem:$0x3F93] =	sst lr;
	_ =	strace $0xD0000000  }
0x3: {  	_ = 	snop  }
0x4: {  	_ = 	snop  }
0x5: {  	_ = 	snop  }
0x6: {  	_ = 	snop  }
0x7: {  	_ = 	snop  }
__scs_overlays_trampoline_lowered:
0x8: {  	[smem:$0x3FA2] =	sst s0  }
0x9: {  	[smem:$0x3FA3] =	sst s1  }
0xa: {  	[smem:$0x3FA4] =	sst s2  }
0xb: {  	[smem:$0x3FA5] =	sst s3  }
0xc: {  	[smem:$0x3FA6] =	sst s4  }
0xd: {  	[smem:$0x3FA7] =	sst s5  }
0xe: {  	[smem:$0x3FA8] =	sst s6  }
0xf: {  	[smem:$0x3FA9] =	sst s7  }
0x10: {  	[smem:$0x3FAA] =	sst s8  }
0x11: {  	[smem:$0x3FAB] =	sst s9;
	s0 =	simm.s32 @!p0 $0x0  }
0x12: {  	s1 =	sld [smem:$0x3F91];
	s0 =	simm.s32 @p0 $0x1  }
0x13: {  	[smem:$0x3FAC] =	sst s0;
	s0 =	simm.s32 @!p1 $0x0  }
0x14: {  	s2 =	sld [smem:$0x3F90];
	s0 =	simm.s32 @p1 $0x1  }
0x15: {  	[smem:$0x3FAD] =	sst s0;
	s0 =	simm.s32 @!p2 $0x0  }
0x16: {  	s3 =	sld [smem:$0x3FDB];
	s0 =	simm.s32 @p2 $0x1  }
0x17: {  	s4 =	simm.s32 $0x1BF5;
	[smem:$0x3FAF] =	sst s0  }
0x18: {  	s0 =	sld [smem:$0x3F92];
	_ =	swait.ge [sflag:s4], $0x0  }
0x19: {  	s7 =	sld [smem:$0x3F93]  }
0x1a: {  	s8 =	sadd.s32 $0xFFFFE003, lr  }
0x1b: {  	s9 =	sadd.s32 $0xFFFFFEF7, lr;
	s5 =	simm.s32 $0xFFFFFFFF;
	p2 =	slt.u32 s8, $0xFFFFF086  }
0x1c: {  	p1 =	slt.u32 s9, $0xF7A;
	s5 =	simm.s32 @!p2 $0x0  }
0x1d: {  	s5 =	simm.s32 @p1 $0x1;
	p0 =	seq.s32 s7, s2  }
0x1e: {  	s7 =	smul.u32 @!p0 $0xF7A, s2;
	p2 =	seq.s32 @!p0 s5, $0x0  }
0x1f: {  	s9 =	smul.u32 $0xF7A, s1;
	s8 =	simm.s32 @!p0 $0x1BF5;
	p2 =	por !p2, p0  }
0x20: {  	[sflag:s8] =	ssyncset.s32 @!p0 $0xFFFFF086;
	s6 =	sadd.s32 @!p0 s3, s7;
	s7 =	simm.s32 @!p0 $0x108  }
0x21: {  	s3 =	sadd.s32 s3, s9;
	s6 =	sadd.s32 @!p0 $0x88, s6;
	s7 =	simm.s32 @p2 $0x1082  }
0x22: {  	[simem:s7], [sflag:s8] =	dma.local @!p0 [hbm:s6], $0xF7A  }
0x23: {  	s9 =	sor.u32 $0xD0000000, s2;
	s6 =	simm.s32 $0x108;
	_ =	swait.ge @!p0 [sflag:s8], $0x0  }
0x24: {  	s3 =	sadd.s32 $0x88, s3;
	s6 =	simm.s32 @!p1 $0x1082;
	[sflag:s4] =	ssyncset.s32 $0xFFFFF086  }
0x25: {  	[simem:s6], [sflag:s4] =	dma.local [hbm:s3], $0xF7A  }
0x26: {  	[smem:$0x3F93] =	sst s1;
	(tag) =	ssettag s2;
	_ =	strace s9  }
0x27: {  	s1 =	sld [smem:$0x3FA3]  }
0x28: {  	s2 =	sld [smem:$0x3FA4]  }
0x29: {  	s4 =	sld [smem:$0x3FA6]  }
0x2a: {  	p0 =	seq.s32 s5, $0x0;
	s5 =	sld [smem:$0x3FA7]  }
0x2b: {  	s6 =	sld [smem:$0x3FA8]  }
0x2c: {  	s7 =	sld [smem:$0x3FA9]  }
0x2d: {  	s3 =	simm.s32 $0x108;
	s8 =	sld [smem:$0x3FAA]  }
0x2e: {  	s3 =	simm.s32 @!p0 $0x1082;
	s9 =	sld [smem:$0x3FAB]  }
0x2f: {  	lr =	sadd.s32 s0, s3;
	s0 =	sld [smem:$0x3FA2]  }
0x30: {  	s3 =	sld [smem:$0x3FA5]  }
0x31: {  	[smem:$0x3FAE] =	sst s10  }
0x32: {  	s10 =	sld [smem:$0x3FAC];
	_ =	sdelay $0x3  }
0x33: {  	p0 =	seq.s32 s10, $0x1;
	s10 =	sld [smem:$0x3FAE];
	_ =	sdelay $0x3  }
0x34: {  	[smem:$0x3FAE] =	sst s10  }
0x35: {  	s10 =	sld [smem:$0x3FAD];
	_ =	sdelay $0x3  }
0x36: {  	p1 =	seq.s32 s10, $0x1;
	s10 =	sld [smem:$0x3FAE];
	_ =	sdelay $0x3  }
0x37: {  	[smem:$0x3FAE] =	sst s10  }
0x38: {  	s10 =	sld [smem:$0x3FAF]  }
0x39: {  	_ = 	snop;
	(pc) =	sbr.ind lr, $3  }
0x3a: {  	_ = 	snop  }
0x3b: {  	_ = 	snop  }
0x3c: {  	p2 =	seq.s32 s10, $0x1;
	s10 =	sld [smem:$0x3FAE]  }
0x3d: {  	_ =	shalt  }
0x3e: {  	_ =	shalt  }
0x3f: {  	_ =	shalt  }
0x40: {  	_ =	shalt  }
0x41: {  	_ =	shalt  }
0x42: {  	_ =	shalt  }
0x43: {  	_ =	shalt  }
0x44: {  	_ =	shalt  }
0x45: {  	_ =	shalt  }
0x46: {  	_ =	shalt  }
0x47: {  	_ =	shalt  }
0x48: {  	_ =	shalt  }
0x49: {  	_ =	shalt  }
0x4a: {  	_ =	shalt  }
0x4b: {  	_ =	shalt  }
0x4c: {  	_ =	shalt  }
0x4d: {  	_ =	shalt  }
0x4e: {  	_ =	shalt  }
0x4f: {  	_ =	shalt  }
0x50: {  	_ =	shalt  }
0x51: {  	_ =	shalt  }
0x52: {  	_ =	shalt  }
0x53: {  	_ =	shalt  }
0x54: {  	_ =	shalt  }
0x55: {  	_ =	shalt  }
0x56: {  	_ =	shalt  }
0x57: {  	_ =	shalt  }
0x58: {  	_ =	shalt  }
0x59: {  	_ =	shalt  }
0x5a: {  	_ =	shalt  }
0x5b: {  	_ =	shalt  }
0x5c: {  	_ =	shalt  }
0x5d: {  	_ =	shalt  }
0x5e: {  	_ =	shalt  }
0x5f: {  	_ =	shalt  }
0x60: {  	_ =	shalt  }
0x61: {  	_ =	shalt  }
0x62: {  	_ =	shalt  }
0x63: {  	_ =	shalt  }
0x64: {  	_ =	shalt  }
0x65: {  	_ =	shalt  }
0x66: {  	_ =	shalt  }
0x67: {  	_ =	shalt  }
0x68: {  	_ =	shalt  }
0x69: {  	_ =	shalt  }
0x6a: {  	_ =	shalt  }
0x6b: {  	_ =	shalt  }
0x6c: {  	_ =	shalt  }
0x6d: {  	_ =	shalt  }
0x6e: {  	_ =	shalt  }
0x6f: {  	_ =	shalt  }
0x70: {  	_ =	shalt  }
0x71: {  	_ =	shalt  }
0x72: {  	_ =	shalt  }
0x73: {  	_ =	shalt  }
0x74: {  	_ =	shalt  }
0x75: {  	_ =	shalt  }
0x76: {  	_ =	shalt  }
0x77: {  	_ =	shalt  }
0x78: {  	_ =	shalt  }
0x79: {  	_ =	shalt  }
0x7a: {  	_ =	shalt  }
0x7b: {  	_ =	shalt  }
0x7c: {  	_ =	shalt  }
0x7d: {  	_ =	shalt  }
0x7e: {  	_ =	shalt  }
0x7f: {  	_ =	shalt  }
0x80: {  	_ =	shalt  }
0x81: {  	_ =	shalt  }
0x82: {  	_ =	shalt  }
0x83: {  	_ =	shalt  }
0x84: {  	_ =	shalt  }
0x85: {  	_ =	shalt  }
0x86: {  	_ =	shalt  }
0x87: {  	_ =	shalt  }
.Lfunc_end0:
.L_simem_size_0:
called_computation.3_lowered:
.L_overlay_start_0:
0x88: {  	s0 =	sld [smem:$0x3FD9]  }
0x89: {  	s1 =	sld [smem:$0x3FFE];
	_ =	sdelay $0x3  }
0x8a: {  	s0 =	sadd.s32 s1, s0  }
0x8b: {  	[smem:$0x3FBA] =	sst s0  }
0x8c: {  	_ = 	snop  }
0x8d: {  	(tm) =	ssettm $0x1  }
0x8e: {  	s15 =	sld [smem:$0x3FFB];
	_ =	sdelay $0x3  }
0x8f: {  	_ =	strace s15  }
0x90: {  	s0 =	sld [smem:$0x3FFC];
	_ =	sdelay $0x3  }
0x91: {  	_ =	strace s0  }
0x92: {  	s0 =	sld [smem:$0x3FFD];
	_ =	sdelay $0x3  }
0x93: {  	_ =	strace s0  }
0x94: {  	_ =	strace $0x8FFFFFFF  }
0x95: {  	s16 =	sld [smem:$0x3FDB];
	_ =	sdelay $0x1  }
0x96: {  	s17 =	simm.s32 $_scs_section_size  }
0x97: {  	s2 =	simm.s32 $_size__tile_overlayer_lowered;
	s3 =	simm.s32 $_tile_overlayer_lowered  }
0x98: {  	s20 =	simm.s32 $0x1BFF;
	s19 =	sshll.u32 s3, $0x1;
	s0 =	sadd.s32 s17, s16  }
0x99: {  	s4 =	simm.s32 $0x0;
	s18 =	sshll.u32 s2, $0x1;
	s2 =	sadd.s32 s19, s0  }
0x9a: {  	[timem:s4], [sflag:s20] =	dma.local [hbm:s2], s18  }
0x9b: {  	_ =	swait.ge [sflag:s20], s18  }
0x9c: {  	s1 =	ssub.s32 $0x0, s18;
	[sflag:s20] =	ssyncset.done $0x0  }
0x9d: {  	[sflag:s20] =	ssyncadd.s32 s1;
	_ =	sdelay $0x1  }
0x9e: {  	s21 =	simm.s32 $0x1B8B  }
0x9f: {  	_ =	swait.ge [sflag:s21], $0x1  }
0xa0: {  	[sflag:s21] =	ssyncset.done $0x0  }
0xa1: {  	s23 =	simm.s32 $0x1B8E;
	s22 =	sld [smem:$0x3FFE];
	[sflag:s21] =	ssyncadd.s32 $0xFFFFFFFF  }
0xa2: {  	s24 =	simm.s32 $execute0_lowered;
	[smem:$0x3FD2] =	sst s23  }
0xa3: {  	s2 =	sshll.u32 s24, $0x1;
	_ =	strace $0x80000052;
	[dreg:$0x1] =	wrdreg $0xFFFFFFFF  }
0xa4: {  	s25 =	simm.s32 $_size_execute0_lowered;
	s0 =	sadd.s32 s0, s2;
	[dreg:$0x0] =	wrdreg $0x0  }
0xa5: {  	s2 =	sshll.u32 s25, $0x1;
	[dreg:$0x2] =	wrdreg s0  }
0xa6: {  	[dreg:$0x3] =	wrdreg s2  }
0xa7: {  	[dreg:$0x4] =	wrdreg $0xC0  }
0xa8: {  	_ =	task [dreg:s4], $0x5FFFF  }
0xa9: {  	[dreg:$0x1] =	wrdreg $0xFFFFFFFF  }
0xaa: {  	[dreg:$0x0] =	wrdreg $0x60  }
0xab: {  	[dreg:$0x2] =	wrdreg s22  }
0xac: {  	[dreg:$0x3] =	wrdreg $0x9  }
0xad: {  	_ =	task.clear_ibuf [dreg:s4], $0x4FFFF;
	_ =	strace $0x90000052  }
0xae: {  	s26 =	simm.s32 $0x9;
	_ =	strace $0x80000054  }
0xaf: {  	_ =	swait.ge [sflag:s26], $0x1  }
0xb0: {  	[sflag:s26] =	ssyncadd.s32 $0xFFFFFFFF  }
0xb1: {  	_ =	strace $0x90000054  }
0xb2: {  	_ =	sfence  }
0xb3: {  	s28 =	sld [smem:$0x0];
	_ =	sdelay $0x1  }
0xb4: {  	s29 =	srdreg.scid  }
0xb5: {  	s30 =	sshll.u32 s29, $0xD;
	s31 =	sshrl.u32 s29, $0x2  }
0xb6: {  	s1 =	sand.u32 $0x1, s29;
	s2 =	sand.u32 $0x4000, s30;
	s0 =	sadd.s32 s31, s28  }
0xb7: {  	s1 =	sor.u32 s2, s1;
	s0 =	sshll.u32 s0, $0x11  }
0xb8: {  	s0 =	sor.u32 s0, s1  }
0xb9: {  	s0 =	sadd.s32 $0x8F2B, s0  }
0xba: {  	[sflag:s0] =	ssyncadd.remote.s32 $0x1  }
0xbb: {  	_ =	sfence.sel $0xFFFF  }
0xbc: {  	[dreg:$0x0] =	wrdreg $0xFFFFFFFF;
	(pc) =	sbr.abs _section_cstart, $3  }
0xbd: {  	[dreg:$0x1] =	wrdreg $0xFFFFFFFF  }
0xbe: {  	_ =	task.clear_ibuf [dreg:s4], $0x2FFFF;
	_ =	strace $0x9FFFFFFF  }
0xbf: {  	(tm) =	ssettm $0x7FFFFFFF  }
tec
execute0_lowered:
.L_overlay_start_1:
0x0: {  	(tag) =	ssettag $0x1  }
0x1: {  	s10 =	rddreg [dreg:$0x0];
	_ =	strace $0x80000053;
	s0 =	simm.s32 $0x1  }
0x2: {  	s8 =	simm.s32 $0x208;
	v0 =	vimm.s32 $0x0;
	[sflag:s0] =	ssyncpa.u1 $0x0  }
0x3: {  	[tilespmem:s8+$0x70] =	vst v0  }
0x4: {  	[tilespmem:s8+$0x60] =	vst v0  }
0x5: {  	[tilespmem:s8+$0x50] =	vst v0  }
0x6: {  	[tilespmem:s8+$0x40] =	vst v0  }
0x7: {  	[tilespmem:s8+$0x30] =	vst v0  }
0x8: {  	s1 =	sadd.s32 $0x32C2E00, s10;
	[tilespmem:s8+$0x20] =	vst v0  }
0x9: {  	s4 =	sadd.s32 $0xC8400, s10;
	s5 =	sadd.s32 $0x12B800, s10;
	s0 =	simm.s32 $0x40;
	[tilespmem:s8+$0x10] =	vst v0  }
.LBB2_1:
0xa: {  	s0 =	sadd.s32 $0x40, s0;
	[tilespmem:s8+$0x0] =	vst v0;
	s8 =	sadd.s32 $0x80, s8  }
0xb: {  	p0 =	slt.u32 s0, $0x3880;
	[tilespmem:s8+$0x70] =	vst v0  }
0xc: {  	[tilespmem:s8+$0x60] =	vst v0  }
.Ltmp0:
0xd: {  	[tilespmem:s8+$0x50] =	vst v0;
	(pc) =	sbr.rel @p0 .LBB2_1-.Ltmp0, $4  }
0xe: {  	[tilespmem:s8+$0x40] =	vst v0  }
0xf: {  	[tilespmem:s8+$0x30] =	vst v0  }
0x10: {  	[tilespmem:s8+$0x20] =	vst v0  }
0x11: {  	[tilespmem:s8+$0x10] =	vst v0  }
0x12: {  	s9 =	stileid.u32  }
0x13: {  	s0 =	smul.u32 $0x38A, s9  }
0x14: {  	s2 =	smin.u32 s9, $0xD  }
0x15: {  	s0 =	sadd.s32 s2, s0  }
0x16: {  	p0 =	slt.u32 s9, $0xD;
	s17 =	smul.u32 $0x70, s0;
	s0 =	simm.s32 $0x18CD0  }
0x17: {  	s0 =	simm.s32 @!p0 $0x18C60  }
0x18: {  	s0 =	sadd.s32 s0, s17  }
0x19: {  	s7 =	smin.u32 s0, $0x18CBA8  }
0x1a: {  	s0 =	ssub.s32 s7, s17  }
0x1b: {  	p0 =	sgt.s32 s0, $0x0  }
0x1c: {  	s3 =	simm.s32 $0x2;
	s0 =	simm.s32 @!p0 $0x0  }
0x1d: {  	s28 =	simm.s32 $0x7;
	s29 =	simm.s32 $0x8;
	s26 =	smulhi.u32 $0x92492493, s0  }
0x1e: {  	s31 =	simm.s32 $0x9;
	s11 =	simm.s32 $0x1;
	s21 =	simm.s32 $0x0  }
0x1f: {  	p1 =	por $0x0, $0x0;
	s15 =	simm.s32 $0x80;
	s2 =	sshrl.u32 s26, $0x6  }
0x20: {  	s16 =	simm.s32 $0x400;
	s14 =	simm.s32 $0xA;
	s30 =	smul.u32 $0x70, s2  }
.Ltmp1:
0x21: {  	[tilespmem:s8+$0x0] =	vst v0;
	v0 =	vimm.s32 $0xFFFFFFFF;
	s18 =	simm.s32 $0x0;
	[sflag:s3] =	ssyncpa.u1 $0x0;
	(pc) =	sbr.rel .LBB2_3-.Ltmp1, $4  }
0x22: {  	[tilespmem:$0xE408] =	vst v0;
	[sflag:s28] =	ssyncpa.u1 $0x0;
	p0 =	sne.s32 s0, s30;
	s0 =	simm.s32 $0x1  }
0x23: {  	s20 =	simm.s32 $0x0;
	[sflag:s29] =	ssyncpa.u1 $0x0;
	s0 =	simm.s32 @!p0 $0x0  }
0x24: {  	s13 =	sshll.u32 s9, $0x9;
	[sflag:s31] =	ssyncpa.u1 $0x0;
	s12 =	sadd.s32 s0, s2  }
0x25: {  	v0 =	vlaneseq.u32;
	s19 =	smov.u32 s17;
	p0 =	por $0x1, $0x1;
	s9 =	sadd.s32 $0x1, s12  }
.LBB2_24:
0x26: {  	s0 =	sshrl.u32 s30, $0x2  }
.LBB2_26:
0x27: {  	_ =	swait.ge [sflag:s14], s0  }
0x28: {  	s31 =	ssub.s32 $0x0, s0;
	v1 =	vmov s23;
	vm0 =	veq.s32 v0, $0x0;
	[sflag:s14] =	ssyncset.done $0x0  }
0x29: {  	vm15 =	veq.s32 v0, $0x2;
	v1 =	vsel vm0, s29, v1;
	[sflag:s14] =	ssyncadd.s32 s31  }
0x2a: {  	v1 =	vsel vm15, s21, v1;
	[sflag:s14] =	ssyncpa.u1 $0x1  }
0x2b: {  	[tilespmem:$0xE408] =	vst v1  }
.LBB2_27:
0x2c: {  	s0 =	sadd.s32 $0x70, s19  }
0x2d: {  	s2 =	smov.u32 s17;
	p2 =	slt.s32 s0, s7  }
0x2e: {  	s2 =	smov.u32 @p2 s0;
	p2 =	sne.s32 s20, s9  }
.Ltmp2:
0x2f: {  	_ = 	snop;
	(pc) =	sbr.rel @!p2 .LBB2_28-.Ltmp2, $4  }
0x30: {  	_ = 	snop  }
0x31: {  	s21 =	smov.u32 s18  }
0x32: {  	s31 =	sadd.s32 $0x1, s20;
	s18 =	smov.u32 s19;
	p0 =	por !p0, !p0  }
0x33: {  	p1 =	por !p1, !p1;
	s20 =	smov.u32 s31;
	s19 =	smov.u32 s2  }
.LBB2_3:
0x34: {  	p2 =	sge.u32 s20, s12  }
0x35: {  	s0 =	smulhi.u32 @!p2 $0xAAAAAAAB, s20  }
0x36: {  	s2 =	smov.u32 s19;
	p3 =	sgt.s32 @!p2 s19, $0x18CB38  }
0x37: {  	s3 =	sshra.s32 @!p2 s19, $0x1F;
	p3 =	por !p3, p2;
	s0 =	sshrl.u32 @!p2 s0, $0x1  }
0x38: {  	s3 =	sand.u32 @!p2 s3, s19;
	s2 =	simm.s32 @p3 $0x18CB38;
	s0 =	smul.u32 @!p2 $0x3, s0  }
0x39: {  	s2 =	ssub.s32 @!p2 s2, s3  }
0x3a: {  	s2 =	sadd.s32 @!p2 $0xFFE734C8, s2;
	s0 =	ssub.s32 @!p2 s20, s0  }
0x3b: {  	s3 =	sshll.u32 @!p2 s2, $0x2;
	p3 =	sgt.s32 @!p2 s2, $0x6F;
	s0 =	smul.u32 @!p2 $0x1C0, s0  }
0x3c: {  	s8 =	sand.u32 @!p2 $0x7, s19;
	s2 =	ssub.s32 @!p2 $0x1C0, s3;
	p3 =	por !p3, p2  }
0x3d: {  	s3 =	sshrl.u32 @!p2 s19, $0x3;
	s2 =	sshrl.u32 @!p2 s2, $0x2;
	s0 =	sshrl.u32 @!p2 s0, $0x2  }
0x3e: {  	s3 =	sadd.s32 @!p2 s10, s3;
	s2 =	simm.s32 @!p3 $0x0;
	s0 =	sadd.s32 @!p2 $0x10438, s0  }
0x3f: {  	[tilespmem:s0], [sflag:$0x8] =	stream.linear.gather @!p2 [hbm4b:s3+s8], s2, $0x38;
	[tilespmem:$0x1E668] =	vst v63  }
0x40: {  	s0 =	sadd.s32 $0xFFFFFFFF, s20  }
0x41: {  	p2 =	sge.u32 s0, s12  }
0x42: {  	p3 =	sgt.s32 @!p2 s18, $0x18CB38  }
0x43: {  	s2 =	smov.u32 s18;
	s3 =	sshra.s32 @!p2 s18, $0x1F;
	p3 =	por !p3, p2  }
0x44: {  	s3 =	sand.u32 @!p2 s3, s18;
	s2 =	simm.s32 @p3 $0x18CB38  }
0x45: {  	s2 =	ssub.s32 @!p2 s2, s3  }
0x46: {  	s2 =	sadd.s32 @!p2 $0xFFE734C8, s2  }
0x47: {  	s3 =	sshll.u32 @!p2 s2, $0x2  }
0x48: {  	p3 =	sgt.s32 @!p2 s2, $0x6F;
	s2 =	ssub.s32 @!p2 $0x1C0, s3  }
0x49: {  	p3 =	por !p3, p2;
	s2 =	sshrl.u32 @!p2 s2, $0x2  }
0x4a: {  	s8 =	simm.s32 @!p2 $0x8;
	s3 =	sand.u32 @!p2 $0x1, s0;
	s2 =	simm.s32 @!p3 $0x0  }
0x4b: {  	s3 =	smul.u32 @!p2 $0x1C0, s3;
	_ =	swait.ge @!p2 [sflag:s8], s2  }
0x4c: {  	s22 =	ssub.s32 @!p2 $0x0, s2;
	[sflag:s8] =	ssyncset.done @!p2 $0x0  }
0x4d: {  	s3 =	sshrl.u32 @!p2 s3, $0x2;
	[sflag:s8] =	ssyncadd.s32 @!p2 s22;
	s8 =	sshrl.u32 @!p2 s18, $0x3  }
0x4e: {  	s3 =	sor.u32 @!p2 $0x10588, s3;
	s22 =	sand.u32 @!p2 $0x7, s18;
	s8 =	sadd.s32 @!p2 s4, s8  }
0x4f: {  	[tilespmem:s3], [sflag:$0x9] =	stream.linear.gather @!p2 [hbm4b:s8+s22], s2, $0x38;
	[tilespmem:$0x1E668] =	vst v63  }
0x50: {  	s22 =	ssub.s32 @!p2 $0x18CBA8, s18  }
0x51: {  	p3 =	slt.s32 @!p2 s22, $0x1  }
0x52: {  	p3 =	por p2, p3  }
.Ltmp3:
0x53: {  	_ = 	snop;
	(pc) =	sbr.rel @p3 .LBB2_9-.Ltmp3, $1  }
0x54: {  	_ =	sdelay $0x3  }
0x55: {  	s2 =	smulhi.u32 $0xAAAAAAAB, s0;
	_ =	sdelay $0x1  }
0x56: {  	s2 =	sshrl.u32 s2, $0x1  }
0x57: {  	s2 =	smul.u32 $0x3, s2;
	_ =	sdelay $0x1  }
0x58: {  	s29 =	ssub.s32 s0, s2  }
0x59: {  	s3 =	simm.s32 $0x1;
	s0 =	smul.u32 $0x1C0, s29  }
.Ltmp4:
0x5a: {  	s3 =	simm.s32 @!p0 $0x0;
	(pc) =	sbr.rel .LBB2_6-.Ltmp4, $4  }
0x5b: {  	s30 =	smul.u32 $0x1C000, s3  }
0x5c: {  	p3 =	slt.s32 @!p2 s22, $0x70;
	s0 =	sshrl.u32 s0, $0x2  }
0x5d: {  	p2 =	por !p3, p2;
	s2 =	sshrl.u32 s30, $0x2;
	s31 =	sadd.s32 $0x10438, s0  }
0x5e: {  	s22 =	simm.s32 @p2 $0x70;
	s23 =	sor.u32 $0x10668, s2;
	s0 =	simm.s32 $0x0;
	v1 =	vmov s31  }
.LBB2_5:
0x5f: {  	p2 =	sge.s32 s0, s22  }
.Ltmp5:
0x60: {  	_ = 	snop;
	(pc) =	sbr.rel @p2 .LBB2_9-.Ltmp5, $2  }
0x61: {  	_ =	sdelay $0x2  }
0x62: {  	s23 =	sadd.s32 $0x1000, s23  }
.LBB2_6:
0x63: {  	p2 =	sle.s32 s22, s0  }
.Ltmp6:
0x64: {  	_ = 	snop;
	(pc) =	sbr.rel @p2 .LBB2_5-.Ltmp6, $2  }
0x65: {  	_ =	sdelay $0x2  }
0x66: {  	s24 =	smov.u32 s0;
	s0 =	sadd.s32 $0x10, s0  }
0x67: {  	s2 =	ssub.s32 s22, s24  }
0x68: {  	p2 =	slt.s32 s2, $0x10  }
0x69: {  	s2 =	simm.s32 @!p2 $0x10  }
0x6a: {  	v2 =	vmov s2  }
0x6b: {  	vm0 =	vgt.s32 v2, v0;
	_ =	sdelay $0x5  }
0x6c: {  	v2 =	vld.idx.msk [tilespmem:v1+s24+$0x0 ss:$0x1], vm0;
	_ =	sdelay $0x2  }
0x6d: {  	p2 =	slt.s32 s0, s22;
	s2 =	smov.u32 s22  }
0x6e: {  	s3 =	smov.u32 s23;
	s25 =	simm.s32 $0x0;
	s2 =	smov.u32 @p2 s0  }
.LBB2_8:
0x6f: {  	(v2sf) =	vpush v2, s25;
	_ =	sdelay $0xe  }
0x70: {  	s25 =	sadd.s32 $0x1, s25;
	s8 =	spop (v2sf)  }
0x71: {  	s31 =	sadd.s32 s25, s24;
	s26 =	sshll.u32 s8, $0x8;
	s8 =	sshll.u32 s8, $0x7  }
0x72: {  	p2 =	slt.s32 s31, s2;
	s26 =	sand.u32 $0xFFFFF800, s26;
	s8 =	sand.u32 $0x380, s8  }
.Ltmp7:
0x73: {  	s8 =	sor.u32 s8, s26;
	(pc) =	sbr.rel @p2 .LBB2_8-.Ltmp7, $4  }
0x74: {  	s8 =	sshrl.u32 s8, $0x3  }
0x75: {  	s8 =	sadd.s32 s5, s8  }
0x76: {  	[tilespmem:s3], [sflag:$0x7] =	stream.strided.gather [hbm4b:s8+s15], $0x100, s16, s15, $0x38;
	[tilespmem:$0x1E668] =	vst v63  }
0x77: {  	s3 =	sadd.s32 $0x100, s3  }
.Ltmp8:
0x78: {  	_ = 	snop;
	(pc) =	sbr.rel .LBB2_5-.Ltmp8, $1  }
0x79: {  	_ =	sdelay $0x3  }
.LBB2_9:
0x7a: {  	p2 =	slt.u32 s20, $0x2  }
.Ltmp9:
0x7b: {  	_ = 	snop;
	(pc) =	sbr.rel @p2 .LBB2_27-.Ltmp9, $1  }
0x7c: {  	_ =	sdelay $0x3  }
0x7d: {  	p2 =	sgt.s32 s21, $0x18CB38;
	s0 =	smov.u32 s21;
	s2 =	sshra.s32 s21, $0x1F  }
0x7e: {  	s3 =	ssub.s32 $0x18CBA8, s21;
	s0 =	simm.s32 @!p2 $0x18CB38  }
0x7f: {  	s2 =	sand.u32 s2, s21;
	p2 =	slt.s32 s3, $0x70;
	s8 =	smov.u32 s3  }
0x80: {  	s0 =	ssub.s32 s0, s2;
	s8 =	simm.s32 @!p2 $0x70  }
0x81: {  	s0 =	sadd.s32 $0xFFE734C8, s0;
	s24 =	sshll.u32 s8, $0x8  }
0x82: {  	s28 =	simm.s32 $0x7;
	s25 =	sshll.u32 s0, $0x2;
	s2 =	sand.u32 $0x3FFFFF00, s24  }
0x83: {  	p2 =	sgt.s32 s0, $0x6F;
	s26 =	ssub.s32 $0x1C0, s25;
	_ =	swait.ge [sflag:s28], s2  }
0x84: {  	s2 =	ssub.s32 $0x0, s2;
	[sflag:s28] =	ssyncset.done $0x0;
	s0 =	sshrl.u32 s26, $0x2  }
0x85: {  	s30 =	simm.s32 $0x9;
	[sflag:s28] =	ssyncadd.s32 s2;
	s0 =	simm.s32 @p2 $0x0  }
0x86: {  	_ =	swait.ge [sflag:s30], s0  }
0x87: {  	s0 =	ssub.s32 $0x0, s0;
	[sflag:s30] =	ssyncset.done $0x0  }
0x88: {  	[sflag:s30] =	ssyncadd.s32 s0  }
0x89: {  	v1 =	vld [tilespmem:$0xE408];
	_ =	sdelay $0x4  }
0x8a: {  	(v2sf) =	vpush v1, $0x0  }
0x8b: {  	(v2sf) =	vpush v1, $0x1  }
0x8c: {  	(v2sf) =	vpush v1, $0x2;
	_ =	sdelay $0x3  }
0x8d: {  	s0 =	sadd.s32 $0x70, s21  }
0x8e: {  	p2 =	slt.s32 s7, s0  }
0x8f: {  	s0 =	smov.u32 @p2 s7;
	p2 =	sgt.s32 s3, $0x0  }
0x90: {  	s25 =	ssub.s32 s0, s21;
	s3 =	simm.s32 @!p2 $0x0  }
0x91: {  	p2 =	slt.s32 s3, s25  }
0x92: {  	s25 =	smov.u32 @p2 s3  }
0x93: {  	s24 =	simm.s32 $0x1;
	p2 =	slt.s32 s25, $0x1  }
.Ltmp10:
0x94: {  	s24 =	simm.s32 @!p1 $0x0;
	(pc) =	sbr.rel @p2 .LBB2_14-.Ltmp10, $4  }
0x95: {  	s31 =	smul.u32 $0x1C0, s24  }
0x96: {  	s26 =	spop (v2sf)  }
0x97: {  	s0 =	sshrl.u32 s31, $0x2;
	s29 =	spop (v2sf)  }
0x98: {  	s22 =	sor.u32 $0x10588, s0;
	s21 =	spop (v2sf)  }
0x99: {  	s0 =	smin.u32 s25, $0x10  }
0x9a: {  	v1 =	vmov s0  }
0x9b: {  	vm1 =	vgt.u32 v1, v0  }
0x9c: {  	p3 =	sgt.s32 s25, $0x10  }
.Ltmp11:
0x9d: {  	_ = 	snop;
	(pc) =	sbr.rel @!p3 .LBB2_13-.Ltmp11, $2  }
0x9e: {  	_ =	sdelay $0x2  }
0x9f: {  	s23 =	simm.s32 $0x10;
	s28 =	sadd.s32 $0xFFFFFFF0, s25;
	s0 =	smov.u32 s22;
	vm0 =	vmmov vm1;
	v1 =	vld.msk [tilespmem:s22+$0x0 ss:$0x1], vm1  }
.LBB2_12:
0xa0: {  	s2 =	smin.u32 s28, $0x10;
	s23 =	sadd.s32 $0x10, s23  }
0xa1: {  	v2 =	vmov s2;
	p3 =	slt.s32 s23, s25  }
0xa2: {  	vm1 =	vgt.u32 v2, v0;
	_ =	sdelay $0x1  }
0xa3: {  	v2 =	vshll.u32 v1, $0x5;
	v1 =	vshll.u32 v1, $0x4  }
.Ltmp12:
0xa4: {  	v2 =	vand.u32 $0xFFFFFF00, v2;
	v1 =	vand.u32 $0x70, v1;
	(pc) =	sbr.rel @p3 .LBB2_12-.Ltmp12, $4  }
0xa5: {  	v1 =	vor.u32 v1, v2  }
0xa6: {  	[tilespmem:s0+$0x0] =	vst.msk vm0, v1;
	s0 =	sadd.s32 $0x10, s0;
	vm0 =	vmmov vm1  }
0xa7: {  	v1 =	vld.msk [tilespmem:s0+$0x0 ss:$0x1], vm1  }
0xa8: {  	s28 =	sadd.s32 $0xFFFFFFF0, s28  }
.LBB2_13:
0xa9: {  	_ =	sdelay $0x3  }
0xaa: {  	v2 =	vshll.u32 v1, $0x5;
	v1 =	vshll.u32 v1, $0x4  }
0xab: {  	v2 =	vand.u32 $0xFFFFFF00, v2;
	v1 =	vand.u32 $0x70, v1  }
0xac: {  	v1 =	vor.u32 v1, v2  }
0xad: {  	[tilespmem:s0+$0x0] =	vst.msk vm0, v1  }
.LBB2_14:
0xae: {  	s0 =	sand.u32 $0x1, s20  }
0xaf: {  	s0 =	smul.u32 $0x70, s0  }
0xb0: {  	p3 =	sne.s32 s29, $0xFFFFFFFF  }
0xb1: {  	v1 =	vld.msk @!p3 [tilespmem:s0+$0x10588], $0x1;
	_ =	sdelay $0x4  }
0xb2: {  	(v2sf) =	vpush @!p3 v1, $0x0;
	_ =	sdelay $0xc  }
.Ltmp13:
0xb3: {  	_ = 	snop;
	(pc) =	sbr.rel @p2 .LBB2_25-.Ltmp13, $4  }
0xb4: {  	_ = 	snop  }
0xb5: {  	s28 =	spop @!p3 (v2sf)  }
0xb6: {  	s21 =	simm.s32 @!p3 $0x0;
	s23 =	smov.u32 s28  }
0xb7: {  	[sflag:s14] =	ssyncpa.u1 $0x0;
	s28 =	smov.u32 @p3 s26;
	s23 =	smov.u32 @p3 s29  }
0xb8: {  	v1 =	vld.msk [tilespmem:s22+$0x0], $0x1;
	_ =	sdelay $0x4  }
0xb9: {  	(v2sf) =	vpush v1, $0x0;
	_ =	sdelay $0xe  }
0xba: {  	s6 =	smov.u32 s9;
	s30 =	spop (v2sf)  }
0xbb: {  	s14 =	smov.u32 s4;
	s0 =	smul.u32 $0x1C000, s24;
	p2 =	seq.s32 s28, s30  }
0xbc: {  	s2 =	smov.u32 s28;
	s25 =	ssub.s32 $0x0, s25;
	p3 =	sgt.s32 @!p2 s28, $0x0  }
0xbd: {  	s26 =	simm.s32 $0x0;
	s0 =	sshrl.u32 s0, $0x2;
	p3 =	por !p3, p2  }
0xbe: {  	s29 =	sadd.s32 $0x1, s25;
	s24 =	sor.u32 $0x106E8, s0;
	s2 =	simm.s32 @p3 $0x0  }
0xbf: {  	s0 =	simm.s32 @!p2 $0x1;
	p3 =	seq.s32 s29, $0x0;
	s2 =	smin.u32 @!p2 s2, $0xC3470  }
.Ltmp14:
0xc0: {  	s8 =	simm.s32 @!p2 $0x7308;
	s3 =	sand.u32 @!p2 $0xFFFF8, s2;
	(pc) =	sbr.rel @p3 .LBB2_17-.Ltmp14, $4  }
0xc1: {  	s31 =	sadd.s32 @!p2 $0x80, s2;
	s9 =	sadd.s32 @!p2 s1, s3;
	s3 =	sand.u32 @!p2 $0x7, s2  }
0xc2: {  	[tilespmem:s8], [sflag:$0x2] =	stream.linear.gather @!p2 [hbm4b:s9+s3], $0x80, $0x38;
	[tilespmem:$0x1E668] =	vst v63  }
0xc3: {  	s4 =	smov.u32 s10;
	s0 =	smov.u32 @p2 s26;
	s8 =	sand.u32 @!p2 $0x1FFFF8, s31  }
0xc4: {  	s2 =	simm.s32 @!p2 $0x7388;
	s31 =	sadd.s32 $0x1, s22;
	s8 =	sadd.s32 @!p2 s1, s8  }
.LBB2_16:
0xc5: {  	s9 =	smov.u32 s0  }
0xc6: {  	[tilespmem:s2], [sflag:$0x2] =	stream.linear.gather @!p2 [hbm4b:s8+s3], $0x80, $0x38;
	[tilespmem:$0x1E668] =	vst v63  }
0xc7: {  	s29 =	sadd.s32 $0x1, s29;
	s3 =	smov.u32 s30;
	v1 =	vld.msk [tilespmem:s31+$0x0], $0x1  }
0xc8: {  	p3 =	seq.s32 s29, $0x0;
	_ =	sdelay $0x3  }
0xc9: {  	(v2sf) =	vpush v1, $0x0;
	_ =	sdelay $0xe  }
0xca: {  	s30 =	spop (v2sf)  }
0xcb: {  	p2 =	seq.s32 s3, s30  }
0xcc: {  	p4 =	sgt.s32 @!p2 s3, $0x0;
	s2 =	sshll.u32 @!p2 s0, $0xA;
	s0 =	sadd.s32 @!p2 $0x1, s0  }
0xcd: {  	p4 =	por !p4, p2;
	s2 =	sshra.s32 @!p2 s2, $0x2;
	s0 =	smov.u32 @p2 s9  }
0xce: {  	s3 =	simm.s32 @p4 $0x0;
	s8 =	sadd.s32 @!p2 $0x7308, s2;
	s2 =	sadd.s32 @!p2 $0x7388, s2  }
.Ltmp15:
0xcf: {  	s3 =	smin.u32 @!p2 s3, $0xC3470;
	(pc) =	sbr.rel @!p3 .LBB2_16-.Ltmp15, $4  }
0xd0: {  	s9 =	sand.u32 @!p2 $0xFFFF8, s3;
	s10 =	sadd.s32 @!p2 $0x80, s3  }
0xd1: {  	s3 =	sand.u32 @!p2 $0x7, s3;
	s9 =	sadd.s32 @!p2 s1, s9;
	s10 =	sand.u32 @!p2 $0x1FFFF8, s10  }
0xd2: {  	[tilespmem:s8], [sflag:$0x2] =	stream.linear.gather @!p2 [hbm4b:s9+s3], $0x80, $0x38;
	[tilespmem:$0x1E668] =	vst v63  }
0xd3: {  	s31 =	sadd.s32 $0x1, s31;
	s8 =	sadd.s32 @!p2 s1, s10  }
.LBB2_17:
0xd4: {  	[tilespmem:s2], [sflag:$0x2] =	stream.linear.gather @!p2 [hbm4b:s8+s3], $0x80, $0x38;
	[tilespmem:$0x1E668] =	vst v63  }
.Ltmp16:
0xd5: {  	s0 =	sshll.u32 s0, $0x8;
	(pc) =	sbr.rel .LBB2_18-.Ltmp16, $4  }
0xd6: {  	s31 =	simm.s32 $0x2;
	s0 =	sand.u32 $0x3FFFFF00, s0  }
0xd7: {  	s30 =	simm.s32 $0x0;
	s10 =	smov.u32 s4;
	_ =	swait.ge [sflag:s31], s0  }
0xd8: {  	s4 =	smov.u32 s14;
	s0 =	ssub.s32 $0x0, s0;
	[sflag:s31] =	ssyncset.done $0x0  }
0xd9: {  	s9 =	smov.u32 s6;
	s14 =	simm.s32 $0xA;
	[sflag:s31] =	ssyncadd.s32 s0  }
.LBB2_19:
0xda: {  	v1 =	vld [tilespmem:s24+$0xFFFFFF80];
	_ =	sdelay $0x4  }
0xdb: {  	[tilespmem:s31+$0x208] =	vst.add.f32.msk $0xffff, v1  }
0xdc: {  	v1 =	vld [tilespmem:s24+$0xFFFFFF90];
	_ =	sdelay $0x4  }
0xdd: {  	[tilespmem:s31+$0x218] =	vst.add.f32.msk $0xffff, v1  }
0xde: {  	v1 =	vld [tilespmem:s24+$0xFFFFFFA0];
	_ =	sdelay $0x4  }
0xdf: {  	[tilespmem:s31+$0x228] =	vst.add.f32.msk $0xffff, v1  }
0xe0: {  	v1 =	vld [tilespmem:s24+$0xFFFFFFB0];
	_ =	sdelay $0x4  }
0xe1: {  	[tilespmem:s31+$0x238] =	vst.add.f32.msk $0xffff, v1  }
0xe2: {  	v1 =	vld [tilespmem:s24+$0xFFFFFFC0];
	_ =	sdelay $0x4  }
0xe3: {  	[tilespmem:s31+$0x248] =	vst.add.f32.msk $0xffff, v1  }
0xe4: {  	v1 =	vld [tilespmem:s24+$0xFFFFFFD0];
	_ =	sdelay $0x4  }
0xe5: {  	[tilespmem:s31+$0x258] =	vst.add.f32.msk $0xffff, v1  }
0xe6: {  	v1 =	vld [tilespmem:s24+$0xFFFFFFE0];
	_ =	sdelay $0x4  }
0xe7: {  	[tilespmem:s31+$0x268] =	vst.add.f32.msk $0xffff, v1  }
0xe8: {  	v1 =	vld [tilespmem:s24+$0xFFFFFFF0];
	_ =	sdelay $0x4  }
0xe9: {  	[tilespmem:s31+$0x278] =	vst.add.f32.msk $0xffff, v1  }
0xea: {  	v1 =	vld [tilespmem:s24+$0x0];
	_ =	sdelay $0x4  }
0xeb: {  	[tilespmem:s31+$0x288] =	vst.add.f32.msk $0xffff, v1  }
0xec: {  	v1 =	vld [tilespmem:s24+$0x10];
	_ =	sdelay $0x4  }
0xed: {  	[tilespmem:s31+$0x298] =	vst.add.f32.msk $0xffff, v1  }
0xee: {  	v1 =	vld [tilespmem:s24+$0x20];
	_ =	sdelay $0x4  }
0xef: {  	[tilespmem:s31+$0x2A8] =	vst.add.f32.msk $0xffff, v1  }
0xf0: {  	v1 =	vld [tilespmem:s24+$0x30];
	_ =	sdelay $0x4  }
0xf1: {  	[tilespmem:s31+$0x2B8] =	vst.add.f32.msk $0xffff, v1  }
0xf2: {  	v1 =	vld [tilespmem:s24+$0x40];
	_ =	sdelay $0x4  }
0xf3: {  	[tilespmem:s31+$0x2C8] =	vst.add.f32.msk $0xffff, v1  }
0xf4: {  	v1 =	vld [tilespmem:s24+$0x50];
	_ =	sdelay $0x4  }
0xf5: {  	[tilespmem:s31+$0x2D8] =	vst.add.f32.msk $0xffff, v1  }
0xf6: {  	v1 =	vld [tilespmem:s24+$0x60];
	_ =	sdelay $0x4  }
0xf7: {  	[tilespmem:s31+$0x2E8] =	vst.add.f32.msk $0xffff, v1  }
0xf8: {  	v1 =	vld [tilespmem:s24+$0x70];
	_ =	sdelay $0x4  }
0xf9: {  	[tilespmem:s31+$0x2F8] =	vst.add.f32.msk $0xffff, v1  }
.LBB2_23:
0xfa: {  	s25 =	sadd.s32 $0x1, s25  }
0xfb: {  	p2 =	seq.s32 s25, $0x0  }
.Ltmp17:
0xfc: {  	_ = 	snop;
	(pc) =	sbr.rel @p2 .LBB2_24-.Ltmp17, $2  }
0xfd: {  	_ =	sdelay $0x2  }
0xfe: {  	s22 =	sadd.s32 $0x1, s22;
	s24 =	sadd.s32 $0x100, s24;
	s28 =	smov.u32 s29  }
.LBB2_18:
0xff: {  	v1 =	vld.msk [tilespmem:s22+$0x0], $0x1;
	_ =	sdelay $0x4  }
0x100: {  	(v2sf) =	vpush v1, $0x0;
	_ =	sdelay $0xe  }
0x101: {  	s29 =	spop (v2sf)  }
0x102: {  	p2 =	sne.s32 s28, s29  }
.Ltmp18:
0x103: {  	_ = 	snop;
	(pc) =	sbr.rel @!p2 .LBB2_19-.Ltmp18, $3  }
0x104: {  	_ =	sdelay $0x1  }
0x105: {  	s0 =	sshll.u32 s21, $0xA  }
0x106: {  	s31 =	sshra.s32 s0, $0x2  }
0x107: {  	p2 =	seq.s32 s28, s23  }
.Ltmp19:
0x108: {  	_ = 	snop;
	(pc) =	sbr.rel @!p2 .LBB2_21-.Ltmp19, $1  }
0x109: {  	_ =	sdelay $0x3  }
.Ltmp20:
0x10a: {  	s0 =	sadd.s32 $0x208, s31;
	(pc) =	sbr.rel .LBB2_22-.Ltmp20, $4  }
0x10b: {  	[spmem:s13] =	stream.linear.scatter [tilespmem:s0], [sflag:$0x1], $0x100, $0x38;
	[tilespmem:$0x1E668] =	vst v63  }
0x10c: {  	_ =	swait.ge [sflag:s11], $0x100  }
0x10d: {  	[sflag:s11] =	ssyncset.done $0x0  }
0x10e: {  	[sflag:s11] =	ssyncadd.s32 $0xFFFFFF00  }
.LBB2_21:
0x10f: {  	s0 =	sshll.u32 s26, $0xA  }
0x110: {  	s0 =	sshra.s32 s0, $0x2  }
0x111: {  	v1 =	vld [tilespmem:s0+$0x7308];
	_ =	sdelay $0x4  }
0x112: {  	[tilespmem:s31+$0x208] =	vst.add.f32.msk $0xffff, v1  }
0x113: {  	v1 =	vld [tilespmem:s0+$0x7318];
	_ =	sdelay $0x4  }
0x114: {  	[tilespmem:s31+$0x218] =	vst.add.f32.msk $0xffff, v1  }
0x115: {  	v1 =	vld [tilespmem:s0+$0x7328];
	_ =	sdelay $0x4  }
0x116: {  	[tilespmem:s31+$0x228] =	vst.add.f32.msk $0xffff, v1  }
0x117: {  	v1 =	vld [tilespmem:s0+$0x7338];
	_ =	sdelay $0x4  }
0x118: {  	[tilespmem:s31+$0x238] =	vst.add.f32.msk $0xffff, v1  }
0x119: {  	v1 =	vld [tilespmem:s0+$0x7348];
	_ =	sdelay $0x4  }
0x11a: {  	[tilespmem:s31+$0x248] =	vst.add.f32.msk $0xffff, v1  }
0x11b: {  	v1 =	vld [tilespmem:s0+$0x7358];
	_ =	sdelay $0x4  }
0x11c: {  	[tilespmem:s31+$0x258] =	vst.add.f32.msk $0xffff, v1  }
0x11d: {  	v1 =	vld [tilespmem:s0+$0x7368];
	_ =	sdelay $0x4  }
0x11e: {  	[tilespmem:s31+$0x268] =	vst.add.f32.msk $0xffff, v1  }
0x11f: {  	v1 =	vld [tilespmem:s0+$0x7378];
	_ =	sdelay $0x4  }
0x120: {  	[tilespmem:s31+$0x278] =	vst.add.f32.msk $0xffff, v1  }
0x121: {  	v1 =	vld [tilespmem:s0+$0x7388];
	_ =	sdelay $0x4  }
0x122: {  	[tilespmem:s31+$0x288] =	vst.add.f32.msk $0xffff, v1  }
0x123: {  	v1 =	vld [tilespmem:s0+$0x7398];
	_ =	sdelay $0x4  }
0x124: {  	[tilespmem:s31+$0x298] =	vst.add.f32.msk $0xffff, v1  }
0x125: {  	v1 =	vld [tilespmem:s0+$0x73A8];
	_ =	sdelay $0x4  }
0x126: {  	[tilespmem:s31+$0x2A8] =	vst.add.f32.msk $0xffff, v1  }
0x127: {  	v1 =	vld [tilespmem:s0+$0x73B8];
	_ =	sdelay $0x4  }
0x128: {  	[tilespmem:s31+$0x2B8] =	vst.add.f32.msk $0xffff, v1  }
0x129: {  	v1 =	vld [tilespmem:s0+$0x73C8];
	_ =	sdelay $0x4  }
0x12a: {  	[tilespmem:s31+$0x2C8] =	vst.add.f32.msk $0xffff, v1  }
0x12b: {  	v1 =	vld [tilespmem:s0+$0x73D8];
	_ =	sdelay $0x4  }
0x12c: {  	[tilespmem:s31+$0x2D8] =	vst.add.f32.msk $0xffff, v1  }
0x12d: {  	v1 =	vld [tilespmem:s0+$0x73E8];
	_ =	sdelay $0x4  }
0x12e: {  	[tilespmem:s31+$0x2E8] =	vst.add.f32.msk $0xffff, v1  }
0x12f: {  	v1 =	vld [tilespmem:s0+$0x73F8];
	_ =	sdelay $0x2  }
0x130: {  	p2 =	sgt.u32 s28, $0xC3470  }
0x131: {  	s0 =	sand.u32 @!p2 $0xFFFF8, s28  }
0x132: {  	s2 =	sadd.s32 $0x208, s31;
	s3 =	sand.u32 @!p2 $0x7, s28;
	s0 =	sadd.s32 @!p2 s1, s0;
	[tilespmem:s31+$0x2F8] =	vst.add.f32.msk $0xffff, v1  }
0x133: {  	[hbm4b:s0+s3] =	stream.linear.scatter @!p2 [tilespmem:s2], [sflag:$0xA], $0x80, $0x38;
	[tilespmem:$0x1E668] =	vst v63  }
0x134: {  	s0 =	sadd.s32 @!p2 $0x80, s28  }
0x135: {  	s0 =	sand.u32 @!p2 $0x1FFFF8, s0  }
0x136: {  	s2 =	sadd.s32 $0x288, s31;
	s0 =	sadd.s32 @!p2 s1, s0  }
0x137: {  	[hbm4b:s0+s3] =	stream.linear.scatter @!p2 [tilespmem:s2], [sflag:$0xA], $0x80, $0x38;
	[tilespmem:$0x1E668] =	vst v63  }
0x138: {  	s0 =	simm.s32 $0x0  }
0x139: {  	s0 =	simm.s32 @!p2 $0x400  }
0x13a: {  	s30 =	sadd.s32 s0, s30  }
.LBB2_22:
0x13b: {  	s0 =	sadd.s32 $0x1, s21  }
0x13c: {  	s2 =	sshrl.u32 s0, $0x4  }
0x13d: {  	s2 =	smulhi.u32 $0x24924925, s2  }
0x13e: {  	v1 =	vld [tilespmem:s24+$0xFFFFFF80]  }
0x13f: {  	s2 =	smul.u32 $0x70, s2;
	_ =	sdelay $0x1  }
0x140: {  	s21 =	ssub.s32 s0, s2  }
0x141: {  	s0 =	sshll.u32 s21, $0x8  }
0x142: {  	[tilespmem:s0+$0x208] =	vst v1  }
0x143: {  	v1 =	vld [tilespmem:s24+$0xFFFFFF90];
	_ =	sdelay $0x4  }
0x144: {  	[tilespmem:s0+$0x218] =	vst v1  }
0x145: {  	v1 =	vld [tilespmem:s24+$0xFFFFFFA0];
	_ =	sdelay $0x4  }
0x146: {  	[tilespmem:s0+$0x228] =	vst v1  }
0x147: {  	v1 =	vld [tilespmem:s24+$0xFFFFFFB0];
	_ =	sdelay $0x4  }
0x148: {  	[tilespmem:s0+$0x238] =	vst v1  }
0x149: {  	v1 =	vld [tilespmem:s24+$0xFFFFFFC0];
	_ =	sdelay $0x4  }
0x14a: {  	[tilespmem:s0+$0x248] =	vst v1  }
0x14b: {  	v1 =	vld [tilespmem:s24+$0xFFFFFFD0];
	_ =	sdelay $0x4  }
0x14c: {  	[tilespmem:s0+$0x258] =	vst v1  }
0x14d: {  	v1 =	vld [tilespmem:s24+$0xFFFFFFE0];
	_ =	sdelay $0x4  }
0x14e: {  	[tilespmem:s0+$0x268] =	vst v1  }
0x14f: {  	v1 =	vld [tilespmem:s24+$0xFFFFFFF0];
	_ =	sdelay $0x4  }
0x150: {  	[tilespmem:s0+$0x278] =	vst v1  }
0x151: {  	v1 =	vld [tilespmem:s24+$0x0];
	_ =	sdelay $0x4  }
0x152: {  	[tilespmem:s0+$0x288] =	vst v1  }
0x153: {  	v1 =	vld [tilespmem:s24+$0x10];
	_ =	sdelay $0x4  }
0x154: {  	[tilespmem:s0+$0x298] =	vst v1  }
0x155: {  	v1 =	vld [tilespmem:s24+$0x20];
	_ =	sdelay $0x4  }
0x156: {  	[tilespmem:s0+$0x2A8] =	vst v1  }
0x157: {  	v1 =	vld [tilespmem:s24+$0x30];
	_ =	sdelay $0x4  }
0x158: {  	[tilespmem:s0+$0x2B8] =	vst v1  }
0x159: {  	v1 =	vld [tilespmem:s24+$0x40];
	_ =	sdelay $0x4  }
0x15a: {  	[tilespmem:s0+$0x2C8] =	vst v1  }
0x15b: {  	v1 =	vld [tilespmem:s24+$0x50];
	_ =	sdelay $0x4  }
0x15c: {  	[tilespmem:s0+$0x2D8] =	vst v1  }
0x15d: {  	v1 =	vld [tilespmem:s24+$0x60];
	_ =	sdelay $0x4  }
0x15e: {  	[tilespmem:s0+$0x2E8] =	vst v1  }
0x15f: {  	v1 =	vld [tilespmem:s24+$0x70]  }
.Ltmp21:
0x160: {  	_ = 	snop;
	(pc) =	sbr.rel .LBB2_23-.Ltmp21, $2  }
0x161: {  	_ =	sdelay $0x2  }
0x162: {  	s26 =	sadd.s32 $0x1, s26;
	[tilespmem:s0+$0x2F8] =	vst v1  }
.LBB2_25:
.Ltmp22:
0x163: {  	(pc) =	sbr.rel .LBB2_26-.Ltmp22, $4  }
0x164: {  	_ = 	snop  }
0x165: {  	s0 =	simm.s32 $0x2  }
0x166: {  	_ =	swait.ge [sflag:s0], $0x0  }
0x167: {  	s29 =	smov.u32 s28;
	[sflag:s0] =	ssyncset.done $0x0;
	s0 =	simm.s32 $0x0  }
.LBB2_28:
0x168: {  	_ =	sfence.sel $0x180000  }
0x169: {  	s0 =	simm.s32 $0x7;
	[bflag:$0x0] =	sbarrier.arrive $0xFFFF  }
0x16a: {  	s25 =	simm.s32 $0x8;
	[sflag:s0] =	ssyncpa.u1 $0x1  }
0x16b: {  	s26 =	simm.s32 $0x9;
	[sflag:s25] =	ssyncpa.u1 $0x1  }
0x16c: {  	s28 =	simm.s32 $0x2;
	[sflag:s26] =	ssyncpa.u1 $0x1  }
0x16d: {  	[sflag:s28] =	ssyncpa.u1 $0x1  }
0x16e: {  	v0 =	vld [tilespmem:$0xE408];
	_ =	sdelay $0x4  }
0x16f: {  	(v2sf) =	vpush v0, $0x0  }
0x170: {  	(v2sf) =	vpush v0, $0x1;
	_ =	sdelay $0x1  }
0x171: {  	(v2sf) =	vpush v0, $0x2;
	_ =	sdelay $0xb  }
0x172: {  	s0 =	spop (v2sf)  }
0x173: {  	s2 =	spop (v2sf)  }
0x174: {  	s3 =	smov.u32 s0;
	p0 =	sne.s32 s0, s2  }
0x175: {  	s4 =	spop (v2sf);
	s3 =	simm.s32 @!p0 $0xFFFFFFFF  }
0x176: {  	v2 =	vimm.s32 $0x1;
	v3 =	vlaneseq.u32;
	p0 =	seq.s32 s4, $0xFFFFFFFF;
	v1 =	vmov s3  }
0x177: {  	s7 =	stileid.u32;
	v0 =	vperm.xlane v0, v2;
	p1 =	sne.s32 @!p0 s0, s2;
	v1 =	vperm.xlane v1, v3  }
0x178: {  	vm0 =	vcmask $0x3F04;
	s6 =	simm.s32 $0xE408;
	s0 =	simm.s32 @!p0 $0x1;
	p1 =	por !p1, p0  }
0x179: {  	s3 =	sshll.u32 s7, $0x1;
	s2 =	sshll.u32 @!p0 s4, $0xA;
	s0 =	simm.s32 @p1 $0x0;
	v0 =	vsel vm0, v1, v0  }
0x17a: {  	s5 =	sor.u32 $0x2000, s3;
	s2 =	sshra.s32 @!p0 s2, $0x2;
	s0 =	sor.u32 @!p0 s0, s3;
	[tilespmem:$0xE408] =	vst v0  }
0x17b: {  	[spmem:s5] =	stream.linear.scatter [tilespmem:s6], [sflag:$0x1], $0x2, $0x38;
	[tilespmem:$0x1E668] =	vst v63  }
0x17c: {  	s2 =	sadd.s32 @!p0 $0x208, s2;
	s0 =	sshll.u32 @!p0 s0, $0x8  }
0x17d: {  	[spmem:s0] =	stream.linear.scatter @!p0 [tilespmem:s2], [sflag:$0x1], $0x100, $0x38;
	[tilespmem:$0x1E668] =	vst v63  }
0x17e: {  	s2 =	simm.s32 @!p0 $0x102  }
0x17f: {  	s0 =	simm.s32 $0x1;
	s2 =	simm.s32 @p0 $0x2  }
0x180: {  	_ =	swait.ge [sflag:s0], s2  }
0x181: {  	s2 =	ssub.s32 $0x0, s2;
	[sflag:s0] =	ssyncset.done $0x0  }
0x182: {  	[sflag:s0] =	ssyncadd.s32 s2  }
0x183: {  	_ =	sfence.stream.spmem  }
0x184: {  	s29 =	simm.s32 $0x3;
	[bflag:$0x0] =	sbarrier.arrive $0xFFFF  }
0x185: {  	s30 =	simm.s32 $0x4;
	[sflag:s29] =	ssyncpa.u1 $0x1  }
0x186: {  	s31 =	simm.s32 $0x3C;
	[sflag:s30] =	ssyncpa.u1 $0x1  }
0x187: {  	p0 =	sne.s32 s7, $0x0;
	[sflag:s31] =	ssyncpa.u1 $0x1  }
0x188: {  	_ =	sfence @p0  }
0x189: {  	[sflag:s0] =	ssyncpa.u1 @p0 $0x1  }
0x18a: {  	_ =	strace @p0 $0x90000053  }
0x18b: {  	[bflag:$0x2] =	sbarrier.arrive @p0 $0xFFFF  }
0x18c: {  	_ =	shalt @p0  }
.LBB2_29:
0x18d: {  	_ =	sfence.stream.spmem;
	s0 =	simm.s32 $0x5  }
0x18e: {  	s2 =	simm.s32 $0x2000;
	s3 =	simm.s32 $0xE418;
	[sflag:s0] =	ssyncpa.u1 $0x0  }
0x18f: {  	[tilespmem:s3], [sflag:$0x5] =	stream.linear.gather [spmem:s2], $0x20, $0x38;
	[tilespmem:$0x1E668] =	vst v63  }
0x190: {  	s30 =	simm.s32 $0xE438;
	s2 =	simm.s32 $0x0  }
0x191: {  	[tilespmem:s30], [sflag:$0x5] =	stream.linear.gather [spmem:s2], $0x2000, $0x38;
	[tilespmem:$0x1E668] =	vst v63  }
.Ltmp23:
0x192: {  	_ = 	snop;
	(pc) =	sbr.rel .LBB2_30-.Ltmp23, $4  }
0x193: {  	_ =	swait.ge [sflag:s0], $0x2020  }
0x194: {  	[sflag:s0] =	ssyncset.done $0x0  }
0x195: {  	s31 =	simm.s32 $0x6;
	[sflag:s0] =	ssyncadd.s32 $0xFFFFDFE0  }
0x196: {  	s3 =	simm.s32 $0x0;
	[sflag:s31] =	ssyncpa.u1 $0x0  }
.LBB2_36:
0x197: {  	p0 =	slt.u32 s4, $0xC3471  }
0x198: {  	s0 =	sand.u32 @p0 $0xFFFF8, s4  }
0x199: {  	s5 =	sand.u32 @p0 $0x7, s4;
	s6 =	simm.s32 @p0 $0xE308;
	s0 =	sadd.s32 @p0 s1, s0  }
0x19a: {  	[tilespmem:s6], [sflag:$0x6] =	stream.linear.gather @p0 [hbm4b:s0+s5], $0x80, $0x38;
	[tilespmem:$0x1E668] =	vst v63  }
0x19b: {  	s0 =	sadd.s32 @p0 $0x80, s4  }
0x19c: {  	s0 =	sand.u32 @p0 $0x1FFFF8, s0  }
0x19d: {  	s4 =	simm.s32 @p0 $0xE388;
	s0 =	sadd.s32 @p0 s1, s0  }
0x19e: {  	[tilespmem:s4], [sflag:$0x6] =	stream.linear.gather @p0 [hbm4b:s0+s5], $0x80, $0x38;
	[tilespmem:$0x1E668] =	vst v63  }
0x19f: {  	s0 =	simm.s32 @p0 $0x6  }
0x1a0: {  	_ =	swait.ge @p0 [sflag:s0], $0x100  }
0x1a1: {  	[sflag:s0] =	ssyncset.done @p0 $0x0  }
0x1a2: {  	[sflag:s0] =	ssyncadd.s32 @p0 $0xFFFFFF00  }
0x1a3: {  	v1 =	vld @p0 [tilespmem:$0xE308];
	_ =	sdelay $0x2  }
0x1a4: {  	s0 =	sshll.u32 @p0 s3, $0xA  }
0x1a5: {  	s4 =	sshrl.u32 @p0 s0, $0x2  }
0x1a6: {  	[tilespmem:s4+$0xE438] =	vst.add.f32.msk @p0 $0xffff, v1  }
0x1a7: {  	v1 =	vld @p0 [tilespmem:$0xE318];
	_ =	sdelay $0x4  }
0x1a8: {  	[tilespmem:s4+$0xE448] =	vst.add.f32.msk @p0 $0xffff, v1  }
0x1a9: {  	v1 =	vld @p0 [tilespmem:$0xE328];
	_ =	sdelay $0x4  }
0x1aa: {  	[tilespmem:s4+$0xE458] =	vst.add.f32.msk @p0 $0xffff, v1  }
0x1ab: {  	v1 =	vld @p0 [tilespmem:$0xE338];
	_ =	sdelay $0x4  }
0x1ac: {  	[tilespmem:s4+$0xE468] =	vst.add.f32.msk @p0 $0xffff, v1  }
0x1ad: {  	v1 =	vld @p0 [tilespmem:$0xE348];
	_ =	sdelay $0x4  }
0x1ae: {  	[tilespmem:s4+$0xE478] =	vst.add.f32.msk @p0 $0xffff, v1  }
0x1af: {  	v1 =	vld @p0 [tilespmem:$0xE358];
	_ =	sdelay $0x4  }
0x1b0: {  	[tilespmem:s4+$0xE488] =	vst.add.f32.msk @p0 $0xffff, v1  }
0x1b1: {  	v1 =	vld @p0 [tilespmem:$0xE368];
	_ =	sdelay $0x4  }
0x1b2: {  	[tilespmem:s4+$0xE498] =	vst.add.f32.msk @p0 $0xffff, v1  }
0x1b3: {  	v1 =	vld @p0 [tilespmem:$0xE378];
	_ =	sdelay $0x4  }
0x1b4: {  	[tilespmem:s4+$0xE4A8] =	vst.add.f32.msk @p0 $0xffff, v1  }
0x1b5: {  	v1 =	vld @p0 [tilespmem:$0xE388];
	_ =	sdelay $0x4  }
0x1b6: {  	[tilespmem:s4+$0xE4B8] =	vst.add.f32.msk @p0 $0xffff, v1  }
0x1b7: {  	v1 =	vld @p0 [tilespmem:$0xE398];
	_ =	sdelay $0x4  }
0x1b8: {  	[tilespmem:s4+$0xE4C8] =	vst.add.f32.msk @p0 $0xffff, v1  }
0x1b9: {  	v1 =	vld @p0 [tilespmem:$0xE3A8];
	_ =	sdelay $0x4  }
0x1ba: {  	[tilespmem:s4+$0xE4D8] =	vst.add.f32.msk @p0 $0xffff, v1  }
0x1bb: {  	v1 =	vld @p0 [tilespmem:$0xE3B8];
	_ =	sdelay $0x4  }
0x1bc: {  	[tilespmem:s4+$0xE4E8] =	vst.add.f32.msk @p0 $0xffff, v1  }
0x1bd: {  	v1 =	vld @p0 [tilespmem:$0xE3C8];
	_ =	sdelay $0x4  }
0x1be: {  	[tilespmem:s4+$0xE4F8] =	vst.add.f32.msk @p0 $0xffff, v1  }
0x1bf: {  	v1 =	vld @p0 [tilespmem:$0xE3D8];
	_ =	sdelay $0x4  }
0x1c0: {  	[tilespmem:s4+$0xE508] =	vst.add.f32.msk @p0 $0xffff, v1  }
0x1c1: {  	v1 =	vld @p0 [tilespmem:$0xE3E8];
	_ =	sdelay $0x4  }
0x1c2: {  	[tilespmem:s4+$0xE518] =	vst.add.f32.msk @p0 $0xffff, v1  }
0x1c3: {  	v1 =	vld @p0 [tilespmem:$0xE3F8];
	_ =	sdelay $0x3  }
0x1c4: {  	s5 =	sshll.u32 @!p0 s3, $0xA  }
0x1c5: {  	s5 =	smov.u32 @p0 s0;
	[tilespmem:s4+$0xE528] =	vst.add.f32.msk @p0 $0xffff, v1  }
0x1c6: {  	s0 =	sshrl.u32 s5, $0x2;
	[tilespmem:s2+$0xE418] =	vst.msk $0x1, v0  }
0x1c7: {  	v0 =	vld [tilespmem:s0+$0xE438];
	_ =	sdelay $0x2  }
0x1c8: {  	s31 =	sshll.u32 s2, $0xA  }
0x1c9: {  	s4 =	sshra.s32 s31, $0x2  }
0x1ca: {  	[tilespmem:s4+$0xE438] =	vst v0  }
0x1cb: {  	v0 =	vld [tilespmem:s0+$0xE448];
	_ =	sdelay $0x4  }
0x1cc: {  	[tilespmem:s4+$0xE448] =	vst v0  }
0x1cd: {  	v0 =	vld [tilespmem:s0+$0xE458];
	_ =	sdelay $0x4  }
0x1ce: {  	[tilespmem:s4+$0xE458] =	vst v0  }
0x1cf: {  	v0 =	vld [tilespmem:s0+$0xE468];
	_ =	sdelay $0x4  }
0x1d0: {  	[tilespmem:s4+$0xE468] =	vst v0  }
0x1d1: {  	v0 =	vld [tilespmem:s0+$0xE478];
	_ =	sdelay $0x4  }
0x1d2: {  	[tilespmem:s4+$0xE478] =	vst v0  }
0x1d3: {  	v0 =	vld [tilespmem:s0+$0xE488];
	_ =	sdelay $0x4  }
0x1d4: {  	[tilespmem:s4+$0xE488] =	vst v0  }
0x1d5: {  	v0 =	vld [tilespmem:s0+$0xE498];
	_ =	sdelay $0x4  }
0x1d6: {  	[tilespmem:s4+$0xE498] =	vst v0  }
0x1d7: {  	v0 =	vld [tilespmem:s0+$0xE4A8];
	_ =	sdelay $0x4  }
0x1d8: {  	[tilespmem:s4+$0xE4A8] =	vst v0  }
0x1d9: {  	v0 =	vld [tilespmem:s0+$0xE4B8];
	_ =	sdelay $0x4  }
0x1da: {  	[tilespmem:s4+$0xE4B8] =	vst v0  }
0x1db: {  	v0 =	vld [tilespmem:s0+$0xE4C8];
	_ =	sdelay $0x4  }
0x1dc: {  	[tilespmem:s4+$0xE4C8] =	vst v0  }
0x1dd: {  	v0 =	vld [tilespmem:s0+$0xE4D8];
	_ =	sdelay $0x4  }
0x1de: {  	[tilespmem:s4+$0xE4D8] =	vst v0  }
0x1df: {  	v0 =	vld [tilespmem:s0+$0xE4E8];
	_ =	sdelay $0x4  }
0x1e0: {  	[tilespmem:s4+$0xE4E8] =	vst v0  }
0x1e1: {  	v0 =	vld [tilespmem:s0+$0xE4F8];
	_ =	sdelay $0x4  }
0x1e2: {  	[tilespmem:s4+$0xE4F8] =	vst v0  }
0x1e3: {  	v0 =	vld [tilespmem:s0+$0xE508];
	_ =	sdelay $0x4  }
0x1e4: {  	[tilespmem:s4+$0xE508] =	vst v0  }
0x1e5: {  	v0 =	vld [tilespmem:s0+$0xE518];
	_ =	sdelay $0x4  }
0x1e6: {  	[tilespmem:s4+$0xE518] =	vst v0  }
0x1e7: {  	v0 =	vld [tilespmem:s0+$0xE528];
	_ =	sdelay $0x4  }
0x1e8: {  	s2 =	sadd.s32 $0x1, s2;
	[tilespmem:s4+$0xE528] =	vst v0  }
.LBB2_37:
0x1e9: {  	s3 =	sadd.s32 $0x1, s3  }
0x1ea: {  	p0 =	sne.s32 s3, $0x20  }
.Ltmp24:
0x1eb: {  	_ = 	snop;
	(pc) =	sbr.rel @!p0 .LBB2_38-.Ltmp24, $1  }
0x1ec: {  	_ =	sdelay $0x3  }
.LBB2_30:
0x1ed: {  	v0 =	vld.msk [tilespmem:s3+$0xE418], $0x1;
	_ =	sdelay $0x4  }
0x1ee: {  	(v2sf) =	vpush v0, $0x0;
	_ =	sdelay $0xe  }
0x1ef: {  	s4 =	spop (v2sf)  }
0x1f0: {  	p0 =	seq.s32 s4, $0xFFFFFFFF  }
.Ltmp25:
0x1f1: {  	_ = 	snop;
	(pc) =	sbr.rel @p0 .LBB2_37-.Ltmp25, $1  }
0x1f2: {  	_ =	sdelay $0x3  }
0x1f3: {  	p0 =	slt.s32 s2, $0x1  }
.Ltmp26:
0x1f4: {  	_ = 	snop;
	(pc) =	sbr.rel @p0 .LBB2_36-.Ltmp26, $1  }
0x1f5: {  	_ =	sdelay $0x3  }
0x1f6: {  	s5 =	simm.s32 $0xE418;
	p0 =	por $0x0, $0x0  }
0x1f7: {  	v1 =	vld.msk @!p0 [tilespmem:s5+$0x0], $0x1;
	_ =	sdelay $0x4  }
0x1f8: {  	(v2sf) =	vpush @!p0 v1, $0x0;
	_ =	sdelay $0xd  }
0x1f9: {  	p2 =	sne.s32 s2, $0x1  }
.Ltmp27:
0x1fa: {  	s0 =	spop @!p0 (v2sf);
	(pc) =	sbr.rel @!p2 .LBB2_34-.Ltmp27, $4  }
0x1fb: {  	p1 =	seq.s32 @!p0 s4, s0  }
0x1fc: {  	s6 =	simm.s32 $0x0;
	p1 =	por !p1, p0  }
0x1fd: {  	s0 =	simm.s32 $0xFFFFFFFF;
	s6 =	simm.s32 @p1 $0xFFFFFFFF  }
0x1fe: {  	s7 =	simm.s32 $0x1;
	s6 =	smov.u32 @p0 s0  }
.LBB2_33:
0x1ff: {  	s0 =	smov.u32 s6;
	p0 =	sne.s32 s6, $0xFFFFFFFF  }
0x200: {  	s5 =	sadd.s32 $0x1, s5;
	s6 =	smov.u32 s7;
	s7 =	sadd.s32 $0x1, s7  }
0x201: {  	p1 =	sne.s32 s2, s7;
	v1 =	vld.msk @!p0 [tilespmem:s5+$0x0], $0x1;
	_ =	sdelay $0x4  }
0x202: {  	(v2sf) =	vpush @!p0 v1, $0x0;
	_ =	sdelay $0xe  }
.Ltmp28:
0x203: {  	s8 =	spop @!p0 (v2sf);
	(pc) =	sbr.rel @p1 .LBB2_33-.Ltmp28, $4  }
0x204: {  	p2 =	seq.s32 @!p0 s4, s8  }
0x205: {  	p2 =	por !p2, p0  }
0x206: {  	s6 =	simm.s32 @p2 $0xFFFFFFFF  }
0x207: {  	s6 =	smov.u32 @p0 s0  }
.LBB2_34:
0x208: {  	p0 =	seq.s32 s6, $0xFFFFFFFF  }
.Ltmp29:
0x209: {  	_ = 	snop;
	(pc) =	sbr.rel @p0 .LBB2_36-.Ltmp29, $1  }
0x20a: {  	_ =	sdelay $0x3  }
0x20b: {  	s0 =	sshll.u32 s3, $0x8  }
0x20c: {  	s0 =	sand.u32 $0x3FFFFF00, s0  }
0x20d: {  	v0 =	vld [tilespmem:s0+$0xE438];
	_ =	sdelay $0x2  }
0x20e: {  	s4 =	sshll.u32 s6, $0xA  }
0x20f: {  	s4 =	sshra.s32 s4, $0x2  }
0x210: {  	[tilespmem:s4+$0xE438] =	vst.add.f32.msk $0xffff, v0  }
0x211: {  	v0 =	vld [tilespmem:s0+$0xE448];
	_ =	sdelay $0x4  }
0x212: {  	[tilespmem:s4+$0xE448] =	vst.add.f32.msk $0xffff, v0  }
0x213: {  	v0 =	vld [tilespmem:s0+$0xE458];
	_ =	sdelay $0x4  }
0x214: {  	[tilespmem:s4+$0xE458] =	vst.add.f32.msk $0xffff, v0  }
0x215: {  	v0 =	vld [tilespmem:s0+$0xE468];
	_ =	sdelay $0x4  }
0x216: {  	[tilespmem:s4+$0xE468] =	vst.add.f32.msk $0xffff, v0  }
0x217: {  	v0 =	vld [tilespmem:s0+$0xE478];
	_ =	sdelay $0x4  }
0x218: {  	[tilespmem:s4+$0xE478] =	vst.add.f32.msk $0xffff, v0  }
0x219: {  	v0 =	vld [tilespmem:s0+$0xE488];
	_ =	sdelay $0x4  }
0x21a: {  	[tilespmem:s4+$0xE488] =	vst.add.f32.msk $0xffff, v0  }
0x21b: {  	v0 =	vld [tilespmem:s0+$0xE498];
	_ =	sdelay $0x4  }
0x21c: {  	[tilespmem:s4+$0xE498] =	vst.add.f32.msk $0xffff, v0  }
0x21d: {  	v0 =	vld [tilespmem:s0+$0xE4A8];
	_ =	sdelay $0x4  }
0x21e: {  	[tilespmem:s4+$0xE4A8] =	vst.add.f32.msk $0xffff, v0  }
0x21f: {  	v0 =	vld [tilespmem:s0+$0xE4B8];
	_ =	sdelay $0x4  }
0x220: {  	[tilespmem:s4+$0xE4B8] =	vst.add.f32.msk $0xffff, v0  }
0x221: {  	v0 =	vld [tilespmem:s0+$0xE4C8];
	_ =	sdelay $0x4  }
0x222: {  	[tilespmem:s4+$0xE4C8] =	vst.add.f32.msk $0xffff, v0  }
0x223: {  	v0 =	vld [tilespmem:s0+$0xE4D8];
	_ =	sdelay $0x4  }
0x224: {  	[tilespmem:s4+$0xE4D8] =	vst.add.f32.msk $0xffff, v0  }
0x225: {  	v0 =	vld [tilespmem:s0+$0xE4E8];
	_ =	sdelay $0x4  }
0x226: {  	[tilespmem:s4+$0xE4E8] =	vst.add.f32.msk $0xffff, v0  }
0x227: {  	v0 =	vld [tilespmem:s0+$0xE4F8];
	_ =	sdelay $0x4  }
0x228: {  	[tilespmem:s4+$0xE4F8] =	vst.add.f32.msk $0xffff, v0  }
0x229: {  	v0 =	vld [tilespmem:s0+$0xE508];
	_ =	sdelay $0x4  }
0x22a: {  	[tilespmem:s4+$0xE508] =	vst.add.f32.msk $0xffff, v0  }
0x22b: {  	v0 =	vld [tilespmem:s0+$0xE518];
	_ =	sdelay $0x4  }
0x22c: {  	[tilespmem:s4+$0xE518] =	vst.add.f32.msk $0xffff, v0  }
0x22d: {  	v0 =	vld [tilespmem:s0+$0xE528]  }
.Ltmp30:
0x22e: {  	_ = 	snop;
	(pc) =	sbr.rel .LBB2_37-.Ltmp30, $2  }
0x22f: {  	_ =	sdelay $0x2  }
0x230: {  	[tilespmem:s4+$0xE528] =	vst.add.f32.msk $0xffff, v0  }
.LBB2_38:
0x231: {  	p0 =	slt.s32 s2, $0x1  }
.Ltmp31:
0x232: {  	_ = 	snop;
	(pc) =	sbr.rel @p0 .LBB2_42-.Ltmp31, $3  }
0x233: {  	_ =	sdelay $0x1  }
0x234: {  	s0 =	simm.s32 $0x6  }
0x235: {  	[sflag:s0] =	ssyncpa.u1 $0x1;
	s0 =	simm.s32 $0x0  }
0x236: {  	s3 =	simm.s32 $0xE418  }
0x237: {  	v0 =	vld.msk [tilespmem:s3+$0x0], $0x1;
	_ =	sdelay $0x4  }
0x238: {  	(v2sf) =	vpush v0, $0x0;
	_ =	sdelay $0xe  }
0x239: {  	s2 =	sadd.s32 $0xFFFFFFFF, s2;
	s4 =	spop (v2sf)  }
0x23a: {  	s5 =	simm.s32 $0xE438;
	p0 =	sne.s32 s2, $0x0;
	p1 =	sgt.u32 s4, $0xC3470  }
.Ltmp32:
0x23b: {  	s3 =	simm.s32 $0xE538;
	s6 =	sand.u32 @!p1 $0xFFFF8, s4;
	(pc) =	sbr.rel @!p0 .LBB2_41-.Ltmp32, $4  }
0x23c: {  	s7 =	sadd.s32 @!p1 $0x80, s4;
	s8 =	sadd.s32 @!p1 s1, s6;
	s6 =	sand.u32 @!p1 $0x7, s4  }
0x23d: {  	[hbm4b:s8+s6] =	stream.linear.scatter @!p1 [tilespmem:s5], [sflag:$0x5], $0x80, $0x38;
	[tilespmem:$0x1E668] =	vst v63  }
0x23e: {  	s0 =	simm.s32 @!p1 $0x400;
	s4 =	simm.s32 $0xE419;
	s5 =	sand.u32 @!p1 $0x1FFFF8, s7  }
0x23f: {  	s7 =	simm.s32 @!p1 $0xE4B8;
	s8 =	sadd.s32 @!p1 s1, s5;
	s5 =	sadd.s32 $0x0, s0  }
.LBB2_40:
0x240: {  	[hbm4b:s8+s6] =	stream.linear.scatter @!p1 [tilespmem:s7], [sflag:$0x5], $0x80, $0x38;
	[tilespmem:$0x1E668] =	vst v63  }
0x241: {  	s2 =	sadd.s32 $0xFFFFFFFF, s2;
	s0 =	smov.u32 s3;
	v0 =	vld.msk [tilespmem:s4+$0x0], $0x1  }
0x242: {  	p0 =	sne.s32 s2, $0x0;
	_ =	sdelay $0x3  }
0x243: {  	(v2sf) =	vpush v0, $0x0;
	_ =	sdelay $0xe  }
0x244: {  	s3 =	sadd.s32 $0x100, s3;
	s9 =	simm.s32 $0x0;
	s6 =	spop (v2sf)  }
.Ltmp33:
0x245: {  	s4 =	sadd.s32 $0x1, s4;
	p1 =	sgt.u32 s6, $0xC3470;
	(pc) =	sbr.rel @p0 .LBB2_40-.Ltmp33, $4  }
0x246: {  	s9 =	simm.s32 @!p1 $0x400;
	s7 =	sand.u32 @!p1 $0xFFFF8, s6;
	s8 =	sadd.s32 @!p1 $0x80, s6  }
0x247: {  	s6 =	sand.u32 @!p1 $0x7, s6;
	s7 =	sadd.s32 @!p1 s1, s7;
	s8 =	sand.u32 @!p1 $0x1FFFF8, s8  }
0x248: {  	[hbm4b:s7+s6] =	stream.linear.scatter @!p1 [tilespmem:s0], [sflag:$0x5], $0x80, $0x38;
	[tilespmem:$0x1E668] =	vst v63  }
0x249: {  	s5 =	sadd.s32 s5, s9;
	s7 =	sadd.s32 @!p1 $0x80, s0;
	s8 =	sadd.s32 @!p1 s1, s8  }
.LBB2_41:
0x24a: {  	[hbm4b:s8+s6] =	stream.linear.scatter @!p1 [tilespmem:s7], [sflag:$0x5], $0x80, $0x38;
	[tilespmem:$0x1E668] =	vst v63  }
0x24b: {  	s0 =	sshrl.u32 s5, $0x2  }
.LBB2_42:
0x24c: {  	s1 =	simm.s32 $0x5  }
0x24d: {  	_ =	swait.ge [sflag:s1], s0  }
0x24e: {  	s29 =	ssub.s32 $0x0, s0;
	[sflag:s1] =	ssyncset.done $0x0  }
0x24f: {  	[sflag:s1] =	ssyncadd.s32 s29  }
0x250: {  	[sflag:s1] =	ssyncpa.u1 $0x1  }
0x251: {  	s30 =	simm.s32 $0x1;
	_ =	sfence  }
0x252: {  	[sflag:s30] =	ssyncpa.u1 $0x1  }
0x253: {  	_ =	strace $0x90000053  }
0x254: {  	[bflag:$0x2] =	sbarrier.arrive $0xFFFF  }
0x255: {  	s31 =	rddreg [dreg:$0x1]  }
0x256: {  	s0 =	sadd.s32 $0x100000, s31  }
0x257: {  	[sflag:s0] =	ssyncadd.tile.s32 $0x1;
	_ =	shalt  }
.Lfunc_end2:
_tile_overlayer_lowered:
.L_overlay_start_2:
0x258: {  	(tag) =	ssettag $0x2  }
0x259: {  	s0 =	rddreg [dreg:$0x0];
	s2 =	stileid.u32  }
0x25a: {  	s1 =	rddreg [dreg:$0x1];
	p0 =	sne.s32 s2, $0x0  }
0x25b: {  	s3 =	rddreg [dreg:$0x2];
	[bflag:$0x3] =	sbarrier.arrive $0xFFFF;
	s2 =	simm.s32 @!p0 $0x1C01  }
0x25c: {  	[timem:s3], [sflag:s2] =	dma.local @!p0 [hbm:s0], s1  }
0x25d: {  	s0 =	simm.s32 @!p0 $0x1  }
0x25e: {  	_ =	swait.ge @!p0 [sflag:s0], s1  }
0x25f: {  	s1 =	ssub.s32 @!p0 $0x0, s1;
	[sflag:s0] =	ssyncset.done @!p0 $0x0  }
0x260: {  	[sflag:s0] =	ssyncadd.s32 @!p0 s1  }
0x261: {  	[bflag:$0x3] =	sbarrier.arrive $0xFFFF  }
0x262: {  	_ =	shalt  }

// kernel: scatter_offload_async_start.4
scs
__scs_entry_jumppad:
0x0: {  	(pc) =	sbr.rel $0x88, $3  }
0x1: {  	(tag) =	ssettag $0x0;
	lr =	simm.s32 $0x1  }
0x2: {  	[smem:$0x3F93] =	sst lr;
	_ =	strace $0xD0000000  }
0x3: {  	_ = 	snop  }
0x4: {  	_ = 	snop  }
0x5: {  	_ = 	snop  }
0x6: {  	_ = 	snop  }
0x7: {  	_ = 	snop  }
__scs_overlays_trampoline_lowered:
0x8: {  	[smem:$0x3FA2] =	sst s0  }
0x9: {  	[smem:$0x3FA3] =	sst s1  }
0xa: {  	[smem:$0x3FA4] =	sst s2  }
0xb: {  	[smem:$0x3FA5] =	sst s3  }
0xc: {  	[smem:$0x3FA6] =	sst s4  }
0xd: {  	[smem:$0x3FA7] =	sst s5  }
0xe: {  	[smem:$0x3FA8] =	sst s6  }
0xf: {  	[smem:$0x3FA9] =	sst s7  }
0x10: {  	[smem:$0x3FAA] =	sst s8  }
0x11: {  	[smem:$0x3FAB] =	sst s9;
	s0 =	simm.s32 @!p0 $0x0  }
0x12: {  	s1 =	sld [smem:$0x3F91];
	s0 =	simm.s32 @p0 $0x1  }
0x13: {  	[smem:$0x3FAC] =	sst s0;
	s0 =	simm.s32 @!p1 $0x0  }
0x14: {  	s2 =	sld [smem:$0x3F90];
	s0 =	simm.s32 @p1 $0x1  }
0x15: {  	[smem:$0x3FAD] =	sst s0;
	s0 =	simm.s32 @!p2 $0x0  }
0x16: {  	s3 =	sld [smem:$0x3FDB];
	s0 =	simm.s32 @p2 $0x1  }
0x17: {  	s4 =	simm.s32 $0x1BF5;
	[smem:$0x3FAF] =	sst s0  }
0x18: {  	s0 =	sld [smem:$0x3F92];
	_ =	swait.ge [sflag:s4], $0x0  }
0x19: {  	s7 =	sld [smem:$0x3F93]  }
0x1a: {  	s8 =	sadd.s32 $0xFFFFE003, lr  }
0x1b: {  	s9 =	sadd.s32 $0xFFFFFEF7, lr;
	s5 =	simm.s32 $0xFFFFFFFF;
	p2 =	slt.u32 s8, $0xFFFFF086  }
0x1c: {  	p1 =	slt.u32 s9, $0xF7A;
	s5 =	simm.s32 @!p2 $0x0  }
0x1d: {  	s5 =	simm.s32 @p1 $0x1;
	p0 =	seq.s32 s7, s2  }
0x1e: {  	s7 =	smul.u32 @!p0 $0xF7A, s2;
	p2 =	seq.s32 @!p0 s5, $0x0  }
0x1f: {  	s9 =	smul.u32 $0xF7A, s1;
	s8 =	simm.s32 @!p0 $0x1BF5;
	p2 =	por !p2, p0  }
0x20: {  	[sflag:s8] =	ssyncset.s32 @!p0 $0xFFFFF086;
	s6 =	sadd.s32 @!p0 s3, s7;
	s7 =	simm.s32 @!p0 $0x108  }
0x21: {  	s3 =	sadd.s32 s3, s9;
	s6 =	sadd.s32 @!p0 $0x88, s6;
	s7 =	simm.s32 @p2 $0x1082  }
0x22: {  	[simem:s7], [sflag:s8] =	dma.local @!p0 [hbm:s6], $0xF7A  }
0x23: {  	s9 =	sor.u32 $0xD0000000, s2;
	s6 =	simm.s32 $0x108;
	_ =	swait.ge @!p0 [sflag:s8], $0x0  }
0x24: {  	s3 =	sadd.s32 $0x88, s3;
	s6 =	simm.s32 @!p1 $0x1082;
	[sflag:s4] =	ssyncset.s32 $0xFFFFF086  }
0x25: {  	[simem:s6], [sflag:s4] =	dma.local [hbm:s3], $0xF7A  }
0x26: {  	[smem:$0x3F93] =	sst s1;
	(tag) =	ssettag s2;
	_ =	strace s9  }
0x27: {  	s1 =	sld [smem:$0x3FA3]  }
0x28: {  	s2 =	sld [smem:$0x3FA4]  }
0x29: {  	s4 =	sld [smem:$0x3FA6]  }
0x2a: {  	p0 =	seq.s32 s5, $0x0;
	s5 =	sld [smem:$0x3FA7]  }
0x2b: {  	s6 =	sld [smem:$0x3FA8]  }
0x2c: {  	s7 =	sld [smem:$0x3FA9]  }
0x2d: {  	s3 =	simm.s32 $0x108;
	s8 =	sld [smem:$0x3FAA]  }
0x2e: {  	s3 =	simm.s32 @!p0 $0x1082;
	s9 =	sld [smem:$0x3FAB]  }
0x2f: {  	lr =	sadd.s32 s0, s3;
	s0 =	sld [smem:$0x3FA2]  }
0x30: {  	s3 =	sld [smem:$0x3FA5]  }
0x31: {  	[smem:$0x3FAE] =	sst s10  }
0x32: {  	s10 =	sld [smem:$0x3FAC];
	_ =	sdelay $0x3  }
0x33: {  	p0 =	seq.s32 s10, $0x1;
	s10 =	sld [smem:$0x3FAE];
	_ =	sdelay $0x3  }
0x34: {  	[smem:$0x3FAE] =	sst s10  }
0x35: {  	s10 =	sld [smem:$0x3FAD];
	_ =	sdelay $0x3  }
0x36: {  	p1 =	seq.s32 s10, $0x1;
	s10 =	sld [smem:$0x3FAE];
	_ =	sdelay $0x3  }
0x37: {  	[smem:$0x3FAE] =	sst s10  }
0x38: {  	s10 =	sld [smem:$0x3FAF]  }
0x39: {  	_ = 	snop;
	(pc) =	sbr.ind lr, $3  }
0x3a: {  	_ = 	snop  }
0x3b: {  	_ = 	snop  }
0x3c: {  	p2 =	seq.s32 s10, $0x1;
	s10 =	sld [smem:$0x3FAE]  }
0x3d: {  	_ =	shalt  }
0x3e: {  	_ =	shalt  }
0x3f: {  	_ =	shalt  }
0x40: {  	_ =	shalt  }
0x41: {  	_ =	shalt  }
0x42: {  	_ =	shalt  }
0x43: {  	_ =	shalt  }
0x44: {  	_ =	shalt  }
0x45: {  	_ =	shalt  }
0x46: {  	_ =	shalt  }
0x47: {  	_ =	shalt  }
0x48: {  	_ =	shalt  }
0x49: {  	_ =	shalt  }
0x4a: {  	_ =	shalt  }
0x4b: {  	_ =	shalt  }
0x4c: {  	_ =	shalt  }
0x4d: {  	_ =	shalt  }
0x4e: {  	_ =	shalt  }
0x4f: {  	_ =	shalt  }
0x50: {  	_ =	shalt  }
0x51: {  	_ =	shalt  }
0x52: {  	_ =	shalt  }
0x53: {  	_ =	shalt  }
0x54: {  	_ =	shalt  }
0x55: {  	_ =	shalt  }
0x56: {  	_ =	shalt  }
0x57: {  	_ =	shalt  }
0x58: {  	_ =	shalt  }
0x59: {  	_ =	shalt  }
0x5a: {  	_ =	shalt  }
0x5b: {  	_ =	shalt  }
0x5c: {  	_ =	shalt  }
0x5d: {  	_ =	shalt  }
0x5e: {  	_ =	shalt  }
0x5f: {  	_ =	shalt  }
0x60: {  	_ =	shalt  }
0x61: {  	_ =	shalt  }
0x62: {  	_ =	shalt  }
0x63: {  	_ =	shalt  }
0x64: {  	_ =	shalt  }
0x65: {  	_ =	shalt  }
0x66: {  	_ =	shalt  }
0x67: {  	_ =	shalt  }
0x68: {  	_ =	shalt  }
0x69: {  	_ =	shalt  }
0x6a: {  	_ =	shalt  }
0x6b: {  	_ =	shalt  }
0x6c: {  	_ =	shalt  }
0x6d: {  	_ =	shalt  }
0x6e: {  	_ =	shalt  }
0x6f: {  	_ =	shalt  }
0x70: {  	_ =	shalt  }
0x71: {  	_ =	shalt  }
0x72: {  	_ =	shalt  }
0x73: {  	_ =	shalt  }
0x74: {  	_ =	shalt  }
0x75: {  	_ =	shalt  }
0x76: {  	_ =	shalt  }
0x77: {  	_ =	shalt  }
0x78: {  	_ =	shalt  }
0x79: {  	_ =	shalt  }
0x7a: {  	_ =	shalt  }
0x7b: {  	_ =	shalt  }
0x7c: {  	_ =	shalt  }
0x7d: {  	_ =	shalt  }
0x7e: {  	_ =	shalt  }
0x7f: {  	_ =	shalt  }
0x80: {  	_ =	shalt  }
0x81: {  	_ =	shalt  }
0x82: {  	_ =	shalt  }
0x83: {  	_ =	shalt  }
0x84: {  	_ =	shalt  }
0x85: {  	_ =	shalt  }
0x86: {  	_ =	shalt  }
0x87: {  	_ =	shalt  }
.Lfunc_end0:
.L_simem_size_0:
called_computation.4_lowered:
.L_overlay_start_0:
0x88: {  	s0 =	sld [smem:$0x3FD9]  }
0x89: {  	s1 =	sld [smem:$0x3FFE];
	_ =	sdelay $0x3  }
0x8a: {  	s0 =	sadd.s32 s1, s0  }
0x8b: {  	[smem:$0x3FBA] =	sst s0  }
0x8c: {  	_ = 	snop  }
0x8d: {  	(tm) =	ssettm $0x1  }
0x8e: {  	s15 =	sld [smem:$0x3FFB];
	_ =	sdelay $0x3  }
0x8f: {  	_ =	strace s15  }
0x90: {  	s0 =	sld [smem:$0x3FFC];
	_ =	sdelay $0x3  }
0x91: {  	_ =	strace s0  }
0x92: {  	s0 =	sld [smem:$0x3FFD];
	_ =	sdelay $0x3  }
0x93: {  	_ =	strace s0  }
0x94: {  	_ =	strace $0x8FFFFFFF  }
0x95: {  	s16 =	sld [smem:$0x3FDB];
	_ =	sdelay $0x1  }
0x96: {  	s17 =	simm.s32 $_scs_section_size  }
0x97: {  	s2 =	simm.s32 $_size__tile_overlayer_lowered;
	s3 =	simm.s32 $_tile_overlayer_lowered  }
0x98: {  	s20 =	simm.s32 $0x1BFF;
	s19 =	sshll.u32 s3, $0x1;
	s0 =	sadd.s32 s17, s16  }
0x99: {  	s4 =	simm.s32 $0x0;
	s18 =	sshll.u32 s2, $0x1;
	s2 =	sadd.s32 s19, s0  }
0x9a: {  	[timem:s4], [sflag:s20] =	dma.local [hbm:s2], s18  }
0x9b: {  	_ =	swait.ge [sflag:s20], s18  }
0x9c: {  	s1 =	ssub.s32 $0x0, s18;
	[sflag:s20] =	ssyncset.done $0x0  }
0x9d: {  	[sflag:s20] =	ssyncadd.s32 s1;
	_ =	sdelay $0x1  }
0x9e: {  	s21 =	simm.s32 $0x1B8B  }
0x9f: {  	_ =	swait.ge [sflag:s21], $0x1  }
0xa0: {  	[sflag:s21] =	ssyncset.done $0x0  }
0xa1: {  	s23 =	simm.s32 $0x1B8E;
	s22 =	sld [smem:$0x3FFE];
	[sflag:s21] =	ssyncadd.s32 $0xFFFFFFFF  }
0xa2: {  	s24 =	simm.s32 $execute0_lowered;
	[smem:$0x3FD2] =	sst s23  }
0xa3: {  	s2 =	sshll.u32 s24, $0x1;
	_ =	strace $0x80000058;
	[dreg:$0x1] =	wrdreg $0xFFFFFFFF  }
0xa4: {  	s25 =	simm.s32 $_size_execute0_lowered;
	s0 =	sadd.s32 s0, s2;
	[dreg:$0x0] =	wrdreg $0x0  }
0xa5: {  	s2 =	sshll.u32 s25, $0x1;
	[dreg:$0x2] =	wrdreg s0  }
0xa6: {  	[dreg:$0x3] =	wrdreg s2  }
0xa7: {  	[dreg:$0x4] =	wrdreg $0xC0  }
0xa8: {  	_ =	task [dreg:s4], $0x5FFFF  }
0xa9: {  	[dreg:$0x1] =	wrdreg $0xFFFFFFFF  }
0xaa: {  	[dreg:$0x0] =	wrdreg $0x60  }
0xab: {  	[dreg:$0x2] =	wrdreg s22  }
0xac: {  	[dreg:$0x3] =	wrdreg $0x9  }
0xad: {  	_ =	task.clear_ibuf [dreg:s4], $0x4FFFF;
	_ =	strace $0x90000058  }
0xae: {  	s26 =	simm.s32 $0x9;
	_ =	strace $0x8000005A  }
0xaf: {  	_ =	swait.ge [sflag:s26], $0x1  }
0xb0: {  	[sflag:s26] =	ssyncadd.s32 $0xFFFFFFFF  }
0xb1: {  	_ =	strace $0x9000005A  }
0xb2: {  	_ =	sfence  }
0xb3: {  	s28 =	sld [smem:$0x0];
	_ =	sdelay $0x1  }
0xb4: {  	s29 =	srdreg.scid  }
0xb5: {  	s30 =	sshll.u32 s29, $0xD;
	s31 =	sshrl.u32 s29, $0x2  }
0xb6: {  	s1 =	sand.u32 $0x1, s29;
	s2 =	sand.u32 $0x4000, s30;
	s0 =	sadd.s32 s31, s28  }
0xb7: {  	s1 =	sor.u32 s2, s1;
	s0 =	sshll.u32 s0, $0x11  }
0xb8: {  	s0 =	sor.u32 s0, s1  }
0xb9: {  	s0 =	sadd.s32 $0x8F2B, s0  }
0xba: {  	[sflag:s0] =	ssyncadd.remote.s32 $0x1  }
0xbb: {  	_ =	sfence.sel $0xFFFF  }
0xbc: {  	[dreg:$0x0] =	wrdreg $0xFFFFFFFF;
	(pc) =	sbr.abs _section_cstart, $3  }
0xbd: {  	[dreg:$0x1] =	wrdreg $0xFFFFFFFF  }
0xbe: {  	_ =	task.clear_ibuf [dreg:s4], $0x2FFFF;
	_ =	strace $0x9FFFFFFF  }
0xbf: {  	(tm) =	ssettm $0x7FFFFFFF  }
tec
execute0_lowered:
.L_overlay_start_1:
0x0: {  	(tag) =	ssettag $0x1  }
0x1: {  	s10 =	rddreg [dreg:$0x0];
	_ =	strace $0x80000059;
	s0 =	simm.s32 $0x1  }
0x2: {  	s8 =	simm.s32 $0x208;
	v0 =	vimm.s32 $0x0;
	[sflag:s0] =	ssyncpa.u1 $0x0  }
0x3: {  	[tilespmem:s8+$0x70] =	vst v0  }
0x4: {  	[tilespmem:s8+$0x60] =	vst v0  }
0x5: {  	[tilespmem:s8+$0x50] =	vst v0  }
0x6: {  	[tilespmem:s8+$0x40] =	vst v0  }
0x7: {  	[tilespmem:s8+$0x30] =	vst v0  }
0x8: {  	s1 =	sadd.s32 $0x32C2E00, s10;
	[tilespmem:s8+$0x20] =	vst v0  }
0x9: {  	s4 =	sadd.s32 $0xC8400, s10;
	s5 =	sadd.s32 $0x12B800, s10;
	s0 =	simm.s32 $0x40;
	[tilespmem:s8+$0x10] =	vst v0  }
.LBB2_1:
0xa: {  	s0 =	sadd.s32 $0x40, s0;
	[tilespmem:s8+$0x0] =	vst v0;
	s8 =	sadd.s32 $0x80, s8  }
0xb: {  	p0 =	slt.u32 s0, $0x3880;
	[tilespmem:s8+$0x70] =	vst v0  }
0xc: {  	[tilespmem:s8+$0x60] =	vst v0  }
.Ltmp0:
0xd: {  	[tilespmem:s8+$0x50] =	vst v0;
	(pc) =	sbr.rel @p0 .LBB2_1-.Ltmp0, $4  }
0xe: {  	[tilespmem:s8+$0x40] =	vst v0  }
0xf: {  	[tilespmem:s8+$0x30] =	vst v0  }
0x10: {  	[tilespmem:s8+$0x20] =	vst v0  }
0x11: {  	[tilespmem:s8+$0x10] =	vst v0  }
0x12: {  	s9 =	stileid.u32  }
0x13: {  	s0 =	smul.u32 $0x38A, s9  }
0x14: {  	s2 =	smin.u32 s9, $0xD  }
0x15: {  	s0 =	sadd.s32 s2, s0  }
0x16: {  	p0 =	slt.u32 s9, $0xD;
	s17 =	smul.u32 $0x70, s0;
	s0 =	simm.s32 $0x18CD0  }
0x17: {  	s0 =	simm.s32 @!p0 $0x18C60  }
0x18: {  	s0 =	sadd.s32 s0, s17  }
0x19: {  	s7 =	smin.u32 s0, $0x18CBA8  }
0x1a: {  	s0 =	ssub.s32 s7, s17  }
0x1b: {  	p0 =	sgt.s32 s0, $0x0  }
0x1c: {  	s3 =	simm.s32 $0x2;
	s0 =	simm.s32 @!p0 $0x0  }
0x1d: {  	s28 =	simm.s32 $0x7;
	s29 =	simm.s32 $0x8;
	s26 =	smulhi.u32 $0x92492493, s0  }
0x1e: {  	s31 =	simm.s32 $0x9;
	s11 =	simm.s32 $0x1;
	s21 =	simm.s32 $0x0  }
0x1f: {  	p1 =	por $0x0, $0x0;
	s15 =	simm.s32 $0x80;
	s2 =	sshrl.u32 s26, $0x6  }
0x20: {  	s16 =	simm.s32 $0x400;
	s14 =	simm.s32 $0xA;
	s30 =	smul.u32 $0x70, s2  }
.Ltmp1:
0x21: {  	[tilespmem:s8+$0x0] =	vst v0;
	v0 =	vimm.s32 $0xFFFFFFFF;
	s18 =	simm.s32 $0x0;
	[sflag:s3] =	ssyncpa.u1 $0x0;
	(pc) =	sbr.rel .LBB2_3-.Ltmp1, $4  }
0x22: {  	[tilespmem:$0xE408] =	vst v0;
	[sflag:s28] =	ssyncpa.u1 $0x0;
	p0 =	sne.s32 s0, s30;
	s0 =	simm.s32 $0x1  }
0x23: {  	s20 =	simm.s32 $0x0;
	[sflag:s29] =	ssyncpa.u1 $0x0;
	s0 =	simm.s32 @!p0 $0x0  }
0x24: {  	s13 =	sshll.u32 s9, $0x9;
	[sflag:s31] =	ssyncpa.u1 $0x0;
	s12 =	sadd.s32 s0, s2  }
0x25: {  	v0 =	vlaneseq.u32;
	s19 =	smov.u32 s17;
	p0 =	por $0x1, $0x1;
	s9 =	sadd.s32 $0x1, s12  }
.LBB2_24:
0x26: {  	s0 =	sshrl.u32 s30, $0x2  }
.LBB2_26:
0x27: {  	_ =	swait.ge [sflag:s14], s0  }
0x28: {  	s31 =	ssub.s32 $0x0, s0;
	v1 =	vmov s23;
	vm0 =	veq.s32 v0, $0x0;
	[sflag:s14] =	ssyncset.done $0x0  }
0x29: {  	vm15 =	veq.s32 v0, $0x2;
	v1 =	vsel vm0, s29, v1;
	[sflag:s14] =	ssyncadd.s32 s31  }
0x2a: {  	v1 =	vsel vm15, s21, v1;
	[sflag:s14] =	ssyncpa.u1 $0x1  }
0x2b: {  	[tilespmem:$0xE408] =	vst v1  }
.LBB2_27:
0x2c: {  	s0 =	sadd.s32 $0x70, s19  }
0x2d: {  	s2 =	smov.u32 s17;
	p2 =	slt.s32 s0, s7  }
0x2e: {  	s2 =	smov.u32 @p2 s0;
	p2 =	sne.s32 s20, s9  }
.Ltmp2:
0x2f: {  	_ = 	snop;
	(pc) =	sbr.rel @!p2 .LBB2_28-.Ltmp2, $4  }
0x30: {  	_ = 	snop  }
0x31: {  	s21 =	smov.u32 s18  }
0x32: {  	s31 =	sadd.s32 $0x1, s20;
	s18 =	smov.u32 s19;
	p0 =	por !p0, !p0  }
0x33: {  	p1 =	por !p1, !p1;
	s20 =	smov.u32 s31;
	s19 =	smov.u32 s2  }
.LBB2_3:
0x34: {  	p2 =	sge.u32 s20, s12  }
0x35: {  	s0 =	smulhi.u32 @!p2 $0xAAAAAAAB, s20  }
0x36: {  	s2 =	smov.u32 s19;
	p3 =	sgt.s32 @!p2 s19, $0x18CB38  }
0x37: {  	s3 =	sshra.s32 @!p2 s19, $0x1F;
	p3 =	por !p3, p2;
	s0 =	sshrl.u32 @!p2 s0, $0x1  }
0x38: {  	s3 =	sand.u32 @!p2 s3, s19;
	s2 =	simm.s32 @p3 $0x18CB38;
	s0 =	smul.u32 @!p2 $0x3, s0  }
0x39: {  	s2 =	ssub.s32 @!p2 s2, s3  }
0x3a: {  	s2 =	sadd.s32 @!p2 $0xFFE734C8, s2;
	s0 =	ssub.s32 @!p2 s20, s0  }
0x3b: {  	s3 =	sshll.u32 @!p2 s2, $0x2;
	p3 =	sgt.s32 @!p2 s2, $0x6F;
	s0 =	smul.u32 @!p2 $0x1C0, s0  }
0x3c: {  	s8 =	sand.u32 @!p2 $0x7, s19;
	s2 =	ssub.s32 @!p2 $0x1C0, s3;
	p3 =	por !p3, p2  }
0x3d: {  	s3 =	sshrl.u32 @!p2 s19, $0x3;
	s2 =	sshrl.u32 @!p2 s2, $0x2;
	s0 =	sshrl.u32 @!p2 s0, $0x2  }
0x3e: {  	s3 =	sadd.s32 @!p2 s10, s3;
	s2 =	simm.s32 @!p3 $0x0;
	s0 =	sadd.s32 @!p2 $0x10438, s0  }
0x3f: {  	[tilespmem:s0], [sflag:$0x8] =	stream.linear.gather @!p2 [hbm4b:s3+s8], s2, $0x38;
	[tilespmem:$0x1E668] =	vst v63  }
0x40: {  	s0 =	sadd.s32 $0xFFFFFFFF, s20  }
0x41: {  	p2 =	sge.u32 s0, s12  }
0x42: {  	p3 =	sgt.s32 @!p2 s18, $0x18CB38  }
0x43: {  	s2 =	smov.u32 s18;
	s3 =	sshra.s32 @!p2 s18, $0x1F;
	p3 =	por !p3, p2  }
0x44: {  	s3 =	sand.u32 @!p2 s3, s18;
	s2 =	simm.s32 @p3 $0x18CB38  }
0x45: {  	s2 =	ssub.s32 @!p2 s2, s3  }
0x46: {  	s2 =	sadd.s32 @!p2 $0xFFE734C8, s2  }
0x47: {  	s3 =	sshll.u32 @!p2 s2, $0x2  }
0x48: {  	p3 =	sgt.s32 @!p2 s2, $0x6F;
	s2 =	ssub.s32 @!p2 $0x1C0, s3  }
0x49: {  	p3 =	por !p3, p2;
	s2 =	sshrl.u32 @!p2 s2, $0x2  }
0x4a: {  	s8 =	simm.s32 @!p2 $0x8;
	s3 =	sand.u32 @!p2 $0x1, s0;
	s2 =	simm.s32 @!p3 $0x0  }
0x4b: {  	s3 =	smul.u32 @!p2 $0x1C0, s3;
	_ =	swait.ge @!p2 [sflag:s8], s2  }
0x4c: {  	s22 =	ssub.s32 @!p2 $0x0, s2;
	[sflag:s8] =	ssyncset.done @!p2 $0x0  }
0x4d: {  	s3 =	sshrl.u32 @!p2 s3, $0x2;
	[sflag:s8] =	ssyncadd.s32 @!p2 s22;
	s8 =	sshrl.u32 @!p2 s18, $0x3  }
0x4e: {  	s3 =	sor.u32 @!p2 $0x10588, s3;
	s22 =	sand.u32 @!p2 $0x7, s18;
	s8 =	sadd.s32 @!p2 s4, s8  }
0x4f: {  	[tilespmem:s3], [sflag:$0x9] =	stream.linear.gather @!p2 [hbm4b:s8+s22], s2, $0x38;
	[tilespmem:$0x1E668] =	vst v63  }
0x50: {  	s22 =	ssub.s32 @!p2 $0x18CBA8, s18  }
0x51: {  	p3 =	slt.s32 @!p2 s22, $0x1  }
0x52: {  	p3 =	por p2, p3  }
.Ltmp3:
0x53: {  	_ = 	snop;
	(pc) =	sbr.rel @p3 .LBB2_9-.Ltmp3, $1  }
0x54: {  	_ =	sdelay $0x3  }
0x55: {  	s2 =	smulhi.u32 $0xAAAAAAAB, s0;
	_ =	sdelay $0x1  }
0x56: {  	s2 =	sshrl.u32 s2, $0x1  }
0x57: {  	s2 =	smul.u32 $0x3, s2;
	_ =	sdelay $0x1  }
0x58: {  	s29 =	ssub.s32 s0, s2  }
0x59: {  	s3 =	simm.s32 $0x1;
	s0 =	smul.u32 $0x1C0, s29  }
.Ltmp4:
0x5a: {  	s3 =	simm.s32 @!p0 $0x0;
	(pc) =	sbr.rel .LBB2_6-.Ltmp4, $4  }
0x5b: {  	s30 =	smul.u32 $0x1C000, s3  }
0x5c: {  	p3 =	slt.s32 @!p2 s22, $0x70;
	s0 =	sshrl.u32 s0, $0x2  }
0x5d: {  	p2 =	por !p3, p2;
	s2 =	sshrl.u32 s30, $0x2;
	s31 =	sadd.s32 $0x10438, s0  }
0x5e: {  	s22 =	simm.s32 @p2 $0x70;
	s23 =	sor.u32 $0x10668, s2;
	s0 =	simm.s32 $0x0;
	v1 =	vmov s31  }
.LBB2_5:
0x5f: {  	p2 =	sge.s32 s0, s22  }
.Ltmp5:
0x60: {  	_ = 	snop;
	(pc) =	sbr.rel @p2 .LBB2_9-.Ltmp5, $2  }
0x61: {  	_ =	sdelay $0x2  }
0x62: {  	s23 =	sadd.s32 $0x1000, s23  }
.LBB2_6:
0x63: {  	p2 =	sle.s32 s22, s0  }
.Ltmp6:
0x64: {  	_ = 	snop;
	(pc) =	sbr.rel @p2 .LBB2_5-.Ltmp6, $2  }
0x65: {  	_ =	sdelay $0x2  }
0x66: {  	s24 =	smov.u32 s0;
	s0 =	sadd.s32 $0x10, s0  }
0x67: {  	s2 =	ssub.s32 s22, s24  }
0x68: {  	p2 =	slt.s32 s2, $0x10  }
0x69: {  	s2 =	simm.s32 @!p2 $0x10  }
0x6a: {  	v2 =	vmov s2  }
0x6b: {  	vm0 =	vgt.s32 v2, v0;
	_ =	sdelay $0x5  }
0x6c: {  	v2 =	vld.idx.msk [tilespmem:v1+s24+$0x0 ss:$0x1], vm0;
	_ =	sdelay $0x2  }
0x6d: {  	p2 =	slt.s32 s0, s22;
	s2 =	smov.u32 s22  }
0x6e: {  	s3 =	smov.u32 s23;
	s25 =	simm.s32 $0x0;
	s2 =	smov.u32 @p2 s0  }
.LBB2_8:
0x6f: {  	(v2sf) =	vpush v2, s25;
	_ =	sdelay $0xe  }
0x70: {  	s25 =	sadd.s32 $0x1, s25;
	s8 =	spop (v2sf)  }
0x71: {  	s31 =	sadd.s32 s25, s24;
	s26 =	sshll.u32 s8, $0x8;
	s8 =	sshll.u32 s8, $0x7  }
0x72: {  	p2 =	slt.s32 s31, s2;
	s26 =	sand.u32 $0xFFFFF800, s26;
	s8 =	sand.u32 $0x380, s8  }
.Ltmp7:
0x73: {  	s8 =	sor.u32 s8, s26;
	(pc) =	sbr.rel @p2 .LBB2_8-.Ltmp7, $4  }
0x74: {  	s8 =	sshrl.u32 s8, $0x3  }
0x75: {  	s8 =	sadd.s32 s5, s8  }
0x76: {  	[tilespmem:s3], [sflag:$0x7] =	stream.strided.gather [hbm4b:s8+s15], $0x100, s16, s15, $0x38;
	[tilespmem:$0x1E668] =	vst v63  }
0x77: {  	s3 =	sadd.s32 $0x100, s3  }
.Ltmp8:
0x78: {  	_ = 	snop;
	(pc) =	sbr.rel .LBB2_5-.Ltmp8, $1  }
0x79: {  	_ =	sdelay $0x3  }
.LBB2_9:
0x7a: {  	p2 =	slt.u32 s20, $0x2  }
.Ltmp9:
0x7b: {  	_ = 	snop;
	(pc) =	sbr.rel @p2 .LBB2_27-.Ltmp9, $1  }
0x7c: {  	_ =	sdelay $0x3  }
0x7d: {  	p2 =	sgt.s32 s21, $0x18CB38;
	s0 =	smov.u32 s21;
	s2 =	sshra.s32 s21, $0x1F  }
0x7e: {  	s3 =	ssub.s32 $0x18CBA8, s21;
	s0 =	simm.s32 @!p2 $0x18CB38  }
0x7f: {  	s2 =	sand.u32 s2, s21;
	p2 =	slt.s32 s3, $0x70;
	s8 =	smov.u32 s3  }
0x80: {  	s0 =	ssub.s32 s0, s2;
	s8 =	simm.s32 @!p2 $0x70  }
0x81: {  	s0 =	sadd.s32 $0xFFE734C8, s0;
	s24 =	sshll.u32 s8, $0x8  }
0x82: {  	s28 =	simm.s32 $0x7;
	s25 =	sshll.u32 s0, $0x2;
	s2 =	sand.u32 $0x3FFFFF00, s24  }
0x83: {  	p2 =	sgt.s32 s0, $0x6F;
	s26 =	ssub.s32 $0x1C0, s25;
	_ =	swait.ge [sflag:s28], s2  }
0x84: {  	s2 =	ssub.s32 $0x0, s2;
	[sflag:s28] =	ssyncset.done $0x0;
	s0 =	sshrl.u32 s26, $0x2  }
0x85: {  	s30 =	simm.s32 $0x9;
	[sflag:s28] =	ssyncadd.s32 s2;
	s0 =	simm.s32 @p2 $0x0  }
0x86: {  	_ =	swait.ge [sflag:s30], s0  }
0x87: {  	s0 =	ssub.s32 $0x0, s0;
	[sflag:s30] =	ssyncset.done $0x0  }
0x88: {  	[sflag:s30] =	ssyncadd.s32 s0  }
0x89: {  	v1 =	vld [tilespmem:$0xE408];
	_ =	sdelay $0x4  }
0x8a: {  	(v2sf) =	vpush v1, $0x0  }
0x8b: {  	(v2sf) =	vpush v1, $0x1  }
0x8c: {  	(v2sf) =	vpush v1, $0x2;
	_ =	sdelay $0x3  }
0x8d: {  	s0 =	sadd.s32 $0x70, s21  }
0x8e: {  	p2 =	slt.s32 s7, s0  }
0x8f: {  	s0 =	smov.u32 @p2 s7;
	p2 =	sgt.s32 s3, $0x0  }
0x90: {  	s25 =	ssub.s32 s0, s21;
	s3 =	simm.s32 @!p2 $0x0  }
0x91: {  	p2 =	slt.s32 s3, s25  }
0x92: {  	s25 =	smov.u32 @p2 s3  }
0x93: {  	s24 =	simm.s32 $0x1;
	p2 =	slt.s32 s25, $0x1  }
.Ltmp10:
0x94: {  	s24 =	simm.s32 @!p1 $0x0;
	(pc) =	sbr.rel @p2 .LBB2_14-.Ltmp10, $4  }
0x95: {  	s31 =	smul.u32 $0x1C0, s24  }
0x96: {  	s26 =	spop (v2sf)  }
0x97: {  	s0 =	sshrl.u32 s31, $0x2;
	s29 =	spop (v2sf)  }
0x98: {  	s22 =	sor.u32 $0x10588, s0;
	s21 =	spop (v2sf)  }
0x99: {  	s0 =	smin.u32 s25, $0x10  }
0x9a: {  	v1 =	vmov s0  }
0x9b: {  	vm1 =	vgt.u32 v1, v0  }
0x9c: {  	p3 =	sgt.s32 s25, $0x10  }
.Ltmp11:
0x9d: {  	_ = 	snop;
	(pc) =	sbr.rel @!p3 .LBB2_13-.Ltmp11, $2  }
0x9e: {  	_ =	sdelay $0x2  }
0x9f: {  	s23 =	simm.s32 $0x10;
	s28 =	sadd.s32 $0xFFFFFFF0, s25;
	s0 =	smov.u32 s22;
	vm0 =	vmmov vm1;
	v1 =	vld.msk [tilespmem:s22+$0x0 ss:$0x1], vm1  }
.LBB2_12:
0xa0: {  	s2 =	smin.u32 s28, $0x10;
	s23 =	sadd.s32 $0x10, s23  }
0xa1: {  	v2 =	vmov s2;
	p3 =	slt.s32 s23, s25  }
0xa2: {  	vm1 =	vgt.u32 v2, v0;
	_ =	sdelay $0x1  }
0xa3: {  	v2 =	vshll.u32 v1, $0x5;
	v1 =	vshll.u32 v1, $0x4  }
.Ltmp12:
0xa4: {  	v2 =	vand.u32 $0xFFFFFF00, v2;
	v1 =	vand.u32 $0x70, v1;
	(pc) =	sbr.rel @p3 .LBB2_12-.Ltmp12, $4  }
0xa5: {  	v1 =	vor.u32 v1, v2  }
0xa6: {  	[tilespmem:s0+$0x0] =	vst.msk vm0, v1;
	s0 =	sadd.s32 $0x10, s0;
	vm0 =	vmmov vm1  }
0xa7: {  	v1 =	vld.msk [tilespmem:s0+$0x0 ss:$0x1], vm1  }
0xa8: {  	s28 =	sadd.s32 $0xFFFFFFF0, s28  }
.LBB2_13:
0xa9: {  	_ =	sdelay $0x3  }
0xaa: {  	v2 =	vshll.u32 v1, $0x5;
	v1 =	vshll.u32 v1, $0x4  }
0xab: {  	v2 =	vand.u32 $0xFFFFFF00, v2;
	v1 =	vand.u32 $0x70, v1  }
0xac: {  	v1 =	vor.u32 v1, v2  }
0xad: {  	[tilespmem:s0+$0x0] =	vst.msk vm0, v1  }
.LBB2_14:
0xae: {  	s0 =	sand.u32 $0x1, s20  }
0xaf: {  	s0 =	smul.u32 $0x70, s0  }
0xb0: {  	p3 =	sne.s32 s29, $0xFFFFFFFF  }
0xb1: {  	v1 =	vld.msk @!p3 [tilespmem:s0+$0x10588], $0x1;
	_ =	sdelay $0x4  }
0xb2: {  	(v2sf) =	vpush @!p3 v1, $0x0;
	_ =	sdelay $0xc  }
.Ltmp13:
0xb3: {  	_ = 	snop;
	(pc) =	sbr.rel @p2 .LBB2_25-.Ltmp13, $4  }
0xb4: {  	_ = 	snop  }
0xb5: {  	s28 =	spop @!p3 (v2sf)  }
0xb6: {  	s21 =	simm.s32 @!p3 $0x0;
	s23 =	smov.u32 s28  }
0xb7: {  	[sflag:s14] =	ssyncpa.u1 $0x0;
	s28 =	smov.u32 @p3 s26;
	s23 =	smov.u32 @p3 s29  }
0xb8: {  	v1 =	vld.msk [tilespmem:s22+$0x0], $0x1;
	_ =	sdelay $0x4  }
0xb9: {  	(v2sf) =	vpush v1, $0x0;
	_ =	sdelay $0xe  }
0xba: {  	s6 =	smov.u32 s9;
	s30 =	spop (v2sf)  }
0xbb: {  	s14 =	smov.u32 s4;
	s0 =	smul.u32 $0x1C000, s24;
	p2 =	seq.s32 s28, s30  }
0xbc: {  	s2 =	smov.u32 s28;
	s25 =	ssub.s32 $0x0, s25;
	p3 =	sgt.s32 @!p2 s28, $0x0  }
0xbd: {  	s26 =	simm.s32 $0x0;
	s0 =	sshrl.u32 s0, $0x2;
	p3 =	por !p3, p2  }
0xbe: {  	s29 =	sadd.s32 $0x1, s25;
	s24 =	sor.u32 $0x106E8, s0;
	s2 =	simm.s32 @p3 $0x0  }
0xbf: {  	s0 =	simm.s32 @!p2 $0x1;
	p3 =	seq.s32 s29, $0x0;
	s2 =	smin.u32 @!p2 s2, $0xC3470  }
.Ltmp14:
0xc0: {  	s8 =	simm.s32 @!p2 $0x7308;
	s3 =	sand.u32 @!p2 $0xFFFF8, s2;
	(pc) =	sbr.rel @p3 .LBB2_17-.Ltmp14, $4  }
0xc1: {  	s31 =	sadd.s32 @!p2 $0x80, s2;
	s9 =	sadd.s32 @!p2 s1, s3;
	s3 =	sand.u32 @!p2 $0x7, s2  }
0xc2: {  	[tilespmem:s8], [sflag:$0x2] =	stream.linear.gather @!p2 [hbm4b:s9+s3], $0x80, $0x38;
	[tilespmem:$0x1E668] =	vst v63  }
0xc3: {  	s4 =	smov.u32 s10;
	s0 =	smov.u32 @p2 s26;
	s8 =	sand.u32 @!p2 $0x1FFFF8, s31  }
0xc4: {  	s2 =	simm.s32 @!p2 $0x7388;
	s31 =	sadd.s32 $0x1, s22;
	s8 =	sadd.s32 @!p2 s1, s8  }
.LBB2_16:
0xc5: {  	s9 =	smov.u32 s0  }
0xc6: {  	[tilespmem:s2], [sflag:$0x2] =	stream.linear.gather @!p2 [hbm4b:s8+s3], $0x80, $0x38;
	[tilespmem:$0x1E668] =	vst v63  }
0xc7: {  	s29 =	sadd.s32 $0x1, s29;
	s3 =	smov.u32 s30;
	v1 =	vld.msk [tilespmem:s31+$0x0], $0x1  }
0xc8: {  	p3 =	seq.s32 s29, $0x0;
	_ =	sdelay $0x3  }
0xc9: {  	(v2sf) =	vpush v1, $0x0;
	_ =	sdelay $0xe  }
0xca: {  	s30 =	spop (v2sf)  }
0xcb: {  	p2 =	seq.s32 s3, s30  }
0xcc: {  	p4 =	sgt.s32 @!p2 s3, $0x0;
	s2 =	sshll.u32 @!p2 s0, $0xA;
	s0 =	sadd.s32 @!p2 $0x1, s0  }
0xcd: {  	p4 =	por !p4, p2;
	s2 =	sshra.s32 @!p2 s2, $0x2;
	s0 =	smov.u32 @p2 s9  }
0xce: {  	s3 =	simm.s32 @p4 $0x0;
	s8 =	sadd.s32 @!p2 $0x7308, s2;
	s2 =	sadd.s32 @!p2 $0x7388, s2  }
.Ltmp15:
0xcf: {  	s3 =	smin.u32 @!p2 s3, $0xC3470;
	(pc) =	sbr.rel @!p3 .LBB2_16-.Ltmp15, $4  }
0xd0: {  	s9 =	sand.u32 @!p2 $0xFFFF8, s3;
	s10 =	sadd.s32 @!p2 $0x80, s3  }
0xd1: {  	s3 =	sand.u32 @!p2 $0x7, s3;
	s9 =	sadd.s32 @!p2 s1, s9;
	s10 =	sand.u32 @!p2 $0x1FFFF8, s10  }
0xd2: {  	[tilespmem:s8], [sflag:$0x2] =	stream.linear.gather @!p2 [hbm4b:s9+s3], $0x80, $0x38;
	[tilespmem:$0x1E668] =	vst v63  }
0xd3: {  	s31 =	sadd.s32 $0x1, s31;
	s8 =	sadd.s32 @!p2 s1, s10  }
.LBB2_17:
0xd4: {  	[tilespmem:s2], [sflag:$0x2] =	stream.linear.gather @!p2 [hbm4b:s8+s3], $0x80, $0x38;
	[tilespmem:$0x1E668] =	vst v63  }
.Ltmp16:
0xd5: {  	s0 =	sshll.u32 s0, $0x8;
	(pc) =	sbr.rel .LBB2_18-.Ltmp16, $4  }
0xd6: {  	s31 =	simm.s32 $0x2;
	s0 =	sand.u32 $0x3FFFFF00, s0  }
0xd7: {  	s30 =	simm.s32 $0x0;
	s10 =	smov.u32 s4;
	_ =	swait.ge [sflag:s31], s0  }
0xd8: {  	s4 =	smov.u32 s14;
	s0 =	ssub.s32 $0x0, s0;
	[sflag:s31] =	ssyncset.done $0x0  }
0xd9: {  	s9 =	smov.u32 s6;
	s14 =	simm.s32 $0xA;
	[sflag:s31] =	ssyncadd.s32 s0  }
.LBB2_19:
0xda: {  	v1 =	vld [tilespmem:s24+$0xFFFFFF80];
	_ =	sdelay $0x4  }
0xdb: {  	[tilespmem:s31+$0x208] =	vst.add.f32.msk $0xffff, v1  }
0xdc: {  	v1 =	vld [tilespmem:s24+$0xFFFFFF90];
	_ =	sdelay $0x4  }
0xdd: {  	[tilespmem:s31+$0x218] =	vst.add.f32.msk $0xffff, v1  }
0xde: {  	v1 =	vld [tilespmem:s24+$0xFFFFFFA0];
	_ =	sdelay $0x4  }
0xdf: {  	[tilespmem:s31+$0x228] =	vst.add.f32.msk $0xffff, v1  }
0xe0: {  	v1 =	vld [tilespmem:s24+$0xFFFFFFB0];
	_ =	sdelay $0x4  }
0xe1: {  	[tilespmem:s31+$0x238] =	vst.add.f32.msk $0xffff, v1  }
0xe2: {  	v1 =	vld [tilespmem:s24+$0xFFFFFFC0];
	_ =	sdelay $0x4  }
0xe3: {  	[tilespmem:s31+$0x248] =	vst.add.f32.msk $0xffff, v1  }
0xe4: {  	v1 =	vld [tilespmem:s24+$0xFFFFFFD0];
	_ =	sdelay $0x4  }
0xe5: {  	[tilespmem:s31+$0x258] =	vst.add.f32.msk $0xffff, v1  }
0xe6: {  	v1 =	vld [tilespmem:s24+$0xFFFFFFE0];
	_ =	sdelay $0x4  }
0xe7: {  	[tilespmem:s31+$0x268] =	vst.add.f32.msk $0xffff, v1  }
0xe8: {  	v1 =	vld [tilespmem:s24+$0xFFFFFFF0];
	_ =	sdelay $0x4  }
0xe9: {  	[tilespmem:s31+$0x278] =	vst.add.f32.msk $0xffff, v1  }
0xea: {  	v1 =	vld [tilespmem:s24+$0x0];
	_ =	sdelay $0x4  }
0xeb: {  	[tilespmem:s31+$0x288] =	vst.add.f32.msk $0xffff, v1  }
0xec: {  	v1 =	vld [tilespmem:s24+$0x10];
	_ =	sdelay $0x4  }
0xed: {  	[tilespmem:s31+$0x298] =	vst.add.f32.msk $0xffff, v1  }
0xee: {  	v1 =	vld [tilespmem:s24+$0x20];
	_ =	sdelay $0x4  }
0xef: {  	[tilespmem:s31+$0x2A8] =	vst.add.f32.msk $0xffff, v1  }
0xf0: {  	v1 =	vld [tilespmem:s24+$0x30];
	_ =	sdelay $0x4  }
0xf1: {  	[tilespmem:s31+$0x2B8] =	vst.add.f32.msk $0xffff, v1  }
0xf2: {  	v1 =	vld [tilespmem:s24+$0x40];
	_ =	sdelay $0x4  }
0xf3: {  	[tilespmem:s31+$0x2C8] =	vst.add.f32.msk $0xffff, v1  }
0xf4: {  	v1 =	vld [tilespmem:s24+$0x50];
	_ =	sdelay $0x4  }
0xf5: {  	[tilespmem:s31+$0x2D8] =	vst.add.f32.msk $0xffff, v1  }
0xf6: {  	v1 =	vld [tilespmem:s24+$0x60];
	_ =	sdelay $0x4  }
0xf7: {  	[tilespmem:s31+$0x2E8] =	vst.add.f32.msk $0xffff, v1  }
0xf8: {  	v1 =	vld [tilespmem:s24+$0x70];
	_ =	sdelay $0x4  }
0xf9: {  	[tilespmem:s31+$0x2F8] =	vst.add.f32.msk $0xffff, v1  }
.LBB2_23:
0xfa: {  	s25 =	sadd.s32 $0x1, s25  }
0xfb: {  	p2 =	seq.s32 s25, $0x0  }
.Ltmp17:
0xfc: {  	_ = 	snop;
	(pc) =	sbr.rel @p2 .LBB2_24-.Ltmp17, $2  }
0xfd: {  	_ =	sdelay $0x2  }
0xfe: {  	s22 =	sadd.s32 $0x1, s22;
	s24 =	sadd.s32 $0x100, s24;
	s28 =	smov.u32 s29  }
.LBB2_18:
0xff: {  	v1 =	vld.msk [tilespmem:s22+$0x0], $0x1;
	_ =	sdelay $0x4  }
0x100: {  	(v2sf) =	vpush v1, $0x0;
	_ =	sdelay $0xe  }
0x101: {  	s29 =	spop (v2sf)  }
0x102: {  	p2 =	sne.s32 s28, s29  }
.Ltmp18:
0x103: {  	_ = 	snop;
	(pc) =	sbr.rel @!p2 .LBB2_19-.Ltmp18, $3  }
0x104: {  	_ =	sdelay $0x1  }
0x105: {  	s0 =	sshll.u32 s21, $0xA  }
0x106: {  	s31 =	sshra.s32 s0, $0x2  }
0x107: {  	p2 =	seq.s32 s28, s23  }
.Ltmp19:
0x108: {  	_ = 	snop;
	(pc) =	sbr.rel @!p2 .LBB2_21-.Ltmp19, $1  }
0x109: {  	_ =	sdelay $0x3  }
.Ltmp20:
0x10a: {  	s0 =	sadd.s32 $0x208, s31;
	(pc) =	sbr.rel .LBB2_22-.Ltmp20, $4  }
0x10b: {  	[spmem:s13] =	stream.linear.scatter [tilespmem:s0], [sflag:$0x1], $0x100, $0x38;
	[tilespmem:$0x1E668] =	vst v63  }
0x10c: {  	_ =	swait.ge [sflag:s11], $0x100  }
0x10d: {  	[sflag:s11] =	ssyncset.done $0x0  }
0x10e: {  	[sflag:s11] =	ssyncadd.s32 $0xFFFFFF00  }
.LBB2_21:
0x10f: {  	s0 =	sshll.u32 s26, $0xA  }
0x110: {  	s0 =	sshra.s32 s0, $0x2  }
0x111: {  	v1 =	vld [tilespmem:s0+$0x7308];
	_ =	sdelay $0x4  }
0x112: {  	[tilespmem:s31+$0x208] =	vst.add.f32.msk $0xffff, v1  }
0x113: {  	v1 =	vld [tilespmem:s0+$0x7318];
	_ =	sdelay $0x4  }
0x114: {  	[tilespmem:s31+$0x218] =	vst.add.f32.msk $0xffff, v1  }
0x115: {  	v1 =	vld [tilespmem:s0+$0x7328];
	_ =	sdelay $0x4  }
0x116: {  	[tilespmem:s31+$0x228] =	vst.add.f32.msk $0xffff, v1  }
0x117: {  	v1 =	vld [tilespmem:s0+$0x7338];
	_ =	sdelay $0x4  }
0x118: {  	[tilespmem:s31+$0x238] =	vst.add.f32.msk $0xffff, v1  }
0x119: {  	v1 =	vld [tilespmem:s0+$0x7348];
	_ =	sdelay $0x4  }
0x11a: {  	[tilespmem:s31+$0x248] =	vst.add.f32.msk $0xffff, v1  }
0x11b: {  	v1 =	vld [tilespmem:s0+$0x7358];
	_ =	sdelay $0x4  }
0x11c: {  	[tilespmem:s31+$0x258] =	vst.add.f32.msk $0xffff, v1  }
0x11d: {  	v1 =	vld [tilespmem:s0+$0x7368];
	_ =	sdelay $0x4  }
0x11e: {  	[tilespmem:s31+$0x268] =	vst.add.f32.msk $0xffff, v1  }
0x11f: {  	v1 =	vld [tilespmem:s0+$0x7378];
	_ =	sdelay $0x4  }
0x120: {  	[tilespmem:s31+$0x278] =	vst.add.f32.msk $0xffff, v1  }
0x121: {  	v1 =	vld [tilespmem:s0+$0x7388];
	_ =	sdelay $0x4  }
0x122: {  	[tilespmem:s31+$0x288] =	vst.add.f32.msk $0xffff, v1  }
0x123: {  	v1 =	vld [tilespmem:s0+$0x7398];
	_ =	sdelay $0x4  }
0x124: {  	[tilespmem:s31+$0x298] =	vst.add.f32.msk $0xffff, v1  }
0x125: {  	v1 =	vld [tilespmem:s0+$0x73A8];
	_ =	sdelay $0x4  }
0x126: {  	[tilespmem:s31+$0x2A8] =	vst.add.f32.msk $0xffff, v1  }
0x127: {  	v1 =	vld [tilespmem:s0+$0x73B8];
	_ =	sdelay $0x4  }
0x128: {  	[tilespmem:s31+$0x2B8] =	vst.add.f32.msk $0xffff, v1  }
0x129: {  	v1 =	vld [tilespmem:s0+$0x73C8];
	_ =	sdelay $0x4  }
0x12a: {  	[tilespmem:s31+$0x2C8] =	vst.add.f32.msk $0xffff, v1  }
0x12b: {  	v1 =	vld [tilespmem:s0+$0x73D8];
	_ =	sdelay $0x4  }
0x12c: {  	[tilespmem:s31+$0x2D8] =	vst.add.f32.msk $0xffff, v1  }
0x12d: {  	v1 =	vld [tilespmem:s0+$0x73E8];
	_ =	sdelay $0x4  }
0x12e: {  	[tilespmem:s31+$0x2E8] =	vst.add.f32.msk $0xffff, v1  }
0x12f: {  	v1 =	vld [tilespmem:s0+$0x73F8];
	_ =	sdelay $0x2  }
0x130: {  	p2 =	sgt.u32 s28, $0xC3470  }
0x131: {  	s0 =	sand.u32 @!p2 $0xFFFF8, s28  }
0x132: {  	s2 =	sadd.s32 $0x208, s31;
	s3 =	sand.u32 @!p2 $0x7, s28;
	s0 =	sadd.s32 @!p2 s1, s0;
	[tilespmem:s31+$0x2F8] =	vst.add.f32.msk $0xffff, v1  }
0x133: {  	[hbm4b:s0+s3] =	stream.linear.scatter @!p2 [tilespmem:s2], [sflag:$0xA], $0x80, $0x38;
	[tilespmem:$0x1E668] =	vst v63  }
0x134: {  	s0 =	sadd.s32 @!p2 $0x80, s28  }
0x135: {  	s0 =	sand.u32 @!p2 $0x1FFFF8, s0  }
0x136: {  	s2 =	sadd.s32 $0x288, s31;
	s0 =	sadd.s32 @!p2 s1, s0  }
0x137: {  	[hbm4b:s0+s3] =	stream.linear.scatter @!p2 [tilespmem:s2], [sflag:$0xA], $0x80, $0x38;
	[tilespmem:$0x1E668] =	vst v63  }
0x138: {  	s0 =	simm.s32 $0x0  }
0x139: {  	s0 =	simm.s32 @!p2 $0x400  }
0x13a: {  	s30 =	sadd.s32 s0, s30  }
.LBB2_22:
0x13b: {  	s0 =	sadd.s32 $0x1, s21  }
0x13c: {  	s2 =	sshrl.u32 s0, $0x4  }
0x13d: {  	s2 =	smulhi.u32 $0x24924925, s2  }
0x13e: {  	v1 =	vld [tilespmem:s24+$0xFFFFFF80]  }
0x13f: {  	s2 =	smul.u32 $0x70, s2;
	_ =	sdelay $0x1  }
0x140: {  	s21 =	ssub.s32 s0, s2  }
0x141: {  	s0 =	sshll.u32 s21, $0x8  }
0x142: {  	[tilespmem:s0+$0x208] =	vst v1  }
0x143: {  	v1 =	vld [tilespmem:s24+$0xFFFFFF90];
	_ =	sdelay $0x4  }
0x144: {  	[tilespmem:s0+$0x218] =	vst v1  }
0x145: {  	v1 =	vld [tilespmem:s24+$0xFFFFFFA0];
	_ =	sdelay $0x4  }
0x146: {  	[tilespmem:s0+$0x228] =	vst v1  }
0x147: {  	v1 =	vld [tilespmem:s24+$0xFFFFFFB0];
	_ =	sdelay $0x4  }
0x148: {  	[tilespmem:s0+$0x238] =	vst v1  }
0x149: {  	v1 =	vld [tilespmem:s24+$0xFFFFFFC0];
	_ =	sdelay $0x4  }
0x14a: {  	[tilespmem:s0+$0x248] =	vst v1  }
0x14b: {  	v1 =	vld [tilespmem:s24+$0xFFFFFFD0];
	_ =	sdelay $0x4  }
0x14c: {  	[tilespmem:s0+$0x258] =	vst v1  }
0x14d: {  	v1 =	vld [tilespmem:s24+$0xFFFFFFE0];
	_ =	sdelay $0x4  }
0x14e: {  	[tilespmem:s0+$0x268] =	vst v1  }
0x14f: {  	v1 =	vld [tilespmem:s24+$0xFFFFFFF0];
	_ =	sdelay $0x4  }
0x150: {  	[tilespmem:s0+$0x278] =	vst v1  }
0x151: {  	v1 =	vld [tilespmem:s24+$0x0];
	_ =	sdelay $0x4  }
0x152: {  	[tilespmem:s0+$0x288] =	vst v1  }
0x153: {  	v1 =	vld [tilespmem:s24+$0x10];
	_ =	sdelay $0x4  }
0x154: {  	[tilespmem:s0+$0x298] =	vst v1  }
0x155: {  	v1 =	vld [tilespmem:s24+$0x20];
	_ =	sdelay $0x4  }
0x156: {  	[tilespmem:s0+$0x2A8] =	vst v1  }
0x157: {  	v1 =	vld [tilespmem:s24+$0x30];
	_ =	sdelay $0x4  }
0x158: {  	[tilespmem:s0+$0x2B8] =	vst v1  }
0x159: {  	v1 =	vld [tilespmem:s24+$0x40];
	_ =	sdelay $0x4  }
0x15a: {  	[tilespmem:s0+$0x2C8] =	vst v1  }
0x15b: {  	v1 =	vld [tilespmem:s24+$0x50];
	_ =	sdelay $0x4  }
0x15c: {  	[tilespmem:s0+$0x2D8] =	vst v1  }
0x15d: {  	v1 =	vld [tilespmem:s24+$0x60];
	_ =	sdelay $0x4  }
0x15e: {  	[tilespmem:s0+$0x2E8] =	vst v1  }
0x15f: {  	v1 =	vld [tilespmem:s24+$0x70]  }
.Ltmp21:
0x160: {  	_ = 	snop;
	(pc) =	sbr.rel .LBB2_23-.Ltmp21, $2  }
0x161: {  	_ =	sdelay $0x2  }
0x162: {  	s26 =	sadd.s32 $0x1, s26;
	[tilespmem:s0+$0x2F8] =	vst v1  }
.LBB2_25:
.Ltmp22:
0x163: {  	(pc) =	sbr.rel .LBB2_26-.Ltmp22, $4  }
0x164: {  	_ = 	snop  }
0x165: {  	s0 =	simm.s32 $0x2  }
0x166: {  	_ =	swait.ge [sflag:s0], $0x0  }
0x167: {  	s29 =	smov.u32 s28;
	[sflag:s0] =	ssyncset.done $0x0;
	s0 =	simm.s32 $0x0  }
.LBB2_28:
0x168: {  	_ =	sfence.sel $0x180000  }
0x169: {  	s0 =	simm.s32 $0x7;
	[bflag:$0x0] =	sbarrier.arrive $0xFFFF  }
0x16a: {  	s25 =	simm.s32 $0x8;
	[sflag:s0] =	ssyncpa.u1 $0x1  }
0x16b: {  	s26 =	simm.s32 $0x9;
	[sflag:s25] =	ssyncpa.u1 $0x1  }
0x16c: {  	s28 =	simm.s32 $0x2;
	[sflag:s26] =	ssyncpa.u1 $0x1  }
0x16d: {  	[sflag:s28] =	ssyncpa.u1 $0x1  }
0x16e: {  	v0 =	vld [tilespmem:$0xE408];
	_ =	sdelay $0x4  }
0x16f: {  	(v2sf) =	vpush v0, $0x0  }
0x170: {  	(v2sf) =	vpush v0, $0x1;
	_ =	sdelay $0x1  }
0x171: {  	(v2sf) =	vpush v0, $0x2;
	_ =	sdelay $0xb  }
0x172: {  	s0 =	spop (v2sf)  }
0x173: {  	s2 =	spop (v2sf)  }
0x174: {  	s3 =	smov.u32 s0;
	p0 =	sne.s32 s0, s2  }
0x175: {  	s4 =	spop (v2sf);
	s3 =	simm.s32 @!p0 $0xFFFFFFFF  }
0x176: {  	v2 =	vimm.s32 $0x1;
	v3 =	vlaneseq.u32;
	p0 =	seq.s32 s4, $0xFFFFFFFF;
	v1 =	vmov s3  }
0x177: {  	s7 =	stileid.u32;
	v0 =	vperm.xlane v0, v2;
	p1 =	sne.s32 @!p0 s0, s2;
	v1 =	vperm.xlane v1, v3  }
0x178: {  	vm0 =	vcmask $0x3F04;
	s6 =	simm.s32 $0xE408;
	s0 =	simm.s32 @!p0 $0x1;
	p1 =	por !p1, p0  }
0x179: {  	s3 =	sshll.u32 s7, $0x1;
	s2 =	sshll.u32 @!p0 s4, $0xA;
	s0 =	simm.s32 @p1 $0x0;
	v0 =	vsel vm0, v1, v0  }
0x17a: {  	s5 =	sor.u32 $0x2000, s3;
	s2 =	sshra.s32 @!p0 s2, $0x2;
	s0 =	sor.u32 @!p0 s0, s3;
	[tilespmem:$0xE408] =	vst v0  }
0x17b: {  	[spmem:s5] =	stream.linear.scatter [tilespmem:s6], [sflag:$0x1], $0x2, $0x38;
	[tilespmem:$0x1E668] =	vst v63  }
0x17c: {  	s2 =	sadd.s32 @!p0 $0x208, s2;
	s0 =	sshll.u32 @!p0 s0, $0x8  }
0x17d: {  	[spmem:s0] =	stream.linear.scatter @!p0 [tilespmem:s2], [sflag:$0x1], $0x100, $0x38;
	[tilespmem:$0x1E668] =	vst v63  }
0x17e: {  	s2 =	simm.s32 @!p0 $0x102  }
0x17f: {  	s0 =	simm.s32 $0x1;
	s2 =	simm.s32 @p0 $0x2  }
0x180: {  	_ =	swait.ge [sflag:s0], s2  }
0x181: {  	s2 =	ssub.s32 $0x0, s2;
	[sflag:s0] =	ssyncset.done $0x0  }
0x182: {  	[sflag:s0] =	ssyncadd.s32 s2  }
0x183: {  	_ =	sfence.stream.spmem  }
0x184: {  	s29 =	simm.s32 $0x3;
	[bflag:$0x0] =	sbarrier.arrive $0xFFFF  }
0x185: {  	s30 =	simm.s32 $0x4;
	[sflag:s29] =	ssyncpa.u1 $0x1  }
0x186: {  	s31 =	simm.s32 $0x3C;
	[sflag:s30] =	ssyncpa.u1 $0x1  }
0x187: {  	p0 =	sne.s32 s7, $0x0;
	[sflag:s31] =	ssyncpa.u1 $0x1  }
0x188: {  	_ =	sfence @p0  }
0x189: {  	[sflag:s0] =	ssyncpa.u1 @p0 $0x1  }
0x18a: {  	_ =	strace @p0 $0x90000059  }
0x18b: {  	[bflag:$0x2] =	sbarrier.arrive @p0 $0xFFFF  }
0x18c: {  	_ =	shalt @p0  }
.LBB2_29:
0x18d: {  	_ =	sfence.stream.spmem;
	s0 =	simm.s32 $0x5  }
0x18e: {  	s2 =	simm.s32 $0x2000;
	s3 =	simm.s32 $0xE418;
	[sflag:s0] =	ssyncpa.u1 $0x0  }
0x18f: {  	[tilespmem:s3], [sflag:$0x5] =	stream.linear.gather [spmem:s2], $0x20, $0x38;
	[tilespmem:$0x1E668] =	vst v63  }
0x190: {  	s30 =	simm.s32 $0xE438;
	s2 =	simm.s32 $0x0  }
0x191: {  	[tilespmem:s30], [sflag:$0x5] =	stream.linear.gather [spmem:s2], $0x2000, $0x38;
	[tilespmem:$0x1E668] =	vst v63  }
.Ltmp23:
0x192: {  	_ = 	snop;
	(pc) =	sbr.rel .LBB2_30-.Ltmp23, $4  }
0x193: {  	_ =	swait.ge [sflag:s0], $0x2020  }
0x194: {  	[sflag:s0] =	ssyncset.done $0x0  }
0x195: {  	s31 =	simm.s32 $0x6;
	[sflag:s0] =	ssyncadd.s32 $0xFFFFDFE0  }
0x196: {  	s3 =	simm.s32 $0x0;
	[sflag:s31] =	ssyncpa.u1 $0x0  }
.LBB2_36:
0x197: {  	p0 =	slt.u32 s4, $0xC3471  }
0x198: {  	s0 =	sand.u32 @p0 $0xFFFF8, s4  }
0x199: {  	s5 =	sand.u32 @p0 $0x7, s4;
	s6 =	simm.s32 @p0 $0xE308;
	s0 =	sadd.s32 @p0 s1, s0  }
0x19a: {  	[tilespmem:s6], [sflag:$0x6] =	stream.linear.gather @p0 [hbm4b:s0+s5], $0x80, $0x38;
	[tilespmem:$0x1E668] =	vst v63  }
0x19b: {  	s0 =	sadd.s32 @p0 $0x80, s4  }
0x19c: {  	s0 =	sand.u32 @p0 $0x1FFFF8, s0  }
0x19d: {  	s4 =	simm.s32 @p0 $0xE388;
	s0 =	sadd.s32 @p0 s1, s0  }
0x19e: {  	[tilespmem:s4], [sflag:$0x6] =	stream.linear.gather @p0 [hbm4b:s0+s5], $0x80, $0x38;
	[tilespmem:$0x1E668] =	vst v63  }
0x19f: {  	s0 =	simm.s32 @p0 $0x6  }
0x1a0: {  	_ =	swait.ge @p0 [sflag:s0], $0x100  }
0x1a1: {  	[sflag:s0] =	ssyncset.done @p0 $0x0  }
0x1a2: {  	[sflag:s0] =	ssyncadd.s32 @p0 $0xFFFFFF00  }
0x1a3: {  	v1 =	vld @p0 [tilespmem:$0xE308];
	_ =	sdelay $0x2  }
0x1a4: {  	s0 =	sshll.u32 @p0 s3, $0xA  }
0x1a5: {  	s4 =	sshrl.u32 @p0 s0, $0x2  }
0x1a6: {  	[tilespmem:s4+$0xE438] =	vst.add.f32.msk @p0 $0xffff, v1  }
0x1a7: {  	v1 =	vld @p0 [tilespmem:$0xE318];
	_ =	sdelay $0x4  }
0x1a8: {  	[tilespmem:s4+$0xE448] =	vst.add.f32.msk @p0 $0xffff, v1  }
0x1a9: {  	v1 =	vld @p0 [tilespmem:$0xE328];
	_ =	sdelay $0x4  }
0x1aa: {  	[tilespmem:s4+$0xE458] =	vst.add.f32.msk @p0 $0xffff, v1  }
0x1ab: {  	v1 =	vld @p0 [tilespmem:$0xE338];
	_ =	sdelay $0x4  }
0x1ac: {  	[tilespmem:s4+$0xE468] =	vst.add.f32.msk @p0 $0xffff, v1  }
0x1ad: {  	v1 =	vld @p0 [tilespmem:$0xE348];
	_ =	sdelay $0x4  }
0x1ae: {  	[tilespmem:s4+$0xE478] =	vst.add.f32.msk @p0 $0xffff, v1  }
0x1af: {  	v1 =	vld @p0 [tilespmem:$0xE358];
	_ =	sdelay $0x4  }
0x1b0: {  	[tilespmem:s4+$0xE488] =	vst.add.f32.msk @p0 $0xffff, v1  }
0x1b1: {  	v1 =	vld @p0 [tilespmem:$0xE368];
	_ =	sdelay $0x4  }
0x1b2: {  	[tilespmem:s4+$0xE498] =	vst.add.f32.msk @p0 $0xffff, v1  }
0x1b3: {  	v1 =	vld @p0 [tilespmem:$0xE378];
	_ =	sdelay $0x4  }
0x1b4: {  	[tilespmem:s4+$0xE4A8] =	vst.add.f32.msk @p0 $0xffff, v1  }
0x1b5: {  	v1 =	vld @p0 [tilespmem:$0xE388];
	_ =	sdelay $0x4  }
0x1b6: {  	[tilespmem:s4+$0xE4B8] =	vst.add.f32.msk @p0 $0xffff, v1  }
0x1b7: {  	v1 =	vld @p0 [tilespmem:$0xE398];
	_ =	sdelay $0x4  }
0x1b8: {  	[tilespmem:s4+$0xE4C8] =	vst.add.f32.msk @p0 $0xffff, v1  }
0x1b9: {  	v1 =	vld @p0 [tilespmem:$0xE3A8];
	_ =	sdelay $0x4  }
0x1ba: {  	[tilespmem:s4+$0xE4D8] =	vst.add.f32.msk @p0 $0xffff, v1  }
0x1bb: {  	v1 =	vld @p0 [tilespmem:$0xE3B8];
	_ =	sdelay $0x4  }
0x1bc: {  	[tilespmem:s4+$0xE4E8] =	vst.add.f32.msk @p0 $0xffff, v1  }
0x1bd: {  	v1 =	vld @p0 [tilespmem:$0xE3C8];
	_ =	sdelay $0x4  }
0x1be: {  	[tilespmem:s4+$0xE4F8] =	vst.add.f32.msk @p0 $0xffff, v1  }
0x1bf: {  	v1 =	vld @p0 [tilespmem:$0xE3D8];
	_ =	sdelay $0x4  }
0x1c0: {  	[tilespmem:s4+$0xE508] =	vst.add.f32.msk @p0 $0xffff, v1  }
0x1c1: {  	v1 =	vld @p0 [tilespmem:$0xE3E8];
	_ =	sdelay $0x4  }
0x1c2: {  	[tilespmem:s4+$0xE518] =	vst.add.f32.msk @p0 $0xffff, v1  }
0x1c3: {  	v1 =	vld @p0 [tilespmem:$0xE3F8];
	_ =	sdelay $0x3  }
0x1c4: {  	s5 =	sshll.u32 @!p0 s3, $0xA  }
0x1c5: {  	s5 =	smov.u32 @p0 s0;
	[tilespmem:s4+$0xE528] =	vst.add.f32.msk @p0 $0xffff, v1  }
0x1c6: {  	s0 =	sshrl.u32 s5, $0x2;
	[tilespmem:s2+$0xE418] =	vst.msk $0x1, v0  }
0x1c7: {  	v0 =	vld [tilespmem:s0+$0xE438];
	_ =	sdelay $0x2  }
0x1c8: {  	s31 =	sshll.u32 s2, $0xA  }
0x1c9: {  	s4 =	sshra.s32 s31, $0x2  }
0x1ca: {  	[tilespmem:s4+$0xE438] =	vst v0  }
0x1cb: {  	v0 =	vld [tilespmem:s0+$0xE448];
	_ =	sdelay $0x4  }
0x1cc: {  	[tilespmem:s4+$0xE448] =	vst v0  }
0x1cd: {  	v0 =	vld [tilespmem:s0+$0xE458];
	_ =	sdelay $0x4  }
0x1ce: {  	[tilespmem:s4+$0xE458] =	vst v0  }
0x1cf: {  	v0 =	vld [tilespmem:s0+$0xE468];
	_ =	sdelay $0x4  }
0x1d0: {  	[tilespmem:s4+$0xE468] =	vst v0  }
0x1d1: {  	v0 =	vld [tilespmem:s0+$0xE478];
	_ =	sdelay $0x4  }
0x1d2: {  	[tilespmem:s4+$0xE478] =	vst v0  }
0x1d3: {  	v0 =	vld [tilespmem:s0+$0xE488];
	_ =	sdelay $0x4  }
0x1d4: {  	[tilespmem:s4+$0xE488] =	vst v0  }
0x1d5: {  	v0 =	vld [tilespmem:s0+$0xE498];
	_ =	sdelay $0x4  }
0x1d6: {  	[tilespmem:s4+$0xE498] =	vst v0  }
0x1d7: {  	v0 =	vld [tilespmem:s0+$0xE4A8];
	_ =	sdelay $0x4  }
0x1d8: {  	[tilespmem:s4+$0xE4A8] =	vst v0  }
0x1d9: {  	v0 =	vld [tilespmem:s0+$0xE4B8];
	_ =	sdelay $0x4  }
0x1da: {  	[tilespmem:s4+$0xE4B8] =	vst v0  }
0x1db: {  	v0 =	vld [tilespmem:s0+$0xE4C8];
	_ =	sdelay $0x4  }
0x1dc: {  	[tilespmem:s4+$0xE4C8] =	vst v0  }
0x1dd: {  	v0 =	vld [tilespmem:s0+$0xE4D8];
	_ =	sdelay $0x4  }
0x1de: {  	[tilespmem:s4+$0xE4D8] =	vst v0  }
0x1df: {  	v0 =	vld [tilespmem:s0+$0xE4E8];
	_ =	sdelay $0x4  }
0x1e0: {  	[tilespmem:s4+$0xE4E8] =	vst v0  }
0x1e1: {  	v0 =	vld [tilespmem:s0+$0xE4F8];
	_ =	sdelay $0x4  }
0x1e2: {  	[tilespmem:s4+$0xE4F8] =	vst v0  }
0x1e3: {  	v0 =	vld [tilespmem:s0+$0xE508];
	_ =	sdelay $0x4  }
0x1e4: {  	[tilespmem:s4+$0xE508] =	vst v0  }
0x1e5: {  	v0 =	vld [tilespmem:s0+$0xE518];
	_ =	sdelay $0x4  }
0x1e6: {  	[tilespmem:s4+$0xE518] =	vst v0  }
0x1e7: {  	v0 =	vld [tilespmem:s0+$0xE528];
	_ =	sdelay $0x4  }
0x1e8: {  	s2 =	sadd.s32 $0x1, s2;
	[tilespmem:s4+$0xE528] =	vst v0  }
.LBB2_37:
0x1e9: {  	s3 =	sadd.s32 $0x1, s3  }
0x1ea: {  	p0 =	sne.s32 s3, $0x20  }
.Ltmp24:
0x1eb: {  	_ = 	snop;
	(pc) =	sbr.rel @!p0 .LBB2_38-.Ltmp24, $1  }
0x1ec: {  	_ =	sdelay $0x3  }
.LBB2_30:
0x1ed: {  	v0 =	vld.msk [tilespmem:s3+$0xE418], $0x1;
	_ =	sdelay $0x4  }
0x1ee: {  	(v2sf) =	vpush v0, $0x0;
	_ =	sdelay $0xe  }
0x1ef: {  	s4 =	spop (v2sf)  }
0x1f0: {  	p0 =	seq.s32 s4, $0xFFFFFFFF  }
.Ltmp25:
0x1f1: {  	_ = 	snop;
	(pc) =	sbr.rel @p0 .LBB2_37-.Ltmp25, $1  }
0x1f2: {  	_ =	sdelay $0x3  }
0x1f3: {  	p0 =	slt.s32 s2, $0x1  }
.Ltmp26:
0x1f4: {  	_ = 	snop;
	(pc) =	sbr.rel @p0 .LBB2_36-.Ltmp26, $1  }
0x1f5: {  	_ =	sdelay $0x3  }
0x1f6: {  	s5 =	simm.s32 $0xE418;
	p0 =	por $0x0, $0x0  }
0x1f7: {  	v1 =	vld.msk @!p0 [tilespmem:s5+$0x0], $0x1;
	_ =	sdelay $0x4  }
0x1f8: {  	(v2sf) =	vpush @!p0 v1, $0x0;
	_ =	sdelay $0xd  }
0x1f9: {  	p2 =	sne.s32 s2, $0x1  }
.Ltmp27:
0x1fa: {  	s0 =	spop @!p0 (v2sf);
	(pc) =	sbr.rel @!p2 .LBB2_34-.Ltmp27, $4  }
0x1fb: {  	p1 =	seq.s32 @!p0 s4, s0  }
0x1fc: {  	s6 =	simm.s32 $0x0;
	p1 =	por !p1, p0  }
0x1fd: {  	s0 =	simm.s32 $0xFFFFFFFF;
	s6 =	simm.s32 @p1 $0xFFFFFFFF  }
0x1fe: {  	s7 =	simm.s32 $0x1;
	s6 =	smov.u32 @p0 s0  }
.LBB2_33:
0x1ff: {  	s0 =	smov.u32 s6;
	p0 =	sne.s32 s6, $0xFFFFFFFF  }
0x200: {  	s5 =	sadd.s32 $0x1, s5;
	s6 =	smov.u32 s7;
	s7 =	sadd.s32 $0x1, s7  }
0x201: {  	p1 =	sne.s32 s2, s7;
	v1 =	vld.msk @!p0 [tilespmem:s5+$0x0], $0x1;
	_ =	sdelay $0x4  }
0x202: {  	(v2sf) =	vpush @!p0 v1, $0x0;
	_ =	sdelay $0xe  }
.Ltmp28:
0x203: {  	s8 =	spop @!p0 (v2sf);
	(pc) =	sbr.rel @p1 .LBB2_33-.Ltmp28, $4  }
0x204: {  	p2 =	seq.s32 @!p0 s4, s8  }
0x205: {  	p2 =	por !p2, p0  }
0x206: {  	s6 =	simm.s32 @p2 $0xFFFFFFFF  }
0x207: {  	s6 =	smov.u32 @p0 s0  }
.LBB2_34:
0x208: {  	p0 =	seq.s32 s6, $0xFFFFFFFF  }
.Ltmp29:
0x209: {  	_ = 	snop;
	(pc) =	sbr.rel @p0 .LBB2_36-.Ltmp29, $1  }
0x20a: {  	_ =	sdelay $0x3  }
0x20b: {  	s0 =	sshll.u32 s3, $0x8  }
0x20c: {  	s0 =	sand.u32 $0x3FFFFF00, s0  }
0x20d: {  	v0 =	vld [tilespmem:s0+$0xE438];
	_ =	sdelay $0x2  }
0x20e: {  	s4 =	sshll.u32 s6, $0xA  }
0x20f: {  	s4 =	sshra.s32 s4, $0x2  }
0x210: {  	[tilespmem:s4+$0xE438] =	vst.add.f32.msk $0xffff, v0  }
0x211: {  	v0 =	vld [tilespmem:s0+$0xE448];
	_ =	sdelay $0x4  }
0x212: {  	[tilespmem:s4+$0xE448] =	vst.add.f32.msk $0xffff, v0  }
0x213: {  	v0 =	vld [tilespmem:s0+$0xE458];
	_ =	sdelay $0x4  }
0x214: {  	[tilespmem:s4+$0xE458] =	vst.add.f32.msk $0xffff, v0  }
0x215: {  	v0 =	vld [tilespmem:s0+$0xE468];
	_ =	sdelay $0x4  }
0x216: {  	[tilespmem:s4+$0xE468] =	vst.add.f32.msk $0xffff, v0  }
0x217: {  	v0 =	vld [tilespmem:s0+$0xE478];
	_ =	sdelay $0x4  }
0x218: {  	[tilespmem:s4+$0xE478] =	vst.add.f32.msk $0xffff, v0  }
0x219: {  	v0 =	vld [tilespmem:s0+$0xE488];
	_ =	sdelay $0x4  }
0x21a: {  	[tilespmem:s4+$0xE488] =	vst.add.f32.msk $0xffff, v0  }
0x21b: {  	v0 =	vld [tilespmem:s0+$0xE498];
	_ =	sdelay $0x4  }
0x21c: {  	[tilespmem:s4+$0xE498] =	vst.add.f32.msk $0xffff, v0  }
0x21d: {  	v0 =	vld [tilespmem:s0+$0xE4A8];
	_ =	sdelay $0x4  }
0x21e: {  	[tilespmem:s4+$0xE4A8] =	vst.add.f32.msk $0xffff, v0  }
0x21f: {  	v0 =	vld [tilespmem:s0+$0xE4B8];
	_ =	sdelay $0x4  }
0x220: {  	[tilespmem:s4+$0xE4B8] =	vst.add.f32.msk $0xffff, v0  }
0x221: {  	v0 =	vld [tilespmem:s0+$0xE4C8];
	_ =	sdelay $0x4  }
0x222: {  	[tilespmem:s4+$0xE4C8] =	vst.add.f32.msk $0xffff, v0  }
0x223: {  	v0 =	vld [tilespmem:s0+$0xE4D8];
	_ =	sdelay $0x4  }
0x224: {  	[tilespmem:s4+$0xE4D8] =	vst.add.f32.msk $0xffff, v0  }
0x225: {  	v0 =	vld [tilespmem:s0+$0xE4E8];
	_ =	sdelay $0x4  }
0x226: {  	[tilespmem:s4+$0xE4E8] =	vst.add.f32.msk $0xffff, v0  }
0x227: {  	v0 =	vld [tilespmem:s0+$0xE4F8];
	_ =	sdelay $0x4  }
0x228: {  	[tilespmem:s4+$0xE4F8] =	vst.add.f32.msk $0xffff, v0  }
0x229: {  	v0 =	vld [tilespmem:s0+$0xE508];
	_ =	sdelay $0x4  }
0x22a: {  	[tilespmem:s4+$0xE508] =	vst.add.f32.msk $0xffff, v0  }
0x22b: {  	v0 =	vld [tilespmem:s0+$0xE518];
	_ =	sdelay $0x4  }
0x22c: {  	[tilespmem:s4+$0xE518] =	vst.add.f32.msk $0xffff, v0  }
0x22d: {  	v0 =	vld [tilespmem:s0+$0xE528]  }
.Ltmp30:
0x22e: {  	_ = 	snop;
	(pc) =	sbr.rel .LBB2_37-.Ltmp30, $2  }
0x22f: {  	_ =	sdelay $0x2  }
0x230: {  	[tilespmem:s4+$0xE528] =	vst.add.f32.msk $0xffff, v0  }
.LBB2_38:
0x231: {  	p0 =	slt.s32 s2, $0x1  }
.Ltmp31:
0x232: {  	_ = 	snop;
	(pc) =	sbr.rel @p0 .LBB2_42-.Ltmp31, $3  }
0x233: {  	_ =	sdelay $0x1  }
0x234: {  	s0 =	simm.s32 $0x6  }
0x235: {  	[sflag:s0] =	ssyncpa.u1 $0x1;
	s0 =	simm.s32 $0x0  }
0x236: {  	s3 =	simm.s32 $0xE418  }
0x237: {  	v0 =	vld.msk [tilespmem:s3+$0x0], $0x1;
	_ =	sdelay $0x4  }
0x238: {  	(v2sf) =	vpush v0, $0x0;
	_ =	sdelay $0xe  }
0x239: {  	s2 =	sadd.s32 $0xFFFFFFFF, s2;
	s4 =	spop (v2sf)  }
0x23a: {  	s5 =	simm.s32 $0xE438;
	p0 =	sne.s32 s2, $0x0;
	p1 =	sgt.u32 s4, $0xC3470  }
.Ltmp32:
0x23b: {  	s3 =	simm.s32 $0xE538;
	s6 =	sand.u32 @!p1 $0xFFFF8, s4;
	(pc) =	sbr.rel @!p0 .LBB2_41-.Ltmp32, $4  }
0x23c: {  	s7 =	sadd.s32 @!p1 $0x80, s4;
	s8 =	sadd.s32 @!p1 s1, s6;
	s6 =	sand.u32 @!p1 $0x7, s4  }
0x23d: {  	[hbm4b:s8+s6] =	stream.linear.scatter @!p1 [tilespmem:s5], [sflag:$0x5], $0x80, $0x38;
	[tilespmem:$0x1E668] =	vst v63  }
0x23e: {  	s0 =	simm.s32 @!p1 $0x400;
	s4 =	simm.s32 $0xE419;
	s5 =	sand.u32 @!p1 $0x1FFFF8, s7  }
0x23f: {  	s7 =	simm.s32 @!p1 $0xE4B8;
	s8 =	sadd.s32 @!p1 s1, s5;
	s5 =	sadd.s32 $0x0, s0  }
.LBB2_40:
0x240: {  	[hbm4b:s8+s6] =	stream.linear.scatter @!p1 [tilespmem:s7], [sflag:$0x5], $0x80, $0x38;
	[tilespmem:$0x1E668] =	vst v63  }
0x241: {  	s2 =	sadd.s32 $0xFFFFFFFF, s2;
	s0 =	smov.u32 s3;
	v0 =	vld.msk [tilespmem:s4+$0x0], $0x1  }
0x242: {  	p0 =	sne.s32 s2, $0x0;
	_ =	sdelay $0x3  }
0x243: {  	(v2sf) =	vpush v0, $0x0;
	_ =	sdelay $0xe  }
0x244: {  	s3 =	sadd.s32 $0x100, s3;
	s9 =	simm.s32 $0x0;
	s6 =	spop (v2sf)  }
.Ltmp33:
0x245: {  	s4 =	sadd.s32 $0x1, s4;
	p1 =	sgt.u32 s6, $0xC3470;
	(pc) =	sbr.rel @p0 .LBB2_40-.Ltmp33, $4  }
0x246: {  	s9 =	simm.s32 @!p1 $0x400;
	s7 =	sand.u32 @!p1 $0xFFFF8, s6;
	s8 =	sadd.s32 @!p1 $0x80, s6  }
0x247: {  	s6 =	sand.u32 @!p1 $0x7, s6;
	s7 =	sadd.s32 @!p1 s1, s7;
	s8 =	sand.u32 @!p1 $0x1FFFF8, s8  }
0x248: {  	[hbm4b:s7+s6] =	stream.linear.scatter @!p1 [tilespmem:s0], [sflag:$0x5], $0x80, $0x38;
	[tilespmem:$0x1E668] =	vst v63  }
0x249: {  	s5 =	sadd.s32 s5, s9;
	s7 =	sadd.s32 @!p1 $0x80, s0;
	s8 =	sadd.s32 @!p1 s1, s8  }
.LBB2_41:
0x24a: {  	[hbm4b:s8+s6] =	stream.linear.scatter @!p1 [tilespmem:s7], [sflag:$0x5], $0x80, $0x38;
	[tilespmem:$0x1E668] =	vst v63  }
0x24b: {  	s0 =	sshrl.u32 s5, $0x2  }
.LBB2_42:
0x24c: {  	s1 =	simm.s32 $0x5  }
0x24d: {  	_ =	swait.ge [sflag:s1], s0  }
0x24e: {  	s29 =	ssub.s32 $0x0, s0;
	[sflag:s1] =	ssyncset.done $0x0  }
0x24f: {  	[sflag:s1] =	ssyncadd.s32 s29  }
0x250: {  	[sflag:s1] =	ssyncpa.u1 $0x1  }
0x251: {  	s30 =	simm.s32 $0x1;
	_ =	sfence  }
0x252: {  	[sflag:s30] =	ssyncpa.u1 $0x1  }
0x253: {  	_ =	strace $0x90000059  }
0x254: {  	[bflag:$0x2] =	sbarrier.arrive $0xFFFF  }
0x255: {  	s31 =	rddreg [dreg:$0x1]  }
0x256: {  	s0 =	sadd.s32 $0x100000, s31  }
0x257: {  	[sflag:s0] =	ssyncadd.tile.s32 $0x1;
	_ =	shalt  }
.Lfunc_end2:
_tile_overlayer_lowered:
.L_overlay_start_2:
0x258: {  	(tag) =	ssettag $0x2  }
0x259: {  	s0 =	rddreg [dreg:$0x0];
	s2 =	stileid.u32  }
0x25a: {  	s1 =	rddreg [dreg:$0x1];
	p0 =	sne.s32 s2, $0x0  }
0x25b: {  	s3 =	rddreg [dreg:$0x2];
	[bflag:$0x3] =	sbarrier.arrive $0xFFFF;
	s2 =	simm.s32 @!p0 $0x1C01  }
0x25c: {  	[timem:s3], [sflag:s2] =	dma.local @!p0 [hbm:s0], s1  }
0x25d: {  	s0 =	simm.s32 @!p0 $0x1  }
0x25e: {  	_ =	swait.ge @!p0 [sflag:s0], s1  }
0x25f: {  	s1 =	ssub.s32 @!p0 $0x0, s1;
	[sflag:s0] =	ssyncset.done @!p0 $0x0  }
0x260: {  	[sflag:s0] =	ssyncadd.s32 @!p0 s1  }
0x261: {  	[bflag:$0x3] =	sbarrier.arrive $0xFFFF  }
0x262: {  	_ =	shalt  }

// kernel: scatter_offload_async_start.5
scs
__scs_entry_jumppad:
0x0: {  	(pc) =	sbr.rel $0x88, $3  }
0x1: {  	(tag) =	ssettag $0x0;
	lr =	simm.s32 $0x1  }
0x2: {  	[smem:$0x3F93] =	sst lr;
	_ =	strace $0xD0000000  }
0x3: {  	_ = 	snop  }
0x4: {  	_ = 	snop  }
0x5: {  	_ = 	snop  }
0x6: {  	_ = 	snop  }
0x7: {  	_ = 	snop  }
__scs_overlays_trampoline_lowered:
0x8: {  	[smem:$0x3FA2] =	sst s0  }
0x9: {  	[smem:$0x3FA3] =	sst s1  }
0xa: {  	[smem:$0x3FA4] =	sst s2  }
0xb: {  	[smem:$0x3FA5] =	sst s3  }
0xc: {  	[smem:$0x3FA6] =	sst s4  }
0xd: {  	[smem:$0x3FA7] =	sst s5  }
0xe: {  	[smem:$0x3FA8] =	sst s6  }
0xf: {  	[smem:$0x3FA9] =	sst s7  }
0x10: {  	[smem:$0x3FAA] =	sst s8  }
0x11: {  	[smem:$0x3FAB] =	sst s9;
	s0 =	simm.s32 @!p0 $0x0  }
0x12: {  	s1 =	sld [smem:$0x3F91];
	s0 =	simm.s32 @p0 $0x1  }
0x13: {  	[smem:$0x3FAC] =	sst s0;
	s0 =	simm.s32 @!p1 $0x0  }
0x14: {  	s2 =	sld [smem:$0x3F90];
	s0 =	simm.s32 @p1 $0x1  }
0x15: {  	[smem:$0x3FAD] =	sst s0;
	s0 =	simm.s32 @!p2 $0x0  }
0x16: {  	s3 =	sld [smem:$0x3FDB];
	s0 =	simm.s32 @p2 $0x1  }
0x17: {  	s4 =	simm.s32 $0x1BF5;
	[smem:$0x3FAF] =	sst s0  }
0x18: {  	s0 =	sld [smem:$0x3F92];
	_ =	swait.ge [sflag:s4], $0x0  }
0x19: {  	s7 =	sld [smem:$0x3F93]  }
0x1a: {  	s8 =	sadd.s32 $0xFFFFE003, lr  }
0x1b: {  	s9 =	sadd.s32 $0xFFFFFEF7, lr;
	s5 =	simm.s32 $0xFFFFFFFF;
	p2 =	slt.u32 s8, $0xFFFFF086  }
0x1c: {  	p1 =	slt.u32 s9, $0xF7A;
	s5 =	simm.s32 @!p2 $0x0  }
0x1d: {  	s5 =	simm.s32 @p1 $0x1;
	p0 =	seq.s32 s7, s2  }
0x1e: {  	s7 =	smul.u32 @!p0 $0xF7A, s2;
	p2 =	seq.s32 @!p0 s5, $0x0  }
0x1f: {  	s9 =	smul.u32 $0xF7A, s1;
	s8 =	simm.s32 @!p0 $0x1BF5;
	p2 =	por !p2, p0  }
0x20: {  	[sflag:s8] =	ssyncset.s32 @!p0 $0xFFFFF086;
	s6 =	sadd.s32 @!p0 s3, s7;
	s7 =	simm.s32 @!p0 $0x108  }
0x21: {  	s3 =	sadd.s32 s3, s9;
	s6 =	sadd.s32 @!p0 $0x88, s6;
	s7 =	simm.s32 @p2 $0x1082  }
0x22: {  	[simem:s7], [sflag:s8] =	dma.local @!p0 [hbm:s6], $0xF7A  }
0x23: {  	s9 =	sor.u32 $0xD0000000, s2;
	s6 =	simm.s32 $0x108;
	_ =	swait.ge @!p0 [sflag:s8], $0x0  }
0x24: {  	s3 =	sadd.s32 $0x88, s3;
	s6 =	simm.s32 @!p1 $0x1082;
	[sflag:s4] =	ssyncset.s32 $0xFFFFF086  }
0x25: {  	[simem:s6], [sflag:s4] =	dma.local [hbm:s3], $0xF7A  }
0x26: {  	[smem:$0x3F93] =	sst s1;
	(tag) =	ssettag s2;
	_ =	strace s9  }
0x27: {  	s1 =	sld [smem:$0x3FA3]  }
0x28: {  	s2 =	sld [smem:$0x3FA4]  }
0x29: {  	s4 =	sld [smem:$0x3FA6]  }
0x2a: {  	p0 =	seq.s32 s5, $0x0;
	s5 =	sld [smem:$0x3FA7]  }
0x2b: {  	s6 =	sld [smem:$0x3FA8]  }
0x2c: {  	s7 =	sld [smem:$0x3FA9]  }
0x2d: {  	s3 =	simm.s32 $0x108;
	s8 =	sld [smem:$0x3FAA]  }
0x2e: {  	s3 =	simm.s32 @!p0 $0x1082;
	s9 =	sld [smem:$0x3FAB]  }
0x2f: {  	lr =	sadd.s32 s0, s3;
	s0 =	sld [smem:$0x3FA2]  }
0x30: {  	s3 =	sld [smem:$0x3FA5]  }
0x31: {  	[smem:$0x3FAE] =	sst s10  }
0x32: {  	s10 =	sld [smem:$0x3FAC];
	_ =	sdelay $0x3  }
0x33: {  	p0 =	seq.s32 s10, $0x1;
	s10 =	sld [smem:$0x3FAE];
	_ =	sdelay $0x3  }
0x34: {  	[smem:$0x3FAE] =	sst s10  }
0x35: {  	s10 =	sld [smem:$0x3FAD];
	_ =	sdelay $0x3  }
0x36: {  	p1 =	seq.s32 s10, $0x1;
	s10 =	sld [smem:$0x3FAE];
	_ =	sdelay $0x3  }
0x37: {  	[smem:$0x3FAE] =	sst s10  }
0x38: {  	s10 =	sld [smem:$0x3FAF]  }
0x39: {  	_ = 	snop;
	(pc) =	sbr.ind lr, $3  }
0x3a: {  	_ = 	snop  }
0x3b: {  	_ = 	snop  }
0x3c: {  	p2 =	seq.s32 s10, $0x1;
	s10 =	sld [smem:$0x3FAE]  }
0x3d: {  	_ =	shalt  }
0x3e: {  	_ =	shalt  }
0x3f: {  	_ =	shalt  }
0x40: {  	_ =	shalt  }
0x41: {  	_ =	shalt  }
0x42: {  	_ =	shalt  }
0x43: {  	_ =	shalt  }
0x44: {  	_ =	shalt  }
0x45: {  	_ =	shalt  }
0x46: {  	_ =	shalt  }
0x47: {  	_ =	shalt  }
0x48: {  	_ =	shalt  }
0x49: {  	_ =	shalt  }
0x4a: {  	_ =	shalt  }
0x4b: {  	_ =	shalt  }
0x4c: {  	_ =	shalt  }
0x4d: {  	_ =	shalt  }
0x4e: {  	_ =	shalt  }
0x4f: {  	_ =	shalt  }
0x50: {  	_ =	shalt  }
0x51: {  	_ =	shalt  }
0x52: {  	_ =	shalt  }
0x53: {  	_ =	shalt  }
0x54: {  	_ =	shalt  }
0x55: {  	_ =	shalt  }
0x56: {  	_ =	shalt  }
0x57: {  	_ =	shalt  }
0x58: {  	_ =	shalt  }
0x59: {  	_ =	shalt  }
0x5a: {  	_ =	shalt  }
0x5b: {  	_ =	shalt  }
0x5c: {  	_ =	shalt  }
0x5d: {  	_ =	shalt  }
0x5e: {  	_ =	shalt  }
0x5f: {  	_ =	shalt  }
0x60: {  	_ =	shalt  }
0x61: {  	_ =	shalt  }
0x62: {  	_ =	shalt  }
0x63: {  	_ =	shalt  }
0x64: {  	_ =	shalt  }
0x65: {  	_ =	shalt  }
0x66: {  	_ =	shalt  }
0x67: {  	_ =	shalt  }
0x68: {  	_ =	shalt  }
0x69: {  	_ =	shalt  }
0x6a: {  	_ =	shalt  }
0x6b: {  	_ =	shalt  }
0x6c: {  	_ =	shalt  }
0x6d: {  	_ =	shalt  }
0x6e: {  	_ =	shalt  }
0x6f: {  	_ =	shalt  }
0x70: {  	_ =	shalt  }
0x71: {  	_ =	shalt  }
0x72: {  	_ =	shalt  }
0x73: {  	_ =	shalt  }
0x74: {  	_ =	shalt  }
0x75: {  	_ =	shalt  }
0x76: {  	_ =	shalt  }
0x77: {  	_ =	shalt  }
0x78: {  	_ =	shalt  }
0x79: {  	_ =	shalt  }
0x7a: {  	_ =	shalt  }
0x7b: {  	_ =	shalt  }
0x7c: {  	_ =	shalt  }
0x7d: {  	_ =	shalt  }
0x7e: {  	_ =	shalt  }
0x7f: {  	_ =	shalt  }
0x80: {  	_ =	shalt  }
0x81: {  	_ =	shalt  }
0x82: {  	_ =	shalt  }
0x83: {  	_ =	shalt  }
0x84: {  	_ =	shalt  }
0x85: {  	_ =	shalt  }
0x86: {  	_ =	shalt  }
0x87: {  	_ =	shalt  }
.Lfunc_end0:
.L_simem_size_0:
called_computation.5_lowered:
.L_overlay_start_0:
0x88: {  	s0 =	sld [smem:$0x3FD9]  }
0x89: {  	s1 =	sld [smem:$0x3FFE];
	_ =	sdelay $0x3  }
0x8a: {  	s0 =	sadd.s32 s1, s0  }
0x8b: {  	[smem:$0x3FBA] =	sst s0  }
0x8c: {  	_ = 	snop  }
0x8d: {  	(tm) =	ssettm $0x1  }
0x8e: {  	s15 =	sld [smem:$0x3FFB];
	_ =	sdelay $0x3  }
0x8f: {  	_ =	strace s15  }
0x90: {  	s0 =	sld [smem:$0x3FFC];
	_ =	sdelay $0x3  }
0x91: {  	_ =	strace s0  }
0x92: {  	s0 =	sld [smem:$0x3FFD];
	_ =	sdelay $0x3  }
0x93: {  	_ =	strace s0  }
0x94: {  	_ =	strace $0x8FFFFFFF  }
0x95: {  	s16 =	sld [smem:$0x3FDB];
	_ =	sdelay $0x1  }
0x96: {  	s17 =	simm.s32 $_scs_section_size  }
0x97: {  	s2 =	simm.s32 $_size__tile_overlayer_lowered;
	s3 =	simm.s32 $_tile_overlayer_lowered  }
0x98: {  	s20 =	simm.s32 $0x1BFF;
	s19 =	sshll.u32 s3, $0x1;
	s0 =	sadd.s32 s17, s16  }
0x99: {  	s4 =	simm.s32 $0x0;
	s18 =	sshll.u32 s2, $0x1;
	s2 =	sadd.s32 s19, s0  }
0x9a: {  	[timem:s4], [sflag:s20] =	dma.local [hbm:s2], s18  }
0x9b: {  	_ =	swait.ge [sflag:s20], s18  }
0x9c: {  	s1 =	ssub.s32 $0x0, s18;
	[sflag:s20] =	ssyncset.done $0x0  }
0x9d: {  	[sflag:s20] =	ssyncadd.s32 s1;
	_ =	sdelay $0x1  }
0x9e: {  	s21 =	simm.s32 $0x1B8B  }
0x9f: {  	_ =	swait.ge [sflag:s21], $0x1  }
0xa0: {  	[sflag:s21] =	ssyncset.done $0x0  }
0xa1: {  	s23 =	simm.s32 $0x1B8E;
	s22 =	sld [smem:$0x3FFE];
	[sflag:s21] =	ssyncadd.s32 $0xFFFFFFFF  }
0xa2: {  	s24 =	simm.s32 $execute0_lowered;
	[smem:$0x3FD2] =	sst s23  }
0xa3: {  	s2 =	sshll.u32 s24, $0x1;
	_ =	strace $0x8000005B;
	[dreg:$0x1] =	wrdreg $0xFFFFFFFF  }
0xa4: {  	s25 =	simm.s32 $_size_execute0_lowered;
	s0 =	sadd.s32 s0, s2;
	[dreg:$0x0] =	wrdreg $0x0  }
0xa5: {  	s2 =	sshll.u32 s25, $0x1;
	[dreg:$0x2] =	wrdreg s0  }
0xa6: {  	[dreg:$0x3] =	wrdreg s2  }
0xa7: {  	[dreg:$0x4] =	wrdreg $0xC0  }
0xa8: {  	_ =	task [dreg:s4], $0x5FFFF  }
0xa9: {  	[dreg:$0x1] =	wrdreg $0xFFFFFFFF  }
0xaa: {  	[dreg:$0x0] =	wrdreg $0x60  }
0xab: {  	[dreg:$0x2] =	wrdreg s22  }
0xac: {  	[dreg:$0x3] =	wrdreg $0x9  }
0xad: {  	_ =	task.clear_ibuf [dreg:s4], $0x4FFFF;
	_ =	strace $0x9000005B  }
0xae: {  	s26 =	simm.s32 $0x9;
	_ =	strace $0x8000005D  }
0xaf: {  	_ =	swait.ge [sflag:s26], $0x1  }
0xb0: {  	[sflag:s26] =	ssyncadd.s32 $0xFFFFFFFF  }
0xb1: {  	_ =	strace $0x9000005D  }
0xb2: {  	_ =	sfence  }
0xb3: {  	s28 =	sld [smem:$0x0];
	_ =	sdelay $0x1  }
0xb4: {  	s29 =	srdreg.scid  }
0xb5: {  	s30 =	sshll.u32 s29, $0xD;
	s31 =	sshrl.u32 s29, $0x2  }
0xb6: {  	s1 =	sand.u32 $0x1, s29;
	s2 =	sand.u32 $0x4000, s30;
	s0 =	sadd.s32 s31, s28  }
0xb7: {  	s1 =	sor.u32 s2, s1;
	s0 =	sshll.u32 s0, $0x11  }
0xb8: {  	s0 =	sor.u32 s0, s1  }
0xb9: {  	s0 =	sadd.s32 $0x8F2B, s0  }
0xba: {  	[sflag:s0] =	ssyncadd.remote.s32 $0x1  }
0xbb: {  	_ =	sfence.sel $0xFFFF  }
0xbc: {  	[dreg:$0x0] =	wrdreg $0xFFFFFFFF;
	(pc) =	sbr.abs _section_cstart, $3  }
0xbd: {  	[dreg:$0x1] =	wrdreg $0xFFFFFFFF  }
0xbe: {  	_ =	task.clear_ibuf [dreg:s4], $0x2FFFF;
	_ =	strace $0x9FFFFFFF  }
0xbf: {  	(tm) =	ssettm $0x7FFFFFFF  }
tec
execute0_lowered:
.L_overlay_start_1:
0x0: {  	(tag) =	ssettag $0x1  }
0x1: {  	s0 =	rddreg [dreg:$0x0];
	_ =	strace $0x8000005C;
	s1 =	simm.s32 $0x1  }
0x2: {  	s8 =	simm.s32 $0x208;
	v0 =	vimm.s32 $0x0;
	[sflag:s1] =	ssyncpa.u1 $0x0  }
0x3: {  	[tilespmem:s8+$0x70] =	vst v0  }
0x4: {  	[tilespmem:s8+$0x60] =	vst v0  }
0x5: {  	[tilespmem:s8+$0x50] =	vst v0  }
0x6: {  	[tilespmem:s8+$0x40] =	vst v0  }
0x7: {  	[tilespmem:s8+$0x30] =	vst v0  }
0x8: {  	s1 =	sadd.s32 $0xF5E00, s0;
	s10 =	sadd.s32 $0xF9E00, s0;
	[tilespmem:s8+$0x20] =	vst v0  }
0x9: {  	s4 =	sadd.s32 $0x32800, s0;
	s5 =	sadd.s32 $0xFAC00, s0;
	s0 =	simm.s32 $0x40;
	[tilespmem:s8+$0x10] =	vst v0  }
.LBB2_1:
0xa: {  	s0 =	sadd.s32 $0x40, s0;
	[tilespmem:s8+$0x0] =	vst v0;
	s8 =	sadd.s32 $0x80, s8  }
0xb: {  	p0 =	slt.u32 s0, $0x3880;
	[tilespmem:s8+$0x70] =	vst v0  }
0xc: {  	[tilespmem:s8+$0x60] =	vst v0  }
.Ltmp0:
0xd: {  	[tilespmem:s8+$0x50] =	vst v0;
	(pc) =	sbr.rel @p0 .LBB2_1-.Ltmp0, $4  }
0xe: {  	[tilespmem:s8+$0x40] =	vst v0  }
0xf: {  	[tilespmem:s8+$0x30] =	vst v0  }
0x10: {  	[tilespmem:s8+$0x20] =	vst v0  }
0x11: {  	[tilespmem:s8+$0x10] =	vst v0  }
0x12: {  	s3 =	stileid.u32  }
0x13: {  	s6 =	smul.u32 $0x620, s3;
	_ =	sdelay $0x1  }
0x14: {  	s0 =	smin.u32 s6, $0x5B88  }
0x15: {  	s7 =	sadd.s32 $0x620, s0  }
0x16: {  	s0 =	ssub.s32 s7, s6  }
0x17: {  	p0 =	sgt.s32 s0, $0x0  }
0x18: {  	s0 =	simm.s32 @!p0 $0x0  }
0x19: {  	s2 =	sand.u32 $0xFFE0, s0  }
0x1a: {  	s28 =	simm.s32 $0x2;
	s2 =	sshrl.u32 s2, $0x4  }
0x1b: {  	s29 =	simm.s32 $0x7;
	s30 =	simm.s32 $0x8;
	s2 =	smul.u32 $0x2493, s2  }
0x1c: {  	s31 =	simm.s32 $0x9;
	s11 =	simm.s32 $0x1;
	s21 =	simm.s32 $0x0  }
0x1d: {  	p1 =	por $0x0, $0x0;
	s15 =	simm.s32 $0x80;
	s2 =	sshrl.u32 s2, $0x10  }
0x1e: {  	s16 =	simm.s32 $0x400;
	s17 =	simm.s32 $0xA;
	s9 =	smul.u32 $0x70, s2  }
.Ltmp1:
0x1f: {  	s18 =	simm.s32 $0x0;
	s20 =	simm.s32 $0x0;
	(pc) =	sbr.rel .LBB2_3-.Ltmp1, $4  }
0x20: {  	[tilespmem:s8+$0x0] =	vst v0;
	v0 =	vimm.s32 $0xFFFFFFFF;
	[sflag:s28] =	ssyncpa.u1 $0x0;
	p0 =	sne.s32 s0, s9;
	s0 =	simm.s32 $0x1  }
0x21: {  	s13 =	sshll.u32 s3, $0x9;
	[tilespmem:$0xE408] =	vst v0;
	[sflag:s29] =	ssyncpa.u1 $0x0;
	s0 =	simm.s32 @!p0 $0x0  }
0x22: {  	[sflag:s30] =	ssyncpa.u1 $0x0;
	s19 =	smov.u32 s6;
	s12 =	sadd.s32 s2, s0  }
0x23: {  	v0 =	vlaneseq.u32;
	[sflag:s31] =	ssyncpa.u1 $0x0;
	p0 =	por $0x1, $0x1;
	s14 =	sadd.s32 $0x1, s12  }
.LBB2_24:
0x24: {  	s0 =	sshrl.u32 s30, $0x2  }
.LBB2_26:
0x25: {  	_ =	swait.ge [sflag:s17], s0  }
0x26: {  	s31 =	ssub.s32 $0x0, s0;
	v1 =	vmov s23;
	vm0 =	veq.s32 v0, $0x0;
	[sflag:s17] =	ssyncset.done $0x0  }
0x27: {  	vm15 =	veq.s32 v0, $0x2;
	v1 =	vsel vm0, s29, v1;
	[sflag:s17] =	ssyncadd.s32 s31  }
0x28: {  	v1 =	vsel vm15, s21, v1;
	[sflag:s17] =	ssyncpa.u1 $0x1  }
0x29: {  	[tilespmem:$0xE408] =	vst v1  }
.LBB2_27:
0x2a: {  	s0 =	sadd.s32 $0x70, s19  }
0x2b: {  	s2 =	smov.u32 s6;
	p2 =	slt.s32 s0, s7  }
0x2c: {  	s2 =	smov.u32 @p2 s0;
	p2 =	sne.s32 s20, s14  }
.Ltmp2:
0x2d: {  	_ = 	snop;
	(pc) =	sbr.rel @!p2 .LBB2_28-.Ltmp2, $4  }
0x2e: {  	_ = 	snop  }
0x2f: {  	s21 =	smov.u32 s18  }
0x30: {  	s31 =	sadd.s32 $0x1, s20;
	s18 =	smov.u32 s19;
	p0 =	por !p0, !p0  }
0x31: {  	p1 =	por !p1, !p1;
	s20 =	smov.u32 s31;
	s19 =	smov.u32 s2  }
.LBB2_3:
0x32: {  	p2 =	sge.u32 s20, s12  }
0x33: {  	s0 =	smulhi.u32 @!p2 $0xAAAAAAAB, s20  }
0x34: {  	s2 =	smov.u32 s19;
	p3 =	sgt.s32 @!p2 s19, $0x6138  }
0x35: {  	s8 =	sshra.s32 @!p2 s19, $0x1F;
	p3 =	por !p3, p2;
	s0 =	sshrl.u32 @!p2 s0, $0x1  }
0x36: {  	s8 =	sand.u32 @!p2 s8, s19;
	s2 =	simm.s32 @p3 $0x6138;
	s0 =	smul.u32 @!p2 $0x3, s0  }
0x37: {  	s2 =	ssub.s32 @!p2 s2, s8  }
0x38: {  	s2 =	sadd.s32 @!p2 $0xFFFF9EC8, s2;
	s0 =	ssub.s32 @!p2 s20, s0  }
0x39: {  	s8 =	sshll.u32 @!p2 s2, $0x2;
	p3 =	sgt.s32 @!p2 s2, $0x6F;
	s0 =	smul.u32 @!p2 $0x1C0, s0  }
0x3a: {  	s9 =	sand.u32 @!p2 $0x7, s19;
	s2 =	ssub.s32 @!p2 $0x1C0, s8;
	p3 =	por !p3, p2  }
0x3b: {  	s8 =	sshrl.u32 @!p2 s19, $0x3;
	s2 =	sshrl.u32 @!p2 s2, $0x2;
	s0 =	sshrl.u32 @!p2 s0, $0x2  }
0x3c: {  	s8 =	sadd.s32 @!p2 s5, s8;
	s2 =	simm.s32 @!p3 $0x0;
	s0 =	sadd.s32 @!p2 $0x10438, s0  }
0x3d: {  	[tilespmem:s0], [sflag:$0x8] =	stream.linear.gather @!p2 [hbm4b:s8+s9], s2, $0x38;
	[tilespmem:$0x1E668] =	vst v63  }
0x3e: {  	s0 =	sadd.s32 $0xFFFFFFFF, s20  }
0x3f: {  	p2 =	sge.u32 s0, s12  }
0x40: {  	p3 =	sgt.s32 @!p2 s18, $0x6138  }
0x41: {  	s2 =	smov.u32 s18;
	s8 =	sshra.s32 @!p2 s18, $0x1F;
	p3 =	por !p3, p2  }
0x42: {  	s8 =	sand.u32 @!p2 s8, s18;
	s2 =	simm.s32 @p3 $0x6138  }
0x43: {  	s2 =	ssub.s32 @!p2 s2, s8  }
0x44: {  	s2 =	sadd.s32 @!p2 $0xFFFF9EC8, s2  }
0x45: {  	s8 =	sshll.u32 @!p2 s2, $0x2  }
0x46: {  	p3 =	sgt.s32 @!p2 s2, $0x6F;
	s2 =	ssub.s32 @!p2 $0x1C0, s8  }
0x47: {  	p3 =	por !p3, p2;
	s2 =	sshrl.u32 @!p2 s2, $0x2  }
0x48: {  	s9 =	simm.s32 @!p2 $0x8;
	s8 =	sand.u32 @!p2 $0x1, s0;
	s2 =	simm.s32 @!p3 $0x0  }
0x49: {  	s8 =	smul.u32 @!p2 $0x1C0, s8;
	_ =	swait.ge @!p2 [sflag:s9], s2  }
0x4a: {  	s22 =	ssub.s32 @!p2 $0x0, s2;
	[sflag:s9] =	ssyncset.done @!p2 $0x0  }
0x4b: {  	s8 =	sshrl.u32 @!p2 s8, $0x2;
	[sflag:s9] =	ssyncadd.s32 @!p2 s22;
	s9 =	sshrl.u32 @!p2 s18, $0x3  }
0x4c: {  	s8 =	sor.u32 @!p2 $0x10588, s8;
	s22 =	sand.u32 @!p2 $0x7, s18;
	s9 =	sadd.s32 @!p2 s10, s9  }
0x4d: {  	[tilespmem:s8], [sflag:$0x9] =	stream.linear.gather @!p2 [hbm4b:s9+s22], s2, $0x38;
	[tilespmem:$0x1E668] =	vst v63  }
0x4e: {  	s22 =	ssub.s32 @!p2 $0x61A8, s18  }
0x4f: {  	p3 =	slt.s32 @!p2 s22, $0x1  }
0x50: {  	p3 =	por p2, p3  }
.Ltmp3:
0x51: {  	_ = 	snop;
	(pc) =	sbr.rel @p3 .LBB2_9-.Ltmp3, $1  }
0x52: {  	_ =	sdelay $0x3  }
0x53: {  	s2 =	smulhi.u32 $0xAAAAAAAB, s0;
	_ =	sdelay $0x1  }
0x54: {  	s2 =	sshrl.u32 s2, $0x1  }
0x55: {  	s2 =	smul.u32 $0x3, s2;
	_ =	sdelay $0x1  }
0x56: {  	s29 =	ssub.s32 s0, s2  }
0x57: {  	s8 =	simm.s32 $0x1;
	s0 =	smul.u32 $0x1C0, s29  }
.Ltmp4:
0x58: {  	s8 =	simm.s32 @!p0 $0x0;
	(pc) =	sbr.rel .LBB2_6-.Ltmp4, $4  }
0x59: {  	s30 =	smul.u32 $0x1C000, s8  }
0x5a: {  	p3 =	slt.s32 @!p2 s22, $0x70;
	s0 =	sshrl.u32 s0, $0x2  }
0x5b: {  	p2 =	por !p3, p2;
	s2 =	sshrl.u32 s30, $0x2;
	s31 =	sadd.s32 $0x10438, s0  }
0x5c: {  	s22 =	simm.s32 @p2 $0x70;
	s23 =	sor.u32 $0x10668, s2;
	s0 =	simm.s32 $0x0;
	v1 =	vmov s31  }
.LBB2_5:
0x5d: {  	p2 =	sge.s32 s0, s22  }
.Ltmp5:
0x5e: {  	_ = 	snop;
	(pc) =	sbr.rel @p2 .LBB2_9-.Ltmp5, $2  }
0x5f: {  	_ =	sdelay $0x2  }
0x60: {  	s23 =	sadd.s32 $0x1000, s23  }
.LBB2_6:
0x61: {  	p2 =	sle.s32 s22, s0  }
.Ltmp6:
0x62: {  	_ = 	snop;
	(pc) =	sbr.rel @p2 .LBB2_5-.Ltmp6, $2  }
0x63: {  	_ =	sdelay $0x2  }
0x64: {  	s24 =	smov.u32 s0;
	s0 =	sadd.s32 $0x10, s0  }
0x65: {  	s2 =	ssub.s32 s22, s24  }
0x66: {  	p2 =	slt.s32 s2, $0x10  }
0x67: {  	s2 =	simm.s32 @!p2 $0x10  }
0x68: {  	v2 =	vmov s2  }
0x69: {  	vm0 =	vgt.s32 v2, v0;
	_ =	sdelay $0x5  }
0x6a: {  	v2 =	vld.idx.msk [tilespmem:v1+s24+$0x0 ss:$0x1], vm0;
	_ =	sdelay $0x2  }
0x6b: {  	p2 =	slt.s32 s0, s22;
	s2 =	smov.u32 s22  }
0x6c: {  	s8 =	smov.u32 s23;
	s25 =	simm.s32 $0x0;
	s2 =	smov.u32 @p2 s0  }
.LBB2_8:
0x6d: {  	(v2sf) =	vpush v2, s25;
	_ =	sdelay $0xe  }
0x6e: {  	s25 =	sadd.s32 $0x1, s25;
	s9 =	spop (v2sf)  }
0x6f: {  	s31 =	sadd.s32 s25, s24;
	s26 =	sshll.u32 s9, $0x8;
	s9 =	sshll.u32 s9, $0x7  }
0x70: {  	p2 =	slt.s32 s31, s2;
	s26 =	sand.u32 $0xFFFFF800, s26;
	s9 =	sand.u32 $0x380, s9  }
.Ltmp7:
0x71: {  	s9 =	sor.u32 s9, s26;
	(pc) =	sbr.rel @p2 .LBB2_8-.Ltmp7, $4  }
0x72: {  	s9 =	sshrl.u32 s9, $0x3  }
0x73: {  	s9 =	sadd.s32 s4, s9  }
0x74: {  	[tilespmem:s8], [sflag:$0x7] =	stream.strided.gather [hbm4b:s9+s15], $0x100, s16, s15, $0x38;
	[tilespmem:$0x1E668] =	vst v63  }
0x75: {  	s8 =	sadd.s32 $0x100, s8  }
.Ltmp8:
0x76: {  	_ = 	snop;
	(pc) =	sbr.rel .LBB2_5-.Ltmp8, $1  }
0x77: {  	_ =	sdelay $0x3  }
.LBB2_9:
0x78: {  	p2 =	slt.u32 s20, $0x2  }
.Ltmp9:
0x79: {  	_ = 	snop;
	(pc) =	sbr.rel @p2 .LBB2_27-.Ltmp9, $1  }
0x7a: {  	_ =	sdelay $0x3  }
0x7b: {  	p2 =	sgt.s32 s21, $0x6138;
	s0 =	smov.u32 s21  }
0x7c: {  	s2 =	sshra.s32 s21, $0x1F;
	s8 =	ssub.s32 $0x61A8, s21;
	s0 =	simm.s32 @!p2 $0x6138  }
0x7d: {  	s2 =	sand.u32 s2, s21;
	p2 =	slt.s32 s8, $0x70;
	s9 =	smov.u32 s8  }
0x7e: {  	s0 =	ssub.s32 s0, s2;
	s9 =	simm.s32 @!p2 $0x70  }
0x7f: {  	s0 =	sadd.s32 $0xFFFF9EC8, s0;
	s25 =	sshll.u32 s9, $0x8  }
0x80: {  	s3 =	simm.s32 $0x7;
	s26 =	sshll.u32 s0, $0x2;
	s2 =	sand.u32 $0x3FFFFF00, s25  }
0x81: {  	p2 =	sgt.s32 s0, $0x6F;
	s28 =	ssub.s32 $0x1C0, s26;
	_ =	swait.ge [sflag:s3], s2  }
0x82: {  	s2 =	ssub.s32 $0x0, s2;
	[sflag:s3] =	ssyncset.done $0x0;
	s0 =	sshrl.u32 s28, $0x2  }
0x83: {  	s30 =	simm.s32 $0x9;
	[sflag:s3] =	ssyncadd.s32 s2;
	s0 =	simm.s32 @p2 $0x0  }
0x84: {  	_ =	swait.ge [sflag:s30], s0  }
0x85: {  	s0 =	ssub.s32 $0x0, s0;
	[sflag:s30] =	ssyncset.done $0x0  }
0x86: {  	[sflag:s30] =	ssyncadd.s32 s0  }
0x87: {  	v1 =	vld [tilespmem:$0xE408];
	_ =	sdelay $0x4  }
0x88: {  	(v2sf) =	vpush v1, $0x0  }
0x89: {  	(v2sf) =	vpush v1, $0x1  }
0x8a: {  	(v2sf) =	vpush v1, $0x2;
	_ =	sdelay $0x3  }
0x8b: {  	s0 =	sadd.s32 $0x70, s21  }
0x8c: {  	p2 =	slt.s32 s7, s0  }
0x8d: {  	s0 =	smov.u32 @p2 s7;
	p2 =	sgt.s32 s8, $0x0  }
0x8e: {  	s25 =	ssub.s32 s0, s21;
	s8 =	simm.s32 @!p2 $0x0  }
0x8f: {  	p2 =	slt.s32 s8, s25  }
0x90: {  	s25 =	smov.u32 @p2 s8  }
0x91: {  	s24 =	simm.s32 $0x1;
	p2 =	slt.s32 s25, $0x1  }
.Ltmp10:
0x92: {  	s24 =	simm.s32 @!p1 $0x0;
	(pc) =	sbr.rel @p2 .LBB2_14-.Ltmp10, $4  }
0x93: {  	s31 =	smul.u32 $0x1C0, s24  }
0x94: {  	s26 =	spop (v2sf)  }
0x95: {  	s0 =	sshrl.u32 s31, $0x2;
	s29 =	spop (v2sf)  }
0x96: {  	s22 =	sor.u32 $0x10588, s0;
	s21 =	spop (v2sf)  }
0x97: {  	s0 =	smin.u32 s25, $0x10  }
0x98: {  	v1 =	vmov s0  }
0x99: {  	vm1 =	vgt.u32 v1, v0  }
0x9a: {  	p3 =	sgt.s32 s25, $0x10  }
.Ltmp11:
0x9b: {  	_ = 	snop;
	(pc) =	sbr.rel @!p3 .LBB2_13-.Ltmp11, $2  }
0x9c: {  	_ =	sdelay $0x2  }
0x9d: {  	s23 =	simm.s32 $0x10;
	s28 =	sadd.s32 $0xFFFFFFF0, s25;
	s0 =	smov.u32 s22;
	vm0 =	vmmov vm1;
	v1 =	vld.msk [tilespmem:s22+$0x0 ss:$0x1], vm1  }
.LBB2_12:
0x9e: {  	s2 =	smin.u32 s28, $0x10;
	s23 =	sadd.s32 $0x10, s23  }
0x9f: {  	v2 =	vmov s2;
	p3 =	slt.s32 s23, s25  }
0xa0: {  	vm1 =	vgt.u32 v2, v0;
	_ =	sdelay $0x1  }
0xa1: {  	v2 =	vshll.u32 v1, $0x5;
	v1 =	vshll.u32 v1, $0x4  }
.Ltmp12:
0xa2: {  	v2 =	vand.u32 $0xFFFFFF00, v2;
	v1 =	vand.u32 $0x70, v1;
	(pc) =	sbr.rel @p3 .LBB2_12-.Ltmp12, $4  }
0xa3: {  	v1 =	vor.u32 v1, v2  }
0xa4: {  	[tilespmem:s0+$0x0] =	vst.msk vm0, v1;
	s0 =	sadd.s32 $0x10, s0;
	vm0 =	vmmov vm1  }
0xa5: {  	v1 =	vld.msk [tilespmem:s0+$0x0 ss:$0x1], vm1  }
0xa6: {  	s28 =	sadd.s32 $0xFFFFFFF0, s28  }
.LBB2_13:
0xa7: {  	_ =	sdelay $0x3  }
0xa8: {  	v2 =	vshll.u32 v1, $0x5;
	v1 =	vshll.u32 v1, $0x4  }
0xa9: {  	v2 =	vand.u32 $0xFFFFFF00, v2;
	v1 =	vand.u32 $0x70, v1  }
0xaa: {  	v1 =	vor.u32 v1, v2  }
0xab: {  	[tilespmem:s0+$0x0] =	vst.msk vm0, v1  }
.LBB2_14:
0xac: {  	s0 =	sand.u32 $0x1, s20  }
0xad: {  	s0 =	smul.u32 $0x70, s0  }
0xae: {  	p3 =	sne.s32 s29, $0xFFFFFFFF  }
0xaf: {  	v1 =	vld.msk @!p3 [tilespmem:s0+$0x10588], $0x1;
	_ =	sdelay $0x4  }
0xb0: {  	(v2sf) =	vpush @!p3 v1, $0x0;
	_ =	sdelay $0xc  }
.Ltmp13:
0xb1: {  	_ = 	snop;
	(pc) =	sbr.rel @p2 .LBB2_25-.Ltmp13, $4  }
0xb2: {  	_ = 	snop  }
0xb3: {  	s28 =	spop @!p3 (v2sf)  }
0xb4: {  	s21 =	simm.s32 @!p3 $0x0;
	s23 =	smov.u32 s28  }
0xb5: {  	[sflag:s17] =	ssyncpa.u1 $0x0;
	s28 =	smov.u32 @p3 s26;
	s23 =	smov.u32 @p3 s29  }
0xb6: {  	v1 =	vld.msk [tilespmem:s22+$0x0], $0x1;
	_ =	sdelay $0x4  }
0xb7: {  	(v2sf) =	vpush v1, $0x0;
	_ =	sdelay $0xd  }
0xb8: {  	s17 =	smov.u32 s6  }
0xb9: {  	s6 =	smov.u32 s14;
	s14 =	smov.u32 s5;
	s30 =	spop (v2sf)  }
0xba: {  	s5 =	smov.u32 s10;
	s0 =	smul.u32 $0x1C000, s24;
	p2 =	seq.s32 s28, s30  }
0xbb: {  	s2 =	smov.u32 s28;
	s25 =	ssub.s32 $0x0, s25;
	p3 =	sgt.s32 @!p2 s28, $0x0  }
0xbc: {  	s26 =	simm.s32 $0x0;
	s0 =	sshrl.u32 s0, $0x2;
	p3 =	por !p3, p2  }
0xbd: {  	s29 =	sadd.s32 $0x1, s25;
	s24 =	sor.u32 $0x106E8, s0;
	s2 =	simm.s32 @p3 $0x0  }
0xbe: {  	s0 =	simm.s32 @!p2 $0x1;
	p3 =	seq.s32 s29, $0x0;
	s2 =	smin.u32 @!p2 s2, $0x3E70  }
.Ltmp14:
0xbf: {  	s9 =	simm.s32 @!p2 $0x7308;
	s8 =	sand.u32 @!p2 $0x3FF8, s2;
	(pc) =	sbr.rel @p3 .LBB2_17-.Ltmp14, $4  }
0xc0: {  	s31 =	sadd.s32 @!p2 $0x80, s2;
	s10 =	sadd.s32 @!p2 s1, s8;
	s8 =	sand.u32 @!p2 $0x7, s2  }
0xc1: {  	[tilespmem:s9], [sflag:$0x2] =	stream.linear.gather @!p2 [hbm4b:s10+s8], $0x80, $0x38;
	[tilespmem:$0x1E668] =	vst v63  }
0xc2: {  	s0 =	smov.u32 @p2 s26;
	s9 =	sand.u32 @!p2 $0x7FF8, s31  }
0xc3: {  	s2 =	simm.s32 @!p2 $0x7388;
	s31 =	sadd.s32 $0x1, s22;
	s9 =	sadd.s32 @!p2 s1, s9  }
.LBB2_16:
0xc4: {  	s10 =	smov.u32 s0  }
0xc5: {  	[tilespmem:s2], [sflag:$0x2] =	stream.linear.gather @!p2 [hbm4b:s9+s8], $0x80, $0x38;
	[tilespmem:$0x1E668] =	vst v63  }
0xc6: {  	s29 =	sadd.s32 $0x1, s29;
	s8 =	smov.u32 s30;
	v1 =	vld.msk [tilespmem:s31+$0x0], $0x1  }
0xc7: {  	p3 =	seq.s32 s29, $0x0;
	_ =	sdelay $0x3  }
0xc8: {  	(v2sf) =	vpush v1, $0x0;
	_ =	sdelay $0xe  }
0xc9: {  	s30 =	spop (v2sf)  }
0xca: {  	p2 =	seq.s32 s8, s30  }
0xcb: {  	p4 =	sgt.s32 @!p2 s8, $0x0;
	s2 =	sshll.u32 @!p2 s0, $0xA;
	s0 =	sadd.s32 @!p2 $0x1, s0  }
0xcc: {  	p4 =	por !p4, p2;
	s2 =	sshra.s32 @!p2 s2, $0x2;
	s0 =	smov.u32 @p2 s10  }
0xcd: {  	s8 =	simm.s32 @p4 $0x0;
	s9 =	sadd.s32 @!p2 $0x7308, s2;
	s2 =	sadd.s32 @!p2 $0x7388, s2  }
.Ltmp15:
0xce: {  	s8 =	smin.u32 @!p2 s8, $0x3E70;
	(pc) =	sbr.rel @!p3 .LBB2_16-.Ltmp15, $4  }
0xcf: {  	s10 =	sand.u32 @!p2 $0x3FF8, s8;
	s3 =	sadd.s32 @!p2 $0x80, s8  }
0xd0: {  	s8 =	sand.u32 @!p2 $0x7, s8;
	s10 =	sadd.s32 @!p2 s1, s10;
	s3 =	sand.u32 @!p2 $0x7FF8, s3  }
0xd1: {  	[tilespmem:s9], [sflag:$0x2] =	stream.linear.gather @!p2 [hbm4b:s10+s8], $0x80, $0x38;
	[tilespmem:$0x1E668] =	vst v63  }
0xd2: {  	s31 =	sadd.s32 $0x1, s31;
	s9 =	sadd.s32 @!p2 s1, s3  }
.LBB2_17:
0xd3: {  	[tilespmem:s2], [sflag:$0x2] =	stream.linear.gather @!p2 [hbm4b:s9+s8], $0x80, $0x38;
	[tilespmem:$0x1E668] =	vst v63  }
.Ltmp16:
0xd4: {  	s0 =	sshll.u32 s0, $0x8;
	(pc) =	sbr.rel .LBB2_18-.Ltmp16, $4  }
0xd5: {  	s31 =	simm.s32 $0x2;
	s30 =	simm.s32 $0x0;
	s0 =	sand.u32 $0x3FFFFF00, s0  }
0xd6: {  	s10 =	smov.u32 s5;
	s5 =	smov.u32 s14;
	_ =	swait.ge [sflag:s31], s0  }
0xd7: {  	s14 =	smov.u32 s6;
	s0 =	ssub.s32 $0x0, s0;
	[sflag:s31] =	ssyncset.done $0x0  }
0xd8: {  	s6 =	smov.u32 s17;
	s17 =	simm.s32 $0xA;
	[sflag:s31] =	ssyncadd.s32 s0  }
.LBB2_19:
0xd9: {  	v1 =	vld [tilespmem:s24+$0xFFFFFF80];
	_ =	sdelay $0x4  }
0xda: {  	[tilespmem:s31+$0x208] =	vst.add.f32.msk $0xffff, v1  }
0xdb: {  	v1 =	vld [tilespmem:s24+$0xFFFFFF90];
	_ =	sdelay $0x4  }
0xdc: {  	[tilespmem:s31+$0x218] =	vst.add.f32.msk $0xffff, v1  }
0xdd: {  	v1 =	vld [tilespmem:s24+$0xFFFFFFA0];
	_ =	sdelay $0x4  }
0xde: {  	[tilespmem:s31+$0x228] =	vst.add.f32.msk $0xffff, v1  }
0xdf: {  	v1 =	vld [tilespmem:s24+$0xFFFFFFB0];
	_ =	sdelay $0x4  }
0xe0: {  	[tilespmem:s31+$0x238] =	vst.add.f32.msk $0xffff, v1  }
0xe1: {  	v1 =	vld [tilespmem:s24+$0xFFFFFFC0];
	_ =	sdelay $0x4  }
0xe2: {  	[tilespmem:s31+$0x248] =	vst.add.f32.msk $0xffff, v1  }
0xe3: {  	v1 =	vld [tilespmem:s24+$0xFFFFFFD0];
	_ =	sdelay $0x4  }
0xe4: {  	[tilespmem:s31+$0x258] =	vst.add.f32.msk $0xffff, v1  }
0xe5: {  	v1 =	vld [tilespmem:s24+$0xFFFFFFE0];
	_ =	sdelay $0x4  }
0xe6: {  	[tilespmem:s31+$0x268] =	vst.add.f32.msk $0xffff, v1  }
0xe7: {  	v1 =	vld [tilespmem:s24+$0xFFFFFFF0];
	_ =	sdelay $0x4  }
0xe8: {  	[tilespmem:s31+$0x278] =	vst.add.f32.msk $0xffff, v1  }
0xe9: {  	v1 =	vld [tilespmem:s24+$0x0];
	_ =	sdelay $0x4  }
0xea: {  	[tilespmem:s31+$0x288] =	vst.add.f32.msk $0xffff, v1  }
0xeb: {  	v1 =	vld [tilespmem:s24+$0x10];
	_ =	sdelay $0x4  }
0xec: {  	[tilespmem:s31+$0x298] =	vst.add.f32.msk $0xffff, v1  }
0xed: {  	v1 =	vld [tilespmem:s24+$0x20];
	_ =	sdelay $0x4  }
0xee: {  	[tilespmem:s31+$0x2A8] =	vst.add.f32.msk $0xffff, v1  }
0xef: {  	v1 =	vld [tilespmem:s24+$0x30];
	_ =	sdelay $0x4  }
0xf0: {  	[tilespmem:s31+$0x2B8] =	vst.add.f32.msk $0xffff, v1  }
0xf1: {  	v1 =	vld [tilespmem:s24+$0x40];
	_ =	sdelay $0x4  }
0xf2: {  	[tilespmem:s31+$0x2C8] =	vst.add.f32.msk $0xffff, v1  }
0xf3: {  	v1 =	vld [tilespmem:s24+$0x50];
	_ =	sdelay $0x4  }
0xf4: {  	[tilespmem:s31+$0x2D8] =	vst.add.f32.msk $0xffff, v1  }
0xf5: {  	v1 =	vld [tilespmem:s24+$0x60];
	_ =	sdelay $0x4  }
0xf6: {  	[tilespmem:s31+$0x2E8] =	vst.add.f32.msk $0xffff, v1  }
0xf7: {  	v1 =	vld [tilespmem:s24+$0x70];
	_ =	sdelay $0x4  }
0xf8: {  	[tilespmem:s31+$0x2F8] =	vst.add.f32.msk $0xffff, v1  }
.LBB2_23:
0xf9: {  	s25 =	sadd.s32 $0x1, s25  }
0xfa: {  	p2 =	seq.s32 s25, $0x0  }
.Ltmp17:
0xfb: {  	_ = 	snop;
	(pc) =	sbr.rel @p2 .LBB2_24-.Ltmp17, $2  }
0xfc: {  	_ =	sdelay $0x2  }
0xfd: {  	s22 =	sadd.s32 $0x1, s22;
	s24 =	sadd.s32 $0x100, s24;
	s28 =	smov.u32 s29  }
.LBB2_18:
0xfe: {  	v1 =	vld.msk [tilespmem:s22+$0x0], $0x1;
	_ =	sdelay $0x4  }
0xff: {  	(v2sf) =	vpush v1, $0x0;
	_ =	sdelay $0xe  }
0x100: {  	s29 =	spop (v2sf)  }
0x101: {  	p2 =	sne.s32 s28, s29  }
.Ltmp18:
0x102: {  	_ = 	snop;
	(pc) =	sbr.rel @!p2 .LBB2_19-.Ltmp18, $3  }
0x103: {  	_ =	sdelay $0x1  }
0x104: {  	s0 =	sshll.u32 s21, $0xA  }
0x105: {  	s31 =	sshra.s32 s0, $0x2  }
0x106: {  	p2 =	seq.s32 s28, s23  }
.Ltmp19:
0x107: {  	_ = 	snop;
	(pc) =	sbr.rel @!p2 .LBB2_21-.Ltmp19, $1  }
0x108: {  	_ =	sdelay $0x3  }
.Ltmp20:
0x109: {  	s0 =	sadd.s32 $0x208, s31;
	(pc) =	sbr.rel .LBB2_22-.Ltmp20, $4  }
0x10a: {  	[spmem:s13] =	stream.linear.scatter [tilespmem:s0], [sflag:$0x1], $0x100, $0x38;
	[tilespmem:$0x1E668] =	vst v63  }
0x10b: {  	_ =	swait.ge [sflag:s11], $0x100  }
0x10c: {  	[sflag:s11] =	ssyncset.done $0x0  }
0x10d: {  	[sflag:s11] =	ssyncadd.s32 $0xFFFFFF00  }
.LBB2_21:
0x10e: {  	s0 =	sshll.u32 s26, $0xA  }
0x10f: {  	s0 =	sshra.s32 s0, $0x2  }
0x110: {  	v1 =	vld [tilespmem:s0+$0x7308];
	_ =	sdelay $0x4  }
0x111: {  	[tilespmem:s31+$0x208] =	vst.add.f32.msk $0xffff, v1  }
0x112: {  	v1 =	vld [tilespmem:s0+$0x7318];
	_ =	sdelay $0x4  }
0x113: {  	[tilespmem:s31+$0x218] =	vst.add.f32.msk $0xffff, v1  }
0x114: {  	v1 =	vld [tilespmem:s0+$0x7328];
	_ =	sdelay $0x4  }
0x115: {  	[tilespmem:s31+$0x228] =	vst.add.f32.msk $0xffff, v1  }
0x116: {  	v1 =	vld [tilespmem:s0+$0x7338];
	_ =	sdelay $0x4  }
0x117: {  	[tilespmem:s31+$0x238] =	vst.add.f32.msk $0xffff, v1  }
0x118: {  	v1 =	vld [tilespmem:s0+$0x7348];
	_ =	sdelay $0x4  }
0x119: {  	[tilespmem:s31+$0x248] =	vst.add.f32.msk $0xffff, v1  }
0x11a: {  	v1 =	vld [tilespmem:s0+$0x7358];
	_ =	sdelay $0x4  }
0x11b: {  	[tilespmem:s31+$0x258] =	vst.add.f32.msk $0xffff, v1  }
0x11c: {  	v1 =	vld [tilespmem:s0+$0x7368];
	_ =	sdelay $0x4  }
0x11d: {  	[tilespmem:s31+$0x268] =	vst.add.f32.msk $0xffff, v1  }
0x11e: {  	v1 =	vld [tilespmem:s0+$0x7378];
	_ =	sdelay $0x4  }
0x11f: {  	[tilespmem:s31+$0x278] =	vst.add.f32.msk $0xffff, v1  }
0x120: {  	v1 =	vld [tilespmem:s0+$0x7388];
	_ =	sdelay $0x4  }
0x121: {  	[tilespmem:s31+$0x288] =	vst.add.f32.msk $0xffff, v1  }
0x122: {  	v1 =	vld [tilespmem:s0+$0x7398];
	_ =	sdelay $0x4  }
0x123: {  	[tilespmem:s31+$0x298] =	vst.add.f32.msk $0xffff, v1  }
0x124: {  	v1 =	vld [tilespmem:s0+$0x73A8];
	_ =	sdelay $0x4  }
0x125: {  	[tilespmem:s31+$0x2A8] =	vst.add.f32.msk $0xffff, v1  }
0x126: {  	v1 =	vld [tilespmem:s0+$0x73B8];
	_ =	sdelay $0x4  }
0x127: {  	[tilespmem:s31+$0x2B8] =	vst.add.f32.msk $0xffff, v1  }
0x128: {  	v1 =	vld [tilespmem:s0+$0x73C8];
	_ =	sdelay $0x4  }
0x129: {  	[tilespmem:s31+$0x2C8] =	vst.add.f32.msk $0xffff, v1  }
0x12a: {  	v1 =	vld [tilespmem:s0+$0x73D8];
	_ =	sdelay $0x4  }
0x12b: {  	[tilespmem:s31+$0x2D8] =	vst.add.f32.msk $0xffff, v1  }
0x12c: {  	v1 =	vld [tilespmem:s0+$0x73E8];
	_ =	sdelay $0x4  }
0x12d: {  	[tilespmem:s31+$0x2E8] =	vst.add.f32.msk $0xffff, v1  }
0x12e: {  	v1 =	vld [tilespmem:s0+$0x73F8];
	_ =	sdelay $0x2  }
0x12f: {  	p2 =	sgt.u32 s28, $0x3E70  }
0x130: {  	s0 =	sand.u32 @!p2 $0x3FF8, s28  }
0x131: {  	s2 =	sadd.s32 $0x208, s31;
	s3 =	sand.u32 @!p2 $0x7, s28;
	s0 =	sadd.s32 @!p2 s1, s0;
	[tilespmem:s31+$0x2F8] =	vst.add.f32.msk $0xffff, v1  }
0x132: {  	[hbm4b:s0+s3] =	stream.linear.scatter @!p2 [tilespmem:s2], [sflag:$0xA], $0x80, $0x38;
	[tilespmem:$0x1E668] =	vst v63  }
0x133: {  	s0 =	sadd.s32 @!p2 $0x80, s28  }
0x134: {  	s0 =	sand.u32 @!p2 $0x7FF8, s0  }
0x135: {  	s2 =	sadd.s32 $0x288, s31;
	s0 =	sadd.s32 @!p2 s1, s0  }
0x136: {  	[hbm4b:s0+s3] =	stream.linear.scatter @!p2 [tilespmem:s2], [sflag:$0xA], $0x80, $0x38;
	[tilespmem:$0x1E668] =	vst v63  }
0x137: {  	s0 =	simm.s32 $0x0  }
0x138: {  	s0 =	simm.s32 @!p2 $0x400  }
0x139: {  	s30 =	sadd.s32 s0, s30  }
.LBB2_22:
0x13a: {  	s0 =	sadd.s32 $0x1, s21  }
0x13b: {  	s2 =	sshrl.u32 s0, $0x4  }
0x13c: {  	s2 =	smulhi.u32 $0x24924925, s2  }
0x13d: {  	v1 =	vld [tilespmem:s24+$0xFFFFFF80]  }
0x13e: {  	s2 =	smul.u32 $0x70, s2;
	_ =	sdelay $0x1  }
0x13f: {  	s21 =	ssub.s32 s0, s2  }
0x140: {  	s0 =	sshll.u32 s21, $0x8  }
0x141: {  	[tilespmem:s0+$0x208] =	vst v1  }
0x142: {  	v1 =	vld [tilespmem:s24+$0xFFFFFF90];
	_ =	sdelay $0x4  }
0x143: {  	[tilespmem:s0+$0x218] =	vst v1  }
0x144: {  	v1 =	vld [tilespmem:s24+$0xFFFFFFA0];
	_ =	sdelay $0x4  }
0x145: {  	[tilespmem:s0+$0x228] =	vst v1  }
0x146: {  	v1 =	vld [tilespmem:s24+$0xFFFFFFB0];
	_ =	sdelay $0x4  }
0x147: {  	[tilespmem:s0+$0x238] =	vst v1  }
0x148: {  	v1 =	vld [tilespmem:s24+$0xFFFFFFC0];
	_ =	sdelay $0x4  }
0x149: {  	[tilespmem:s0+$0x248] =	vst v1  }
0x14a: {  	v1 =	vld [tilespmem:s24+$0xFFFFFFD0];
	_ =	sdelay $0x4  }
0x14b: {  	[tilespmem:s0+$0x258] =	vst v1  }
0x14c: {  	v1 =	vld [tilespmem:s24+$0xFFFFFFE0];
	_ =	sdelay $0x4  }
0x14d: {  	[tilespmem:s0+$0x268] =	vst v1  }
0x14e: {  	v1 =	vld [tilespmem:s24+$0xFFFFFFF0];
	_ =	sdelay $0x4  }
0x14f: {  	[tilespmem:s0+$0x278] =	vst v1  }
0x150: {  	v1 =	vld [tilespmem:s24+$0x0];
	_ =	sdelay $0x4  }
0x151: {  	[tilespmem:s0+$0x288] =	vst v1  }
0x152: {  	v1 =	vld [tilespmem:s24+$0x10];
	_ =	sdelay $0x4  }
0x153: {  	[tilespmem:s0+$0x298] =	vst v1  }
0x154: {  	v1 =	vld [tilespmem:s24+$0x20];
	_ =	sdelay $0x4  }
0x155: {  	[tilespmem:s0+$0x2A8] =	vst v1  }
0x156: {  	v1 =	vld [tilespmem:s24+$0x30];
	_ =	sdelay $0x4  }
0x157: {  	[tilespmem:s0+$0x2B8] =	vst v1  }
0x158: {  	v1 =	vld [tilespmem:s24+$0x40];
	_ =	sdelay $0x4  }
0x159: {  	[tilespmem:s0+$0x2C8] =	vst v1  }
0x15a: {  	v1 =	vld [tilespmem:s24+$0x50];
	_ =	sdelay $0x4  }
0x15b: {  	[tilespmem:s0+$0x2D8] =	vst v1  }
0x15c: {  	v1 =	vld [tilespmem:s24+$0x60];
	_ =	sdelay $0x4  }
0x15d: {  	[tilespmem:s0+$0x2E8] =	vst v1  }
0x15e: {  	v1 =	vld [tilespmem:s24+$0x70]  }
.Ltmp21:
0x15f: {  	_ = 	snop;
	(pc) =	sbr.rel .LBB2_23-.Ltmp21, $2  }
0x160: {  	_ =	sdelay $0x2  }
0x161: {  	s26 =	sadd.s32 $0x1, s26;
	[tilespmem:s0+$0x2F8] =	vst v1  }
.LBB2_25:
.Ltmp22:
0x162: {  	(pc) =	sbr.rel .LBB2_26-.Ltmp22, $4  }
0x163: {  	_ = 	snop  }
0x164: {  	s0 =	simm.s32 $0x2  }
0x165: {  	_ =	swait.ge [sflag:s0], $0x0  }
0x166: {  	s29 =	smov.u32 s28;
	[sflag:s0] =	ssyncset.done $0x0;
	s0 =	simm.s32 $0x0  }
.LBB2_28:
0x167: {  	_ =	sfence.sel $0x180000  }
0x168: {  	s0 =	simm.s32 $0x7;
	[bflag:$0x0] =	sbarrier.arrive $0xFFFF  }
0x169: {  	s25 =	simm.s32 $0x8;
	[sflag:s0] =	ssyncpa.u1 $0x1  }
0x16a: {  	s26 =	simm.s32 $0x9;
	[sflag:s25] =	ssyncpa.u1 $0x1  }
0x16b: {  	s28 =	simm.s32 $0x2;
	[sflag:s26] =	ssyncpa.u1 $0x1  }
0x16c: {  	[sflag:s28] =	ssyncpa.u1 $0x1  }
0x16d: {  	v0 =	vld [tilespmem:$0xE408];
	_ =	sdelay $0x4  }
0x16e: {  	(v2sf) =	vpush v0, $0x0  }
0x16f: {  	(v2sf) =	vpush v0, $0x1;
	_ =	sdelay $0x1  }
0x170: {  	(v2sf) =	vpush v0, $0x2;
	_ =	sdelay $0xb  }
0x171: {  	s0 =	spop (v2sf)  }
0x172: {  	s2 =	spop (v2sf)  }
0x173: {  	s3 =	smov.u32 s0;
	p0 =	sne.s32 s0, s2  }
0x174: {  	s4 =	spop (v2sf);
	s3 =	simm.s32 @!p0 $0xFFFFFFFF  }
0x175: {  	v2 =	vimm.s32 $0x1;
	v3 =	vlaneseq.u32;
	p0 =	seq.s32 s4, $0xFFFFFFFF;
	v1 =	vmov s3  }
0x176: {  	s7 =	stileid.u32;
	v0 =	vperm.xlane v0, v2;
	p1 =	sne.s32 @!p0 s0, s2;
	v1 =	vperm.xlane v1, v3  }
0x177: {  	vm0 =	vcmask $0x3F04;
	s6 =	simm.s32 $0xE408;
	s0 =	simm.s32 @!p0 $0x1;
	p1 =	por !p1, p0  }
0x178: {  	s3 =	sshll.u32 s7, $0x1;
	s2 =	sshll.u32 @!p0 s4, $0xA;
	s0 =	simm.s32 @p1 $0x0;
	v0 =	vsel vm0, v1, v0  }
0x179: {  	s5 =	sor.u32 $0x2000, s3;
	s2 =	sshra.s32 @!p0 s2, $0x2;
	s0 =	sor.u32 @!p0 s0, s3;
	[tilespmem:$0xE408] =	vst v0  }
0x17a: {  	[spmem:s5] =	stream.linear.scatter [tilespmem:s6], [sflag:$0x1], $0x2, $0x38;
	[tilespmem:$0x1E668] =	vst v63  }
0x17b: {  	s2 =	sadd.s32 @!p0 $0x208, s2;
	s0 =	sshll.u32 @!p0 s0, $0x8  }
0x17c: {  	[spmem:s0] =	stream.linear.scatter @!p0 [tilespmem:s2], [sflag:$0x1], $0x100, $0x38;
	[tilespmem:$0x1E668] =	vst v63  }
0x17d: {  	s2 =	simm.s32 @!p0 $0x102  }
0x17e: {  	s0 =	simm.s32 $0x1;
	s2 =	simm.s32 @p0 $0x2  }
0x17f: {  	_ =	swait.ge [sflag:s0], s2  }
0x180: {  	s2 =	ssub.s32 $0x0, s2;
	[sflag:s0] =	ssyncset.done $0x0  }
0x181: {  	[sflag:s0] =	ssyncadd.s32 s2  }
0x182: {  	_ =	sfence.stream.spmem  }
0x183: {  	s29 =	simm.s32 $0x3;
	[bflag:$0x0] =	sbarrier.arrive $0xFFFF  }
0x184: {  	s30 =	simm.s32 $0x4;
	[sflag:s29] =	ssyncpa.u1 $0x1  }
0x185: {  	s31 =	simm.s32 $0x3C;
	[sflag:s30] =	ssyncpa.u1 $0x1  }
0x186: {  	p0 =	sne.s32 s7, $0x0;
	[sflag:s31] =	ssyncpa.u1 $0x1  }
0x187: {  	_ =	sfence @p0  }
0x188: {  	[sflag:s0] =	ssyncpa.u1 @p0 $0x1  }
0x189: {  	_ =	strace @p0 $0x9000005C  }
0x18a: {  	[bflag:$0x2] =	sbarrier.arrive @p0 $0xFFFF  }
0x18b: {  	_ =	shalt @p0  }
.LBB2_29:
0x18c: {  	_ =	sfence.stream.spmem;
	s0 =	simm.s32 $0x5  }
0x18d: {  	s2 =	simm.s32 $0x2000;
	s3 =	simm.s32 $0xE418;
	[sflag:s0] =	ssyncpa.u1 $0x0  }
0x18e: {  	[tilespmem:s3], [sflag:$0x5] =	stream.linear.gather [spmem:s2], $0x20, $0x38;
	[tilespmem:$0x1E668] =	vst v63  }
0x18f: {  	s30 =	simm.s32 $0xE438;
	s2 =	simm.s32 $0x0  }
0x190: {  	[tilespmem:s30], [sflag:$0x5] =	stream.linear.gather [spmem:s2], $0x2000, $0x38;
	[tilespmem:$0x1E668] =	vst v63  }
.Ltmp23:
0x191: {  	_ = 	snop;
	(pc) =	sbr.rel .LBB2_30-.Ltmp23, $4  }
0x192: {  	_ =	swait.ge [sflag:s0], $0x2020  }
0x193: {  	[sflag:s0] =	ssyncset.done $0x0  }
0x194: {  	s31 =	simm.s32 $0x6;
	[sflag:s0] =	ssyncadd.s32 $0xFFFFDFE0  }
0x195: {  	s3 =	simm.s32 $0x0;
	[sflag:s31] =	ssyncpa.u1 $0x0  }
.LBB2_36:
0x196: {  	p0 =	slt.u32 s4, $0x3E71  }
0x197: {  	s0 =	sand.u32 @p0 $0x3FF8, s4  }
0x198: {  	s5 =	sand.u32 @p0 $0x7, s4;
	s6 =	simm.s32 @p0 $0xE308;
	s0 =	sadd.s32 @p0 s1, s0  }
0x199: {  	[tilespmem:s6], [sflag:$0x6] =	stream.linear.gather @p0 [hbm4b:s0+s5], $0x80, $0x38;
	[tilespmem:$0x1E668] =	vst v63  }
0x19a: {  	s0 =	sadd.s32 @p0 $0x80, s4  }
0x19b: {  	s0 =	sand.u32 @p0 $0x7FF8, s0  }
0x19c: {  	s4 =	simm.s32 @p0 $0xE388;
	s0 =	sadd.s32 @p0 s1, s0  }
0x19d: {  	[tilespmem:s4], [sflag:$0x6] =	stream.linear.gather @p0 [hbm4b:s0+s5], $0x80, $0x38;
	[tilespmem:$0x1E668] =	vst v63  }
0x19e: {  	s0 =	simm.s32 @p0 $0x6  }
0x19f: {  	_ =	swait.ge @p0 [sflag:s0], $0x100  }
0x1a0: {  	[sflag:s0] =	ssyncset.done @p0 $0x0  }
0x1a1: {  	[sflag:s0] =	ssyncadd.s32 @p0 $0xFFFFFF00  }
0x1a2: {  	v1 =	vld @p0 [tilespmem:$0xE308];
	_ =	sdelay $0x2  }
0x1a3: {  	s0 =	sshll.u32 @p0 s3, $0xA  }
0x1a4: {  	s4 =	sshrl.u32 @p0 s0, $0x2  }
0x1a5: {  	[tilespmem:s4+$0xE438] =	vst.add.f32.msk @p0 $0xffff, v1  }
0x1a6: {  	v1 =	vld @p0 [tilespmem:$0xE318];
	_ =	sdelay $0x4  }
0x1a7: {  	[tilespmem:s4+$0xE448] =	vst.add.f32.msk @p0 $0xffff, v1  }
0x1a8: {  	v1 =	vld @p0 [tilespmem:$0xE328];
	_ =	sdelay $0x4  }
0x1a9: {  	[tilespmem:s4+$0xE458] =	vst.add.f32.msk @p0 $0xffff, v1  }
0x1aa: {  	v1 =	vld @p0 [tilespmem:$0xE338];
	_ =	sdelay $0x4  }
0x1ab: {  	[tilespmem:s4+$0xE468] =	vst.add.f32.msk @p0 $0xffff, v1  }
0x1ac: {  	v1 =	vld @p0 [tilespmem:$0xE348];
	_ =	sdelay $0x4  }
0x1ad: {  	[tilespmem:s4+$0xE478] =	vst.add.f32.msk @p0 $0xffff, v1  }
0x1ae: {  	v1 =	vld @p0 [tilespmem:$0xE358];
	_ =	sdelay $0x4  }
0x1af: {  	[tilespmem:s4+$0xE488] =	vst.add.f32.msk @p0 $0xffff, v1  }
0x1b0: {  	v1 =	vld @p0 [tilespmem:$0xE368];
	_ =	sdelay $0x4  }
0x1b1: {  	[tilespmem:s4+$0xE498] =	vst.add.f32.msk @p0 $0xffff, v1  }
0x1b2: {  	v1 =	vld @p0 [tilespmem:$0xE378];
	_ =	sdelay $0x4  }
0x1b3: {  	[tilespmem:s4+$0xE4A8] =	vst.add.f32.msk @p0 $0xffff, v1  }
0x1b4: {  	v1 =	vld @p0 [tilespmem:$0xE388];
	_ =	sdelay $0x4  }
0x1b5: {  	[tilespmem:s4+$0xE4B8] =	vst.add.f32.msk @p0 $0xffff, v1  }
0x1b6: {  	v1 =	vld @p0 [tilespmem:$0xE398];
	_ =	sdelay $0x4  }
0x1b7: {  	[tilespmem:s4+$0xE4C8] =	vst.add.f32.msk @p0 $0xffff, v1  }
0x1b8: {  	v1 =	vld @p0 [tilespmem:$0xE3A8];
	_ =	sdelay $0x4  }
0x1b9: {  	[tilespmem:s4+$0xE4D8] =	vst.add.f32.msk @p0 $0xffff, v1  }
0x1ba: {  	v1 =	vld @p0 [tilespmem:$0xE3B8];
	_ =	sdelay $0x4  }
0x1bb: {  	[tilespmem:s4+$0xE4E8] =	vst.add.f32.msk @p0 $0xffff, v1  }
0x1bc: {  	v1 =	vld @p0 [tilespmem:$0xE3C8];
	_ =	sdelay $0x4  }
0x1bd: {  	[tilespmem:s4+$0xE4F8] =	vst.add.f32.msk @p0 $0xffff, v1  }
0x1be: {  	v1 =	vld @p0 [tilespmem:$0xE3D8];
	_ =	sdelay $0x4  }
0x1bf: {  	[tilespmem:s4+$0xE508] =	vst.add.f32.msk @p0 $0xffff, v1  }
0x1c0: {  	v1 =	vld @p0 [tilespmem:$0xE3E8];
	_ =	sdelay $0x4  }
0x1c1: {  	[tilespmem:s4+$0xE518] =	vst.add.f32.msk @p0 $0xffff, v1  }
0x1c2: {  	v1 =	vld @p0 [tilespmem:$0xE3F8];
	_ =	sdelay $0x3  }
0x1c3: {  	s5 =	sshll.u32 @!p0 s3, $0xA  }
0x1c4: {  	s5 =	smov.u32 @p0 s0;
	[tilespmem:s4+$0xE528] =	vst.add.f32.msk @p0 $0xffff, v1  }
0x1c5: {  	s0 =	sshrl.u32 s5, $0x2;
	[tilespmem:s2+$0xE418] =	vst.msk $0x1, v0  }
0x1c6: {  	v0 =	vld [tilespmem:s0+$0xE438];
	_ =	sdelay $0x2  }
0x1c7: {  	s31 =	sshll.u32 s2, $0xA  }
0x1c8: {  	s4 =	sshra.s32 s31, $0x2  }
0x1c9: {  	[tilespmem:s4+$0xE438] =	vst v0  }
0x1ca: {  	v0 =	vld [tilespmem:s0+$0xE448];
	_ =	sdelay $0x4  }
0x1cb: {  	[tilespmem:s4+$0xE448] =	vst v0  }
0x1cc: {  	v0 =	vld [tilespmem:s0+$0xE458];
	_ =	sdelay $0x4  }
0x1cd: {  	[tilespmem:s4+$0xE458] =	vst v0  }
0x1ce: {  	v0 =	vld [tilespmem:s0+$0xE468];
	_ =	sdelay $0x4  }
0x1cf: {  	[tilespmem:s4+$0xE468] =	vst v0  }
0x1d0: {  	v0 =	vld [tilespmem:s0+$0xE478];
	_ =	sdelay $0x4  }
0x1d1: {  	[tilespmem:s4+$0xE478] =	vst v0  }
0x1d2: {  	v0 =	vld [tilespmem:s0+$0xE488];
	_ =	sdelay $0x4  }
0x1d3: {  	[tilespmem:s4+$0xE488] =	vst v0  }
0x1d4: {  	v0 =	vld [tilespmem:s0+$0xE498];
	_ =	sdelay $0x4  }
0x1d5: {  	[tilespmem:s4+$0xE498] =	vst v0  }
0x1d6: {  	v0 =	vld [tilespmem:s0+$0xE4A8];
	_ =	sdelay $0x4  }
0x1d7: {  	[tilespmem:s4+$0xE4A8] =	vst v0  }
0x1d8: {  	v0 =	vld [tilespmem:s0+$0xE4B8];
	_ =	sdelay $0x4  }
0x1d9: {  	[tilespmem:s4+$0xE4B8] =	vst v0  }
0x1da: {  	v0 =	vld [tilespmem:s0+$0xE4C8];
	_ =	sdelay $0x4  }
0x1db: {  	[tilespmem:s4+$0xE4C8] =	vst v0  }
0x1dc: {  	v0 =	vld [tilespmem:s0+$0xE4D8];
	_ =	sdelay $0x4  }
0x1dd: {  	[tilespmem:s4+$0xE4D8] =	vst v0  }
0x1de: {  	v0 =	vld [tilespmem:s0+$0xE4E8];
	_ =	sdelay $0x4  }
0x1df: {  	[tilespmem:s4+$0xE4E8] =	vst v0  }
0x1e0: {  	v0 =	vld [tilespmem:s0+$0xE4F8];
	_ =	sdelay $0x4  }
0x1e1: {  	[tilespmem:s4+$0xE4F8] =	vst v0  }
0x1e2: {  	v0 =	vld [tilespmem:s0+$0xE508];
	_ =	sdelay $0x4  }
0x1e3: {  	[tilespmem:s4+$0xE508] =	vst v0  }
0x1e4: {  	v0 =	vld [tilespmem:s0+$0xE518];
	_ =	sdelay $0x4  }
0x1e5: {  	[tilespmem:s4+$0xE518] =	vst v0  }
0x1e6: {  	v0 =	vld [tilespmem:s0+$0xE528];
	_ =	sdelay $0x4  }
0x1e7: {  	s2 =	sadd.s32 $0x1, s2;
	[tilespmem:s4+$0xE528] =	vst v0  }
.LBB2_37:
0x1e8: {  	s3 =	sadd.s32 $0x1, s3  }
0x1e9: {  	p0 =	sne.s32 s3, $0x20  }
.Ltmp24:
0x1ea: {  	_ = 	snop;
	(pc) =	sbr.rel @!p0 .LBB2_38-.Ltmp24, $1  }
0x1eb: {  	_ =	sdelay $0x3  }
.LBB2_30:
0x1ec: {  	v0 =	vld.msk [tilespmem:s3+$0xE418], $0x1;
	_ =	sdelay $0x4  }
0x1ed: {  	(v2sf) =	vpush v0, $0x0;
	_ =	sdelay $0xe  }
0x1ee: {  	s4 =	spop (v2sf)  }
0x1ef: {  	p0 =	seq.s32 s4, $0xFFFFFFFF  }
.Ltmp25:
0x1f0: {  	_ = 	snop;
	(pc) =	sbr.rel @p0 .LBB2_37-.Ltmp25, $1  }
0x1f1: {  	_ =	sdelay $0x3  }
0x1f2: {  	p0 =	slt.s32 s2, $0x1  }
.Ltmp26:
0x1f3: {  	_ = 	snop;
	(pc) =	sbr.rel @p0 .LBB2_36-.Ltmp26, $1  }
0x1f4: {  	_ =	sdelay $0x3  }
0x1f5: {  	s5 =	simm.s32 $0xE418;
	p0 =	por $0x0, $0x0  }
0x1f6: {  	v1 =	vld.msk @!p0 [tilespmem:s5+$0x0], $0x1;
	_ =	sdelay $0x4  }
0x1f7: {  	(v2sf) =	vpush @!p0 v1, $0x0;
	_ =	sdelay $0xd  }
0x1f8: {  	p2 =	sne.s32 s2, $0x1  }
.Ltmp27:
0x1f9: {  	s0 =	spop @!p0 (v2sf);
	(pc) =	sbr.rel @!p2 .LBB2_34-.Ltmp27, $4  }
0x1fa: {  	p1 =	seq.s32 @!p0 s4, s0  }
0x1fb: {  	s6 =	simm.s32 $0x0;
	p1 =	por !p1, p0  }
0x1fc: {  	s0 =	simm.s32 $0xFFFFFFFF;
	s6 =	simm.s32 @p1 $0xFFFFFFFF  }
0x1fd: {  	s7 =	simm.s32 $0x1;
	s6 =	smov.u32 @p0 s0  }
.LBB2_33:
0x1fe: {  	s0 =	smov.u32 s6;
	p0 =	sne.s32 s6, $0xFFFFFFFF  }
0x1ff: {  	s5 =	sadd.s32 $0x1, s5;
	s6 =	smov.u32 s7;
	s7 =	sadd.s32 $0x1, s7  }
0x200: {  	p1 =	sne.s32 s2, s7;
	v1 =	vld.msk @!p0 [tilespmem:s5+$0x0], $0x1;
	_ =	sdelay $0x4  }
0x201: {  	(v2sf) =	vpush @!p0 v1, $0x0;
	_ =	sdelay $0xe  }
.Ltmp28:
0x202: {  	s8 =	spop @!p0 (v2sf);
	(pc) =	sbr.rel @p1 .LBB2_33-.Ltmp28, $4  }
0x203: {  	p2 =	seq.s32 @!p0 s4, s8  }
0x204: {  	p2 =	por !p2, p0  }
0x205: {  	s6 =	simm.s32 @p2 $0xFFFFFFFF  }
0x206: {  	s6 =	smov.u32 @p0 s0  }
.LBB2_34:
0x207: {  	p0 =	seq.s32 s6, $0xFFFFFFFF  }
.Ltmp29:
0x208: {  	_ = 	snop;
	(pc) =	sbr.rel @p0 .LBB2_36-.Ltmp29, $1  }
0x209: {  	_ =	sdelay $0x3  }
0x20a: {  	s0 =	sshll.u32 s3, $0x8  }
0x20b: {  	s0 =	sand.u32 $0x3FFFFF00, s0  }
0x20c: {  	v0 =	vld [tilespmem:s0+$0xE438];
	_ =	sdelay $0x2  }
0x20d: {  	s4 =	sshll.u32 s6, $0xA  }
0x20e: {  	s4 =	sshra.s32 s4, $0x2  }
0x20f: {  	[tilespmem:s4+$0xE438] =	vst.add.f32.msk $0xffff, v0  }
0x210: {  	v0 =	vld [tilespmem:s0+$0xE448];
	_ =	sdelay $0x4  }
0x211: {  	[tilespmem:s4+$0xE448] =	vst.add.f32.msk $0xffff, v0  }
0x212: {  	v0 =	vld [tilespmem:s0+$0xE458];
	_ =	sdelay $0x4  }
0x213: {  	[tilespmem:s4+$0xE458] =	vst.add.f32.msk $0xffff, v0  }
0x214: {  	v0 =	vld [tilespmem:s0+$0xE468];
	_ =	sdelay $0x4  }
0x215: {  	[tilespmem:s4+$0xE468] =	vst.add.f32.msk $0xffff, v0  }
0x216: {  	v0 =	vld [tilespmem:s0+$0xE478];
	_ =	sdelay $0x4  }
0x217: {  	[tilespmem:s4+$0xE478] =	vst.add.f32.msk $0xffff, v0  }
0x218: {  	v0 =	vld [tilespmem:s0+$0xE488];
	_ =	sdelay $0x4  }
0x219: {  	[tilespmem:s4+$0xE488] =	vst.add.f32.msk $0xffff, v0  }
0x21a: {  	v0 =	vld [tilespmem:s0+$0xE498];
	_ =	sdelay $0x4  }
0x21b: {  	[tilespmem:s4+$0xE498] =	vst.add.f32.msk $0xffff, v0  }
0x21c: {  	v0 =	vld [tilespmem:s0+$0xE4A8];
	_ =	sdelay $0x4  }
0x21d: {  	[tilespmem:s4+$0xE4A8] =	vst.add.f32.msk $0xffff, v0  }
0x21e: {  	v0 =	vld [tilespmem:s0+$0xE4B8];
	_ =	sdelay $0x4  }
0x21f: {  	[tilespmem:s4+$0xE4B8] =	vst.add.f32.msk $0xffff, v0  }
0x220: {  	v0 =	vld [tilespmem:s0+$0xE4C8];
	_ =	sdelay $0x4  }
0x221: {  	[tilespmem:s4+$0xE4C8] =	vst.add.f32.msk $0xffff, v0  }
0x222: {  	v0 =	vld [tilespmem:s0+$0xE4D8];
	_ =	sdelay $0x4  }
0x223: {  	[tilespmem:s4+$0xE4D8] =	vst.add.f32.msk $0xffff, v0  }
0x224: {  	v0 =	vld [tilespmem:s0+$0xE4E8];
	_ =	sdelay $0x4  }
0x225: {  	[tilespmem:s4+$0xE4E8] =	vst.add.f32.msk $0xffff, v0  }
0x226: {  	v0 =	vld [tilespmem:s0+$0xE4F8];
	_ =	sdelay $0x4  }
0x227: {  	[tilespmem:s4+$0xE4F8] =	vst.add.f32.msk $0xffff, v0  }
0x228: {  	v0 =	vld [tilespmem:s0+$0xE508];
	_ =	sdelay $0x4  }
0x229: {  	[tilespmem:s4+$0xE508] =	vst.add.f32.msk $0xffff, v0  }
0x22a: {  	v0 =	vld [tilespmem:s0+$0xE518];
	_ =	sdelay $0x4  }
0x22b: {  	[tilespmem:s4+$0xE518] =	vst.add.f32.msk $0xffff, v0  }
0x22c: {  	v0 =	vld [tilespmem:s0+$0xE528]  }
.Ltmp30:
0x22d: {  	_ = 	snop;
	(pc) =	sbr.rel .LBB2_37-.Ltmp30, $2  }
0x22e: {  	_ =	sdelay $0x2  }
0x22f: {  	[tilespmem:s4+$0xE528] =	vst.add.f32.msk $0xffff, v0  }
.LBB2_38:
0x230: {  	p0 =	slt.s32 s2, $0x1  }
.Ltmp31:
0x231: {  	_ = 	snop;
	(pc) =	sbr.rel @p0 .LBB2_42-.Ltmp31, $3  }
0x232: {  	_ =	sdelay $0x1  }
0x233: {  	s0 =	simm.s32 $0x6  }
0x234: {  	[sflag:s0] =	ssyncpa.u1 $0x1;
	s0 =	simm.s32 $0x0  }
0x235: {  	s3 =	simm.s32 $0xE418  }
0x236: {  	v0 =	vld.msk [tilespmem:s3+$0x0], $0x1;
	_ =	sdelay $0x4  }
0x237: {  	(v2sf) =	vpush v0, $0x0;
	_ =	sdelay $0xe  }
0x238: {  	s2 =	sadd.s32 $0xFFFFFFFF, s2;
	s4 =	spop (v2sf)  }
0x239: {  	s5 =	simm.s32 $0xE438;
	p0 =	sne.s32 s2, $0x0;
	p1 =	sgt.u32 s4, $0x3E70  }
.Ltmp32:
0x23a: {  	s3 =	simm.s32 $0xE538;
	s6 =	sand.u32 @!p1 $0x3FF8, s4;
	(pc) =	sbr.rel @!p0 .LBB2_41-.Ltmp32, $4  }
0x23b: {  	s7 =	sadd.s32 @!p1 $0x80, s4;
	s8 =	sadd.s32 @!p1 s1, s6;
	s6 =	sand.u32 @!p1 $0x7, s4  }
0x23c: {  	[hbm4b:s8+s6] =	stream.linear.scatter @!p1 [tilespmem:s5], [sflag:$0x5], $0x80, $0x38;
	[tilespmem:$0x1E668] =	vst v63  }
0x23d: {  	s0 =	simm.s32 @!p1 $0x400;
	s4 =	simm.s32 $0xE419;
	s5 =	sand.u32 @!p1 $0x7FF8, s7  }
0x23e: {  	s7 =	simm.s32 @!p1 $0xE4B8;
	s8 =	sadd.s32 @!p1 s1, s5;
	s5 =	sadd.s32 $0x0, s0  }
.LBB2_40:
0x23f: {  	[hbm4b:s8+s6] =	stream.linear.scatter @!p1 [tilespmem:s7], [sflag:$0x5], $0x80, $0x38;
	[tilespmem:$0x1E668] =	vst v63  }
0x240: {  	s2 =	sadd.s32 $0xFFFFFFFF, s2;
	s0 =	smov.u32 s3;
	v0 =	vld.msk [tilespmem:s4+$0x0], $0x1  }
0x241: {  	p0 =	sne.s32 s2, $0x0;
	_ =	sdelay $0x3  }
0x242: {  	(v2sf) =	vpush v0, $0x0;
	_ =	sdelay $0xe  }
0x243: {  	s3 =	sadd.s32 $0x100, s3;
	s9 =	simm.s32 $0x0;
	s6 =	spop (v2sf)  }
.Ltmp33:
0x244: {  	s4 =	sadd.s32 $0x1, s4;
	p1 =	sgt.u32 s6, $0x3E70;
	(pc) =	sbr.rel @p0 .LBB2_40-.Ltmp33, $4  }
0x245: {  	s9 =	simm.s32 @!p1 $0x400;
	s7 =	sand.u32 @!p1 $0x3FF8, s6;
	s8 =	sadd.s32 @!p1 $0x80, s6  }
0x246: {  	s6 =	sand.u32 @!p1 $0x7, s6;
	s7 =	sadd.s32 @!p1 s1, s7;
	s8 =	sand.u32 @!p1 $0x7FF8, s8  }
0x247: {  	[hbm4b:s7+s6] =	stream.linear.scatter @!p1 [tilespmem:s0], [sflag:$0x5], $0x80, $0x38;
	[tilespmem:$0x1E668] =	vst v63  }
0x248: {  	s5 =	sadd.s32 s5, s9;
	s7 =	sadd.s32 @!p1 $0x80, s0;
	s8 =	sadd.s32 @!p1 s1, s8  }
.LBB2_41:
0x249: {  	[hbm4b:s8+s6] =	stream.linear.scatter @!p1 [tilespmem:s7], [sflag:$0x5], $0x80, $0x38;
	[tilespmem:$0x1E668] =	vst v63  }
0x24a: {  	s0 =	sshrl.u32 s5, $0x2  }
.LBB2_42:
0x24b: {  	s1 =	simm.s32 $0x5  }
0x24c: {  	_ =	swait.ge [sflag:s1], s0  }
0x24d: {  	s29 =	ssub.s32 $0x0, s0;
	[sflag:s1] =	ssyncset.done $0x0  }
0x24e: {  	[sflag:s1] =	ssyncadd.s32 s29  }
0x24f: {  	[sflag:s1] =	ssyncpa.u1 $0x1  }
0x250: {  	s30 =	simm.s32 $0x1;
	_ =	sfence  }
0x251: {  	[sflag:s30] =	ssyncpa.u1 $0x1  }
0x252: {  	_ =	strace $0x9000005C  }
0x253: {  	[bflag:$0x2] =	sbarrier.arrive $0xFFFF  }
0x254: {  	s31 =	rddreg [dreg:$0x1]  }
0x255: {  	s0 =	sadd.s32 $0x100000, s31  }
0x256: {  	[sflag:s0] =	ssyncadd.tile.s32 $0x1;
	_ =	shalt  }
.Lfunc_end2:
_tile_overlayer_lowered:
.L_overlay_start_2:
0x257: {  	(tag) =	ssettag $0x2  }
0x258: {  	s0 =	rddreg [dreg:$0x0];
	s2 =	stileid.u32  }
0x259: {  	s1 =	rddreg [dreg:$0x1];
	p0 =	sne.s32 s2, $0x0  }
0x25a: {  	s3 =	rddreg [dreg:$0x2];
	[bflag:$0x3] =	sbarrier.arrive $0xFFFF;
	s2 =	simm.s32 @!p0 $0x1C01  }
0x25b: {  	[timem:s3], [sflag:s2] =	dma.local @!p0 [hbm:s0], s1  }
0x25c: {  	s0 =	simm.s32 @!p0 $0x1  }
0x25d: {  	_ =	swait.ge @!p0 [sflag:s0], s1  }
0x25e: {  	s1 =	ssub.s32 @!p0 $0x0, s1;
	[sflag:s0] =	ssyncset.done @!p0 $0x0  }
0x25f: {  	[sflag:s0] =	ssyncadd.s32 @!p0 s1  }
0x260: {  	[bflag:$0x3] =	sbarrier.arrive $0xFFFF  }
0x261: {  	_ =	shalt  }

// kernel: scatter_offload_async_start
scs
__scs_entry_jumppad:
0x0: {  	(pc) =	sbr.rel $0x88, $3  }
0x1: {  	(tag) =	ssettag $0x0;
	lr =	simm.s32 $0x1  }
0x2: {  	[smem:$0x3F93] =	sst lr;
	_ =	strace $0xD0000000  }
0x3: {  	_ = 	snop  }
0x4: {  	_ = 	snop  }
0x5: {  	_ = 	snop  }
0x6: {  	_ = 	snop  }
0x7: {  	_ = 	snop  }
__scs_overlays_trampoline_lowered:
0x8: {  	[smem:$0x3FA2] =	sst s0  }
0x9: {  	[smem:$0x3FA3] =	sst s1  }
0xa: {  	[smem:$0x3FA4] =	sst s2  }
0xb: {  	[smem:$0x3FA5] =	sst s3  }
0xc: {  	[smem:$0x3FA6] =	sst s4  }
0xd: {  	[smem:$0x3FA7] =	sst s5  }
0xe: {  	[smem:$0x3FA8] =	sst s6  }
0xf: {  	[smem:$0x3FA9] =	sst s7  }
0x10: {  	[smem:$0x3FAA] =	sst s8  }
0x11: {  	[smem:$0x3FAB] =	sst s9;
	s0 =	simm.s32 @!p0 $0x0  }
0x12: {  	s1 =	sld [smem:$0x3F91];
	s0 =	simm.s32 @p0 $0x1  }
0x13: {  	[smem:$0x3FAC] =	sst s0;
	s0 =	simm.s32 @!p1 $0x0  }
0x14: {  	s2 =	sld [smem:$0x3F90];
	s0 =	simm.s32 @p1 $0x1  }
0x15: {  	[smem:$0x3FAD] =	sst s0;
	s0 =	simm.s32 @!p2 $0x0  }
0x16: {  	s3 =	sld [smem:$0x3FDB];
	s0 =	simm.s32 @p2 $0x1  }
0x17: {  	s4 =	simm.s32 $0x1BF5;
	[smem:$0x3FAF] =	sst s0  }
0x18: {  	s0 =	sld [smem:$0x3F92];
	_ =	swait.ge [sflag:s4], $0x0  }
0x19: {  	s7 =	sld [smem:$0x3F93]  }
0x1a: {  	s8 =	sadd.s32 $0xFFFFE003, lr  }
0x1b: {  	s9 =	sadd.s32 $0xFFFFFEF7, lr;
	s5 =	simm.s32 $0xFFFFFFFF;
	p2 =	slt.u32 s8, $0xFFFFF086  }
0x1c: {  	p1 =	slt.u32 s9, $0xF7A;
	s5 =	simm.s32 @!p2 $0x0  }
0x1d: {  	s5 =	simm.s32 @p1 $0x1;
	p0 =	seq.s32 s7, s2  }
0x1e: {  	s7 =	smul.u32 @!p0 $0xF7A, s2;
	p2 =	seq.s32 @!p0 s5, $0x0  }
0x1f: {  	s9 =	smul.u32 $0xF7A, s1;
	s8 =	simm.s32 @!p0 $0x1BF5;
	p2 =	por !p2, p0  }
0x20: {  	[sflag:s8] =	ssyncset.s32 @!p0 $0xFFFFF086;
	s6 =	sadd.s32 @!p0 s3, s7;
	s7 =	simm.s32 @!p0 $0x108  }
0x21: {  	s3 =	sadd.s32 s3, s9;
	s6 =	sadd.s32 @!p0 $0x88, s6;
	s7 =	simm.s32 @p2 $0x1082  }
0x22: {  	[simem:s7], [sflag:s8] =	dma.local @!p0 [hbm:s6], $0xF7A  }
0x23: {  	s9 =	sor.u32 $0xD0000000, s2;
	s6 =	simm.s32 $0x108;
	_ =	swait.ge @!p0 [sflag:s8], $0x0  }
0x24: {  	s3 =	sadd.s32 $0x88, s3;
	s6 =	simm.s32 @!p1 $0x1082;
	[sflag:s4] =	ssyncset.s32 $0xFFFFF086  }
0x25: {  	[simem:s6], [sflag:s4] =	dma.local [hbm:s3], $0xF7A  }
0x26: {  	[smem:$0x3F93] =	sst s1;
	(tag) =	ssettag s2;
	_ =	strace s9  }
0x27: {  	s1 =	sld [smem:$0x3FA3]  }
0x28: {  	s2 =	sld [smem:$0x3FA4]  }
0x29: {  	s4 =	sld [smem:$0x3FA6]  }
0x2a: {  	p0 =	seq.s32 s5, $0x0;
	s5 =	sld [smem:$0x3FA7]  }
0x2b: {  	s6 =	sld [smem:$0x3FA8]  }
0x2c: {  	s7 =	sld [smem:$0x3FA9]  }
0x2d: {  	s3 =	simm.s32 $0x108;
	s8 =	sld [smem:$0x3FAA]  }
0x2e: {  	s3 =	simm.s32 @!p0 $0x1082;
	s9 =	sld [smem:$0x3FAB]  }
0x2f: {  	lr =	sadd.s32 s0, s3;
	s0 =	sld [smem:$0x3FA2]  }
0x30: {  	s3 =	sld [smem:$0x3FA5]  }
0x31: {  	[smem:$0x3FAE] =	sst s10  }
0x32: {  	s10 =	sld [smem:$0x3FAC];
	_ =	sdelay $0x3  }
0x33: {  	p0 =	seq.s32 s10, $0x1;
	s10 =	sld [smem:$0x3FAE];
	_ =	sdelay $0x3  }
0x34: {  	[smem:$0x3FAE] =	sst s10  }
0x35: {  	s10 =	sld [smem:$0x3FAD];
	_ =	sdelay $0x3  }
0x36: {  	p1 =	seq.s32 s10, $0x1;
	s10 =	sld [smem:$0x3FAE];
	_ =	sdelay $0x3  }
0x37: {  	[smem:$0x3FAE] =	sst s10  }
0x38: {  	s10 =	sld [smem:$0x3FAF]  }
0x39: {  	_ = 	snop;
	(pc) =	sbr.ind lr, $3  }
0x3a: {  	_ = 	snop  }
0x3b: {  	_ = 	snop  }
0x3c: {  	p2 =	seq.s32 s10, $0x1;
	s10 =	sld [smem:$0x3FAE]  }
0x3d: {  	_ =	shalt  }
0x3e: {  	_ =	shalt  }
0x3f: {  	_ =	shalt  }
0x40: {  	_ =	shalt  }
0x41: {  	_ =	shalt  }
0x42: {  	_ =	shalt  }
0x43: {  	_ =	shalt  }
0x44: {  	_ =	shalt  }
0x45: {  	_ =	shalt  }
0x46: {  	_ =	shalt  }
0x47: {  	_ =	shalt  }
0x48: {  	_ =	shalt  }
0x49: {  	_ =	shalt  }
0x4a: {  	_ =	shalt  }
0x4b: {  	_ =	shalt  }
0x4c: {  	_ =	shalt  }
0x4d: {  	_ =	shalt  }
0x4e: {  	_ =	shalt  }
0x4f: {  	_ =	shalt  }
0x50: {  	_ =	shalt  }
0x51: {  	_ =	shalt  }
0x52: {  	_ =	shalt  }
0x53: {  	_ =	shalt  }
0x54: {  	_ =	shalt  }
0x55: {  	_ =	shalt  }
0x56: {  	_ =	shalt  }
0x57: {  	_ =	shalt  }
0x58: {  	_ =	shalt  }
0x59: {  	_ =	shalt  }
0x5a: {  	_ =	shalt  }
0x5b: {  	_ =	shalt  }
0x5c: {  	_ =	shalt  }
0x5d: {  	_ =	shalt  }
0x5e: {  	_ =	shalt  }
0x5f: {  	_ =	shalt  }
0x60: {  	_ =	shalt  }
0x61: {  	_ =	shalt  }
0x62: {  	_ =	shalt  }
0x63: {  	_ =	shalt  }
0x64: {  	_ =	shalt  }
0x65: {  	_ =	shalt  }
0x66: {  	_ =	shalt  }
0x67: {  	_ =	shalt  }
0x68: {  	_ =	shalt  }
0x69: {  	_ =	shalt  }
0x6a: {  	_ =	shalt  }
0x6b: {  	_ =	shalt  }
0x6c: {  	_ =	shalt  }
0x6d: {  	_ =	shalt  }
0x6e: {  	_ =	shalt  }
0x6f: {  	_ =	shalt  }
0x70: {  	_ =	shalt  }
0x71: {  	_ =	shalt  }
0x72: {  	_ =	shalt  }
0x73: {  	_ =	shalt  }
0x74: {  	_ =	shalt  }
0x75: {  	_ =	shalt  }
0x76: {  	_ =	shalt  }
0x77: {  	_ =	shalt  }
0x78: {  	_ =	shalt  }
0x79: {  	_ =	shalt  }
0x7a: {  	_ =	shalt  }
0x7b: {  	_ =	shalt  }
0x7c: {  	_ =	shalt  }
0x7d: {  	_ =	shalt  }
0x7e: {  	_ =	shalt  }
0x7f: {  	_ =	shalt  }
0x80: {  	_ =	shalt  }
0x81: {  	_ =	shalt  }
0x82: {  	_ =	shalt  }
0x83: {  	_ =	shalt  }
0x84: {  	_ =	shalt  }
0x85: {  	_ =	shalt  }
0x86: {  	_ =	shalt  }
0x87: {  	_ =	shalt  }
.Lfunc_end0:
.L_simem_size_0:
called_computation_lowered:
.L_overlay_start_0:
0x88: {  	s0 =	sld [smem:$0x3FD9]  }
0x89: {  	s1 =	sld [smem:$0x3FFE];
	_ =	sdelay $0x3  }
0x8a: {  	s0 =	sadd.s32 s1, s0  }
0x8b: {  	[smem:$0x3FBA] =	sst s0  }
0x8c: {  	_ = 	snop  }
0x8d: {  	(tm) =	ssettm $0x1  }
0x8e: {  	s15 =	sld [smem:$0x3FFB];
	_ =	sdelay $0x3  }
0x8f: {  	_ =	strace s15  }
0x90: {  	s0 =	sld [smem:$0x3FFC];
	_ =	sdelay $0x3  }
0x91: {  	_ =	strace s0  }
0x92: {  	s0 =	sld [smem:$0x3FFD];
	_ =	sdelay $0x3  }
0x93: {  	_ =	strace s0  }
0x94: {  	_ =	strace $0x8FFFFFFF  }
0x95: {  	s16 =	sld [smem:$0x3FDB];
	_ =	sdelay $0x1  }
0x96: {  	s17 =	simm.s32 $_scs_section_size  }
0x97: {  	s2 =	simm.s32 $_size__tile_overlayer_lowered;
	s3 =	simm.s32 $_tile_overlayer_lowered  }
0x98: {  	s20 =	simm.s32 $0x1BFF;
	s19 =	sshll.u32 s3, $0x1;
	s0 =	sadd.s32 s17, s16  }
0x99: {  	s4 =	simm.s32 $0x0;
	s18 =	sshll.u32 s2, $0x1;
	s2 =	sadd.s32 s19, s0  }
0x9a: {  	[timem:s4], [sflag:s20] =	dma.local [hbm:s2], s18  }
0x9b: {  	_ =	swait.ge [sflag:s20], s18  }
0x9c: {  	s1 =	ssub.s32 $0x0, s18;
	[sflag:s20] =	ssyncset.done $0x0  }
0x9d: {  	[sflag:s20] =	ssyncadd.s32 s1;
	_ =	sdelay $0x1  }
0x9e: {  	s21 =	simm.s32 $0x1B8B  }
0x9f: {  	_ =	swait.ge [sflag:s21], $0x1  }
0xa0: {  	[sflag:s21] =	ssyncset.done $0x0  }
0xa1: {  	s23 =	simm.s32 $0x1B8E;
	s22 =	sld [smem:$0x3FFE];
	[sflag:s21] =	ssyncadd.s32 $0xFFFFFFFF  }
0xa2: {  	s24 =	simm.s32 $execute0_lowered;
	[smem:$0x3FD2] =	sst s23  }
0xa3: {  	s2 =	sshll.u32 s24, $0x1;
	_ =	strace $0x80000046;
	[dreg:$0x1] =	wrdreg $0xFFFFFFFF  }
0xa4: {  	s25 =	simm.s32 $_size_execute0_lowered;
	s0 =	sadd.s32 s0, s2;
	[dreg:$0x0] =	wrdreg $0x0  }
0xa5: {  	s2 =	sshll.u32 s25, $0x1;
	[dreg:$0x2] =	wrdreg s0  }
0xa6: {  	[dreg:$0x3] =	wrdreg s2  }
0xa7: {  	[dreg:$0x4] =	wrdreg $0xC0  }
0xa8: {  	_ =	task [dreg:s4], $0x5FFFF  }
0xa9: {  	[dreg:$0x1] =	wrdreg $0xFFFFFFFF  }
0xaa: {  	[dreg:$0x0] =	wrdreg $0x60  }
0xab: {  	[dreg:$0x2] =	wrdreg s22  }
0xac: {  	[dreg:$0x3] =	wrdreg $0x9  }
0xad: {  	_ =	task.clear_ibuf [dreg:s4], $0x4FFFF;
	_ =	strace $0x90000046  }
0xae: {  	s26 =	simm.s32 $0x9;
	_ =	strace $0x80000048  }
0xaf: {  	_ =	swait.ge [sflag:s26], $0x1  }
0xb0: {  	[sflag:s26] =	ssyncadd.s32 $0xFFFFFFFF  }
0xb1: {  	_ =	strace $0x90000048  }
0xb2: {  	_ =	sfence  }
0xb3: {  	s28 =	sld [smem:$0x0];
	_ =	sdelay $0x1  }
0xb4: {  	s29 =	srdreg.scid  }
0xb5: {  	s30 =	sshll.u32 s29, $0xD;
	s31 =	sshrl.u32 s29, $0x2  }
0xb6: {  	s1 =	sand.u32 $0x1, s29;
	s2 =	sand.u32 $0x4000, s30;
	s0 =	sadd.s32 s31, s28  }
0xb7: {  	s1 =	sor.u32 s2, s1;
	s0 =	sshll.u32 s0, $0x11  }
0xb8: {  	s0 =	sor.u32 s0, s1  }
0xb9: {  	s0 =	sadd.s32 $0x8F2B, s0  }
0xba: {  	[sflag:s0] =	ssyncadd.remote.s32 $0x1  }
0xbb: {  	_ =	sfence.sel $0xFFFF  }
0xbc: {  	[dreg:$0x0] =	wrdreg $0xFFFFFFFF;
	(pc) =	sbr.abs _section_cstart, $3  }
0xbd: {  	[dreg:$0x1] =	wrdreg $0xFFFFFFFF  }
0xbe: {  	_ =	task.clear_ibuf [dreg:s4], $0x2FFFF;
	_ =	strace $0x9FFFFFFF  }
0xbf: {  	(tm) =	ssettm $0x7FFFFFFF  }
tec
execute0_lowered:
.L_overlay_start_1:
0x0: {  	(tag) =	ssettag $0x1  }
0x1: {  	s0 =	rddreg [dreg:$0x0]  }
0x2: {  	s6 =	stileid.u32;
	_ =	strace $0x80000047;
	s2 =	simm.s32 $0x1  }
0x3: {  	v1 =	vimm.s32 $0xFFFFFFFF;
	s1 =	smul.u32 $0x11, s6;
	[sflag:s2] =	ssyncpa.u1 $0x0  }
0x4: {  	s3 =	smin.u32 s6, $0x3;
	[tilespmem:$0x10] =	vst v1  }
0x5: {  	v0 =	vimm.f32 $0.0e+00;
	[tilespmem:$0x20] =	vst v1;
	s1 =	sadd.s32 s3, s1  }
0x6: {  	p0 =	slt.u32 s6, $0x3;
	[tilespmem:$0x30] =	vst v0;
	s3 =	smul.u32 $0x1770, s1;
	s1 =	simm.s32 $0x1A5E0  }
0x7: {  	[tilespmem:$0x40] =	vst v0;
	s1 =	simm.s32 @!p0 $0x18E70  }
0x8: {  	[tilespmem:$0x50] =	vst v0;
	s1 =	sadd.s32 s1, s3  }
0x9: {  	[tilespmem:$0x60] =	vst v1;
	s4 =	smin.u32 s1, $0x192D50  }
0xa: {  	s7 =	simm.s32 $0x2;
	[tilespmem:$0x70] =	vst v1;
	s9 =	ssub.s32 s4, s3  }
0xb: {  	s8 =	simm.s32 $0x8;
	s31 =	simm.s32 $0x9;
	[tilespmem:$0x80] =	vst v1;
	p0 =	sgt.s32 s9, $0x0  }
0xc: {  	s16 =	simm.s32 $0x0;
	s17 =	simm.s32 $0xF0;
	v1 =	vimm.s32 $0x0;
	[tilespmem:$0xB0] =	vst v0;
	s9 =	simm.s32 @!p0 $0x0  }
0xd: {  	s18 =	simm.s32 $0xFFFFFFFF;
	s19 =	simm.s32 $0xFFFFD220;
	[tilespmem:$0x90] =	vst v1;
	s5 =	smulhi.u32 $0x57619F1, s9  }
0xe: {  	s20 =	simm.s32 $0xFFFFFFFE;
	[tilespmem:$0xA0] =	vst v1;
	[sflag:s7] =	ssyncpa.u1 $0x0;
	s7 =	simm.s32 $0x7  }
0xf: {  	s21 =	simm.s32 $0xF;
	[sflag:s7] =	ssyncpa.u1 $0x0;
	s10 =	sshrl.u32 s5, $0x7  }
0x10: {  	s25 =	simm.s32 $0x0;
	[sflag:s8] =	ssyncpa.u1 $0x0;
	s11 =	smul.u32 $0x1770, s10  }
0x11: {  	s24 =	simm.s32 $0x0;
	s14 =	sshllo.u32 s6, $0x1;
	[sflag:s31] =	ssyncpa.u1 $0x0  }
.Ltmp0:
0x12: {  	s1 =	sadd.s32 $0x34000, s0;
	p0 =	sne.s32 s9, s11;
	(pc) =	sbr.rel .LBB2_1-.Ltmp0, $4  }
0x13: {  	s5 =	sadd.s32 $0x159600, s0;
	s0 =	sadd.s32 $0x18BC00, s0;
	s2 =	simm.s32 @!p0 $0x0  }
0x14: {  	s23 =	smov.u32 s3;
	[dreg:$0x2] =	wrdreg s0;
	s9 =	sadd.s32 s2, s10  }
0x15: {  	vm0 =	vmmov $0xffff;
	v2 =	vlaneseq.u32;
	p0 =	por $0x0, $0x0;
	s10 =	sshll.u32 s6, $0x1;
	s11 =	sadd.s32 $0x1, s9  }
0x16: {  	vm1 =	vmxor vm1, vm1;
	vm2 =	vmmov $0x1;
	vm3 =	vcmask $0x3F3C;
	s12 =	sadd.s32 $0x2, s9;
	s13 =	sor.u32 $0x81, s10;
	s15 =	sor.u32 $0x80, s10  }
.LBB2_9:
0x17: {  	p1 =	slt.u32 s24, $0x3  }
0x18: {  	s0 =	simm.s32 @!p1 $0x2  }
0x19: {  	_ =	swait.ge @!p1 [sflag:s0], $0x1770  }
0x1a: {  	[sflag:s0] =	ssyncset.done @!p1 $0x0  }
0x1b: {  	[sflag:s0] =	ssyncadd.s32 @!p1 $0xFFFFE890;
	s0 =	simm.s32 @!p1 $0x9  }
0x1c: {  	_ =	swait.ge @!p1 [sflag:s0], $0x10  }
0x1d: {  	[sflag:s0] =	ssyncset.done @!p1 $0x0  }
0x1e: {  	[sflag:s0] =	ssyncadd.s32 @!p1 $0xFFFFFFF0;
	p1 =	sne.s32 s24, s12  }
.Ltmp1:
0x1f: {  	s2 =	sadd.s32 $0x1770, s23;
	(pc) =	sbr.rel @!p1 .LBB2_10-.Ltmp1, $4  }
0x20: {  	s6 =	smov.u32 s3;
	s31 =	sadd.s32 $0x1, s24;
	s17 =	sadd.s32 $0x1770, s17  }
0x21: {  	s18 =	sadd.s32 $0x1, s18;
	s25 =	smov.u32 s23;
	p2 =	slt.s32 s2, s4  }
0x22: {  	p0 =	por !p0, !p0;
	s19 =	sadd.s32 $0x1770, s19;
	s6 =	smov.u32 @p2 s2  }
0x23: {  	s20 =	sadd.s32 $0x1, s20;
	s23 =	smov.u32 s6;
	s24 =	smov.u32 s31  }
.LBB2_1:
0x24: {  	p1 =	sge.u32 s24, s9  }
0x25: {  	s0 =	smulhi.u32 @!p1 $0xAAAAAAAB, s24;
	_ =	sdelay $0x1  }
0x26: {  	s0 =	sshrl.u32 @!p1 s0, $0x1  }
0x27: {  	s0 =	smul.u32 @!p1 $0x3, s0;
	_ =	sdelay $0x1  }
0x28: {  	s0 =	ssub.s32 @!p1 s24, s0  }
0x29: {  	s0 =	smul.u32 @!p1 $0x5DC0, s0;
	_ =	sdelay $0x1  }
0x2a: {  	s2 =	sshrl.u32 @!p1 s23, $0x3;
	s0 =	sshrl.u32 @!p1 s0, $0x2  }
0x2b: {  	s22 =	sand.u32 @!p1 $0x7, s23;
	s2 =	sadd.s32 @!p1 s5, s2;
	s0 =	sadd.s32 @!p1 $0x100, s0  }
0x2c: {  	[tilespmem:s0], [sflag:$0x7] =	stream.linear.gather @!p1 [hbm4b:s2+s22], $0x1770, $0x38;
	[tilespmem:$0xD410] =	vst v63  }
0x2d: {  	s0 =	sadd.s32 $0xFFFFFFFF, s24  }
0x2e: {  	p1 =	sge.u32 s0, s9  }
.Ltmp2:
0x2f: {  	_ = 	snop;
	(pc) =	sbr.rel @p1 .LBB2_5-.Ltmp2, $1  }
0x30: {  	_ =	sdelay $0x3  }
0x31: {  	s2 =	smulhi.u32 $0xAAAAAAAB, s0;
	_ =	sdelay $0x1  }
0x32: {  	s2 =	sshrl.u32 s2, $0x1  }
0x33: {  	s2 =	smul.u32 $0x3, s2;
	_ =	sdelay $0x1  }
0x34: {  	s2 =	ssub.s32 s0, s2  }
0x35: {  	s2 =	smul.u32 $0x5DC0, s2  }
0x36: {  	_ =	swait.ge [sflag:s7], $0x1770  }
0x37: {  	[sflag:s7] =	ssyncset.done $0x0;
	s2 =	sshrl.u32 s2, $0x2  }
0x38: {  	[sflag:s7] =	ssyncadd.s32 $0xFFFFE890;
	(ifvalue) =	ssetifvalue $0xFFFFFFFF;
	v3 =	vld.msk [tilespmem:s2+$0x100 ss:$0x1], $0xffff;
	_ =	sdelay $0x2  }
0x39: {  	s30 =	smulhi.u32 $0xAAAAAAAB, s18;
	p1 =	sne.s32 s24, $0x1  }
0x3a: {  	v4 =	vimm.s32 @!p1 $0x0  }
0x3b: {  	s2 =	sshrl.u32 s30, $0x1;
	v4 =	vperm.xlane @!p1 v3, v4  }
0x3c: {  	s22 =	sshll.u32 s24, $0x4;
	s2 =	smul.u32 $0xFFFEE6C0, s2;
	vm4 =	vlt.u32 v3, $0xC400  }
0x3d: {  	s22 =	sand.u32 $0x10, s22;
	v3 =	vnsel vm4, $0xFFFFFFFE, v3;
	vm4 =	vlt.u32 @!p1 v4, $0xC400  }
0x3e: {  	s2 =	sshra.s32 s2, $0x2;
	[tilespmem:s22+$0x60] =	vst v3;
	v3 =	vnsel @!p1 vm4, $0xFFFFFFFE, v4  }
0x3f: {  	s28 =	sadd.s32 s2, s17;
	[tilespmem:$0x80] =	vst @!p1 v3  }
0x40: {  	v3 =	vld.msk [tilespmem:s28+$0x0 ss:$0x1], $0xffff;
	_ =	sdelay $0x4  }
0x41: {  	(xrf1) =	vunique.msk.u32 $0xffff, v3;
	_ =	sdelay $0xd  }
0x42: {  	v4 =	vimm.s32 $0xFFFFFFFF;
	v5, _, _ =	vpop (xrf1)  }
0x43: {  	vm5 =	vne.s32 v3, v4;
	vm4 =	veq.s32 v5, v2  }
0x44: {  	vm6 =	vlt.u32 v3, $0xC400;
	vm4 =	vmand vm5, vm4  }
0x45: {  	vm4 =	vmand vm6, vm4  }
0x46: {  	v4 =	vnsel vm4, $0xFFFFFFFF, v3  }
0x47: {  	s31 =	sand.u32 $0x1, s0  }
0x48: {  	s0 =	simm.s32 $0x1770;
	p1 =	seq.s32 s31, $0x1  }
0x49: {  	s0 =	simm.s32 @!p1 $0x0  }
0x4a: {  	s26 =	sadd.s32 $0x5EB0, s0;
	(ifvalue) =	ssetifvalue $0xFFFFFFFF  }
0x4b: {  	v3 =	vperm.xlane v3, v1;
	[tilespmem:s26], [sflag:$0x8] =	stream.indirect_vreg.gather [hbm4b:s1+s16], $0x1, v4, vm0, $0x4038;
	v4 =	vnsel vm6, $0xFFFFFFFE, v4;
	[tilespmem:$0xD410] =	vst v63  }
0x4c: {  	s2 =	simm.s32 $0x0;
	s22 =	sadd.s32 $0xFFFFFFF0, s28;
	[tilespmem:s28+$0x0] =	vst v4  }
.LBB2_3:
0x4d: {  	v4 =	vld.msk [tilespmem:s22+$0x0 ss:$0x1], $0xffff;
	s2 =	sadd.s32 $0x10, s2;
	v5 =	vmov v3;
	s28 =	smov.u32 s22  }
0x4e: {  	p1 =	slt.u32 s2, $0x1760;
	_ =	sdelay $0x4  }
0x4f: {  	v3 =	vperm.xlane v4, v1;
	(xrf1) =	vunique.msk.u32 $0xffff, v4;
	_ =	sdelay $0xd  }
0x50: {  	v6, _, _ =	vpop (xrf1)  }
0x51: {  	vm5 =	vne.s32 v4, v5;
	vm4 =	veq.s32 v6, v2  }
0x52: {  	vm6 =	vlt.u32 v4, $0xC400;
	vm4 =	vmand vm5, vm4  }
0x53: {  	vm4 =	vmand vm6, vm4  }
0x54: {  	v4 =	vnsel vm4, $0xFFFFFFFF, v4  }
.Ltmp3:
0x55: {  	v5 =	vnsel vm6, $0xFFFFFFFE, v4;
	(pc) =	sbr.rel @p1 .LBB2_3-.Ltmp3, $3  }
0x56: {  	_ =	sdelay $0x1  }
0x57: {  	s22 =	sadd.s32 $0xFFFFFFF0, s22;
	s26 =	sadd.s32 $0xFFFFFFF0, s26;
	(ifvalue) =	ssetifvalue $0xFFFFFFFF  }
0x58: {  	[tilespmem:s26], [sflag:$0x8] =	stream.indirect_vreg.gather [hbm4b:s1+s16], $0x1, v4, vm0, $0x4038;
	[tilespmem:s28+$0x0] =	vst v5  }
0x59: {  	s2 =	sshrl.u32 s25, $0x3;
	s6 =	rddreg [dreg:$0x2]  }
0x5a: {  	s0 =	sadd.s32 $0x7630, s0;
	s2 =	sadd.s32 s6, s2  }
0x5b: {  	[tilespmem:s0], [sflag:$0x8] =	stream.linear.gather [hbm:s2], $0x1770, $0x38;
	[tilespmem:$0xD410] =	vst v63  }
.LBB2_5:
0x5c: {  	p1 =	slt.u32 s24, $0x2  }
0x5d: {  	p2 =	sge.u32 @!p1 s24, s12  }
0x5e: {  	p1 =	por p1, p2  }
.Ltmp4:
0x5f: {  	_ = 	snop;
	(pc) =	sbr.rel @p1 .LBB2_9-.Ltmp4, $1  }
0x60: {  	_ =	sdelay $0x3  }
0x61: {  	s0 =	sadd.s32 $0xFFFFFFFE, s24  }
0x62: {  	s2 =	smulhi.u32 $0xAAAAAAAB, s0;
	_ =	sdelay $0x1  }
0x63: {  	s2 =	sshrl.u32 s2, $0x1  }
0x64: {  	s2 =	smul.u32 $0x3, s2;
	_ =	sdelay $0x1  }
0x65: {  	s0 =	ssub.s32 s0, s2  }
0x66: {  	_ =	swait.ge [sflag:s8], $0x2EE0;
	s0 =	smul.u32 $0x1770, s0  }
0x67: {  	p1 =	sne.s32 s24, s11;
	[sflag:s8] =	ssyncset.done $0x0  }
0x68: {  	[sflag:s8] =	ssyncadd.s32 $0xFFFFD120;
	s2 =	sadd.s32 @!p1 $0x186F, s0  }
0x69: {  	[spmem:s13] =	stream.linear.scatter @!p1 [tilespmem:s2], [sflag:$0x1], $0x1, $0x38;
	[tilespmem:$0xD410] =	vst v63  }
0x6a: {  	s2 =	simm.s32 @!p1 $0x1  }
0x6b: {  	_ =	swait.ge @!p1 [sflag:s2], $0x1  }
0x6c: {  	s22 =	sshll.u32 s24, $0x4;
	[sflag:s2] =	ssyncset.done @!p1 $0x0  }
0x6d: {  	s25 =	sand.u32 $0x10, s22;
	[sflag:s2] =	ssyncadd.s32 @!p1 $0xFFFFFFFF  }
0x6e: {  	s2 =	sxor.u32 $0x10, s25;
	v4 =	vld [tilespmem:s25+$0x10]  }
0x6f: {  	v5 =	vld [tilespmem:s2+$0x60]  }
0x70: {  	v3 =	vld [tilespmem:$0x80];
	_ =	sdelay $0x2  }
0x71: {  	(v2sf) =	vpush v4, $0x0  }
0x72: {  	(v2sf) =	vpush v5, $0x0  }
0x73: {  	(v2sf) =	vpush v3, $0x0;
	_ =	sdelay $0xc  }
0x74: {  	s6 =	spop (v2sf)  }
0x75: {  	s28 =	spop (v2sf)  }
0x76: {  	s26 =	spop (v2sf)  }
0x77: {  	p2 =	seq.s32 s6, s28;
	p3 =	seq.s32 s26, s6  }
0x78: {  	p3 =	por p2, p3  }
0x79: {  	s6 =	sand.u32 $0x1, s24;
	v4 =	vpsel p3, $0xFFFFFFFF, v4  }
0x7a: {  	s28 =	smul.u32 $0x1770, s6;
	[tilespmem:s25+$0x10] =	vst.msk $0x1, v4  }
0x7b: {  	v4 =	vld [tilespmem:$0x30]  }
0x7c: {  	v5 =	vld [tilespmem:s28+$0x7630]  }
0x7d: {  	v6 =	vld [tilespmem:s25+$0x40];
	_ =	sdelay $0x3  }
0x7e: {  	vm4 =	vmmov vm1;
	v5 =	vadd.f32 v5, v4  }
0x7f: {  	vm5 =	vmmov vm2;
	vm4 =	vmmov @p2 vm2;
	v4 =	vadd.f32 v6, v4  }
0x80: {  	s22 =	sshll.u32 s6, $0x4;
	vm5 =	vmmov @p3 vm1;
	[tilespmem:s28+$0x7630] =	vst.msk vm4, v5  }
0x81: {  	[tilespmem:s22+$0xD3F0] =	vst.msk vm5, v4  }
0x82: {  	v4 =	vld [tilespmem:s28+$0x5EB0];
	_ =	sdelay $0x3  }
0x83: {  	v5 =	vimm.f32 $0.0e+00  }
0x84: {  	v4 =	vshift.insert v4, v5, s21  }
0x85: {  	s29 =	sor.u32 $0x40, s2  }
0x86: {  	[tilespmem:s29+$0x0] =	vst.msk $0x1, v4  }
0x87: {  	[tilespmem:s28+$0x5EBF] =	vst.msk $0x1, v5  }
0x88: {  	v4 =	vld [tilespmem:s0+$0x1860];
	_ =	sdelay $0x1  }
0x89: {  	s29 =	smulhi.u32 $0xAAAAAAAB, s20;
	s0 =	simm.s32 $0x1  }
0x8a: {  	s0 =	simm.s32 @!p0 $0x0  }
0x8b: {  	s29 =	sshrl.u32 s29, $0x1;
	s0 =	smul.u32 $0x5DC0, s0  }
0x8c: {  	s29 =	smul.u32 $0xFFFEE6C0, s29;
	v4 =	vshift.insert v4, v1, s21  }
0x8d: {  	s0 =	sshrl.u32 s0, $0x2  }
0x8e: {  	s29 =	sshra.s32 s29, $0x2;
	s30 =	sadd.s32 $0x7630, s0;
	[tilespmem:s2+$0x10] =	vst.msk $0x1, v4  }
0x8f: {  	s6 =	sadd.s32 s29, s19;
	v6 =	vld [tilespmem:s30+$0x0]  }
0x90: {  	v7 =	vld [tilespmem:s6+$0x0];
	_ =	sdelay $0x3  }
0x91: {  	v5 =	vadd.f32 v6, v5  }
0x92: {  	vm4 =	vne.s32 v7, $0xFFFFFFFF  }
0x93: {  	(xrf2) =	vadd.seg.scan.f32 vm4, v5;
	_ =	sdelay $0x3  }
0x94: {  	s31 =	sadd.s32 $0x4750, s0;
	v5 =	vperm.xlane v4, v1  }
0x95: {  	v6 =	vld [tilespmem:s31+$0x0]  }
0x96: {  	vm5 =	veq.s32 v7, v3;
	vm6 =	veq.s32 v7, v5  }
0x97: {  	vm7 =	vgt.u32 v7, $0xFFFFFFFD;
	vm6 =	vmor vm6, vm5  }
0x98: {  	vm6 =	vmor vm6, vm7  }
0x99: {  	v9 =	vld [tilespmem:$0xA0];
	v7 =	vsel vm6, $0xFFFFFFFF, v7  }
0x9a: {  	v10 =	vld [tilespmem:$0x90];
	v6 =	vsel vm5, $0x0, v6;
	v8, _, _ =	vpop (xrf2)  }
0x9b: {  	v6 =	vadd.f32 v8, v6  }
0x9c: {  	s0 =	sadd.s32 $0xA510, s0  }
0x9d: {  	vm4 =	vmand vm4, vm3;
	[tilespmem:s0+$0x0] =	vst v6;
	(ifvalue) =	ssetifvalue $0xFFFFFFFF  }
0x9e: {  	vm6 =	veq.s32 v9, $0x1;
	[hbm4b:s1+s16] =	stream.indirect_vreg.scatter [tilespmem:s0], [sflag:$0x2], $0x1, v7, vm0, $0x4038;
	v7 =	vsel vm4, $0x0, v8;
	[tilespmem:$0xD410] =	vst v63  }
0x9f: {  	s29 =	sadd.s32 $0xD3F0, s22;
	s22 =	sadd.s32 $0x10, s6;
	s2 =	simm.s32 $0x0;
	vm4 =	vmor vm6, vm5;
	v6 =	vsel vm5, v8, v10;
	v7 =	vshift.insert v7, v0, s21  }
.LBB2_7:
0xa0: {  	v8 =	vld [tilespmem:s22+$0x0];
	s30 =	sadd.s32 $0x10, s30  }
0xa1: {  	s31 =	sadd.s32 $0x10, s31;
	v9 =	vld [tilespmem:s30+$0x0]  }
0xa2: {  	s2 =	sadd.s32 $0x10, s2;
	v10 =	vld [tilespmem:s31+$0x0]  }
0xa3: {  	p2 =	slt.u32 s2, $0x1760;
	_ =	sdelay $0x2  }
0xa4: {  	v7 =	vadd.f32 v9, v7  }
0xa5: {  	vm5 =	vne.s32 v8, $0xFFFFFFFF  }
0xa6: {  	vm6 =	vmand vm5, vm3;
	(xrf2) =	vadd.seg.scan.f32 vm5, v7;
	_ =	sdelay $0x5  }
0xa7: {  	vm7 =	veq.s32 v8, v5;
	vm5 =	veq.s32 v8, v3  }
0xa8: {  	vm8 =	vgt.u32 v8, $0xFFFFFFFD;
	vm4 =	vmor vm4, vm5;
	vm7 =	vmor vm7, vm5  }
0xa9: {  	vm7 =	vmor vm7, vm8  }
0xaa: {  	v8 =	vsel vm7, $0xFFFFFFFF, v8  }
.Ltmp5:
0xab: {  	v7 =	vsel vm5, $0x0, v10;
	v9, _, _ =	vpop (xrf2);
	(pc) =	sbr.rel @p2 .LBB2_7-.Ltmp5, $4  }
0xac: {  	v6 =	vsel vm5, v9, v6;
	v10 =	vadd.f32 v9, v7;
	v7 =	vsel vm6, $0x0, v9  }
0xad: {  	s0 =	sadd.s32 $0x10, s0;
	v7 =	vshift.insert v7, v0, s21  }
0xae: {  	s22 =	sadd.s32 $0x10, s22;
	[tilespmem:s0+$0x0] =	vst v10;
	(ifvalue) =	ssetifvalue $0xFFFFFFFF  }
0xaf: {  	[hbm4b:s1+s16] =	stream.indirect_vreg.scatter [tilespmem:s0], [sflag:$0x2], $0x1, v8, vm0, $0x4038;
	[tilespmem:$0xD410] =	vst v63  }
0xb0: {  	v3 =	vld [tilespmem:s28+$0xBC70];
	_ =	sdelay $0x4  }
0xb1: {  	v3 =	vshift.insert v3, v0, s21  }
0xb2: {  	s0 =	simm.s32 $0x30  }
0xb3: {  	[tilespmem:s0+$0x0] =	vst.msk $0x1, v3  }
0xb4: {  	v3 =	vsel vm4, $0x1, v1;
	[tilespmem:$0x90] =	vst v6  }
0xb5: {  	s0 =	sadd.s32 @!p1 $0xBC7F, s28;
	[tilespmem:$0xA0] =	vst v3  }
0xb6: {  	[spmem:s14] =	stream.linear.scatter @!p1 [tilespmem:s0], [sflag:$0x1], $0x1, $0x38;
	[tilespmem:$0xD410] =	vst v63  }
0xb7: {  	s0 =	simm.s32 @!p1 $0x1  }
0xb8: {  	v3 =	vmctz.xlane @!p1 vm4;
	_ =	swait.ge @!p1 [sflag:s0], $0x1  }
0xb9: {  	(v2sf) =	vpush @!p1 v4, $0x0  }
0xba: {  	(v2sf) =	vpush @!p1 v3, $0x0;
	_ =	sdelay $0xd  }
0xbb: {  	s2 =	spop @!p1 (v2sf)  }
0xbc: {  	s6 =	spop @!p1 (v2sf)  }
0xbd: {  	p2 =	sne.s32 @!p1 s26, s2;
	p3 =	slt.s32 @!p1 s6, $0xF  }
0xbe: {  	[sflag:s0] =	ssyncset.done @!p1 $0x0;
	p2 =	por p2, p1;
	p3 =	por !p3, p1  }
0xbf: {  	[sflag:s0] =	ssyncadd.s32 @!p1 $0xFFFFFFFF;
	v3 =	vimm.s32 @!p2 $0xFFFFFFFF;
	s6 =	simm.s32 @p3 $0xF  }
0xc0: {  	[tilespmem:$0x80] =	vst @!p2 v3;
	s2 =	sadd.s32 @!p1 $0x90, s6  }
0xc1: {  	[spmem:s10] =	stream.linear.scatter @!p1 [tilespmem:s2], [sflag:$0x1], $0x1, $0x38;
	[tilespmem:$0xD410] =	vst v63  }
0xc2: {  	_ =	swait.ge @!p1 [sflag:s0], $0x1  }
0xc3: {  	[sflag:s0] =	ssyncset.done @!p1 $0x0  }
0xc4: {  	s2 =	simm.s32 @!p1 $0x80;
	[sflag:s0] =	ssyncadd.s32 @!p1 $0xFFFFFFFF  }
0xc5: {  	[spmem:s15] =	stream.linear.scatter @!p1 [tilespmem:s2], [sflag:$0x1], $0x1, $0x38;
	[tilespmem:$0xD410] =	vst v63  }
0xc6: {  	_ =	swait.ge @!p1 [sflag:s0], $0x1  }
0xc7: {  	[sflag:s0] =	ssyncset.done @!p1 $0x0  }
0xc8: {  	[sflag:s0] =	ssyncadd.s32 @!p1 $0xFFFFFFFF;
	(ifvalue) =	ssetifvalue $0xFFFFFFFF;
	v3 =	vld [tilespmem:s25+$0x10];
	_ =	sdelay $0x3  }
.Ltmp6:
0xc9: {  	_ = 	snop;
	(pc) =	sbr.rel .LBB2_9-.Ltmp6, $3  }
0xca: {  	_ =	sdelay $0x1  }
0xcb: {  	(ifvalue) =	ssetifvalue $0xFFFFFFFF  }
0xcc: {  	[hbm4b:s1+s16] =	stream.indirect_vreg.scatter [tilespmem:s29], [sflag:$0x9], $0x1, v3, vm0, $0x4038;
	[tilespmem:$0xD410] =	vst v63  }
.LBB2_10:
0xcd: {  	_ =	sfence.sel $0x180000  }
0xce: {  	s0 =	simm.s32 $0x7;
	[bflag:$0x0] =	sbarrier.arrive $0xFFFF  }
0xcf: {  	s26 =	simm.s32 $0x8;
	[sflag:s0] =	ssyncpa.u1 $0x1  }
0xd0: {  	s28 =	simm.s32 $0x9;
	[sflag:s26] =	ssyncpa.u1 $0x1  }
0xd1: {  	[sflag:s28] =	ssyncpa.u1 $0x1  }
0xd2: {  	_ =	sfence.stream.spmem  }
0xd3: {  	s29 =	simm.s32 $0x3;
	[bflag:$0x0] =	sbarrier.arrive $0xFFFF  }
0xd4: {  	s30 =	simm.s32 $0x4;
	[sflag:s29] =	ssyncpa.u1 $0x1  }
0xd5: {  	s31 =	simm.s32 $0x3C;
	s2 =	stileid.u32;
	[sflag:s30] =	ssyncpa.u1 $0x1  }
0xd6: {  	p0 =	sne.s32 s2, $0x0;
	[sflag:s31] =	ssyncpa.u1 $0x1  }
0xd7: {  	s0 =	simm.s32 @p0 $0x1;
	_ =	sfence @p0  }
0xd8: {  	[sflag:s0] =	ssyncpa.u1 @p0 $0x1;
	s0 =	simm.s32 @p0 $0x2  }
0xd9: {  	[sflag:s0] =	ssyncpa.u1 @p0 $0x1  }
0xda: {  	_ =	strace @p0 $0x90000047  }
0xdb: {  	[bflag:$0x2] =	sbarrier.arrive @p0 $0xFFFF  }
0xdc: {  	_ =	shalt @p0  }
.LBB2_11:
0xdd: {  	_ =	sfence.stream.spmem;
	s0 =	simm.s32 $0x5  }
0xde: {  	s2 =	simm.s32 $0x80;
	s3 =	simm.s32 $0xC0;
	[sflag:s0] =	ssyncpa.u1 $0x0  }
0xdf: {  	[tilespmem:s3], [sflag:$0x5] =	stream.linear.gather [spmem:s2], $0x20, $0x38;
	[tilespmem:$0xD410] =	vst v63  }
0xe0: {  	s2 =	simm.s32 $0x0;
	s3 =	simm.s32 $0xE0  }
0xe1: {  	[tilespmem:s3], [sflag:$0x5] =	stream.linear.gather [spmem:s2], $0x20, $0x38;
	[tilespmem:$0xD410] =	vst v63  }
.Ltmp7:
0xe2: {  	_ = 	snop;
	(pc) =	sbr.rel .LBB2_12-.Ltmp7, $4  }
0xe3: {  	_ =	swait.ge [sflag:s0], $0x40  }
0xe4: {  	[sflag:s0] =	ssyncset.done $0x0  }
0xe5: {  	s31 =	simm.s32 $0x6;
	[sflag:s0] =	ssyncadd.s32 $0xFFFFFFC0  }
0xe6: {  	s4 =	simm.s32 $0x0;
	[sflag:s31] =	ssyncpa.u1 $0x0  }
.LBB2_17:
0xe7: {  	p0 =	sgt.u32 s5, $0xC3FF  }
0xe8: {  	s0 =	sshrl.u32 @!p0 s5, $0x3  }
0xe9: {  	s5 =	sand.u32 @!p0 $0x7, s5;
	s6 =	simm.s32 @!p0 $0xB0;
	s0 =	sadd.s32 @!p0 s1, s0  }
0xea: {  	[tilespmem:s6], [sflag:$0x6] =	stream.linear.gather @!p0 [hbm4b:s0+s5], $0x1, $0x38;
	[tilespmem:$0xD410] =	vst v63  }
0xeb: {  	s0 =	simm.s32 @!p0 $0x6  }
0xec: {  	_ =	swait.ge @!p0 [sflag:s0], $0x1  }
0xed: {  	[sflag:s0] =	ssyncset.done @!p0 $0x0  }
0xee: {  	[sflag:s0] =	ssyncadd.s32 @!p0 $0xFFFFFFFF  }
0xef: {  	v2 =	vmov @!p0 s4;
	v1 =	vld.msk @!p0 [tilespmem:$0xB0], $0x1;
	_ =	sdelay $0x3  }
0xf0: {  	s0 =	simm.s32 @!p0 $0xE0  }
0xf1: {  	[tilespmem:v2+s0+$0x0], v1 =	vst.idx.ret.add.f32.msk @!p0 $0x1, v1  }
0xf2: {  	[tilespmem:s2+$0xC0] =	vst.msk $0x1, v0  }
0xf3: {  	v0 =	vld.msk [tilespmem:s4+$0xE0], $0x1;
	_ =	sdelay $0x4  }
0xf4: {  	[tilespmem:s2+$0xE0] =	vst.msk $0x1, v0;
	s2 =	sadd.s32 $0x1, s2  }
.LBB2_19:
0xf5: {  	s4 =	sadd.s32 $0x1, s4  }
0xf6: {  	p0 =	sne.s32 s4, $0x20  }
.Ltmp8:
0xf7: {  	_ = 	snop;
	(pc) =	sbr.rel @!p0 .LBB2_20-.Ltmp8, $1  }
0xf8: {  	_ =	sdelay $0x3  }
.LBB2_12:
0xf9: {  	v0 =	vld.msk [tilespmem:s4+$0xC0], $0x1;
	_ =	sdelay $0x4  }
0xfa: {  	(v2sf) =	vpush v0, $0x0;
	_ =	sdelay $0xe  }
0xfb: {  	s5 =	spop (v2sf)  }
0xfc: {  	p0 =	seq.s32 s5, $0xFFFFFFFF  }
.Ltmp9:
0xfd: {  	_ = 	snop;
	(pc) =	sbr.rel @p0 .LBB2_19-.Ltmp9, $1  }
0xfe: {  	_ =	sdelay $0x3  }
0xff: {  	p0 =	slt.s32 s2, $0x1  }
.Ltmp10:
0x100: {  	_ = 	snop;
	(pc) =	sbr.rel @p0 .LBB2_17-.Ltmp10, $1  }
0x101: {  	_ =	sdelay $0x3  }
0x102: {  	s0 =	simm.s32 $0xC0;
	p0 =	por $0x0, $0x0  }
0x103: {  	v1 =	vld.msk @!p0 [tilespmem:s0+$0x0], $0x1;
	_ =	sdelay $0x4  }
0x104: {  	(v2sf) =	vpush @!p0 v1, $0x0;
	_ =	sdelay $0xd  }
0x105: {  	p2 =	sne.s32 s2, $0x1  }
.Ltmp11:
0x106: {  	s6 =	spop @!p0 (v2sf);
	(pc) =	sbr.rel @!p2 .LBB2_16-.Ltmp11, $4  }
0x107: {  	p1 =	seq.s32 @!p0 s5, s6  }
0x108: {  	s6 =	simm.s32 $0x0;
	p1 =	por !p1, p0  }
0x109: {  	s8 =	simm.s32 $0xFFFFFFFF;
	s6 =	simm.s32 @p1 $0xFFFFFFFF  }
0x10a: {  	s7 =	simm.s32 $0x1;
	s6 =	smov.u32 @p0 s8  }
.LBB2_15:
0x10b: {  	s8 =	smov.u32 s6;
	p0 =	sne.s32 s6, $0xFFFFFFFF  }
0x10c: {  	s0 =	sadd.s32 $0x1, s0;
	s6 =	smov.u32 s7;
	s7 =	sadd.s32 $0x1, s7  }
0x10d: {  	p1 =	sne.s32 s2, s7;
	v1 =	vld.msk @!p0 [tilespmem:s0+$0x0], $0x1;
	_ =	sdelay $0x4  }
0x10e: {  	(v2sf) =	vpush @!p0 v1, $0x0;
	_ =	sdelay $0xe  }
.Ltmp12:
0x10f: {  	s9 =	spop @!p0 (v2sf);
	(pc) =	sbr.rel @p1 .LBB2_15-.Ltmp12, $4  }
0x110: {  	p2 =	seq.s32 @!p0 s5, s9  }
0x111: {  	p2 =	por !p2, p0  }
0x112: {  	s6 =	simm.s32 @p2 $0xFFFFFFFF  }
0x113: {  	s6 =	smov.u32 @p0 s8  }
.LBB2_16:
0x114: {  	p0 =	sne.s32 s6, $0xFFFFFFFF  }
.Ltmp13:
0x115: {  	_ = 	snop;
	(pc) =	sbr.rel @!p0 .LBB2_17-.Ltmp13, $1  }
0x116: {  	_ =	sdelay $0x3  }
0x117: {  	v0 =	vld.msk [tilespmem:s4+$0xE0], $0x1;
	v1 =	vmov s6  }
.Ltmp14:
0x118: {  	_ = 	snop;
	(pc) =	sbr.rel .LBB2_19-.Ltmp14, $2  }
0x119: {  	_ =	sdelay $0x2  }
0x11a: {  	[tilespmem:v1+s3+$0x0], v0 =	vst.idx.ret.add.f32.msk $0x1, v0  }
.LBB2_20:
0x11b: {  	p0 =	slt.s32 s2, $0x1  }
.Ltmp15:
0x11c: {  	_ = 	snop;
	(pc) =	sbr.rel @p0 .LBB2_24-.Ltmp15, $3  }
0x11d: {  	_ =	sdelay $0x1  }
0x11e: {  	s0 =	simm.s32 $0x6  }
0x11f: {  	s3 =	simm.s32 $0x0;
	[sflag:s0] =	ssyncpa.u1 $0x1  }
0x120: {  	s0 =	simm.s32 $0xC0  }
0x121: {  	v0 =	vld.msk [tilespmem:s0+$0x0], $0x1;
	_ =	sdelay $0x4  }
0x122: {  	(v2sf) =	vpush v0, $0x0;
	_ =	sdelay $0xe  }
0x123: {  	s2 =	sadd.s32 $0xFFFFFFFF, s2;
	s4 =	spop (v2sf)  }
0x124: {  	p1 =	sne.s32 s2, $0x0;
	p0 =	sgt.u32 s4, $0xC3FF  }
.Ltmp16:
0x125: {  	s5 =	sshrl.u32 @!p0 s4, $0x3;
	(pc) =	sbr.rel @!p1 .LBB2_23-.Ltmp16, $4  }
0x126: {  	s0 =	simm.s32 $0xE0;
	s4 =	sand.u32 @!p0 $0x7, s4;
	s5 =	sadd.s32 @!p0 s1, s5  }
0x127: {  	[hbm4b:s5+s4] =	stream.linear.scatter @!p0 [tilespmem:s0], [sflag:$0x5], $0x1, $0x38;
	[tilespmem:$0xD410] =	vst v63  }
0x128: {  	s5 =	simm.s32 $0x0  }
0x129: {  	s4 =	simm.s32 $0xC1;
	s5 =	simm.s32 @!p0 $0x4  }
.LBB2_22:
0x12a: {  	v0 =	vld.msk [tilespmem:s4+$0x0], $0x1;
	s2 =	sadd.s32 $0xFFFFFFFF, s2;
	s3 =	sadd.s32 s3, s5  }
0x12b: {  	p0 =	sne.s32 s2, $0x0;
	_ =	sdelay $0x3  }
0x12c: {  	(v2sf) =	vpush v0, $0x0;
	_ =	sdelay $0xe  }
.Ltmp17:
0x12d: {  	s6 =	spop (v2sf);
	(pc) =	sbr.rel @p0 .LBB2_22-.Ltmp17, $4  }
0x12e: {  	s5 =	simm.s32 $0x0;
	p1 =	sgt.u32 s6, $0xC3FF  }
0x12f: {  	s0 =	sadd.s32 $0x1, s0;
	s5 =	simm.s32 @!p1 $0x4;
	s7 =	sshrl.u32 @!p1 s6, $0x3  }
0x130: {  	s4 =	sadd.s32 $0x1, s4;
	s6 =	sand.u32 @!p1 $0x7, s6;
	s7 =	sadd.s32 @!p1 s1, s7  }
0x131: {  	[hbm4b:s7+s6] =	stream.linear.scatter @!p1 [tilespmem:s0], [sflag:$0x5], $0x1, $0x38;
	[tilespmem:$0xD410] =	vst v63  }
.LBB2_23:
0x132: {  	s0 =	sadd.s32 s3, s5  }
0x133: {  	s3 =	sshrl.u32 s0, $0x2  }
.LBB2_24:
0x134: {  	s0 =	simm.s32 $0x5  }
0x135: {  	_ =	swait.ge [sflag:s0], s3  }
0x136: {  	s1 =	ssub.s32 $0x0, s3;
	[sflag:s0] =	ssyncset.done $0x0  }
0x137: {  	[sflag:s0] =	ssyncadd.s32 s1  }
0x138: {  	[sflag:s0] =	ssyncpa.u1 $0x1  }
0x139: {  	s29 =	simm.s32 $0x1;
	_ =	sfence  }
0x13a: {  	s30 =	simm.s32 $0x2;
	[sflag:s29] =	ssyncpa.u1 $0x1  }
0x13b: {  	[sflag:s30] =	ssyncpa.u1 $0x1  }
0x13c: {  	_ =	strace $0x90000047  }
0x13d: {  	[bflag:$0x2] =	sbarrier.arrive $0xFFFF  }
0x13e: {  	s31 =	rddreg [dreg:$0x1]  }
0x13f: {  	s0 =	sadd.s32 $0x100000, s31  }
0x140: {  	[sflag:s0] =	ssyncadd.tile.s32 $0x1;
	_ =	shalt  }
.Lfunc_end2:
_tile_overlayer_lowered:
.L_overlay_start_2:
0x141: {  	(tag) =	ssettag $0x2  }
0x142: {  	s0 =	rddreg [dreg:$0x0];
	s2 =	stileid.u32  }
0x143: {  	s1 =	rddreg [dreg:$0x1];
	p0 =	sne.s32 s2, $0x0  }
0x144: {  	s3 =	rddreg [dreg:$0x2];
	[bflag:$0x3] =	sbarrier.arrive $0xFFFF;
	s2 =	simm.s32 @!p0 $0x1C01  }
0x145: {  	[timem:s3], [sflag:s2] =	dma.local @!p0 [hbm:s0], s1  }
0x146: {  	s0 =	simm.s32 @!p0 $0x1  }
0x147: {  	_ =	swait.ge @!p0 [sflag:s0], s1  }
0x148: {  	s1 =	ssub.s32 @!p0 $0x0, s1;
	[sflag:s0] =	ssyncset.done @!p0 $0x0  }
0x149: {  	[sflag:s0] =	ssyncadd.s32 @!p0 s1  }
0x14a: {  	[bflag:$0x3] =	sbarrier.arrive $0xFFFF  }
0x14b: {  	_ =	shalt  }

</sc_bundles>
